<compile_context>
chip_gen: v7x
topology: tpu7x:2x2x1
jax: 0.10.2.dev20260603
libtpu: 0.0.44.dev20260713+nightly
codegen_flags: <defaults>
</compile_context>

<pallas_src>
import jax
import jax.numpy as jnp
import numpy as np
from jax import lax
from jax.experimental import pallas as pl
from jax.experimental.pallas import tpu as pltpu
from jax.experimental.pallas import tpu_sc as plsc

N = 10000
NP = 10240
E = 320000
D = 128
NW = 32
FPT = D // NW
SHARD = E // NW
RCAP = SHARD + 272
BN = 1280
GRID = NP // BN
LANES = 16
UNROLL = 8
PAD_S = NP - 1
PAD_D = NP - LANES
PADPK = PAD_S | (PAD_D << 14)
HIMASK = -65536


def _wid():
    return lax.axis_index("s") * 2 + lax.axis_index("c")


def _zero_ref(ref, nwords):
    z = jnp.zeros((LANES,), jnp.float32)

    @plsc.parallel_loop(0, nwords // LANES, unroll=8)
    def body(i):
        ref[pl.ds(i * LANES, LANES)] = z


def _sc_deg_body(src_hbm, dst_hbm, degp_hbm, stream_hbm, meta_hbm, sbuf, dbuf,
                 hist, claim, pbuf, cbuf, mvbuf):
    wid = _wid()
    base = wid * SHARD
    pltpu.sync_copy(src_hbm.at[pl.ds(base, SHARD)], sbuf)
    pltpu.sync_copy(dst_hbm.at[pl.ds(base, SHARD)], dbuf)
    _zero_ref(hist, 2 * NP)
    lane = lax.iota(jnp.int32, LANES)
    ones = jnp.ones((LANES,), jnp.float32)

    def body(v, _):
        s = sbuf[pl.ds(v * LANES, LANES)]
        plsc.store_scatter(claim, (s,), lane)
        won = plsc.load_gather(claim, (s,))
        safe = won == lane
        plsc.addupdate_scatter(hist, (s,), ones, mask=safe)
        rem = jnp.logical_not(safe)

        def cond(r):
            return jnp.any(r)

        def tail(r):
            plsc.store_scatter(claim, (s,), lane, mask=r)
            w2 = plsc.load_gather(claim, (s,), mask=r)
            ok = jnp.logical_and(r, w2 == lane)
            plsc.addupdate_scatter(hist, (s,), ones, mask=ok)
            return jnp.logical_and(r, jnp.logical_not(ok))

        lax.while_loop(cond, tail, rem)

        d = dbuf[pl.ds(v * LANES, LANES)]
        pbuf[pl.ds(v * LANES, LANES)] = s | (d << 14)
        dt = d + NP
        plsc.store_scatter(claim, (d,), lane)
        wond = plsc.load_gather(claim, (d,))
        safed = wond == lane
        plsc.addupdate_scatter(hist, (dt,), ones, mask=safed)
        remd = jnp.logical_not(safed)

        def taild(r):
            plsc.store_scatter(claim, (d,), lane, mask=r)
            w2 = plsc.load_gather(claim, (d,), mask=r)
            ok = jnp.logical_and(r, w2 == lane)
            plsc.addupdate_scatter(hist, (dt,), ones, mask=ok)
            return jnp.logical_and(r, jnp.logical_not(ok))

        lax.while_loop(cond, taild, remd)
        return 0

    lax.fori_loop(0, SHARD // LANES, body, 0)
    pltpu.sync_copy(hist.at[pl.ds(0, NP)], degp_hbm.at[pl.ds(wid * NP, NP)])
    pltpu.sync_copy(hist.at[pl.ds(NP, NP)],
                    degp_hbm.at[pl.ds(NW * NP + wid * NP, NP)])

    _part_shard(pbuf, cbuf, mvbuf, lane)
    pltpu.sync_copy(cbuf, stream_hbm.at[pl.ds(wid * RCAP, RCAP)])
    pltpu.sync_copy(mvbuf, meta_hbm.at[pl.ds(wid * 2 * LANES, 2 * LANES)])


def _sc_deg(src, dst):
    mesh = plsc.VectorSubcoreMesh(core_axis_name="c", subcore_axis_name="s")
    k = pl.kernel(
        _sc_deg_body,
        out_type=[
            jax.ShapeDtypeStruct((2 * NW * NP,), jnp.float32),
            jax.ShapeDtypeStruct((NW * RCAP,), jnp.int32),
            jax.ShapeDtypeStruct((NW * 2 * LANES,), jnp.int32),
        ],
        mesh=mesh,
        compiler_params=pltpu.CompilerParams(needs_layout_passes=False),
        scratch_types=[
            pltpu.VMEM((SHARD,), jnp.int32),
            pltpu.VMEM((SHARD,), jnp.int32),
            pltpu.VMEM((2 * NP,), jnp.float32),
            pltpu.VMEM((NP,), jnp.int32),
            pltpu.VMEM((SHARD,), jnp.int32),
            pltpu.VMEM((RCAP,), jnp.int32),
            pltpu.VMEM((2 * LANES,), jnp.int32),
        ],
    )
    return k(src, dst)


def _part_shard(ebuf, cbuf, mvbuf, lane):
    padvec = jnp.full((LANES,), PADPK, jnp.int32)

    def pf(i, _):
        cbuf[pl.ds(i * LANES, LANES)] = padvec
        return 0

    lax.fori_loop(0, RCAP // LANES, pf, 0)

    def cnt_body(v, cntv):
        pk = ebuf[pl.ds(v * LANES, LANES)]
        cls = lax.shift_right_logical(pk, 14) & 15
        for c in range(LANES):
            pc = plsc.all_reduce_population_count(cls == c)
            cntv = cntv + jnp.where(lane == c, pc, 0)
        return cntv

    cntv = lax.fori_loop(0, SHARD // LANES, cnt_body,
                         jnp.zeros((LANES,), jnp.int32))
    cnt16 = (cntv + 15) & -16
    pref = plsc.cumsum(cnt16) - cnt16 + lane

    def scal(vec, c):
        return jnp.sum(jnp.where(lane == c, vec, jnp.int32(0)))

    pos0 = tuple(scal(pref, c) for c in range(LANES))

    def part_body(v, pos):
        pk = ebuf[pl.ds(v * LANES, LANES)]
        cls = lax.shift_right_logical(pk, 14) & 15
        new = []
        for c in range(LANES):
            m = cls == c
            plsc.store_compressed(cbuf.at[pl.ds(pos[c], LANES)], pk, mask=m)
            new.append(pos[c] + jnp.sum(m.astype(jnp.int32)))
        return tuple(new)

    lax.fori_loop(0, SHARD // LANES, part_body, pos0)
    mvbuf[pl.ds(0, LANES)] = pref
    mvbuf[pl.ds(LANES, LANES)] = cntv


def _sc_layer_body(yp_hbm, stream_hbm, meta_hbm, agg_hbm, ypk, aslab, ebuf0,
                   ebuf1, mall, sem0, sem1):
    wid = _wid()
    pltpu.sync_copy(meta_hbm, mall)
    pltpu.sync_copy(yp_hbm.at[pl.ds(wid * 2 * NP, 2 * NP)], ypk)
    _zero_ref(aslab, FPT * NP)
    himask = jnp.full((LANES,), HIMASK, jnp.int32)
    ebufs = (ebuf0, ebuf1)
    sems = (sem0, sem1)

    pltpu.async_copy(stream_hbm.at[pl.ds(0, RCAP)], ebuf0, sem0)

    def process(w2, ebuf):
        lstart = mall[pl.ds(w2 * 2 * LANES, LANES)]
        cntv = mall[pl.ds(w2 * 2 * LANES + LANES, LANES)]
        maxc = jnp.max(cntv)

        @plsc.parallel_loop(0, maxc, unroll=UNROLL)
        def hot(j):
            valid = j < cntv
            pk = plsc.load_gather(ebuf, (lstart + j,), mask=valid)
            s = pk & 0x3FFF
            d = lax.shift_right_logical(pk, 14)
            for p in range(FPT // 2):
                w = plsc.load_gather(ypk, (s + p * NP,), mask=valid)
                lof = plsc.bitcast(lax.shift_left(w, 16), jnp.float32)
                hif = plsc.bitcast(w & himask, jnp.float32)
                plsc.addupdate_scatter(aslab, (d + (2 * p) * NP,), lof,
                                       mask=valid)
                plsc.addupdate_scatter(aslab, (d + (2 * p + 1) * NP,), hif,
                                       mask=valid)

    def pair(pi, _):
        for sl in range(2):
            w2 = pi * 2 + sl
            nxt = w2 + 1

            @pl.when(nxt < NW)
            def _():
                pltpu.async_copy(stream_hbm.at[pl.ds(nxt * RCAP, RCAP)],
                                 ebufs[1 - sl], sems[1 - sl])

            pltpu.make_async_copy(stream_hbm.at[pl.ds(0, RCAP)], ebufs[sl],
                                  sems[sl]).wait()
            process(w2, ebufs[sl])
        return 0

    lax.fori_loop(0, NW // 2, pair, 0)
    pltpu.sync_copy(aslab, agg_hbm.at[pl.ds(wid * FPT * NP, FPT * NP)])


def _sc_layer(yp_flat, stream, meta):
    mesh = plsc.VectorSubcoreMesh(core_axis_name="c", subcore_axis_name="s")
    k = pl.kernel(
        _sc_layer_body,
        out_type=jax.ShapeDtypeStruct((D * NP,), jnp.float32),
        mesh=mesh,
        compiler_params=pltpu.CompilerParams(needs_layout_passes=False),
        scratch_types=[
            pltpu.VMEM((2 * NP,), jnp.int32),
            pltpu.VMEM((FPT * NP,), jnp.float32),
            pltpu.VMEM((RCAP,), jnp.int32),
            pltpu.VMEM((RCAP,), jnp.int32),
            pltpu.VMEM((NW * 2 * LANES,), jnp.int32),
            pltpu.SemaphoreType.DMA,
            pltpu.SemaphoreType.DMA,
        ],
    )
    return k(yp_flat, stream, meta)


def _pack_pairs(y):
    au = lax.bitcast_convert_type(y[0:64, :], jnp.int32)
    bu = lax.bitcast_convert_type(y[64:128, :], jnp.int32)
    rnd = jnp.int32(0x8000)
    lo = lax.shift_right_logical(au + rnd, 16)
    hi = (bu + rnd) & jnp.int32(HIMASK)
    return lo | hi


def _tc1_body(h_ref, w1_ref, degp_ref, y_ref, on_ref, in_ref):
    deg = jnp.sum(degp_ref[...], axis=1)
    onorm = lax.rsqrt(jnp.maximum(deg[0:1, :], 1.0))
    inorm = lax.rsqrt(jnp.maximum(deg[1:2, :], 1.0))
    y = lax.dot_general(w1_ref[...], h_ref[...], (((0,), (1,)), ((), ())),
                        preferred_element_type=jnp.float32)
    y_ref[...] = _pack_pairs(y * onorm)
    on_ref[...] = onorm
    in_ref[...] = inorm


def _tc1(h_pad, w1p, degp):
    return pl.pallas_call(
        _tc1_body,
        grid=(GRID,),
        in_specs=[
            pl.BlockSpec((BN, D), lambda i: (i, 0)),
            pl.BlockSpec((D, D), lambda i: (0, 0)),
            pl.BlockSpec((2, NW, BN), lambda i: (0, 0, i)),
        ],
        out_specs=[
            pl.BlockSpec((D // 2, BN), lambda i: (0, i)),
            pl.BlockSpec((1, BN), lambda i: (0, i)),
            pl.BlockSpec((1, BN), lambda i: (0, i)),
        ],
        out_shape=[
            jax.ShapeDtypeStruct((D // 2, NP), jnp.int32),
            jax.ShapeDtypeStruct((1, NP), jnp.float32),
            jax.ShapeDtypeStruct((1, NP), jnp.float32),
        ],
    )(h_pad, w1p, degp)


def _tc_mid_body(agg_ref, in_ref, on_ref, b_ref, w_ref, y_ref):
    hprev = jnp.maximum(agg_ref[...] * in_ref[...] + b_ref[...], 0.0)
    y = lax.dot_general(w_ref[...], hprev, (((0,), (0,)), ((), ())),
                        preferred_element_type=jnp.float32)
    y_ref[...] = _pack_pairs(y * on_ref[...])


def _tc_mid(agg, inorm, onorm, b_prev, wp):
    return pl.pallas_call(
        _tc_mid_body,
        grid=(GRID,),
        in_specs=[
            pl.BlockSpec((D, BN), lambda i: (0, i)),
            pl.BlockSpec((1, BN), lambda i: (0, i)),
            pl.BlockSpec((1, BN), lambda i: (0, i)),
            pl.BlockSpec((D, 1), lambda i: (0, 0)),
            pl.BlockSpec((D, D), lambda i: (0, 0)),
        ],
        out_specs=pl.BlockSpec((D // 2, BN), lambda i: (0, i)),
        out_shape=jax.ShapeDtypeStruct((D // 2, NP), jnp.int32),
    )(agg, inorm, onorm, b_prev, wp)


def _tc_fin_body(agg_ref, in_ref, b_ref, o_ref):
    i = pl.program_id(0)
    h3 = jnp.maximum(agg_ref[...] * in_ref[...] + b_ref[...], 0.0)
    col = lax.broadcasted_iota(jnp.int32, (1, BN), 1) + i * BN
    h3 = jnp.where(col < N, h3, 0.0)
    part = jnp.sum(h3, axis=1)

    @pl.when(i == 0)
    def _():
        o_ref[...] = jnp.zeros_like(o_ref)

    o_ref[...] += part[None, :]

    @pl.when(i == GRID - 1)
    def _():
        o_ref[...] *= jnp.float32(1.0 / N)


def _tc_fin(agg3, inorm, b3):
    return pl.pallas_call(
        _tc_fin_body,
        grid=(GRID,),
        in_specs=[
            pl.BlockSpec((D, BN), lambda i: (0, i)),
            pl.BlockSpec((1, BN), lambda i: (0, i)),
            pl.BlockSpec((D, 1), lambda i: (0, 0)),
        ],
        out_specs=pl.BlockSpec((1, D), lambda i: (0, 0)),
        out_shape=jax.ShapeDtypeStruct((1, D), jnp.float32),
    )(agg3, inorm, b3)


_PERM = np.concatenate([np.arange(0, D, 2), np.arange(1, D, 2)])


def kernel(h, edge_index, W1, b1, W2, b2, W3, b3):
    src = edge_index[0]
    dst = edge_index[1]
    h_pad = jnp.pad(h, ((0, NP - N), (0, 0)))
    perm = jnp.asarray(_PERM)
    w1p = W1[:, perm]
    w2p = W2[:, perm]
    w3p = W3[:, perm]

    degp_flat, stream, meta = _sc_deg(src, dst)
    degp = degp_flat.reshape(2, NW, NP)
    y1p, onorm, inorm = _tc1(h_pad, w1p, degp)

    agg1 = _sc_layer(y1p.reshape(-1), stream, meta).reshape(D, NP)
    y2p = _tc_mid(agg1, inorm, onorm, b1.reshape(D, 1), w2p)

    agg2 = _sc_layer(y2p.reshape(-1), stream, meta).reshape(D, NP)
    y3p = _tc_mid(agg2, inorm, onorm, b2.reshape(D, 1), w3p)

    agg3 = _sc_layer(y3p.reshape(-1), stream, meta).reshape(D, NP)
    return _tc_fin(agg3, inorm, b3.reshape(D, 1))

# --- scband reference (transcript-rebuilt; emitter-appended) ---
"""Pipeline reference for scband-graph-embedding2-23570780521026 (READ-ONLY COPY).

The authoritative reference and input builder live on the scoring server;
editing this copy changes nothing except your own understanding.
"""

import jax, jax.numpy as jnp
import numpy as np

N = 10000
E = 320000
D_IN = 128
D_HID = 128
D_OUT = 128


def setup_inputs(seed: int = 0) -> dict:
    key = jax.random.key(seed)
    ks = jax.random.split(key, 9)
    h = jax.random.normal(ks[0], (N, D_IN), dtype=jnp.float32)
    edge_index = jax.random.randint(ks[1], (2, E), 0, N, dtype=jnp.int32)
    # Glorot-style init for GraphConv weights, zero bias (DGL default)
    def glorot(k, fan_in, fan_out):
        limit = float(np.sqrt(6.0 / (fan_in + fan_out)))
        return jax.random.uniform(k, (fan_in, fan_out), dtype=jnp.float32, minval=-limit, maxval=limit)
    W1 = glorot(ks[2], D_IN, D_HID)
    b1 = jnp.zeros((D_HID,), dtype=jnp.float32)
    W2 = glorot(ks[3], D_HID, D_HID)
    b2 = jnp.zeros((D_HID,), dtype=jnp.float32)
    W3 = glorot(ks[4], D_HID, D_OUT)
    b3 = jnp.zeros((D_OUT,), dtype=jnp.float32)
    return {"h": h, "edge_index": edge_index, "W1": W1, "b1": b1, "W2": W2, "b2": b2, "W3": W3, "b3": b3}


def _gcn_layer(x, W, b, src, dst, out_norm, in_norm):
    # DGL GraphConv with norm='both': D_dst^{-1/2} A D_src^{-1/2} X W + b
    x = x * out_norm[:, None]
    msg = jnp.take(x, src, axis=0)
    agg = jax.ops.segment_sum(msg, dst, num_segments=N)
    agg = agg * in_norm[:, None]
    return agg @ W + b


def reference(h, edge_index, W1, b1, W2, b2, W3, b3):
    src = edge_index[0]
    dst = edge_index[1]
    ones = jnp.ones((src.shape[0],), dtype=h.dtype)
    out_deg = jax.ops.segment_sum(ones, src, num_segments=N)
    in_deg = jax.ops.segment_sum(ones, dst, num_segments=N)
    out_norm = jnp.maximum(out_deg, 1.0) ** -0.5
    in_norm = jnp.maximum(in_deg, 1.0) ** -0.5
    h1 = jax.nn.relu(_gcn_layer(h, W1, b1, src, dst, out_norm, in_norm))
    h2 = jax.nn.relu(_gcn_layer(h1, W2, b2, src, dst, out_norm, in_norm))
    h3 = jax.nn.relu(_gcn_layer(h2, W3, b3, src, dst, out_norm, in_norm))
    # dgl.mean_nodes over a single (batched as 1) graph -> [1, D_OUT]
    hg = jnp.mean(h3, axis=0, keepdims=True)
    return hg

if __name__ == "__main__":
    import jax
    _d = setup_inputs()
    print(jax.jit(kernel)(*tuple(_d.values())))

</pallas_src>

<mosaic_0001>
#map = affine_map<(d0, d1) -> (0)>
module attributes {stable_mosaic.version = 14 : i64} {
  func.func @_sc_layer_body(%arg0: i32, %arg1: i32, %arg2: memref<655360xi32, #tpu.memory_space<hbm>>, %arg3: memref<328704xi32, #tpu.memory_space<hbm>>, %arg4: memref<1024xi32, #tpu.memory_space<hbm>>, %arg5: memref<1310720xf32, #tpu.memory_space<hbm>>, %arg6: memref<20480xi32, #tpu.memory_space<vmem>>, %arg7: memref<40960xf32, #tpu.memory_space<vmem>>, %arg8: memref<10272xi32, #tpu.memory_space<vmem>>, %arg9: memref<10272xi32, #tpu.memory_space<vmem>>, %arg10: memref<1024xi32, #tpu.memory_space<vmem>>, %arg11: memref<!tpu.dma_semaphore, #tpu.memory_space<semaphore_mem>>, %arg12: memref<!tpu.dma_semaphore, #tpu.memory_space<semaphore_mem>>) attributes {dimension_semantics = [#tpu.dimension_semantics<core_parallel>, #tpu.dimension_semantics<subcore_parallel>], iteration_bounds = array<i64: 2, 16>, scalar_prefetch = 0 : i64, scratch_operands = 7 : i64, tpu.core_type = #tpu.core_type<sc_vector_subcore>, window_params = [{transform_indices = #map}, {transform_indices = #map}, {transform_indices = #map}, {transform_indices = #map}]} {
    %mul3A = arith.constant 2 : i32
    %mul3A_0 = arith.muli %arg1, %mul3A : i32
    %add3A = arith.addi %mul3A_0, %arg0 : i32
    "tpu.region"() ({
      %run_scoped3A = tpu.sem_alloc : memref<!tpu.dma_semaphore, #tpu.memory_space<semaphore_mem>>
      tpu.enqueue_dma source(%arg4 : memref<1024xi32, #tpu.memory_space<hbm>>) target(%arg10 : memref<1024xi32, #tpu.memory_space<vmem>>) target_semaphore(%run_scoped3A : memref<!tpu.dma_semaphore, #tpu.memory_space<semaphore_mem>>)
      tpu.wait_dma2 semaphore(%run_scoped3A : memref<!tpu.dma_semaphore, #tpu.memory_space<semaphore_mem>>) src(%arg4 : memref<1024xi32, #tpu.memory_space<hbm>>) dst(%arg10 : memref<1024xi32, #tpu.memory_space<vmem>>)
      tpu.yield
    }) : () -> ()
    %mul3A_1 = arith.constant 2 : i32
    %mul3A_2 = arith.muli %add3A, %mul3A_1 : i32
    %mul3A_3 = arith.constant 10240 : i32
    %mul3A_4 = arith.muli %mul3A_2, %mul3A_3 : i32
    "tpu.region"() ({
      %run_scoped3A = tpu.sem_alloc : memref<!tpu.dma_semaphore, #tpu.memory_space<semaphore_mem>>
      %dma_start3A_23 = tpu.memref_slice %arg2[%mul3A_4] : memref<655360xi32, #tpu.memory_space<hbm>> -> memref<20480xi32, #tpu.memory_space<hbm>>
      %dma_start3A_24 = tpu.memref_slice %arg2[%mul3A_4] : memref<655360xi32, #tpu.memory_space<hbm>> -> memref<20480xi32, #tpu.memory_space<hbm>>
      tpu.enqueue_dma source(%dma_start3A_24 : memref<20480xi32, #tpu.memory_space<hbm>>) target(%arg6 : memref<20480xi32, #tpu.memory_space<vmem>>) target_semaphore(%run_scoped3A : memref<!tpu.dma_semaphore, #tpu.memory_space<semaphore_mem>>)
      %dma_wait3A = tpu.memref_slice %arg2[%mul3A_4] : memref<655360xi32, #tpu.memory_space<hbm>> -> memref<20480xi32, #tpu.memory_space<hbm>>
      %dma_wait3A_25 = tpu.memref_slice %arg2[%mul3A_4] : memref<655360xi32, #tpu.memory_space<hbm>> -> memref<20480xi32, #tpu.memory_space<hbm>>
      tpu.wait_dma2 semaphore(%run_scoped3A : memref<!tpu.dma_semaphore, #tpu.memory_space<semaphore_mem>>) src(%dma_wait3A_25 : memref<20480xi32, #tpu.memory_space<hbm>>) dst(%arg6 : memref<20480xi32, #tpu.memory_space<vmem>>)
      tpu.yield
    }) : () -> ()
    %broadcast_in_dim3A = arith.constant 0.000000e+00 : f32
    %broadcast_in_dim3A_5 = vector.broadcast %broadcast_in_dim3A : f32 to vector<16xf32>
    %parallel_loop3A = arith.constant 0 : i32
    %parallel_loop3A_6 = arith.constant 2560 : i32
    %parallel_loop3A_7 = arith.constant 1 : i32
    scf.for %parallel_loop3A_23 = %parallel_loop3A to %parallel_loop3A_6 step %parallel_loop3A_7  : i32 {
      %parallel_loop3A_24 = arith.constant 16 : i32
      %parallel_loop3A_25 = arith.muli %parallel_loop3A_23, %parallel_loop3A_24 : i32
      %parallel_loop3A_26 = arith.index_cast %parallel_loop3A_25 : i32 to index
      %parallel_loop3A_27 = tpu.vector_load %arg7[%parallel_loop3A_26] {strides = array<i32>} : memref<40960xf32, #tpu.memory_space<vmem>>, vector<16xf32>,
      tpu.vector_store %arg7[%parallel_loop3A_26], %broadcast_in_dim3A_5 {strides = array<i32>} : memref<40960xf32, #tpu.memory_space<vmem>>, vector<16xf32>,
    } {sc.loop_unroll_factor = 8 : i64, sc.parallel_access}
    %broadcast_in_dim3A_8 = arith.constant -65536 : i32
    %broadcast_in_dim3A_9 = vector.broadcast %broadcast_in_dim3A_8 : i32 to vector<16xi32>
    %dma_start3A = arith.constant 0 : i32
    %dma_start3A_10 = tpu.memref_slice %arg3[%dma_start3A] : memref<328704xi32, #tpu.memory_space<hbm>> -> memref<10272xi32, #tpu.memory_space<hbm>>
    %dma_start3A_11 = arith.constant 0 : i32
    %dma_start3A_12 = tpu.memref_slice %arg3[%dma_start3A_11] : memref<328704xi32, #tpu.memory_space<hbm>> -> memref<10272xi32, #tpu.memory_space<hbm>>
    tpu.enqueue_dma source(%dma_start3A_12 : memref<10272xi32, #tpu.memory_space<hbm>>) target(%arg8 : memref<10272xi32, #tpu.memory_space<vmem>>) target_semaphore(%arg11 : memref<!tpu.dma_semaphore, #tpu.memory_space<semaphore_mem>>)
    %scan3A = arith.constant 0 : i32
    %scan3A_13 = arith.constant 0 : i32
    %scan3A_14 = arith.constant 16 : i32
    %scan3A_15 = arith.addi %scan3A_13, %scan3A_14 : i32
    %scan3A_16 = arith.constant 1 : i32
    %scan3A_17 = scf.for %scan3A_23 = %scan3A_13 to %scan3A_15 step %scan3A_16 iter_args(%scan3A_24 = %scan3A) -> (i32)  : i32 {
      %mul3A_25 = arith.constant 2 : i32
      %mul3A_26 = arith.muli %scan3A_23, %mul3A_25 : i32
      %add3A_27 = arith.constant 0 : i32
      %add3A_28 = arith.addi %mul3A_26, %add3A_27 : i32
      %add3A_29 = arith.constant 1 : i32
      %add3A_30 = arith.addi %add3A_28, %add3A_29 : i32
      %lt3A = arith.constant 32 : i32
      %lt3A_31 = arith.cmpi slt, %add3A_30, %lt3A : i32
      %convert_element_type3A = arith.extui %lt3A_31 : i1 to i32
      %cond3A = arith.constant 0 : i32
      %cond3A_32 = arith.cmpi ne, %convert_element_type3A, %cond3A : i32
      scf.if %cond3A_32 {
        %mul3A_98 = arith.constant 10272 : i32
        %mul3A_99 = arith.muli %add3A_30, %mul3A_98 : i32
        %dma_start3A_100 = tpu.memref_slice %arg3[%mul3A_99] : memref<328704xi32, #tpu.memory_space<hbm>> -> memref<10272xi32, #tpu.memory_space<hbm>>
        %dma_start3A_101 = tpu.memref_slice %arg3[%mul3A_99] : memref<328704xi32, #tpu.memory_space<hbm>> -> memref<10272xi32, #tpu.memory_space<hbm>>
        tpu.enqueue_dma source(%dma_start3A_101 : memref<10272xi32, #tpu.memory_space<hbm>>) target(%arg9 : memref<10272xi32, #tpu.memory_space<vmem>>) target_semaphore(%arg12 : memref<!tpu.dma_semaphore, #tpu.memory_space<semaphore_mem>>)
      } else {
      }
      %dma_wait3A = arith.constant 0 : i32
      %dma_wait3A_33 = tpu.memref_slice %arg3[%dma_wait3A] : memref<328704xi32, #tpu.memory_space<hbm>> -> memref<10272xi32, #tpu.memory_space<hbm>>
      %dma_wait3A_34 = arith.constant 0 : i32
      %dma_wait3A_35 = tpu.memref_slice %arg3[%dma_wait3A_34] : memref<328704xi32, #tpu.memory_space<hbm>> -> memref<10272xi32, #tpu.memory_space<hbm>>
      tpu.wait_dma2 semaphore(%arg11 : memref<!tpu.dma_semaphore, #tpu.memory_space<semaphore_mem>>) src(%dma_wait3A_35 : memref<10272xi32, #tpu.memory_space<hbm>>) dst(%arg8 : memref<10272xi32, #tpu.memory_space<vmem>>)
      %mul3A_36 = arith.constant 2 : i32
      %mul3A_37 = arith.muli %add3A_28, %mul3A_36 : i32
      %mul3A_38 = arith.constant 16 : i32
      %mul3A_39 = arith.muli %mul3A_37, %mul3A_38 : i32
      %get3A = arith.index_cast %mul3A_39 : i32 to index
      %get3A_40 = tpu.vector_load %arg10[%get3A] {strides = array<i32>} : memref<1024xi32, #tpu.memory_space<vmem>>, vector<16xi32>,
      %mul3A_41 = arith.constant 2 : i32
      %mul3A_42 = arith.muli %add3A_28, %mul3A_41 : i32
      %mul3A_43 = arith.constant 16 : i32
      %mul3A_44 = arith.muli %mul3A_42, %mul3A_43 : i32
      %add3A_45 = arith.constant 16 : i32
      %add3A_46 = arith.addi %mul3A_44, %add3A_45 : i32
      %get3A_47 = arith.index_cast %add3A_46 : i32 to index
      %get3A_48 = tpu.vector_load %arg10[%get3A_47] {strides = array<i32>} : memref<1024xi32, #tpu.memory_space<vmem>>, vector<16xi32>,
      %reduce_max3A = arith.constant true
      %reduce_max3A_49 = vector.broadcast %reduce_max3A : i1 to vector<16xi1>
      %reduce_max3A_50 = arith.constant -2147483648 : i32
      %reduce_max3A_51 = vector.broadcast %reduce_max3A_50 : i32 to vector<16xi32>
      %reduce_max3A_52 = arith.xori %get3A_48, %reduce_max3A_51 : vector<16xi32>
      %reduce_max3A_53 = tpu.scan <max>, %reduce_max3A_52 masked %reduce_max3A_49 : vector<16xi32>, vector<16xi1> -> vector<16xi32>
      %reduce_max3A_54 = arith.xori %reduce_max3A_53, %reduce_max3A_51 : vector<16xi32>
      %reduce_max3A_55 = vector.extract %reduce_max3A_54[15] : i32 from vector<16xi32>
      %parallel_loop3A_56 = arith.constant 0 : i32
      %parallel_loop3A_57 = arith.constant 1 : i32
      scf.for %parallel_loop3A_98 = %parallel_loop3A_56 to %reduce_max3A_55 step %parallel_loop3A_57  : i32 {
        %parallel_loop3A_99 = vector.broadcast %parallel_loop3A_98 : i32 to vector<16xi32>
        %parallel_loop3A_100 = arith.cmpi slt, %parallel_loop3A_99, %get3A_48 : vector<16xi32>
        %parallel_loop3A_101 = vector.broadcast %parallel_loop3A_98 : i32 to vector<16xi32>
        %parallel_loop3A_102 = arith.addi %get3A_40, %parallel_loop3A_101 : vector<16xi32>
        %parallel_loop3A_103 = tpu.vector_load_idx %arg8[%parallel_loop3A_102] masked %parallel_loop3A_100 : memref<10272xi32, #tpu.memory_space<vmem>>[vector<16xi32>], vector<16xi32>, vector<16xi1>
        %parallel_loop3A_104 = arith.constant 16383 : i32
        %parallel_loop3A_105 = vector.broadcast %parallel_loop3A_104 : i32 to vector<16xi32>
        %parallel_loop3A_106 = arith.andi %parallel_loop3A_103, %parallel_loop3A_105 : vector<16xi32>
        %parallel_loop3A_107 = arith.constant 14 : i32
        %parallel_loop3A_108 = vector.broadcast %parallel_loop3A_107 : i32 to vector<16xi32>
        %parallel_loop3A_109 = arith.shrui %parallel_loop3A_103, %parallel_loop3A_108 : vector<16xi32>
        %parallel_loop3A_110 = arith.constant 0 : i32
        %parallel_loop3A_111 = vector.broadcast %parallel_loop3A_110 : i32 to vector<16xi32>
        %parallel_loop3A_112 = arith.addi %parallel_loop3A_106, %parallel_loop3A_111 : vector<16xi32>
        %parallel_loop3A_113 = tpu.vector_load_idx %arg6[%parallel_loop3A_112] masked %parallel_loop3A_100 : memref<20480xi32, #tpu.memory_space<vmem>>[vector<16xi32>], vector<16xi32>, vector<16xi1>
        %parallel_loop3A_114 = arith.constant 16 : i32
        %parallel_loop3A_115 = vector.broadcast %parallel_loop3A_114 : i32 to vector<16xi32>
        %parallel_loop3A_116 = arith.shli %parallel_loop3A_113, %parallel_loop3A_115 : vector<16xi32>
        %parallel_loop3A_117 = vector.bitcast %parallel_loop3A_116 : vector<16xi32> to vector<16xf32>
        %parallel_loop3A_118 = arith.andi %parallel_loop3A_113, %broadcast_in_dim3A_9 : vector<16xi32>
        %parallel_loop3A_119 = vector.bitcast %parallel_loop3A_118 : vector<16xi32> to vector<16xf32>
        %parallel_loop3A_120 = arith.constant 0 : i32
        %parallel_loop3A_121 = vector.broadcast %parallel_loop3A_120 : i32 to vector<16xi32>
        %parallel_loop3A_122 = arith.addi %parallel_loop3A_109, %parallel_loop3A_121 : vector<16xi32>
        tpu.vector_store_idx %arg7[%parallel_loop3A_122], %parallel_loop3A_117 masked %parallel_loop3A_100 {add = true} : memref<40960xf32, #tpu.memory_space<vmem>>[vector<16xi32>], vector<16xf32>, vector<16xi1>
        %parallel_loop3A_123 = arith.constant 10240 : i32
        %parallel_loop3A_124 = vector.broadcast %parallel_loop3A_123 : i32 to vector<16xi32>
        %parallel_loop3A_125 = arith.addi %parallel_loop3A_109, %parallel_loop3A_124 : vector<16xi32>
        tpu.vector_store_idx %arg7[%parallel_loop3A_125], %parallel_loop3A_119 masked %parallel_loop3A_100 {add = true} : memref<40960xf32, #tpu.memory_space<vmem>>[vector<16xi32>], vector<16xf32>, vector<16xi1>
        %parallel_loop3A_126 = arith.constant 10240 : i32
        %parallel_loop3A_127 = vector.broadcast %parallel_loop3A_126 : i32 to vector<16xi32>
        %parallel_loop3A_128 = arith.addi %parallel_loop3A_106, %parallel_loop3A_127 : vector<16xi32>
        %parallel_loop3A_129 = tpu.vector_load_idx %arg6[%parallel_loop3A_128] masked %parallel_loop3A_100 : memref<20480xi32, #tpu.memory_space<vmem>>[vector<16xi32>], vector<16xi32>, vector<16xi1>
        %parallel_loop3A_130 = arith.constant 16 : i32
        %parallel_loop3A_131 = vector.broadcast %parallel_loop3A_130 : i32 to vector<16xi32>
        %parallel_loop3A_132 = arith.shli %parallel_loop3A_129, %parallel_loop3A_131 : vector<16xi32>
        %parallel_loop3A_133 = vector.bitcast %parallel_loop3A_132 : vector<16xi32> to vector<16xf32>
        %parallel_loop3A_134 = arith.andi %parallel_loop3A_129, %broadcast_in_dim3A_9 : vector<16xi32>
        %parallel_loop3A_135 = vector.bitcast %parallel_loop3A_134 : vector<16xi32> to vector<16xf32>
        %parallel_loop3A_136 = arith.constant 20480 : i32
        %parallel_loop3A_137 = vector.broadcast %parallel_loop3A_136 : i32 to vector<16xi32>
        %parallel_loop3A_138 = arith.addi %parallel_loop3A_109, %parallel_loop3A_137 : vector<16xi32>
        tpu.vector_store_idx %arg7[%parallel_loop3A_138], %parallel_loop3A_133 masked %parallel_loop3A_100 {add = true} : memref<40960xf32, #tpu.memory_space<vmem>>[vector<16xi32>], vector<16xf32>, vector<16xi1>
        %parallel_loop3A_139 = arith.constant 30720 : i32
        %parallel_loop3A_140 = vector.broadcast %parallel_loop3A_139 : i32 to vector<16xi32>
        %parallel_loop3A_141 = arith.addi %parallel_loop3A_109, %parallel_loop3A_140 : vector<16xi32>
        tpu.vector_store_idx %arg7[%parallel_loop3A_141], %parallel_loop3A_135 masked %parallel_loop3A_100 {add = true} : memref<40960xf32, #tpu.memory_space<vmem>>[vector<16xi32>], vector<16xf32>, vector<16xi1>
      } {sc.loop_unroll_factor = 8 : i64, sc.parallel_access}
      %mul3A_58 = arith.constant 2 : i32
      %mul3A_59 = arith.muli %scan3A_23, %mul3A_58 : i32
      %add3A_60 = arith.constant 1 : i32
      %add3A_61 = arith.addi %mul3A_59, %add3A_60 : i32
      %add3A_62 = arith.constant 1 : i32
      %add3A_63 = arith.addi %add3A_61, %add3A_62 : i32
      %lt3A_64 = arith.constant 32 : i32
      %lt3A_65 = arith.cmpi slt, %add3A_63, %lt3A_64 : i32
      %convert_element_type3A_66 = arith.extui %lt3A_65 : i1 to i32
      %cond3A_67 = arith.constant 0 : i32
      %cond3A_68 = arith.cmpi ne, %convert_element_type3A_66, %cond3A_67 : i32
      scf.if %cond3A_68 {
        %mul3A_98 = arith.constant 10272 : i32
        %mul3A_99 = arith.muli %add3A_63, %mul3A_98 : i32
        %dma_start3A_100 = tpu.memref_slice %arg3[%mul3A_99] : memref<328704xi32, #tpu.memory_space<hbm>> -> memref<10272xi32, #tpu.memory_space<hbm>>
        %dma_start3A_101 = tpu.memref_slice %arg3[%mul3A_99] : memref<328704xi32, #tpu.memory_space<hbm>> -> memref<10272xi32, #tpu.memory_space<hbm>>
        tpu.enqueue_dma source(%dma_start3A_101 : memref<10272xi32, #tpu.memory_space<hbm>>) target(%arg8 : memref<10272xi32, #tpu.memory_space<vmem>>) target_semaphore(%arg11 : memref<!tpu.dma_semaphore, #tpu.memory_space<semaphore_mem>>)
      } else {
      }
      %dma_wait3A_69 = arith.constant 0 : i32
      %dma_wait3A_70 = tpu.memref_slice %arg3[%dma_wait3A_69] : memref<328704xi32, #tpu.memory_space<hbm>> -> memref<10272xi32, #tpu.memory_space<hbm>>
      %dma_wait3A_71 = arith.constant 0 : i32
      %dma_wait3A_72 = tpu.memref_slice %arg3[%dma_wait3A_71] : memref<328704xi32, #tpu.memory_space<hbm>> -> memref<10272xi32, #tpu.memory_space<hbm>>
      tpu.wait_dma2 semaphore(%arg12 : memref<!tpu.dma_semaphore, #tpu.memory_space<semaphore_mem>>) src(%dma_wait3A_72 : memref<10272xi32, #tpu.memory_space<hbm>>) dst(%arg9 : memref<10272xi32, #tpu.memory_space<vmem>>)
      %mul3A_73 = arith.constant 2 : i32
      %mul3A_74 = arith.muli %add3A_61, %mul3A_73 : i32
      %mul3A_75 = arith.constant 16 : i32
      %mul3A_76 = arith.muli %mul3A_74, %mul3A_75 : i32
      %get3A_77 = arith.index_cast %mul3A_76 : i32 to index
      %get3A_78 = tpu.vector_load %arg10[%get3A_77] {strides = array<i32>} : memref<1024xi32, #tpu.memory_space<vmem>>, vector<16xi32>,
      %mul3A_79 = arith.constant 2 : i32
      %mul3A_80 = arith.muli %add3A_61, %mul3A_79 : i32
      %mul3A_81 = arith.constant 16 : i32
      %mul3A_82 = arith.muli %mul3A_80, %mul3A_81 : i32
      %add3A_83 = arith.constant 16 : i32
      %add3A_84 = arith.addi %mul3A_82, %add3A_83 : i32
      %get3A_85 = arith.index_cast %add3A_84 : i32 to index
      %get3A_86 = tpu.vector_load %arg10[%get3A_85] {strides = array<i32>} : memref<1024xi32, #tpu.memory_space<vmem>>, vector<16xi32>,
      %reduce_max3A_87 = arith.constant true
      %reduce_max3A_88 = vector.broadcast %reduce_max3A_87 : i1 to vector<16xi1>
      %reduce_max3A_89 = arith.constant -2147483648 : i32
      %reduce_max3A_90 = vector.broadcast %reduce_max3A_89 : i32 to vector<16xi32>
      %reduce_max3A_91 = arith.xori %get3A_86, %reduce_max3A_90 : vector<16xi32>
      %reduce_max3A_92 = tpu.scan <max>, %reduce_max3A_91 masked %reduce_max3A_88 : vector<16xi32>, vector<16xi1> -> vector<16xi32>
      %reduce_max3A_93 = arith.xori %reduce_max3A_92, %reduce_max3A_90 : vector<16xi32>
      %reduce_max3A_94 = vector.extract %reduce_max3A_93[15] : i32 from vector<16xi32>
      %parallel_loop3A_95 = arith.constant 0 : i32
      %parallel_loop3A_96 = arith.constant 1 : i32
      scf.for %parallel_loop3A_98 = %parallel_loop3A_95 to %reduce_max3A_94 step %parallel_loop3A_96  : i32 {
        %parallel_loop3A_99 = vector.broadcast %parallel_loop3A_98 : i32 to vector<16xi32>
        %parallel_loop3A_100 = arith.cmpi slt, %parallel_loop3A_99, %get3A_86 : vector<16xi32>
        %parallel_loop3A_101 = vector.broadcast %parallel_loop3A_98 : i32 to vector<16xi32>
        %parallel_loop3A_102 = arith.addi %get3A_78, %parallel_loop3A_101 : vector<16xi32>
        %parallel_loop3A_103 = tpu.vector_load_idx %arg9[%parallel_loop3A_102] masked %parallel_loop3A_100 : memref<10272xi32, #tpu.memory_space<vmem>>[vector<16xi32>], vector<16xi32>, vector<16xi1>
        %parallel_loop3A_104 = arith.constant 16383 : i32
        %parallel_loop3A_105 = vector.broadcast %parallel_loop3A_104 : i32 to vector<16xi32>
        %parallel_loop3A_106 = arith.andi %parallel_loop3A_103, %parallel_loop3A_105 : vector<16xi32>
        %parallel_loop3A_107 = arith.constant 14 : i32
        %parallel_loop3A_108 = vector.broadcast %parallel_loop3A_107 : i32 to vector<16xi32>
        %parallel_loop3A_109 = arith.shrui %parallel_loop3A_103, %parallel_loop3A_108 : vector<16xi32>
        %parallel_loop3A_110 = arith.constant 0 : i32
        %parallel_loop3A_111 = vector.broadcast %parallel_loop3A_110 : i32 to vector<16xi32>
        %parallel_loop3A_112 = arith.addi %parallel_loop3A_106, %parallel_loop3A_111 : vector<16xi32>
        %parallel_loop3A_113 = tpu.vector_load_idx %arg6[%parallel_loop3A_112] masked %parallel_loop3A_100 : memref<20480xi32, #tpu.memory_space<vmem>>[vector<16xi32>], vector<16xi32>, vector<16xi1>
        %parallel_loop3A_114 = arith.constant 16 : i32
        %parallel_loop3A_115 = vector.broadcast %parallel_loop3A_114 : i32 to vector<16xi32>
        %parallel_loop3A_116 = arith.shli %parallel_loop3A_113, %parallel_loop3A_115 : vector<16xi32>
        %parallel_loop3A_117 = vector.bitcast %parallel_loop3A_116 : vector<16xi32> to vector<16xf32>
        %parallel_loop3A_118 = arith.andi %parallel_loop3A_113, %broadcast_in_dim3A_9 : vector<16xi32>
        %parallel_loop3A_119 = vector.bitcast %parallel_loop3A_118 : vector<16xi32> to vector<16xf32>
        %parallel_loop3A_120 = arith.constant 0 : i32
        %parallel_loop3A_121 = vector.broadcast %parallel_loop3A_120 : i32 to vector<16xi32>
        %parallel_loop3A_122 = arith.addi %parallel_loop3A_109, %parallel_loop3A_121 : vector<16xi32>
        tpu.vector_store_idx %arg7[%parallel_loop3A_122], %parallel_loop3A_117 masked %parallel_loop3A_100 {add = true} : memref<40960xf32, #tpu.memory_space<vmem>>[vector<16xi32>], vector<16xf32>, vector<16xi1>
        %parallel_loop3A_123 = arith.constant 10240 : i32
        %parallel_loop3A_124 = vector.broadcast %parallel_loop3A_123 : i32 to vector<16xi32>
        %parallel_loop3A_125 = arith.addi %parallel_loop3A_109, %parallel_loop3A_124 : vector<16xi32>
        tpu.vector_store_idx %arg7[%parallel_loop3A_125], %parallel_loop3A_119 masked %parallel_loop3A_100 {add = true} : memref<40960xf32, #tpu.memory_space<vmem>>[vector<16xi32>], vector<16xf32>, vector<16xi1>
        %parallel_loop3A_126 = arith.constant 10240 : i32
        %parallel_loop3A_127 = vector.broadcast %parallel_loop3A_126 : i32 to vector<16xi32>
        %parallel_loop3A_128 = arith.addi %parallel_loop3A_106, %parallel_loop3A_127 : vector<16xi32>
        %parallel_loop3A_129 = tpu.vector_load_idx %arg6[%parallel_loop3A_128] masked %parallel_loop3A_100 : memref<20480xi32, #tpu.memory_space<vmem>>[vector<16xi32>], vector<16xi32>, vector<16xi1>
        %parallel_loop3A_130 = arith.constant 16 : i32
        %parallel_loop3A_131 = vector.broadcast %parallel_loop3A_130 : i32 to vector<16xi32>
        %parallel_loop3A_132 = arith.shli %parallel_loop3A_129, %parallel_loop3A_131 : vector<16xi32>
        %parallel_loop3A_133 = vector.bitcast %parallel_loop3A_132 : vector<16xi32> to vector<16xf32>
        %parallel_loop3A_134 = arith.andi %parallel_loop3A_129, %broadcast_in_dim3A_9 : vector<16xi32>
        %parallel_loop3A_135 = vector.bitcast %parallel_loop3A_134 : vector<16xi32> to vector<16xf32>
        %parallel_loop3A_136 = arith.constant 20480 : i32
        %parallel_loop3A_137 = vector.broadcast %parallel_loop3A_136 : i32 to vector<16xi32>
        %parallel_loop3A_138 = arith.addi %parallel_loop3A_109, %parallel_loop3A_137 : vector<16xi32>
        tpu.vector_store_idx %arg7[%parallel_loop3A_138], %parallel_loop3A_133 masked %parallel_loop3A_100 {add = true} : memref<40960xf32, #tpu.memory_space<vmem>>[vector<16xi32>], vector<16xf32>, vector<16xi1>
        %parallel_loop3A_139 = arith.constant 30720 : i32
        %parallel_loop3A_140 = vector.broadcast %parallel_loop3A_139 : i32 to vector<16xi32>
        %parallel_loop3A_141 = arith.addi %parallel_loop3A_109, %parallel_loop3A_140 : vector<16xi32>
        tpu.vector_store_idx %arg7[%parallel_loop3A_141], %parallel_loop3A_135 masked %parallel_loop3A_100 {add = true} : memref<40960xf32, #tpu.memory_space<vmem>>[vector<16xi32>], vector<16xf32>, vector<16xi1>
      } {sc.loop_unroll_factor = 8 : i64, sc.parallel_access}
      %scan3A_97 = arith.constant 0 : i32
      scf.yield %scan3A_97 : i32
    }
    %scan3A_18 = arith.constant 16 : i32
    %mul3A_19 = arith.constant 4 : i32
    %mul3A_20 = arith.muli %add3A, %mul3A_19 : i32
    %mul3A_21 = arith.constant 10240 : i32
    %mul3A_22 = arith.muli %mul3A_20, %mul3A_21 : i32
    "tpu.region"() ({
      %run_scoped3A = tpu.sem_alloc : memref<!tpu.dma_semaphore, #tpu.memory_space<semaphore_mem>>
      %dma_start3A_23 = tpu.memref_slice %arg5[%mul3A_22] : memref<1310720xf32, #tpu.memory_space<hbm>> -> memref<40960xf32, #tpu.memory_space<hbm>>
      %dma_start3A_24 = tpu.memref_slice %arg5[%mul3A_22] : memref<1310720xf32, #tpu.memory_space<hbm>> -> memref<40960xf32, #tpu.memory_space<hbm>>
      tpu.enqueue_dma source(%arg7 : memref<40960xf32, #tpu.memory_space<vmem>>) target(%dma_start3A_24 : memref<40960xf32, #tpu.memory_space<hbm>>) target_semaphore(%run_scoped3A : memref<!tpu.dma_semaphore, #tpu.memory_space<semaphore_mem>>)
      %dma_wait3A = tpu.memref_slice %arg5[%mul3A_22] : memref<1310720xf32, #tpu.memory_space<hbm>> -> memref<40960xf32, #tpu.memory_space<hbm>>
      %dma_wait3A_25 = tpu.memref_slice %arg5[%mul3A_22] : memref<1310720xf32, #tpu.memory_space<hbm>> -> memref<40960xf32, #tpu.memory_space<hbm>>
      tpu.wait_dma2 semaphore(%run_scoped3A : memref<!tpu.dma_semaphore, #tpu.memory_space<semaphore_mem>>) src(%arg7 : memref<40960xf32, #tpu.memory_space<vmem>>) dst(%dma_wait3A_25 : memref<40960xf32, #tpu.memory_space<hbm>>)
      tpu.yield
    }) : () -> ()
    return
  }
}

#map = affine_map<(d0, d1) -> (0)>
module attributes {stable_mosaic.version = 14 : i64} {
  func.func @_sc_layer_body(%arg0: i32, %arg1: i32, %arg2: memref<655360xi32, #tpu.memory_space<hbm>>, %arg3: memref<328704xi32, #tpu.memory_space<hbm>>, %arg4: memref<1024xi32, #tpu.memory_space<hbm>>, %arg5: memref<1310720xf32, #tpu.memory_space<hbm>>, %arg6: memref<20480xi32, #tpu.memory_space<vmem>>, %arg7: memref<40960xf32, #tpu.memory_space<vmem>>, %arg8: memref<10272xi32, #tpu.memory_space<vmem>>, %arg9: memref<10272xi32, #tpu.memory_space<vmem>>, %arg10: memref<1024xi32, #tpu.memory_space<vmem>>, %arg11: memref<!tpu.dma_semaphore, #tpu.memory_space<semaphore_mem>>, %arg12: memref<!tpu.dma_semaphore, #tpu.memory_space<semaphore_mem>>) attributes {dimension_semantics = [#tpu.dimension_semantics<core_parallel>, #tpu.dimension_semantics<subcore_parallel>], iteration_bounds = array<i64: 2, 16>, scalar_prefetch = 0 : i64, scratch_operands = 7 : i64, tpu.core_type = #tpu.core_type<sc_vector_subcore>, window_params = [{transform_indices = #map}, {transform_indices = #map}, {transform_indices = #map}, {transform_indices = #map}]} {
    %mul3A = arith.constant 2 : i32
    %mul3A_0 = arith.muli %arg1, %mul3A : i32
    %add3A = arith.addi %mul3A_0, %arg0 : i32
    "tpu.region"() ({
      %run_scoped3A = tpu.sem_alloc : memref<!tpu.dma_semaphore, #tpu.memory_space<semaphore_mem>>
      tpu.enqueue_dma source(%arg4 : memref<1024xi32, #tpu.memory_space<hbm>>) target(%arg10 : memref<1024xi32, #tpu.memory_space<vmem>>) target_semaphore(%run_scoped3A : memref<!tpu.dma_semaphore, #tpu.memory_space<semaphore_mem>>)
      tpu.wait_dma2 semaphore(%run_scoped3A : memref<!tpu.dma_semaphore, #tpu.memory_space<semaphore_mem>>) src(%arg4 : memref<1024xi32, #tpu.memory_space<hbm>>) dst(%arg10 : memref<1024xi32, #tpu.memory_space<vmem>>)
      tpu.yield
    }) : () -> ()
    %mul3A_1 = arith.constant 2 : i32
    %mul3A_2 = arith.muli %add3A, %mul3A_1 : i32
    %mul3A_3 = arith.constant 10240 : i32
    %mul3A_4 = arith.muli %mul3A_2, %mul3A_3 : i32
    "tpu.region"() ({
      %run_scoped3A = tpu.sem_alloc : memref<!tpu.dma_semaphore, #tpu.memory_space<semaphore_mem>>
      %dma_start3A_23 = tpu.memref_slice %arg2[%mul3A_4] : memref<655360xi32, #tpu.memory_space<hbm>> -> memref<20480xi32, #tpu.memory_space<hbm>>
      %dma_start3A_24 = tpu.memref_slice %arg2[%mul3A_4] : memref<655360xi32, #tpu.memory_space<hbm>> -> memref<20480xi32, #tpu.memory_space<hbm>>
      tpu.enqueue_dma source(%dma_start3A_24 : memref<20480xi32, #tpu.memory_space<hbm>>) target(%arg6 : memref<20480xi32, #tpu.memory_space<vmem>>) target_semaphore(%run_scoped3A : memref<!tpu.dma_semaphore, #tpu.memory_space<semaphore_mem>>)
      %dma_wait3A = tpu.memref_slice %arg2[%mul3A_4] : memref<655360xi32, #tpu.memory_space<hbm>> -> memref<20480xi32, #tpu.memory_space<hbm>>
      %dma_wait3A_25 = tpu.memref_slice %arg2[%mul3A_4] : memref<655360xi32, #tpu.memory_space<hbm>> -> memref<20480xi32, #tpu.memory_space<hbm>>
      tpu.wait_dma2 semaphore(%run_scoped3A : memref<!tpu.dma_semaphore, #tpu.memory_space<semaphore_mem>>) src(%dma_wait3A_25 : memref<20480xi32, #tpu.memory_space<hbm>>) dst(%arg6 : memref<20480xi32, #tpu.memory_space<vmem>>)
      tpu.yield
    }) : () -> ()
    %broadcast_in_dim3A = arith.constant 0.000000e+00 : f32
    %broadcast_in_dim3A_5 = vector.broadcast %broadcast_in_dim3A : f32 to vector<16xf32>
    %parallel_loop3A = arith.constant 0 : i32
    %parallel_loop3A_6 = arith.constant 2560 : i32
    %parallel_loop3A_7 = arith.constant 1 : i32
    scf.for %parallel_loop3A_23 = %parallel_loop3A to %parallel_loop3A_6 step %parallel_loop3A_7  : i32 {
      %parallel_loop3A_24 = arith.constant 16 : i32
      %parallel_loop3A_25 = arith.muli %parallel_loop3A_23, %parallel_loop3A_24 : i32
      %parallel_loop3A_26 = arith.index_cast %parallel_loop3A_25 : i32 to index
      %parallel_loop3A_27 = tpu.vector_load %arg7[%parallel_loop3A_26] {strides = array<i32>} : memref<40960xf32, #tpu.memory_space<vmem>>, vector<16xf32>,
      tpu.vector_store %arg7[%parallel_loop3A_26], %broadcast_in_dim3A_5 {strides = array<i32>} : memref<40960xf32, #tpu.memory_space<vmem>>, vector<16xf32>,
    } {sc.loop_unroll_factor = 8 : i64, sc.parallel_access}
    %broadcast_in_dim3A_8 = arith.constant -65536 : i32
    %broadcast_in_dim3A_9 = vector.broadcast %broadcast_in_dim3A_8 : i32 to vector<16xi32>
    %dma_start3A = arith.constant 0 : i32
    %dma_start3A_10 = tpu.memref_slice %arg3[%dma_start3A] : memref<328704xi32, #tpu.memory_space<hbm>> -> memref<10272xi32, #tpu.memory_space<hbm>>
    %dma_start3A_11 = arith.constant 0 : i32
    %dma_start3A_12 = tpu.memref_slice %arg3[%dma_start3A_11] : memref<328704xi32, #tpu.memory_space<hbm>> -> memref<10272xi32, #tpu.memory_space<hbm>>
    tpu.enqueue_dma source(%dma_start3A_12 : memref<10272xi32, #tpu.memory_space<hbm>>) target(%arg8 : memref<10272xi32, #tpu.memory_space<vmem>>) target_semaphore(%arg11 : memref<!tpu.dma_semaphore, #tpu.memory_space<semaphore_mem>>)
    %scan3A = arith.constant 0 : i32
    %scan3A_13 = arith.constant 0 : i32
    %scan3A_14 = arith.constant 16 : i32
    %scan3A_15 = arith.addi %scan3A_13, %scan3A_14 : i32
    %scan3A_16 = arith.constant 1 : i32
    %scan3A_17 = scf.for %scan3A_23 = %scan3A_13 to %scan3A_15 step %scan3A_16 iter_args(%scan3A_24 = %scan3A) -> (i32)  : i32 {
      %mul3A_25 = arith.constant 2 : i32
      %mul3A_26 = arith.muli %scan3A_23, %mul3A_25 : i32
      %add3A_27 = arith.constant 0 : i32
      %add3A_28 = arith.addi %mul3A_26, %add3A_27 : i32
      %add3A_29 = arith.constant 1 : i32
      %add3A_30 = arith.addi %add3A_28, %add3A_29 : i32
      %lt3A = arith.constant 32 : i32
      %lt3A_31 = arith.cmpi slt, %add3A_30, %lt3A : i32
      %convert_element_type3A = arith.extui %lt3A_31 : i1 to i32
      %cond3A = arith.constant 0 : i32
      %cond3A_32 = arith.cmpi ne, %convert_element_type3A, %cond3A : i32
      scf.if %cond3A_32 {
        %mul3A_98 = arith.constant 10272 : i32
        %mul3A_99 = arith.muli %add3A_30, %mul3A_98 : i32
        %dma_start3A_100 = tpu.memref_slice %arg3[%mul3A_99] : memref<328704xi32, #tpu.memory_space<hbm>> -> memref<10272xi32, #tpu.memory_space<hbm>>
        %dma_start3A_101 = tpu.memref_slice %arg3[%mul3A_99] : memref<328704xi32, #tpu.memory_space<hbm>> -> memref<10272xi32, #tpu.memory_space<hbm>>
        tpu.enqueue_dma source(%dma_start3A_101 : memref<10272xi32, #tpu.memory_space<hbm>>) target(%arg9 : memref<10272xi32, #tpu.memory_space<vmem>>) target_semaphore(%arg12 : memref<!tpu.dma_semaphore, #tpu.memory_space<semaphore_mem>>)
      } else {
      }
      %dma_wait3A = arith.constant 0 : i32
      %dma_wait3A_33 = tpu.memref_slice %arg3[%dma_wait3A] : memref<328704xi32, #tpu.memory_space<hbm>> -> memref<10272xi32, #tpu.memory_space<hbm>>
      %dma_wait3A_34 = arith.constant 0 : i32
      %dma_wait3A_35 = tpu.memref_slice %arg3[%dma_wait3A_34] : memref<328704xi32, #tpu.memory_space<hbm>> -> memref<10272xi32, #tpu.memory_space<hbm>>
      tpu.wait_dma2 semaphore(%arg11 : memref<!tpu.dma_semaphore, #tpu.memory_space<semaphore_mem>>) src(%dma_wait3A_35 : memref<10272xi32, #tpu.memory_space<hbm>>) dst(%arg8 : memref<10272xi32, #tpu.memory_space<vmem>>)
      %mul3A_36 = arith.constant 2 : i32
      %mul3A_37 = arith.muli %add3A_28, %mul3A_36 : i32
      %mul3A_38 = arith.constant 16 : i32
      %mul3A_39 = arith.muli %mul3A_37, %mul3A_38 : i32
      %get3A = arith.index_cast %mul3A_39 : i32 to index
      %get3A_40 = tpu.vector_load %arg10[%get3A] {strides = array<i32>} : memref<1024xi32, #tpu.memory_space<vmem>>, vector<16xi32>,
      %mul3A_41 = arith.constant 2 : i32
      %mul3A_42 = arith.muli %add3A_28, %mul3A_41 : i32
      %mul3A_43 = arith.constant 16 : i32
      %mul3A_44 = arith.muli %mul3A_42, %mul3A_43 : i32
      %add3A_45 = arith.constant 16 : i32
      %add3A_46 = arith.addi %mul3A_44, %add3A_45 : i32
      %get3A_47 = arith.index_cast %add3A_46 : i32 to index
      %get3A_48 = tpu.vector_load %arg10[%get3A_47] {strides = array<i32>} : memref<1024xi32, #tpu.memory_space<vmem>>, vector<16xi32>,
      %reduce_max3A = arith.constant true
      %reduce_max3A_49 = vector.broadcast %reduce_max3A : i1 to vector<16xi1>
      %reduce_max3A_50 = arith.constant -2147483648 : i32
      %reduce_max3A_51 = vector.broadcast %reduce_max3A_50 : i32 to vector<16xi32>
      %reduce_max3A_52 = arith.xori %get3A_48, %reduce_max3A_51 : vector<16xi32>
      %reduce_max3A_53 = tpu.scan <max>, %reduce_max3A_52 masked %reduce_max3A_49 : vector<16xi32>, vector<16xi1> -> vector<16xi32>
      %reduce_max3A_54 = arith.xori %reduce_max3A_53, %reduce_max3A_51 : vector<16xi32>
      %reduce_max3A_55 = vector.extract %reduce_max3A_54[15] : i32 from vector<16xi32>
      %parallel_loop3A_56 = arith.constant 0 : i32
      %parallel_loop3A_57 = arith.constant 1 : i32
      scf.for %parallel_loop3A_98 = %parallel_loop3A_56 to %reduce_max3A_55 step %parallel_loop3A_57  : i32 {
        %parallel_loop3A_99 = vector.broadcast %parallel_loop3A_98 : i32 to vector<16xi32>
        %parallel_loop3A_100 = arith.cmpi slt, %parallel_loop3A_99, %get3A_48 : vector<16xi32>
        %parallel_loop3A_101 = vector.broadcast %parallel_loop3A_98 : i32 to vector<16xi32>
        %parallel_loop3A_102 = arith.addi %get3A_40, %parallel_loop3A_101 : vector<16xi32>
        %parallel_loop3A_103 = tpu.vector_load_idx %arg8[%parallel_loop3A_102] masked %parallel_loop3A_100 : memref<10272xi32, #tpu.memory_space<vmem>>[vector<16xi32>], vector<16xi32>, vector<16xi1>
        %parallel_loop3A_104 = arith.constant 16383 : i32
        %parallel_loop3A_105 = vector.broadcast %parallel_loop3A_104 : i32 to vector<16xi32>
        %parallel_loop3A_106 = arith.andi %parallel_loop3A_103, %parallel_loop3A_105 : vector<16xi32>
        %parallel_loop3A_107 = arith.constant 14 : i32
        %parallel_loop3A_108 = vector.broadcast %parallel_loop3A_107 : i32 to vector<16xi32>
        %parallel_loop3A_109 = arith.shrui %parallel_loop3A_103, %parallel_loop3A_108 : vector<16xi32>
        %parallel_loop3A_110 = arith.constant 0 : i32
        %parallel_loop3A_111 = vector.broadcast %parallel_loop3A_110 : i32 to vector<16xi32>
        %parallel_loop3A_112 = arith.addi %parallel_loop3A_106, %parallel_loop3A_111 : vector<16xi32>
        %parallel_loop3A_113 = tpu.vector_load_idx %arg6[%parallel_loop3A_112] masked %parallel_loop3A_100 : memref<20480xi32, #tpu.memory_space<vmem>>[vector<16xi32>], vector<16xi32>, vector<16xi1>
        %parallel_loop3A_114 = arith.constant 16 : i32
        %parallel_loop3A_115 = vector.broadcast %parallel_loop3A_114 : i32 to vector<16xi32>
        %parallel_loop3A_116 = arith.shli %parallel_loop3A_113, %parallel_loop3A_115 : vector<16xi32>
        %parallel_loop3A_117 = vector.bitcast %parallel_loop3A_116 : vector<16xi32> to vector<16xf32>
        %parallel_loop3A_118 = arith.andi %parallel_loop3A_113, %broadcast_in_dim3A_9 : vector<16xi32>
        %parallel_loop3A_119 = vector.bitcast %parallel_loop3A_118 : vector<16xi32> to vector<16xf32>
        %parallel_loop3A_120 = arith.constant 0 : i32
        %parallel_loop3A_121 = vector.broadcast %parallel_loop3A_120 : i32 to vector<16xi32>
        %parallel_loop3A_122 = arith.addi %parallel_loop3A_109, %parallel_loop3A_121 : vector<16xi32>
        tpu.vector_store_idx %arg7[%parallel_loop3A_122], %parallel_loop3A_117 masked %parallel_loop3A_100 {add = true} : memref<40960xf32, #tpu.memory_space<vmem>>[vector<16xi32>], vector<16xf32>, vector<16xi1>
        %parallel_loop3A_123 = arith.constant 10240 : i32
        %parallel_loop3A_124 = vector.broadcast %parallel_loop3A_123 : i32 to vector<16xi32>
        %parallel_loop3A_125 = arith.addi %parallel_loop3A_109, %parallel_loop3A_124 : vector<16xi32>
        tpu.vector_store_idx %arg7[%parallel_loop3A_125], %parallel_loop3A_119 masked %parallel_loop3A_100 {add = true} : memref<40960xf32, #tpu.memory_space<vmem>>[vector<16xi32>], vector<16xf32>, vector<16xi1>
        %parallel_loop3A_126 = arith.constant 10240 : i32
        %parallel_loop3A_127 = vector.broadcast %parallel_loop3A_126 : i32 to vector<16xi32>
        %parallel_loop3A_128 = arith.addi %parallel_loop3A_106, %parallel_loop3A_127 : vector<16xi32>
        %parallel_loop3A_129 = tpu.vector_load_idx %arg6[%parallel_loop3A_128] masked %parallel_loop3A_100 : memref<20480xi32, #tpu.memory_space<vmem>>[vector<16xi32>], vector<16xi32>, vector<16xi1>
        %parallel_loop3A_130 = arith.constant 16 : i32
        %parallel_loop3A_131 = vector.broadcast %parallel_loop3A_130 : i32 to vector<16xi32>
        %parallel_loop3A_132 = arith.shli %parallel_loop3A_129, %parallel_loop3A_131 : vector<16xi32>
        %parallel_loop3A_133 = vector.bitcast %parallel_loop3A_132 : vector<16xi32> to vector<16xf32>
        %parallel_loop3A_134 = arith.andi %parallel_loop3A_129, %broadcast_in_dim3A_9 : vector<16xi32>
        %parallel_loop3A_135 = vector.bitcast %parallel_loop3A_134 : vector<16xi32> to vector<16xf32>
        %parallel_loop3A_136 = arith.constant 20480 : i32
        %parallel_loop3A_137 = vector.broadcast %parallel_loop3A_136 : i32 to vector<16xi32>
        %parallel_loop3A_138 = arith.addi %parallel_loop3A_109, %parallel_loop3A_137 : vector<16xi32>
        tpu.vector_store_idx %arg7[%parallel_loop3A_138], %parallel_loop3A_133 masked %parallel_loop3A_100 {add = true} : memref<40960xf32, #tpu.memory_space<vmem>>[vector<16xi32>], vector<16xf32>, vector<16xi1>
        %parallel_loop3A_139 = arith.constant 30720 : i32
        %parallel_loop3A_140 = vector.broadcast %parallel_loop3A_139 : i32 to vector<16xi32>
        %parallel_loop3A_141 = arith.addi %parallel_loop3A_109, %parallel_loop3A_140 : vector<16xi32>
        tpu.vector_store_idx %arg7[%parallel_loop3A_141], %parallel_loop3A_135 masked %parallel_loop3A_100 {add = true} : memref<40960xf32, #tpu.memory_space<vmem>>[vector<16xi32>], vector<16xf32>, vector<16xi1>
      } {sc.loop_unroll_factor = 8 : i64, sc.parallel_access}
      %mul3A_58 = arith.constant 2 : i32
      %mul3A_59 = arith.muli %scan3A_23, %mul3A_58 : i32
      %add3A_60 = arith.constant 1 : i32
      %add3A_61 = arith.addi %mul3A_59, %add3A_60 : i32
      %add3A_62 = arith.constant 1 : i32
      %add3A_63 = arith.addi %add3A_61, %add3A_62 : i32
      %lt3A_64 = arith.constant 32 : i32
      %lt3A_65 = arith.cmpi slt, %add3A_63, %lt3A_64 : i32
      %convert_element_type3A_66 = arith.extui %lt3A_65 : i1 to i32
      %cond3A_67 = arith.constant 0 : i32
      %cond3A_68 = arith.cmpi ne, %convert_element_type3A_66, %cond3A_67 : i32
      scf.if %cond3A_68 {
        %mul3A_98 = arith.constant 10272 : i32
        %mul3A_99 = arith.muli %add3A_63, %mul3A_98 : i32
        %dma_start3A_100 = tpu.memref_slice %arg3[%mul3A_99] : memref<328704xi32, #tpu.memory_space<hbm>> -> memref<10272xi32, #tpu.memory_space<hbm>>
        %dma_start3A_101 = tpu.memref_slice %arg3[%mul3A_99] : memref<328704xi32, #tpu.memory_space<hbm>> -> memref<10272xi32, #tpu.memory_space<hbm>>
        tpu.enqueue_dma source(%dma_start3A_101 : memref<10272xi32, #tpu.memory_space<hbm>>) target(%arg8 : memref<10272xi32, #tpu.memory_space<vmem>>) target_semaphore(%arg11 : memref<!tpu.dma_semaphore, #tpu.memory_space<semaphore_mem>>)
      } else {
      }
      %dma_wait3A_69 = arith.constant 0 : i32
      %dma_wait3A_70 = tpu.memref_slice %arg3[%dma_wait3A_69] : memref<328704xi32, #tpu.memory_space<hbm>> -> memref<10272xi32, #tpu.memory_space<hbm>>
      %dma_wait3A_71 = arith.constant 0 : i32
      %dma_wait3A_72 = tpu.memref_slice %arg3[%dma_wait3A_71] : memref<328704xi32, #tpu.memory_space<hbm>> -> memref<10272xi32, #tpu.memory_space<hbm>>
      tpu.wait_dma2 semaphore(%arg12 : memref<!tpu.dma_semaphore, #tpu.memory_space<semaphore_mem>>) src(%dma_wait3A_72 : memref<10272xi32, #tpu.memory_space<hbm>>) dst(%arg9 : memref<10272xi32, #tpu.memory_space<vmem>>)
      %mul3A_73 = arith.constant 2 : i32
      %mul3A_74 = arith.muli %add3A_61, %mul3A_73 : i32
      %mul3A_75 = arith.constant 16 : i32
      %mul3A_76 = arith.muli %mul3A_74, %mul3A_75 : i32
      %get3A_77 = arith.index_cast %mul3A_76 : i32 to index
      %get3A_78 = tpu.vector_load %arg10[%get3A_77] {strides = array<i32>} : memref<1024xi32, #tpu.memory_space<vmem>>, vector<16xi32>,
      %mul3A_79 = arith.constant 2 : i32
      %mul3A_80 = arith.muli %add3A_61, %mul3A_79 : i32
      %mul3A_81 = arith.constant 16 : i32
      %mul3A_82 = arith.muli %mul3A_80, %mul3A_81 : i32
      %add3A_83 = arith.constant 16 : i32
      %add3A_84 = arith.addi %mul3A_82, %add3A_83 : i32
      %get3A_85 = arith.index_cast %add3A_84 : i32 to index
      %get3A_86 = tpu.vector_load %arg10[%get3A_85] {strides = array<i32>} : memref<1024xi32, #tpu.memory_space<vmem>>, vector<16xi32>,
      %reduce_max3A_87 = arith.constant true
      %reduce_max3A_88 = vector.broadcast %reduce_max3A_87 : i1 to vector<16xi1>
      %reduce_max3A_89 = arith.constant -2147483648 : i32
      %reduce_max3A_90 = vector.broadcast %reduce_max3A_89 : i32 to vector<16xi32>
      %reduce_max3A_91 = arith.xori %get3A_86, %reduce_max3A_90 : vector<16xi32>
      %reduce_max3A_92 = tpu.scan <max>, %reduce_max3A_91 masked %reduce_max3A_88 : vector<16xi32>, vector<16xi1> -> vector<16xi32>
      %reduce_max3A_93 = arith.xori %reduce_max3A_92, %reduce_max3A_90 : vector<16xi32>
      %reduce_max3A_94 = vector.extract %reduce_max3A_93[15] : i32 from vector<16xi32>
      %parallel_loop3A_95 = arith.constant 0 : i32
      %parallel_loop3A_96 = arith.constant 1 : i32
      scf.for %parallel_loop3A_98 = %parallel_loop3A_95 to %reduce_max3A_94 step %parallel_loop3A_96  : i32 {
        %parallel_loop3A_99 = vector.broadcast %parallel_loop3A_98 : i32 to vector<16xi32>
        %parallel_loop3A_100 = arith.cmpi slt, %parallel_loop3A_99, %get3A_86 : vector<16xi32>
        %parallel_loop3A_101 = vector.broadcast %parallel_loop3A_98 : i32 to vector<16xi32>
        %parallel_loop3A_102 = arith.addi %get3A_78, %parallel_loop3A_101 : vector<16xi32>
        %parallel_loop3A_103 = tpu.vector_load_idx %arg9[%parallel_loop3A_102] masked %parallel_loop3A_100 : memref<10272xi32, #tpu.memory_space<vmem>>[vector<16xi32>], vector<16xi32>, vector<16xi1>
        %parallel_loop3A_104 = arith.constant 16383 : i32
        %parallel_loop3A_105 = vector.broadcast %parallel_loop3A_104 : i32 to vector<16xi32>
        %parallel_loop3A_106 = arith.andi %parallel_loop3A_103, %parallel_loop3A_105 : vector<16xi32>
        %parallel_loop3A_107 = arith.constant 14 : i32
        %parallel_loop3A_108 = vector.broadcast %parallel_loop3A_107 : i32 to vector<16xi32>
        %parallel_loop3A_109 = arith.shrui %parallel_loop3A_103, %parallel_loop3A_108 : vector<16xi32>
        %parallel_loop3A_110 = arith.constant 0 : i32
        %parallel_loop3A_111 = vector.broadcast %parallel_loop3A_110 : i32 to vector<16xi32>
        %parallel_loop3A_112 = arith.addi %parallel_loop3A_106, %parallel_loop3A_111 : vector<16xi32>
        %parallel_loop3A_113 = tpu.vector_load_idx %arg6[%parallel_loop3A_112] masked %parallel_loop3A_100 : memref<20480xi32, #tpu.memory_space<vmem>>[vector<16xi32>], vector<16xi32>, vector<16xi1>
        %parallel_loop3A_114 = arith.constant 16 : i32
        %parallel_loop3A_115 = vector.broadcast %parallel_loop3A_114 : i32 to vector<16xi32>
        %parallel_loop3A_116 = arith.shli %parallel_loop3A_113, %parallel_loop3A_115 : vector<16xi32>
        %parallel_loop3A_117 = vector.bitcast %parallel_loop3A_116 : vector<16xi32> to vector<16xf32>
        %parallel_loop3A_118 = arith.andi %parallel_loop3A_113, %broadcast_in_dim3A_9 : vector<16xi32>
        %parallel_loop3A_119 = vector.bitcast %parallel_loop3A_118 : vector<16xi32> to vector<16xf32>
        %parallel_loop3A_120 = arith.constant 0 : i32
        %parallel_loop3A_121 = vector.broadcast %parallel_loop3A_120 : i32 to vector<16xi32>
        %parallel_loop3A_122 = arith.addi %parallel_loop3A_109, %parallel_loop3A_121 : vector<16xi32>
        tpu.vector_store_idx %arg7[%parallel_loop3A_122], %parallel_loop3A_117 masked %parallel_loop3A_100 {add = true} : memref<40960xf32, #tpu.memory_space<vmem>>[vector<16xi32>], vector<16xf32>, vector<16xi1>
        %parallel_loop3A_123 = arith.constant 10240 : i32
        %parallel_loop3A_124 = vector.broadcast %parallel_loop3A_123 : i32 to vector<16xi32>
        %parallel_loop3A_125 = arith.addi %parallel_loop3A_109, %parallel_loop3A_124 : vector<16xi32>
        tpu.vector_store_idx %arg7[%parallel_loop3A_125], %parallel_loop3A_119 masked %parallel_loop3A_100 {add = true} : memref<40960xf32, #tpu.memory_space<vmem>>[vector<16xi32>], vector<16xf32>, vector<16xi1>
        %parallel_loop3A_126 = arith.constant 10240 : i32
        %parallel_loop3A_127 = vector.broadcast %parallel_loop3A_126 : i32 to vector<16xi32>
        %parallel_loop3A_128 = arith.addi %parallel_loop3A_106, %parallel_loop3A_127 : vector<16xi32>
        %parallel_loop3A_129 = tpu.vector_load_idx %arg6[%parallel_loop3A_128] masked %parallel_loop3A_100 : memref<20480xi32, #tpu.memory_space<vmem>>[vector<16xi32>], vector<16xi32>, vector<16xi1>
        %parallel_loop3A_130 = arith.constant 16 : i32
        %parallel_loop3A_131 = vector.broadcast %parallel_loop3A_130 : i32 to vector<16xi32>
        %parallel_loop3A_132 = arith.shli %parallel_loop3A_129, %parallel_loop3A_131 : vector<16xi32>
        %parallel_loop3A_133 = vector.bitcast %parallel_loop3A_132 : vector<16xi32> to vector<16xf32>
        %parallel_loop3A_134 = arith.andi %parallel_loop3A_129, %broadcast_in_dim3A_9 : vector<16xi32>
        %parallel_loop3A_135 = vector.bitcast %parallel_loop3A_134 : vector<16xi32> to vector<16xf32>
        %parallel_loop3A_136 = arith.constant 20480 : i32
        %parallel_loop3A_137 = vector.broadcast %parallel_loop3A_136 : i32 to vector<16xi32>
        %parallel_loop3A_138 = arith.addi %parallel_loop3A_109, %parallel_loop3A_137 : vector<16xi32>
        tpu.vector_store_idx %arg7[%parallel_loop3A_138], %parallel_loop3A_133 masked %parallel_loop3A_100 {add = true} : memref<40960xf32, #tpu.memory_space<vmem>>[vector<16xi32>], vector<16xf32>, vector<16xi1>
        %parallel_loop3A_139 = arith.constant 30720 : i32
        %parallel_loop3A_140 = vector.broadcast %parallel_loop3A_139 : i32 to vector<16xi32>
        %parallel_loop3A_141 = arith.addi %parallel_loop3A_109, %parallel_loop3A_140 : vector<16xi32>
        tpu.vector_store_idx %arg7[%parallel_loop3A_141], %parallel_loop3A_135 masked %parallel_loop3A_100 {add = true} : memref<40960xf32, #tpu.memory_space<vmem>>[vector<16xi32>], vector<16xf32>, vector<16xi1>
      } {sc.loop_unroll_factor = 8 : i64, sc.parallel_access}
      %scan3A_97 = arith.constant 0 : i32
      scf.yield %scan3A_97 : i32
    }
    %scan3A_18 = arith.constant 16 : i32
    %mul3A_19 = arith.constant 4 : i32
    %mul3A_20 = arith.muli %add3A, %mul3A_19 : i32
    %mul3A_21 = arith.constant 10240 : i32
    %mul3A_22 = arith.muli %mul3A_20, %mul3A_21 : i32
    "tpu.region"() ({
      %run_scoped3A = tpu.sem_alloc : memref<!tpu.dma_semaphore, #tpu.memory_space<semaphore_mem>>
      %dma_start3A_23 = tpu.memref_slice %arg5[%mul3A_22] : memref<1310720xf32, #tpu.memory_space<hbm>> -> memref<40960xf32, #tpu.memory_space<hbm>>
      %dma_start3A_24 = tpu.memref_slice %arg5[%mul3A_22] : memref<1310720xf32, #tpu.memory_space<hbm>> -> memref<40960xf32, #tpu.memory_space<hbm>>
      tpu.enqueue_dma source(%arg7 : memref<40960xf32, #tpu.memory_space<vmem>>) target(%dma_start3A_24 : memref<40960xf32, #tpu.memory_space<hbm>>) target_semaphore(%run_scoped3A : memref<!tpu.dma_semaphore, #tpu.memory_space<semaphore_mem>>)
      %dma_wait3A = tpu.memref_slice %arg5[%mul3A_22] : memref<1310720xf32, #tpu.memory_space<hbm>> -> memref<40960xf32, #tpu.memory_space<hbm>>
      %dma_wait3A_25 = tpu.memref_slice %arg5[%mul3A_22] : memref<1310720xf32, #tpu.memory_space<hbm>> -> memref<40960xf32, #tpu.memory_space<hbm>>
      tpu.wait_dma2 semaphore(%run_scoped3A : memref<!tpu.dma_semaphore, #tpu.memory_space<semaphore_mem>>) src(%arg7 : memref<40960xf32, #tpu.memory_space<vmem>>) dst(%dma_wait3A_25 : memref<40960xf32, #tpu.memory_space<hbm>>)
      tpu.yield
    }) : () -> ()
    return
  }
}

#map = affine_map<(d0, d1) -> (0)>
module attributes {stable_mosaic.version = 14 : i64} {
  func.func @_sc_deg_body(%arg0: i32, %arg1: i32, %arg2: memref<320000xi32, #tpu.memory_space<hbm>>, %arg3: memref<320000xi32, #tpu.memory_space<hbm>>, %arg4: memref<655360xf32, #tpu.memory_space<hbm>>, %arg5: memref<328704xi32, #tpu.memory_space<hbm>>, %arg6: memref<1024xi32, #tpu.memory_space<hbm>>, %arg7: memref<10000xi32, #tpu.memory_space<vmem>>, %arg8: memref<10000xi32, #tpu.memory_space<vmem>>, %arg9: memref<20480xf32, #tpu.memory_space<vmem>>, %arg10: memref<10240xi32, #tpu.memory_space<vmem>>, %arg11: memref<10000xi32, #tpu.memory_space<vmem>>, %arg12: memref<10272xi32, #tpu.memory_space<vmem>>, %arg13: memref<32xi32, #tpu.memory_space<vmem>>) attributes {dimension_semantics = [#tpu.dimension_semantics<core_parallel>, #tpu.dimension_semantics<subcore_parallel>], iteration_bounds = array<i64: 2, 16>, scalar_prefetch = 0 : i64, scratch_operands = 7 : i64, tpu.core_type = #tpu.core_type<sc_vector_subcore>, window_params = [{transform_indices = #map}, {transform_indices = #map}, {transform_indices = #map}, {transform_indices = #map}, {transform_indices = #map}]} {
    %mul3A = arith.constant 2 : i32
    %mul3A_0 = arith.muli %arg1, %mul3A : i32
    %add3A = arith.addi %mul3A_0, %arg0 : i32
    %mul3A_1 = arith.constant 10000 : i32
    %mul3A_2 = arith.muli %add3A, %mul3A_1 : i32
    "tpu.region"() ({
      %run_scoped3A = tpu.sem_alloc : memref<!tpu.dma_semaphore, #tpu.memory_space<semaphore_mem>>
      %dma_start3A = tpu.memref_slice %arg2[%mul3A_2] : memref<320000xi32, #tpu.memory_space<hbm>> -> memref<10000xi32, #tpu.memory_space<hbm>>
      %dma_start3A_216 = tpu.memref_slice %arg2[%mul3A_2] : memref<320000xi32, #tpu.memory_space<hbm>> -> memref<10000xi32, #tpu.memory_space<hbm>>
      tpu.enqueue_dma source(%dma_start3A_216 : memref<10000xi32, #tpu.memory_space<hbm>>) target(%arg7 : memref<10000xi32, #tpu.memory_space<vmem>>) target_semaphore(%run_scoped3A : memref<!tpu.dma_semaphore, #tpu.memory_space<semaphore_mem>>)
      %dma_wait3A = tpu.memref_slice %arg2[%mul3A_2] : memref<320000xi32, #tpu.memory_space<hbm>> -> memref<10000xi32, #tpu.memory_space<hbm>>
      %dma_wait3A_217 = tpu.memref_slice %arg2[%mul3A_2] : memref<320000xi32, #tpu.memory_space<hbm>> -> memref<10000xi32, #tpu.memory_space<hbm>>
      tpu.wait_dma2 semaphore(%run_scoped3A : memref<!tpu.dma_semaphore, #tpu.memory_space<semaphore_mem>>) src(%dma_wait3A_217 : memref<10000xi32, #tpu.memory_space<hbm>>) dst(%arg7 : memref<10000xi32, #tpu.memory_space<vmem>>)
      tpu.yield
    }) : () -> ()
    "tpu.region"() ({
      %run_scoped3A = tpu.sem_alloc : memref<!tpu.dma_semaphore, #tpu.memory_space<semaphore_mem>>
      %dma_start3A = tpu.memref_slice %arg3[%mul3A_2] : memref<320000xi32, #tpu.memory_space<hbm>> -> memref<10000xi32, #tpu.memory_space<hbm>>
      %dma_start3A_216 = tpu.memref_slice %arg3[%mul3A_2] : memref<320000xi32, #tpu.memory_space<hbm>> -> memref<10000xi32, #tpu.memory_space<hbm>>
      tpu.enqueue_dma source(%dma_start3A_216 : memref<10000xi32, #tpu.memory_space<hbm>>) target(%arg8 : memref<10000xi32, #tpu.memory_space<vmem>>) target_semaphore(%run_scoped3A : memref<!tpu.dma_semaphore, #tpu.memory_space<semaphore_mem>>)
      %dma_wait3A = tpu.memref_slice %arg3[%mul3A_2] : memref<320000xi32, #tpu.memory_space<hbm>> -> memref<10000xi32, #tpu.memory_space<hbm>>
      %dma_wait3A_217 = tpu.memref_slice %arg3[%mul3A_2] : memref<320000xi32, #tpu.memory_space<hbm>> -> memref<10000xi32, #tpu.memory_space<hbm>>
      tpu.wait_dma2 semaphore(%run_scoped3A : memref<!tpu.dma_semaphore, #tpu.memory_space<semaphore_mem>>) src(%dma_wait3A_217 : memref<10000xi32, #tpu.memory_space<hbm>>) dst(%arg8 : memref<10000xi32, #tpu.memory_space<vmem>>)
      tpu.yield
    }) : () -> ()
    %broadcast_in_dim3A = arith.constant 0.000000e+00 : f32
    %broadcast_in_dim3A_3 = vector.broadcast %broadcast_in_dim3A : f32 to vector<16xf32>
    %parallel_loop3A = arith.constant 0 : i32
    %parallel_loop3A_4 = arith.constant 1280 : i32
    %parallel_loop3A_5 = arith.constant 1 : i32
    scf.for %parallel_loop3A_216 = %parallel_loop3A to %parallel_loop3A_4 step %parallel_loop3A_5  : i32 {
      %parallel_loop3A_217 = arith.constant 16 : i32
      %parallel_loop3A_218 = arith.muli %parallel_loop3A_216, %parallel_loop3A_217 : i32
      %parallel_loop3A_219 = arith.index_cast %parallel_loop3A_218 : i32 to index
      %parallel_loop3A_220 = tpu.vector_load %arg9[%parallel_loop3A_219] {strides = array<i32>} : memref<20480xf32, #tpu.memory_space<vmem>>, vector<16xf32>,
      tpu.vector_store %arg9[%parallel_loop3A_219], %broadcast_in_dim3A_3 {strides = array<i32>} : memref<20480xf32, #tpu.memory_space<vmem>>, vector<16xf32>,
    } {sc.loop_unroll_factor = 8 : i64, sc.parallel_access}
    %iota3A = tpu.iota {dimensions = array<i32: 0>} : vector<16xi32>
    %broadcast_in_dim3A_6 = arith.constant 1.000000e+00 : f32
    %broadcast_in_dim3A_7 = vector.broadcast %broadcast_in_dim3A_6 : f32 to vector<16xf32>
    %scan3A = arith.constant 0 : i32
    %scan3A_8 = arith.constant 0 : i32
    %scan3A_9 = arith.constant 625 : i32
    %scan3A_10 = arith.addi %scan3A_8, %scan3A_9 : i32
    %scan3A_11 = arith.constant 1 : i32
    %scan3A_12 = scf.for %scan3A_216 = %scan3A_8 to %scan3A_10 step %scan3A_11 iter_args(%scan3A_217 = %scan3A) -> (i32)  : i32 {
      %mul3A_218 = arith.constant 16 : i32
      %mul3A_219 = arith.muli %scan3A_216, %mul3A_218 : i32
      %get3A = arith.index_cast %mul3A_219 : i32 to index
      %get3A_220 = tpu.vector_load %arg7[%get3A] {strides = array<i32>} : memref<10000xi32, #tpu.memory_space<vmem>>, vector<16xi32>,
      tpu.vector_store_idx %arg10[%get3A_220], %iota3A : memref<10240xi32, #tpu.memory_space<vmem>>[vector<16xi32>], vector<16xi32>,
      %gather3A = tpu.vector_load_idx %arg10[%get3A_220] : memref<10240xi32, #tpu.memory_space<vmem>>[vector<16xi32>], vector<16xi32>,
      %eq3A_221 = arith.cmpi eq, %gather3A, %iota3A : vector<16xi32>
      tpu.vector_store_idx %arg9[%get3A_220], %broadcast_in_dim3A_7 masked %eq3A_221 {add = true} : memref<20480xf32, #tpu.memory_space<vmem>>[vector<16xi32>], vector<16xf32>, vector<16xi1>
      %not3A = arith.constant dense<true> : vector<16xi1>
      %not3A_222 = arith.xori %eq3A_221, %not3A : vector<16xi1>
      %while3A = scf.while (%while3A_242 = %not3A_222) : (vector<16xi1>) -> vector<16xi1> {
        %reduce_or3A = arith.constant 1.000000e+00 : f32
        %reduce_or3A_243 = arith.constant 0.000000e+00 : f32
        %reduce_or3A_244 = vector.broadcast %reduce_or3A : f32 to vector<16xf32>
        %reduce_or3A_245 = vector.broadcast %reduce_or3A_243 : f32 to vector<16xf32>
        %reduce_or3A_246 = arith.select %while3A_242, %reduce_or3A_244, %reduce_or3A_245 : vector<16xi1>, vector<16xf32>
        %reduce_or3A_247 = arith.constant true
        %reduce_or3A_248 = vector.broadcast %reduce_or3A_247 : i1 to vector<16xi1>
        %reduce_or3A_249 = tpu.scan <max>, %reduce_or3A_246 masked %reduce_or3A_248 : vector<16xf32>, vector<16xi1> -> vector<16xf32>
        %reduce_or3A_250 = vector.extract %reduce_or3A_249[15] : f32 from vector<16xf32>
        %reduce_or3A_251 = arith.constant 0.000000e+00 : f32
        %reduce_or3A_252 = arith.cmpf ogt, %reduce_or3A_250, %reduce_or3A_251 : f32
        scf.condition(%reduce_or3A_252) %while3A_242 : vector<16xi1>
      } do {
      ^bb0(%while3A_242: vector<16xi1>):
        tpu.vector_store_idx %arg10[%get3A_220], %iota3A masked %while3A_242 : memref<10240xi32, #tpu.memory_space<vmem>>[vector<16xi32>], vector<16xi32>, vector<16xi1>
        %gather3A_243 = tpu.vector_load_idx %arg10[%get3A_220] masked %while3A_242 : memref<10240xi32, #tpu.memory_space<vmem>>[vector<16xi32>], vector<16xi32>, vector<16xi1>
        %eq3A_244 = arith.cmpi eq, %gather3A_243, %iota3A : vector<16xi32>
        %and3A_245 = arith.andi %while3A_242, %eq3A_244 : vector<16xi1>
        tpu.vector_store_idx %arg9[%get3A_220], %broadcast_in_dim3A_7 masked %and3A_245 {add = true} : memref<20480xf32, #tpu.memory_space<vmem>>[vector<16xi32>], vector<16xf32>, vector<16xi1>
        %not3A_246 = arith.constant dense<true> : vector<16xi1>
        %not3A_247 = arith.xori %and3A_245, %not3A_246 : vector<16xi1>
        %and3A_248 = arith.andi %while3A_242, %not3A_247 : vector<16xi1>
        scf.yield %and3A_248 : vector<16xi1>
      }
      %mul3A_223 = arith.constant 16 : i32
      %mul3A_224 = arith.muli %scan3A_216, %mul3A_223 : i32
      %get3A_225 = arith.index_cast %mul3A_224 : i32 to index
      %get3A_226 = tpu.vector_load %arg8[%get3A_225] {strides = array<i32>} : memref<10000xi32, #tpu.memory_space<vmem>>, vector<16xi32>,
      %shift_left3A = arith.constant 14 : i32
      %shift_left3A_227 = vector.broadcast %shift_left3A : i32 to vector<16xi32>
      %shift_left3A_228 = arith.shli %get3A_226, %shift_left3A_227 : vector<16xi32>
      %or3A = arith.ori %get3A_220, %shift_left3A_228 : vector<16xi32>
      %mul3A_229 = arith.constant 16 : i32
      %mul3A_230 = arith.muli %scan3A_216, %mul3A_229 : i32
      %swap3A_231 = arith.index_cast %mul3A_230 : i32 to index
      %swap3A_232 = tpu.vector_load %arg11[%swap3A_231] {strides = array<i32>} : memref<10000xi32, #tpu.memory_space<vmem>>, vector<16xi32>,
      tpu.vector_store %arg11[%swap3A_231], %or3A {strides = array<i32>} : memref<10000xi32, #tpu.memory_space<vmem>>, vector<16xi32>,
      %add3A_233 = arith.constant 10240 : i32
      %add3A_234 = vector.broadcast %add3A_233 : i32 to vector<16xi32>
      %add3A_235 = arith.addi %get3A_226, %add3A_234 : vector<16xi32>
      tpu.vector_store_idx %arg10[%get3A_226], %iota3A : memref<10240xi32, #tpu.memory_space<vmem>>[vector<16xi32>], vector<16xi32>,
      %gather3A_236 = tpu.vector_load_idx %arg10[%get3A_226] : memref<10240xi32, #tpu.memory_space<vmem>>[vector<16xi32>], vector<16xi32>,
      %eq3A_237 = arith.cmpi eq, %gather3A_236, %iota3A : vector<16xi32>
      tpu.vector_store_idx %arg9[%add3A_235], %broadcast_in_dim3A_7 masked %eq3A_237 {add = true} : memref<20480xf32, #tpu.memory_space<vmem>>[vector<16xi32>], vector<16xf32>, vector<16xi1>
      %not3A_238 = arith.constant dense<true> : vector<16xi1>
      %not3A_239 = arith.xori %eq3A_237, %not3A_238 : vector<16xi1>
      %while3A_240 = scf.while (%while3A_242 = %not3A_239) : (vector<16xi1>) -> vector<16xi1> {
        %reduce_or3A = arith.constant 1.000000e+00 : f32
        %reduce_or3A_243 = arith.constant 0.000000e+00 : f32
        %reduce_or3A_244 = vector.broadcast %reduce_or3A : f32 to vector<16xf32>
        %reduce_or3A_245 = vector.broadcast %reduce_or3A_243 : f32 to vector<16xf32>
        %reduce_or3A_246 = arith.select %while3A_242, %reduce_or3A_244, %reduce_or3A_245 : vector<16xi1>, vector<16xf32>
        %reduce_or3A_247 = arith.constant true
        %reduce_or3A_248 = vector.broadcast %reduce_or3A_247 : i1 to vector<16xi1>
        %reduce_or3A_249 = tpu.scan <max>, %reduce_or3A_246 masked %reduce_or3A_248 : vector<16xf32>, vector<16xi1> -> vector<16xf32>
        %reduce_or3A_250 = vector.extract %reduce_or3A_249[15] : f32 from vector<16xf32>
        %reduce_or3A_251 = arith.constant 0.000000e+00 : f32
        %reduce_or3A_252 = arith.cmpf ogt, %reduce_or3A_250, %reduce_or3A_251 : f32
        scf.condition(%reduce_or3A_252) %while3A_242 : vector<16xi1>
      } do {
      ^bb0(%while3A_242: vector<16xi1>):
        tpu.vector_store_idx %arg10[%get3A_226], %iota3A masked %while3A_242 : memref<10240xi32, #tpu.memory_space<vmem>>[vector<16xi32>], vector<16xi32>, vector<16xi1>
        %gather3A_243 = tpu.vector_load_idx %arg10[%get3A_226] masked %while3A_242 : memref<10240xi32, #tpu.memory_space<vmem>>[vector<16xi32>], vector<16xi32>, vector<16xi1>
        %eq3A_244 = arith.cmpi eq, %gather3A_243, %iota3A : vector<16xi32>
        %and3A_245 = arith.andi %while3A_242, %eq3A_244 : vector<16xi1>
        tpu.vector_store_idx %arg9[%add3A_235], %broadcast_in_dim3A_7 masked %and3A_245 {add = true} : memref<20480xf32, #tpu.memory_space<vmem>>[vector<16xi32>], vector<16xf32>, vector<16xi1>
        %not3A_246 = arith.constant dense<true> : vector<16xi1>
        %not3A_247 = arith.xori %and3A_245, %not3A_246 : vector<16xi1>
        %and3A_248 = arith.andi %while3A_242, %not3A_247 : vector<16xi1>
        scf.yield %and3A_248 : vector<16xi1>
      }
      %scan3A_241 = arith.constant 0 : i32
      scf.yield %scan3A_241 : i32
    }
    %scan3A_13 = arith.constant 625 : i32
    %mul3A_14 = arith.constant 10240 : i32
    %mul3A_15 = arith.muli %add3A, %mul3A_14 : i32
    "tpu.region"() ({
      %run_scoped3A = tpu.sem_alloc : memref<!tpu.dma_semaphore, #tpu.memory_space<semaphore_mem>>
      %dma_start3A = arith.constant 0 : i32
      %dma_start3A_216 = tpu.memref_slice %arg9[%dma_start3A] : memref<20480xf32, #tpu.memory_space<vmem>> -> memref<10240xf32, #tpu.memory_space<vmem>>
      %dma_start3A_217 = tpu.memref_slice %arg4[%mul3A_15] : memref<655360xf32, #tpu.memory_space<hbm>> -> memref<10240xf32, #tpu.memory_space<hbm>>
      %dma_start3A_218 = tpu.memref_slice %arg4[%mul3A_15] : memref<655360xf32, #tpu.memory_space<hbm>> -> memref<10240xf32, #tpu.memory_space<hbm>>
      %dma_start3A_219 = arith.constant 0 : i32
      %dma_start3A_220 = tpu.memref_slice %arg9[%dma_start3A_219] : memref<20480xf32, #tpu.memory_space<vmem>> -> memref<10240xf32, #tpu.memory_space<vmem>>
      tpu.enqueue_dma source(%dma_start3A_220 : memref<10240xf32, #tpu.memory_space<vmem>>) target(%dma_start3A_218 : memref<10240xf32, #tpu.memory_space<hbm>>) target_semaphore(%run_scoped3A : memref<!tpu.dma_semaphore, #tpu.memory_space<semaphore_mem>>)
      %dma_wait3A = arith.constant 0 : i32
      %dma_wait3A_221 = tpu.memref_slice %arg9[%dma_wait3A] : memref<20480xf32, #tpu.memory_space<vmem>> -> memref<10240xf32, #tpu.memory_space<vmem>>
      %dma_wait3A_222 = tpu.memref_slice %arg4[%mul3A_15] : memref<655360xf32, #tpu.memory_space<hbm>> -> memref<10240xf32, #tpu.memory_space<hbm>>
      %dma_wait3A_223 = tpu.memref_slice %arg4[%mul3A_15] : memref<655360xf32, #tpu.memory_space<hbm>> -> memref<10240xf32, #tpu.memory_space<hbm>>
      %dma_wait3A_224 = arith.constant 0 : i32
      %dma_wait3A_225 = tpu.memref_slice %arg9[%dma_wait3A_224] : memref<20480xf32, #tpu.memory_space<vmem>> -> memref<10240xf32, #tpu.memory_space<vmem>>
      tpu.wait_dma2 semaphore(%run_scoped3A : memref<!tpu.dma_semaphore, #tpu.memory_space<semaphore_mem>>) src(%dma_wait3A_225 : memref<10240xf32, #tpu.memory_space<vmem>>) dst(%dma_wait3A_223 : memref<10240xf32, #tpu.memory_space<hbm>>)
      tpu.yield
    }) : () -> ()
    %mul3A_16 = arith.constant 10240 : i32
    %mul3A_17 = arith.muli %add3A, %mul3A_16 : i32
    %add3A_18 = arith.constant 327680 : i32
    %add3A_19 = arith.addi %add3A_18, %mul3A_17 : i32
    "tpu.region"() ({
      %run_scoped3A = tpu.sem_alloc : memref<!tpu.dma_semaphore, #tpu.memory_space<semaphore_mem>>
      %dma_start3A = arith.constant 10240 : i32
      %dma_start3A_216 = tpu.memref_slice %arg9[%dma_start3A] : memref<20480xf32, #tpu.memory_space<vmem>> -> memref<10240xf32, #tpu.memory_space<vmem>>
      %dma_start3A_217 = tpu.memref_slice %arg4[%add3A_19] : memref<655360xf32, #tpu.memory_space<hbm>> -> memref<10240xf32, #tpu.memory_space<hbm>>
      %dma_start3A_218 = tpu.memref_slice %arg4[%add3A_19] : memref<655360xf32, #tpu.memory_space<hbm>> -> memref<10240xf32, #tpu.memory_space<hbm>>
      %dma_start3A_219 = arith.constant 10240 : i32
      %dma_start3A_220 = tpu.memref_slice %arg9[%dma_start3A_219] : memref<20480xf32, #tpu.memory_space<vmem>> -> memref<10240xf32, #tpu.memory_space<vmem>>
      tpu.enqueue_dma source(%dma_start3A_220 : memref<10240xf32, #tpu.memory_space<vmem>>) target(%dma_start3A_218 : memref<10240xf32, #tpu.memory_space<hbm>>) target_semaphore(%run_scoped3A : memref<!tpu.dma_semaphore, #tpu.memory_space<semaphore_mem>>)
      %dma_wait3A = arith.constant 10240 : i32
      %dma_wait3A_221 = tpu.memref_slice %arg9[%dma_wait3A] : memref<20480xf32, #tpu.memory_space<vmem>> -> memref<10240xf32, #tpu.memory_space<vmem>>
      %dma_wait3A_222 = tpu.memref_slice %arg4[%add3A_19] : memref<655360xf32, #tpu.memory_space<hbm>> -> memref<10240xf32, #tpu.memory_space<hbm>>
      %dma_wait3A_223 = tpu.memref_slice %arg4[%add3A_19] : memref<655360xf32, #tpu.memory_space<hbm>> -> memref<10240xf32, #tpu.memory_space<hbm>>
      %dma_wait3A_224 = arith.constant 10240 : i32
      %dma_wait3A_225 = tpu.memref_slice %arg9[%dma_wait3A_224] : memref<20480xf32, #tpu.memory_space<vmem>> -> memref<10240xf32, #tpu.memory_space<vmem>>
      tpu.wait_dma2 semaphore(%run_scoped3A : memref<!tpu.dma_semaphore, #tpu.memory_space<semaphore_mem>>) src(%dma_wait3A_225 : memref<10240xf32, #tpu.memory_space<vmem>>) dst(%dma_wait3A_223 : memref<10240xf32, #tpu.memory_space<hbm>>)
      tpu.yield
    }) : () -> ()
    %broadcast_in_dim3A_20 = arith.constant 167520255 : i32
    %broadcast_in_dim3A_21 = vector.broadcast %broadcast_in_dim3A_20 : i32 to vector<16xi32>
    %scan3A_22 = arith.constant 0 : i32
    %scan3A_23 = arith.constant 0 : i32
    %scan3A_24 = arith.constant 642 : i32
    %scan3A_25 = arith.addi %scan3A_23, %scan3A_24 : i32
    %scan3A_26 = arith.constant 1 : i32
    %scan3A_27 = scf.for %scan3A_216 = %scan3A_23 to %scan3A_25 step %scan3A_26 iter_args(%scan3A_217 = %scan3A_22) -> (i32)  : i32 {
      %mul3A_218 = arith.constant 16 : i32
      %mul3A_219 = arith.muli %scan3A_216, %mul3A_218 : i32
      %swap3A_220 = arith.index_cast %mul3A_219 : i32 to index
      %swap3A_221 = tpu.vector_load %arg12[%swap3A_220] {strides = array<i32>} : memref<10272xi32, #tpu.memory_space<vmem>>, vector<16xi32>,
      tpu.vector_store %arg12[%swap3A_220], %broadcast_in_dim3A_21 {strides = array<i32>} : memref<10272xi32, #tpu.memory_space<vmem>>, vector<16xi32>,
      %scan3A_222 = arith.constant 0 : i32
      scf.yield %scan3A_222 : i32
    }
    %scan3A_28 = arith.constant 642 : i32
    %broadcast_in_dim3A_29 = arith.constant 0 : i32
    %broadcast_in_dim3A_30 = vector.broadcast %broadcast_in_dim3A_29 : i32 to vector<16xi32>
    %scan3A_31 = arith.constant 0 : i32
    %scan3A_32 = arith.constant 625 : i32
    %scan3A_33 = arith.addi %scan3A_31, %scan3A_32 : i32
    %scan3A_34 = arith.constant 1 : i32
    %scan3A_35 = scf.for %scan3A_216 = %scan3A_31 to %scan3A_33 step %scan3A_34 iter_args(%scan3A_217 = %broadcast_in_dim3A_30) -> (vector<16xi32>)  : i32 {
      %mul3A_218 = arith.constant 16 : i32
      %mul3A_219 = arith.muli %scan3A_216, %mul3A_218 : i32
      %get3A = arith.index_cast %mul3A_219 : i32 to index
      %get3A_220 = tpu.vector_load %arg11[%get3A] {strides = array<i32>} : memref<10000xi32, #tpu.memory_space<vmem>>, vector<16xi32>,
      %shift_right_logical3A = arith.constant 14 : i32
      %shift_right_logical3A_221 = vector.broadcast %shift_right_logical3A : i32 to vector<16xi32>
      %shift_right_logical3A_222 = arith.shrui %get3A_220, %shift_right_logical3A_221 : vector<16xi32>
      %and3A_223 = arith.constant 15 : i32
      %and3A_224 = vector.broadcast %and3A_223 : i32 to vector<16xi32>
      %and3A_225 = arith.andi %shift_right_logical3A_222, %and3A_224 : vector<16xi32>
      %eq3A_226 = arith.constant 0 : i32
      %eq3A_227 = vector.broadcast %eq3A_226 : i32 to vector<16xi32>
      %eq3A_228 = arith.cmpi eq, %and3A_225, %eq3A_227 : vector<16xi32>
      %all_reduce_population_count3A = tpu.all_reduce %eq3A_228 {dim = 0 : i64, kind = #tpu.reduction_kind<sum>} : vector<16xi1> -> vector<16xi32>
      %eq3A_229 = arith.constant 0 : i32
      %eq3A_230 = vector.broadcast %eq3A_229 : i32 to vector<16xi32>
      %eq3A_231 = arith.cmpi eq, %iota3A, %eq3A_230 : vector<16xi32>
      %jit3A_232 = arith.constant 0 : i32
      %broadcast_in_dim3A_233 = vector.broadcast %jit3A_232 : i32 to vector<16xi32>
      %select_n3A_234 = arith.select %eq3A_231, %all_reduce_population_count3A, %broadcast_in_dim3A_233 : vector<16xi1>, vector<16xi32>
      %add3A_235 = arith.addi %scan3A_217, %select_n3A_234 : vector<16xi32>
      %eq3A_236 = arith.constant 1 : i32
      %eq3A_237 = vector.broadcast %eq3A_236 : i32 to vector<16xi32>
      %eq3A_238 = arith.cmpi eq, %and3A_225, %eq3A_237 : vector<16xi32>
      %all_reduce_population_count3A_239 = tpu.all_reduce %eq3A_238 {dim = 0 : i64, kind = #tpu.reduction_kind<sum>} : vector<16xi1> -> vector<16xi32>
      %eq3A_240 = arith.constant 1 : i32
      %eq3A_241 = vector.broadcast %eq3A_240 : i32 to vector<16xi32>
      %eq3A_242 = arith.cmpi eq, %iota3A, %eq3A_241 : vector<16xi32>
      %jit3A_243 = arith.constant 0 : i32
      %broadcast_in_dim3A_244 = vector.broadcast %jit3A_243 : i32 to vector<16xi32>
      %select_n3A_245 = arith.select %eq3A_242, %all_reduce_population_count3A_239, %broadcast_in_dim3A_244 : vector<16xi1>, vector<16xi32>
      %add3A_246 = arith.addi %add3A_235, %select_n3A_245 : vector<16xi32>
      %eq3A_247 = arith.constant 2 : i32
      %eq3A_248 = vector.broadcast %eq3A_247 : i32 to vector<16xi32>
      %eq3A_249 = arith.cmpi eq, %and3A_225, %eq3A_248 : vector<16xi32>
      %all_reduce_population_count3A_250 = tpu.all_reduce %eq3A_249 {dim = 0 : i64, kind = #tpu.reduction_kind<sum>} : vector<16xi1> -> vector<16xi32>
      %eq3A_251 = arith.constant 2 : i32
      %eq3A_252 = vector.broadcast %eq3A_251 : i32 to vector<16xi32>
      %eq3A_253 = arith.cmpi eq, %iota3A, %eq3A_252 : vector<16xi32>
      %jit3A_254 = arith.constant 0 : i32
      %broadcast_in_dim3A_255 = vector.broadcast %jit3A_254 : i32 to vector<16xi32>
      %select_n3A_256 = arith.select %eq3A_253, %all_reduce_population_count3A_250, %broadcast_in_dim3A_255 : vector<16xi1>, vector<16xi32>
      %add3A_257 = arith.addi %add3A_246, %select_n3A_256 : vector<16xi32>
      %eq3A_258 = arith.constant 3 : i32
      %eq3A_259 = vector.broadcast %eq3A_258 : i32 to vector<16xi32>
      %eq3A_260 = arith.cmpi eq, %and3A_225, %eq3A_259 : vector<16xi32>
      %all_reduce_population_count3A_261 = tpu.all_reduce %eq3A_260 {dim = 0 : i64, kind = #tpu.reduction_kind<sum>} : vector<16xi1> -> vector<16xi32>
      %eq3A_262 = arith.constant 3 : i32
      %eq3A_263 = vector.broadcast %eq3A_262 : i32 to vector<16xi32>
      %eq3A_264 = arith.cmpi eq, %iota3A, %eq3A_263 : vector<16xi32>
      %jit3A_265 = arith.constant 0 : i32
      %broadcast_in_dim3A_266 = vector.broadcast %jit3A_265 : i32 to vector<16xi32>
      %select_n3A_267 = arith.select %eq3A_264, %all_reduce_population_count3A_261, %broadcast_in_dim3A_266 : vector<16xi1>, vector<16xi32>
      %add3A_268 = arith.addi %add3A_257, %select_n3A_267 : vector<16xi32>
      %eq3A_269 = arith.constant 4 : i32
      %eq3A_270 = vector.broadcast %eq3A_269 : i32 to vector<16xi32>
      %eq3A_271 = arith.cmpi eq, %and3A_225, %eq3A_270 : vector<16xi32>
      %all_reduce_population_count3A_272 = tpu.all_reduce %eq3A_271 {dim = 0 : i64, kind = #tpu.reduction_kind<sum>} : vector<16xi1> -> vector<16xi32>
      %eq3A_273 = arith.constant 4 : i32
      %eq3A_274 = vector.broadcast %eq3A_273 : i32 to vector<16xi32>
      %eq3A_275 = arith.cmpi eq, %iota3A, %eq3A_274 : vector<16xi32>
      %jit3A_276 = arith.constant 0 : i32
      %broadcast_in_dim3A_277 = vector.broadcast %jit3A_276 : i32 to vector<16xi32>
      %select_n3A_278 = arith.select %eq3A_275, %all_reduce_population_count3A_272, %broadcast_in_dim3A_277 : vector<16xi1>, vector<16xi32>
      %add3A_279 = arith.addi %add3A_268, %select_n3A_278 : vector<16xi32>
      %eq3A_280 = arith.constant 5 : i32
      %eq3A_281 = vector.broadcast %eq3A_280 : i32 to vector<16xi32>
      %eq3A_282 = arith.cmpi eq, %and3A_225, %eq3A_281 : vector<16xi32>
      %all_reduce_population_count3A_283 = tpu.all_reduce %eq3A_282 {dim = 0 : i64, kind = #tpu.reduction_kind<sum>} : vector<16xi1> -> vector<16xi32>
      %eq3A_284 = arith.constant 5 : i32
      %eq3A_285 = vector.broadcast %eq3A_284 : i32 to vector<16xi32>
      %eq3A_286 = arith.cmpi eq, %iota3A, %eq3A_285 : vector<16xi32>
      %jit3A_287 = arith.constant 0 : i32
      %broadcast_in_dim3A_288 = vector.broadcast %jit3A_287 : i32 to vector<16xi32>
      %select_n3A_289 = arith.select %eq3A_286, %all_reduce_population_count3A_283, %broadcast_in_dim3A_288 : vector<16xi1>, vector<16xi32>
      %add3A_290 = arith.addi %add3A_279, %select_n3A_289 : vector<16xi32>
      %eq3A_291 = arith.constant 6 : i32
      %eq3A_292 = vector.broadcast %eq3A_291 : i32 to vector<16xi32>
      %eq3A_293 = arith.cmpi eq, %and3A_225, %eq3A_292 : vector<16xi32>
      %all_reduce_population_count3A_294 = tpu.all_reduce %eq3A_293 {dim = 0 : i64, kind = #tpu.reduction_kind<sum>} : vector<16xi1> -> vector<16xi32>
      %eq3A_295 = arith.constant 6 : i32
      %eq3A_296 = vector.broadcast %eq3A_295 : i32 to vector<16xi32>
      %eq3A_297 = arith.cmpi eq, %iota3A, %eq3A_296 : vector<16xi32>
      %jit3A_298 = arith.constant 0 : i32
      %broadcast_in_dim3A_299 = vector.broadcast %jit3A_298 : i32 to vector<16xi32>
      %select_n3A_300 = arith.select %eq3A_297, %all_reduce_population_count3A_294, %broadcast_in_dim3A_299 : vector<16xi1>, vector<16xi32>
      %add3A_301 = arith.addi %add3A_290, %select_n3A_300 : vector<16xi32>
      %eq3A_302 = arith.constant 7 : i32
      %eq3A_303 = vector.broadcast %eq3A_302 : i32 to vector<16xi32>
      %eq3A_304 = arith.cmpi eq, %and3A_225, %eq3A_303 : vector<16xi32>
      %all_reduce_population_count3A_305 = tpu.all_reduce %eq3A_304 {dim = 0 : i64, kind = #tpu.reduction_kind<sum>} : vector<16xi1> -> vector<16xi32>
      %eq3A_306 = arith.constant 7 : i32
      %eq3A_307 = vector.broadcast %eq3A_306 : i32 to vector<16xi32>
      %eq3A_308 = arith.cmpi eq, %iota3A, %eq3A_307 : vector<16xi32>
      %jit3A_309 = arith.constant 0 : i32
      %broadcast_in_dim3A_310 = vector.broadcast %jit3A_309 : i32 to vector<16xi32>
      %select_n3A_311 = arith.select %eq3A_308, %all_reduce_population_count3A_305, %broadcast_in_dim3A_310 : vector<16xi1>, vector<16xi32>
      %add3A_312 = arith.addi %add3A_301, %select_n3A_311 : vector<16xi32>
      %eq3A_313 = arith.constant 8 : i32
      %eq3A_314 = vector.broadcast %eq3A_313 : i32 to vector<16xi32>
      %eq3A_315 = arith.cmpi eq, %and3A_225, %eq3A_314 : vector<16xi32>
      %all_reduce_population_count3A_316 = tpu.all_reduce %eq3A_315 {dim = 0 : i64, kind = #tpu.reduction_kind<sum>} : vector<16xi1> -> vector<16xi32>
      %eq3A_317 = arith.constant 8 : i32
      %eq3A_318 = vector.broadcast %eq3A_317 : i32 to vector<16xi32>
      %eq3A_319 = arith.cmpi eq, %iota3A, %eq3A_318 : vector<16xi32>
      %jit3A_320 = arith.constant 0 : i32
      %broadcast_in_dim3A_321 = vector.broadcast %jit3A_320 : i32 to vector<16xi32>
      %select_n3A_322 = arith.select %eq3A_319, %all_reduce_population_count3A_316, %broadcast_in_dim3A_321 : vector<16xi1>, vector<16xi32>
      %add3A_323 = arith.addi %add3A_312, %select_n3A_322 : vector<16xi32>
      %eq3A_324 = arith.constant 9 : i32
      %eq3A_325 = vector.broadcast %eq3A_324 : i32 to vector<16xi32>
      %eq3A_326 = arith.cmpi eq, %and3A_225, %eq3A_325 : vector<16xi32>
      %all_reduce_population_count3A_327 = tpu.all_reduce %eq3A_326 {dim = 0 : i64, kind = #tpu.reduction_kind<sum>} : vector<16xi1> -> vector<16xi32>
      %eq3A_328 = arith.constant 9 : i32
      %eq3A_329 = vector.broadcast %eq3A_328 : i32 to vector<16xi32>
      %eq3A_330 = arith.cmpi eq, %iota3A, %eq3A_329 : vector<16xi32>
      %jit3A_331 = arith.constant 0 : i32
      %broadcast_in_dim3A_332 = vector.broadcast %jit3A_331 : i32 to vector<16xi32>
      %select_n3A_333 = arith.select %eq3A_330, %all_reduce_population_count3A_327, %broadcast_in_dim3A_332 : vector<16xi1>, vector<16xi32>
      %add3A_334 = arith.addi %add3A_323, %select_n3A_333 : vector<16xi32>
      %eq3A_335 = arith.constant 10 : i32
      %eq3A_336 = vector.broadcast %eq3A_335 : i32 to vector<16xi32>
      %eq3A_337 = arith.cmpi eq, %and3A_225, %eq3A_336 : vector<16xi32>
      %all_reduce_population_count3A_338 = tpu.all_reduce %eq3A_337 {dim = 0 : i64, kind = #tpu.reduction_kind<sum>} : vector<16xi1> -> vector<16xi32>
      %eq3A_339 = arith.constant 10 : i32
      %eq3A_340 = vector.broadcast %eq3A_339 : i32 to vector<16xi32>
      %eq3A_341 = arith.cmpi eq, %iota3A, %eq3A_340 : vector<16xi32>
      %jit3A_342 = arith.constant 0 : i32
      %broadcast_in_dim3A_343 = vector.broadcast %jit3A_342 : i32 to vector<16xi32>
      %select_n3A_344 = arith.select %eq3A_341, %all_reduce_population_count3A_338, %broadcast_in_dim3A_343 : vector<16xi1>, vector<16xi32>
      %add3A_345 = arith.addi %add3A_334, %select_n3A_344 : vector<16xi32>
      %eq3A_346 = arith.constant 11 : i32
      %eq3A_347 = vector.broadcast %eq3A_346 : i32 to vector<16xi32>
      %eq3A_348 = arith.cmpi eq, %and3A_225, %eq3A_347 : vector<16xi32>
      %all_reduce_population_count3A_349 = tpu.all_reduce %eq3A_348 {dim = 0 : i64, kind = #tpu.reduction_kind<sum>} : vector<16xi1> -> vector<16xi32>
      %eq3A_350 = arith.constant 11 : i32
      %eq3A_351 = vector.broadcast %eq3A_350 : i32 to vector<16xi32>
      %eq3A_352 = arith.cmpi eq, %iota3A, %eq3A_351 : vector<16xi32>
      %jit3A_353 = arith.constant 0 : i32
      %broadcast_in_dim3A_354 = vector.broadcast %jit3A_353 : i32 to vector<16xi32>
      %select_n3A_355 = arith.select %eq3A_352, %all_reduce_population_count3A_349, %broadcast_in_dim3A_354 : vector<16xi1>, vector<16xi32>
      %add3A_356 = arith.addi %add3A_345, %select_n3A_355 : vector<16xi32>
      %eq3A_357 = arith.constant 12 : i32
      %eq3A_358 = vector.broadcast %eq3A_357 : i32 to vector<16xi32>
      %eq3A_359 = arith.cmpi eq, %and3A_225, %eq3A_358 : vector<16xi32>
      %all_reduce_population_count3A_360 = tpu.all_reduce %eq3A_359 {dim = 0 : i64, kind = #tpu.reduction_kind<sum>} : vector<16xi1> -> vector<16xi32>
      %eq3A_361 = arith.constant 12 : i32
      %eq3A_362 = vector.broadcast %eq3A_361 : i32 to vector<16xi32>
      %eq3A_363 = arith.cmpi eq, %iota3A, %eq3A_362 : vector<16xi32>
      %jit3A_364 = arith.constant 0 : i32
      %broadcast_in_dim3A_365 = vector.broadcast %jit3A_364 : i32 to vector<16xi32>
      %select_n3A_366 = arith.select %eq3A_363, %all_reduce_population_count3A_360, %broadcast_in_dim3A_365 : vector<16xi1>, vector<16xi32>
      %add3A_367 = arith.addi %add3A_356, %select_n3A_366 : vector<16xi32>
      %eq3A_368 = arith.constant 13 : i32
      %eq3A_369 = vector.broadcast %eq3A_368 : i32 to vector<16xi32>
      %eq3A_370 = arith.cmpi eq, %and3A_225, %eq3A_369 : vector<16xi32>
      %all_reduce_population_count3A_371 = tpu.all_reduce %eq3A_370 {dim = 0 : i64, kind = #tpu.reduction_kind<sum>} : vector<16xi1> -> vector<16xi32>
      %eq3A_372 = arith.constant 13 : i32
      %eq3A_373 = vector.broadcast %eq3A_372 : i32 to vector<16xi32>
      %eq3A_374 = arith.cmpi eq, %iota3A, %eq3A_373 : vector<16xi32>
      %jit3A_375 = arith.constant 0 : i32
      %broadcast_in_dim3A_376 = vector.broadcast %jit3A_375 : i32 to vector<16xi32>
      %select_n3A_377 = arith.select %eq3A_374, %all_reduce_population_count3A_371, %broadcast_in_dim3A_376 : vector<16xi1>, vector<16xi32>
      %add3A_378 = arith.addi %add3A_367, %select_n3A_377 : vector<16xi32>
      %eq3A_379 = arith.constant 14 : i32
      %eq3A_380 = vector.broadcast %eq3A_379 : i32 to vector<16xi32>
      %eq3A_381 = arith.cmpi eq, %and3A_225, %eq3A_380 : vector<16xi32>
      %all_reduce_population_count3A_382 = tpu.all_reduce %eq3A_381 {dim = 0 : i64, kind = #tpu.reduction_kind<sum>} : vector<16xi1> -> vector<16xi32>
      %eq3A_383 = arith.constant 14 : i32
      %eq3A_384 = vector.broadcast %eq3A_383 : i32 to vector<16xi32>
      %eq3A_385 = arith.cmpi eq, %iota3A, %eq3A_384 : vector<16xi32>
      %jit3A_386 = arith.constant 0 : i32
      %broadcast_in_dim3A_387 = vector.broadcast %jit3A_386 : i32 to vector<16xi32>
      %select_n3A_388 = arith.select %eq3A_385, %all_reduce_population_count3A_382, %broadcast_in_dim3A_387 : vector<16xi1>, vector<16xi32>
      %add3A_389 = arith.addi %add3A_378, %select_n3A_388 : vector<16xi32>
      %eq3A_390 = arith.constant 15 : i32
      %eq3A_391 = vector.broadcast %eq3A_390 : i32 to vector<16xi32>
      %eq3A_392 = arith.cmpi eq, %and3A_225, %eq3A_391 : vector<16xi32>
      %all_reduce_population_count3A_393 = tpu.all_reduce %eq3A_392 {dim = 0 : i64, kind = #tpu.reduction_kind<sum>} : vector<16xi1> -> vector<16xi32>
      %eq3A_394 = arith.constant 15 : i32
      %eq3A_395 = vector.broadcast %eq3A_394 : i32 to vector<16xi32>
      %eq3A_396 = arith.cmpi eq, %iota3A, %eq3A_395 : vector<16xi32>
      %jit3A_397 = arith.constant 0 : i32
      %broadcast_in_dim3A_398 = vector.broadcast %jit3A_397 : i32 to vector<16xi32>
      %select_n3A_399 = arith.select %eq3A_396, %all_reduce_population_count3A_393, %broadcast_in_dim3A_398 : vector<16xi1>, vector<16xi32>
      %add3A_400 = arith.addi %add3A_389, %select_n3A_399 : vector<16xi32>
      scf.yield %add3A_400 : vector<16xi32>
    }
    %scan3A_36 = arith.constant 625 : i32
    %add3A_37 = arith.constant 15 : i32
    %add3A_38 = vector.broadcast %add3A_37 : i32 to vector<16xi32>
    %add3A_39 = arith.addi %scan3A_35, %add3A_38 : vector<16xi32>
    %and3A = arith.constant -16 : i32
    %and3A_40 = vector.broadcast %and3A : i32 to vector<16xi32>
    %and3A_41 = arith.andi %add3A_39, %and3A_40 : vector<16xi32>
    %broadcast_in_dim3A_42 = arith.constant true
    %broadcast_in_dim3A_43 = vector.broadcast %broadcast_in_dim3A_42 : i1 to vector<16xi1>
    %masked_cumsum3A = tpu.scan <sum>, %and3A_41 masked %broadcast_in_dim3A_43 : vector<16xi32>, vector<16xi1> -> vector<16xi32>
    %sub3A = arith.subi %masked_cumsum3A, %and3A_41 : vector<16xi32>
    %add3A_44 = arith.addi %sub3A, %iota3A : vector<16xi32>
    %eq3A = arith.constant 0 : i32
    %eq3A_45 = vector.broadcast %eq3A : i32 to vector<16xi32>
    %eq3A_46 = arith.cmpi eq, %iota3A, %eq3A_45 : vector<16xi32>
    %jit3A = arith.constant 0 : i32
    %broadcast_in_dim3A_47 = vector.broadcast %jit3A : i32 to vector<16xi32>
    %select_n3A = arith.select %eq3A_46, %add3A_44, %broadcast_in_dim3A_47 : vector<16xi1>, vector<16xi32>
    %reduce_sum3A = arith.constant true
    %reduce_sum3A_48 = vector.broadcast %reduce_sum3A : i1 to vector<16xi1>
    %reduce_sum3A_49 = tpu.scan <sum>, %select_n3A masked %reduce_sum3A_48 : vector<16xi32>, vector<16xi1> -> vector<16xi32>
    %reduce_sum3A_50 = vector.extract %reduce_sum3A_49[15] : i32 from vector<16xi32>
    %eq3A_51 = arith.constant 1 : i32
    %eq3A_52 = vector.broadcast %eq3A_51 : i32 to vector<16xi32>
    %eq3A_53 = arith.cmpi eq, %iota3A, %eq3A_52 : vector<16xi32>
    %jit3A_54 = arith.constant 0 : i32
    %broadcast_in_dim3A_55 = vector.broadcast %jit3A_54 : i32 to vector<16xi32>
    %select_n3A_56 = arith.select %eq3A_53, %add3A_44, %broadcast_in_dim3A_55 : vector<16xi1>, vector<16xi32>
    %reduce_sum3A_57 = arith.constant true
    %reduce_sum3A_58 = vector.broadcast %reduce_sum3A_57 : i1 to vector<16xi1>
    %reduce_sum3A_59 = tpu.scan <sum>, %select_n3A_56 masked %reduce_sum3A_58 : vector<16xi32>, vector<16xi1> -> vector<16xi32>
    %reduce_sum3A_60 = vector.extract %reduce_sum3A_59[15] : i32 from vector<16xi32>
    %eq3A_61 = arith.constant 2 : i32
    %eq3A_62 = vector.broadcast %eq3A_61 : i32 to vector<16xi32>
    %eq3A_63 = arith.cmpi eq, %iota3A, %eq3A_62 : vector<16xi32>
    %jit3A_64 = arith.constant 0 : i32
    %broadcast_in_dim3A_65 = vector.broadcast %jit3A_64 : i32 to vector<16xi32>
    %select_n3A_66 = arith.select %eq3A_63, %add3A_44, %broadcast_in_dim3A_65 : vector<16xi1>, vector<16xi32>
    %reduce_sum3A_67 = arith.constant true
    %reduce_sum3A_68 = vector.broadcast %reduce_sum3A_67 : i1 to vector<16xi1>
    %reduce_sum3A_69 = tpu.scan <sum>, %select_n3A_66 masked %reduce_sum3A_68 : vector<16xi32>, vector<16xi1> -> vector<16xi32>
    %reduce_sum3A_70 = vector.extract %reduce_sum3A_69[15] : i32 from vector<16xi32>
    %eq3A_71 = arith.constant 3 : i32
    %eq3A_72 = vector.broadcast %eq3A_71 : i32 to vector<16xi32>
    %eq3A_73 = arith.cmpi eq, %iota3A, %eq3A_72 : vector<16xi32>
    %jit3A_74 = arith.constant 0 : i32
    %broadcast_in_dim3A_75 = vector.broadcast %jit3A_74 : i32 to vector<16xi32>
    %select_n3A_76 = arith.select %eq3A_73, %add3A_44, %broadcast_in_dim3A_75 : vector<16xi1>, vector<16xi32>
    %reduce_sum3A_77 = arith.constant true
    %reduce_sum3A_78 = vector.broadcast %reduce_sum3A_77 : i1 to vector<16xi1>
    %reduce_sum3A_79 = tpu.scan <sum>, %select_n3A_76 masked %reduce_sum3A_78 : vector<16xi32>, vector<16xi1> -> vector<16xi32>
    %reduce_sum3A_80 = vector.extract %reduce_sum3A_79[15] : i32 from vector<16xi32>
    %eq3A_81 = arith.constant 4 : i32
    %eq3A_82 = vector.broadcast %eq3A_81 : i32 to vector<16xi32>
    %eq3A_83 = arith.cmpi eq, %iota3A, %eq3A_82 : vector<16xi32>
    %jit3A_84 = arith.constant 0 : i32
    %broadcast_in_dim3A_85 = vector.broadcast %jit3A_84 : i32 to vector<16xi32>
    %select_n3A_86 = arith.select %eq3A_83, %add3A_44, %broadcast_in_dim3A_85 : vector<16xi1>, vector<16xi32>
    %reduce_sum3A_87 = arith.constant true
    %reduce_sum3A_88 = vector.broadcast %reduce_sum3A_87 : i1 to vector<16xi1>
    %reduce_sum3A_89 = tpu.scan <sum>, %select_n3A_86 masked %reduce_sum3A_88 : vector<16xi32>, vector<16xi1> -> vector<16xi32>
    %reduce_sum3A_90 = vector.extract %reduce_sum3A_89[15] : i32 from vector<16xi32>
    %eq3A_91 = arith.constant 5 : i32
    %eq3A_92 = vector.broadcast %eq3A_91 : i32 to vector<16xi32>
    %eq3A_93 = arith.cmpi eq, %iota3A, %eq3A_92 : vector<16xi32>
    %jit3A_94 = arith.constant 0 : i32
    %broadcast_in_dim3A_95 = vector.broadcast %jit3A_94 : i32 to vector<16xi32>
    %select_n3A_96 = arith.select %eq3A_93, %add3A_44, %broadcast_in_dim3A_95 : vector<16xi1>, vector<16xi32>
    %reduce_sum3A_97 = arith.constant true
    %reduce_sum3A_98 = vector.broadcast %reduce_sum3A_97 : i1 to vector<16xi1>
    %reduce_sum3A_99 = tpu.scan <sum>, %select_n3A_96 masked %reduce_sum3A_98 : vector<16xi32>, vector<16xi1> -> vector<16xi32>
    %reduce_sum3A_100 = vector.extract %reduce_sum3A_99[15] : i32 from vector<16xi32>
    %eq3A_101 = arith.constant 6 : i32
    %eq3A_102 = vector.broadcast %eq3A_101 : i32 to vector<16xi32>
    %eq3A_103 = arith.cmpi eq, %iota3A, %eq3A_102 : vector<16xi32>
    %jit3A_104 = arith.constant 0 : i32
    %broadcast_in_dim3A_105 = vector.broadcast %jit3A_104 : i32 to vector<16xi32>
    %select_n3A_106 = arith.select %eq3A_103, %add3A_44, %broadcast_in_dim3A_105 : vector<16xi1>, vector<16xi32>
    %reduce_sum3A_107 = arith.constant true
    %reduce_sum3A_108 = vector.broadcast %reduce_sum3A_107 : i1 to vector<16xi1>
    %reduce_sum3A_109 = tpu.scan <sum>, %select_n3A_106 masked %reduce_sum3A_108 : vector<16xi32>, vector<16xi1> -> vector<16xi32>
    %reduce_sum3A_110 = vector.extract %reduce_sum3A_109[15] : i32 from vector<16xi32>
    %eq3A_111 = arith.constant 7 : i32
    %eq3A_112 = vector.broadcast %eq3A_111 : i32 to vector<16xi32>
    %eq3A_113 = arith.cmpi eq, %iota3A, %eq3A_112 : vector<16xi32>
    %jit3A_114 = arith.constant 0 : i32
    %broadcast_in_dim3A_115 = vector.broadcast %jit3A_114 : i32 to vector<16xi32>
    %select_n3A_116 = arith.select %eq3A_113, %add3A_44, %broadcast_in_dim3A_115 : vector<16xi1>, vector<16xi32>
    %reduce_sum3A_117 = arith.constant true
    %reduce_sum3A_118 = vector.broadcast %reduce_sum3A_117 : i1 to vector<16xi1>
    %reduce_sum3A_119 = tpu.scan <sum>, %select_n3A_116 masked %reduce_sum3A_118 : vector<16xi32>, vector<16xi1> -> vector<16xi32>
    %reduce_sum3A_120 = vector.extract %reduce_sum3A_119[15] : i32 from vector<16xi32>
    %eq3A_121 = arith.constant 8 : i32
    %eq3A_122 = vector.broadcast %eq3A_121 : i32 to vector<16xi32>
    %eq3A_123 = arith.cmpi eq, %iota3A, %eq3A_122 : vector<16xi32>
    %jit3A_124 = arith.constant 0 : i32
    %broadcast_in_dim3A_125 = vector.broadcast %jit3A_124 : i32 to vector<16xi32>
    %select_n3A_126 = arith.select %eq3A_123, %add3A_44, %broadcast_in_dim3A_125 : vector<16xi1>, vector<16xi32>
    %reduce_sum3A_127 = arith.constant true
    %reduce_sum3A_128 = vector.broadcast %reduce_sum3A_127 : i1 to vector<16xi1>
    %reduce_sum3A_129 = tpu.scan <sum>, %select_n3A_126 masked %reduce_sum3A_128 : vector<16xi32>, vector<16xi1> -> vector<16xi32>
    %reduce_sum3A_130 = vector.extract %reduce_sum3A_129[15] : i32 from vector<16xi32>
    %eq3A_131 = arith.constant 9 : i32
    %eq3A_132 = vector.broadcast %eq3A_131 : i32 to vector<16xi32>
    %eq3A_133 = arith.cmpi eq, %iota3A, %eq3A_132 : vector<16xi32>
    %jit3A_134 = arith.constant 0 : i32
    %broadcast_in_dim3A_135 = vector.broadcast %jit3A_134 : i32 to vector<16xi32>
    %select_n3A_136 = arith.select %eq3A_133, %add3A_44, %broadcast_in_dim3A_135 : vector<16xi1>, vector<16xi32>
    %reduce_sum3A_137 = arith.constant true
    %reduce_sum3A_138 = vector.broadcast %reduce_sum3A_137 : i1 to vector<16xi1>
    %reduce_sum3A_139 = tpu.scan <sum>, %select_n3A_136 masked %reduce_sum3A_138 : vector<16xi32>, vector<16xi1> -> vector<16xi32>
    %reduce_sum3A_140 = vector.extract %reduce_sum3A_139[15] : i32 from vector<16xi32>
    %eq3A_141 = arith.constant 10 : i32
    %eq3A_142 = vector.broadcast %eq3A_141 : i32 to vector<16xi32>
    %eq3A_143 = arith.cmpi eq, %iota3A, %eq3A_142 : vector<16xi32>
    %jit3A_144 = arith.constant 0 : i32
    %broadcast_in_dim3A_145 = vector.broadcast %jit3A_144 : i32 to vector<16xi32>
    %select_n3A_146 = arith.select %eq3A_143, %add3A_44, %broadcast_in_dim3A_145 : vector<16xi1>, vector<16xi32>
    %reduce_sum3A_147 = arith.constant true
    %reduce_sum3A_148 = vector.broadcast %reduce_sum3A_147 : i1 to vector<16xi1>
    %reduce_sum3A_149 = tpu.scan <sum>, %select_n3A_146 masked %reduce_sum3A_148 : vector<16xi32>, vector<16xi1> -> vector<16xi32>
    %reduce_sum3A_150 = vector.extract %reduce_sum3A_149[15] : i32 from vector<16xi32>
    %eq3A_151 = arith.constant 11 : i32
    %eq3A_152 = vector.broadcast %eq3A_151 : i32 to vector<16xi32>
    %eq3A_153 = arith.cmpi eq, %iota3A, %eq3A_152 : vector<16xi32>
    %jit3A_154 = arith.constant 0 : i32
    %broadcast_in_dim3A_155 = vector.broadcast %jit3A_154 : i32 to vector<16xi32>
    %select_n3A_156 = arith.select %eq3A_153, %add3A_44, %broadcast_in_dim3A_155 : vector<16xi1>, vector<16xi32>
    %reduce_sum3A_157 = arith.constant true
    %reduce_sum3A_158 = vector.broadcast %reduce_sum3A_157 : i1 to vector<16xi1>
    %reduce_sum3A_159 = tpu.scan <sum>, %select_n3A_156 masked %reduce_sum3A_158 : vector<16xi32>, vector<16xi1> -> vector<16xi32>
    %reduce_sum3A_160 = vector.extract %reduce_sum3A_159[15] : i32 from vector<16xi32>
    %eq3A_161 = arith.constant 12 : i32
    %eq3A_162 = vector.broadcast %eq3A_161 : i32 to vector<16xi32>
    %eq3A_163 = arith.cmpi eq, %iota3A, %eq3A_162 : vector<16xi32>
    %jit3A_164 = arith.constant 0 : i32
    %broadcast_in_dim3A_165 = vector.broadcast %jit3A_164 : i32 to vector<16xi32>
    %select_n3A_166 = arith.select %eq3A_163, %add3A_44, %broadcast_in_dim3A_165 : vector<16xi1>, vector<16xi32>
    %reduce_sum3A_167 = arith.constant true
    %reduce_sum3A_168 = vector.broadcast %reduce_sum3A_167 : i1 to vector<16xi1>
    %reduce_sum3A_169 = tpu.scan <sum>, %select_n3A_166 masked %reduce_sum3A_168 : vector<16xi32>, vector<16xi1> -> vector<16xi32>
    %reduce_sum3A_170 = vector.extract %reduce_sum3A_169[15] : i32 from vector<16xi32>
    %eq3A_171 = arith.constant 13 : i32
    %eq3A_172 = vector.broadcast %eq3A_171 : i32 to vector<16xi32>
    %eq3A_173 = arith.cmpi eq, %iota3A, %eq3A_172 : vector<16xi32>
    %jit3A_174 = arith.constant 0 : i32
    %broadcast_in_dim3A_175 = vector.broadcast %jit3A_174 : i32 to vector<16xi32>
    %select_n3A_176 = arith.select %eq3A_173, %add3A_44, %broadcast_in_dim3A_175 : vector<16xi1>, vector<16xi32>
    %reduce_sum3A_177 = arith.constant true
    %reduce_sum3A_178 = vector.broadcast %reduce_sum3A_177 : i1 to vector<16xi1>
    %reduce_sum3A_179 = tpu.scan <sum>, %select_n3A_176 masked %reduce_sum3A_178 : vector<16xi32>, vector<16xi1> -> vector<16xi32>
    %reduce_sum3A_180 = vector.extract %reduce_sum3A_179[15] : i32 from vector<16xi32>
    %eq3A_181 = arith.constant 14 : i32
    %eq3A_182 = vector.broadcast %eq3A_181 : i32 to vector<16xi32>
    %eq3A_183 = arith.cmpi eq, %iota3A, %eq3A_182 : vector<16xi32>
    %jit3A_184 = arith.constant 0 : i32
    %broadcast_in_dim3A_185 = vector.broadcast %jit3A_184 : i32 to vector<16xi32>
    %select_n3A_186 = arith.select %eq3A_183, %add3A_44, %broadcast_in_dim3A_185 : vector<16xi1>, vector<16xi32>
    %reduce_sum3A_187 = arith.constant true
    %reduce_sum3A_188 = vector.broadcast %reduce_sum3A_187 : i1 to vector<16xi1>
    %reduce_sum3A_189 = tpu.scan <sum>, %select_n3A_186 masked %reduce_sum3A_188 : vector<16xi32>, vector<16xi1> -> vector<16xi32>
    %reduce_sum3A_190 = vector.extract %reduce_sum3A_189[15] : i32 from vector<16xi32>
    %eq3A_191 = arith.constant 15 : i32
    %eq3A_192 = vector.broadcast %eq3A_191 : i32 to vector<16xi32>
    %eq3A_193 = arith.cmpi eq, %iota3A, %eq3A_192 : vector<16xi32>
    %jit3A_194 = arith.constant 0 : i32
    %broadcast_in_dim3A_195 = vector.broadcast %jit3A_194 : i32 to vector<16xi32>
    %select_n3A_196 = arith.select %eq3A_193, %add3A_44, %broadcast_in_dim3A_195 : vector<16xi1>, vector<16xi32>
    %reduce_sum3A_197 = arith.constant true
    %reduce_sum3A_198 = vector.broadcast %reduce_sum3A_197 : i1 to vector<16xi1>
    %reduce_sum3A_199 = tpu.scan <sum>, %select_n3A_196 masked %reduce_sum3A_198 : vector<16xi32>, vector<16xi1> -> vector<16xi32>
    %reduce_sum3A_200 = vector.extract %reduce_sum3A_199[15] : i32 from vector<16xi32>
    %scan3A_201 = arith.constant 0 : i32
    %scan3A_202 = arith.constant 625 : i32
    %scan3A_203 = arith.addi %scan3A_201, %scan3A_202 : i32
    %scan3A_204 = arith.constant 1 : i32
    %scan3A_205:16 = scf.for %scan3A_216 = %scan3A_201 to %scan3A_203 step %scan3A_204 iter_args(%scan3A_217 = %reduce_sum3A_50, %scan3A_218 = %reduce_sum3A_60, %scan3A_219 = %reduce_sum3A_70, %scan3A_220 = %reduce_sum3A_80, %scan3A_221 = %reduce_sum3A_90, %scan3A_222 = %reduce_sum3A_100, %scan3A_223 = %reduce_sum3A_110, %scan3A_224 = %reduce_sum3A_120, %scan3A_225 = %reduce_sum3A_130, %scan3A_226 = %reduce_sum3A_140, %scan3A_227 = %reduce_sum3A_150, %scan3A_228 = %reduce_sum3A_160, %scan3A_229 = %reduce_sum3A_170, %scan3A_230 = %reduce_sum3A_180, %scan3A_231 = %reduce_sum3A_190, %scan3A_232 = %reduce_sum3A_200) -> (i32, i32, i32, i32, i32, i32, i32, i32, i32, i32, i32, i32, i32, i32, i32, i32)  : i32 {
      %mul3A_233 = arith.constant 16 : i32
      %mul3A_234 = arith.muli %scan3A_216, %mul3A_233 : i32
      %get3A = arith.index_cast %mul3A_234 : i32 to index
      %get3A_235 = tpu.vector_load %arg11[%get3A] {strides = array<i32>} : memref<10000xi32, #tpu.memory_space<vmem>>, vector<16xi32>,
      %shift_right_logical3A = arith.constant 14 : i32
      %shift_right_logical3A_236 = vector.broadcast %shift_right_logical3A : i32 to vector<16xi32>
      %shift_right_logical3A_237 = arith.shrui %get3A_235, %shift_right_logical3A_236 : vector<16xi32>
      %and3A_238 = arith.constant 15 : i32
      %and3A_239 = vector.broadcast %and3A_238 : i32 to vector<16xi32>
      %and3A_240 = arith.andi %shift_right_logical3A_237, %and3A_239 : vector<16xi32>
      %eq3A_241 = arith.constant 0 : i32
      %eq3A_242 = vector.broadcast %eq3A_241 : i32 to vector<16xi32>
      %eq3A_243 = arith.cmpi eq, %and3A_240, %eq3A_242 : vector<16xi32>
      %swap3A_244 = arith.index_cast %scan3A_217 : i32 to index
      %swap3A_245 = tpu.vector_load %arg12[%swap3A_244] masked %eq3A_243 {strides = array<i32>} : memref<10272xi32, #tpu.memory_space<vmem>>, vector<16xi32>, vector<16xi1>
      tpu.vector_store %arg12[%swap3A_244], %get3A_235 masked %eq3A_243 {strides = array<i32>} : memref<10272xi32, #tpu.memory_space<vmem>>, vector<16xi32>, vector<16xi1>
      %convert_element_type3A = arith.extui %eq3A_243 : vector<16xi1> to vector<16xi32>
      %reduce_sum3A_246 = arith.constant true
      %reduce_sum3A_247 = vector.broadcast %reduce_sum3A_246 : i1 to vector<16xi1>
      %reduce_sum3A_248 = tpu.scan <sum>, %convert_element_type3A masked %reduce_sum3A_247 : vector<16xi32>, vector<16xi1> -> vector<16xi32>
      %reduce_sum3A_249 = vector.extract %reduce_sum3A_248[15] : i32 from vector<16xi32>
      %add3A_250 = arith.addi %scan3A_217, %reduce_sum3A_249 : i32
      %eq3A_251 = arith.constant 1 : i32
      %eq3A_252 = vector.broadcast %eq3A_251 : i32 to vector<16xi32>
      %eq3A_253 = arith.cmpi eq, %and3A_240, %eq3A_252 : vector<16xi32>
      %swap3A_254 = arith.index_cast %scan3A_218 : i32 to index
      %swap3A_255 = tpu.vector_load %arg12[%swap3A_254] masked %eq3A_253 {strides = array<i32>} : memref<10272xi32, #tpu.memory_space<vmem>>, vector<16xi32>, vector<16xi1>
      tpu.vector_store %arg12[%swap3A_254], %get3A_235 masked %eq3A_253 {strides = array<i32>} : memref<10272xi32, #tpu.memory_space<vmem>>, vector<16xi32>, vector<16xi1>
      %convert_element_type3A_256 = arith.extui %eq3A_253 : vector<16xi1> to vector<16xi32>
      %reduce_sum3A_257 = arith.constant true
      %reduce_sum3A_258 = vector.broadcast %reduce_sum3A_257 : i1 to vector<16xi1>
      %reduce_sum3A_259 = tpu.scan <sum>, %convert_element_type3A_256 masked %reduce_sum3A_258 : vector<16xi32>, vector<16xi1> -> vector<16xi32>
      %reduce_sum3A_260 = vector.extract %reduce_sum3A_259[15] : i32 from vector<16xi32>
      %add3A_261 = arith.addi %scan3A_218, %reduce_sum3A_260 : i32
      %eq3A_262 = arith.constant 2 : i32
      %eq3A_263 = vector.broadcast %eq3A_262 : i32 to vector<16xi32>
      %eq3A_264 = arith.cmpi eq, %and3A_240, %eq3A_263 : vector<16xi32>
      %swap3A_265 = arith.index_cast %scan3A_219 : i32 to index
      %swap3A_266 = tpu.vector_load %arg12[%swap3A_265] masked %eq3A_264 {strides = array<i32>} : memref<10272xi32, #tpu.memory_space<vmem>>, vector<16xi32>, vector<16xi1>
      tpu.vector_store %arg12[%swap3A_265], %get3A_235 masked %eq3A_264 {strides = array<i32>} : memref<10272xi32, #tpu.memory_space<vmem>>, vector<16xi32>, vector<16xi1>
      %convert_element_type3A_267 = arith.extui %eq3A_264 : vector<16xi1> to vector<16xi32>
      %reduce_sum3A_268 = arith.constant true
      %reduce_sum3A_269 = vector.broadcast %reduce_sum3A_268 : i1 to vector<16xi1>
      %reduce_sum3A_270 = tpu.scan <sum>, %convert_element_type3A_267 masked %reduce_sum3A_269 : vector<16xi32>, vector<16xi1> -> vector<16xi32>
      %reduce_sum3A_271 = vector.extract %reduce_sum3A_270[15] : i32 from vector<16xi32>
      %add3A_272 = arith.addi %scan3A_219, %reduce_sum3A_271 : i32
      %eq3A_273 = arith.constant 3 : i32
      %eq3A_274 = vector.broadcast %eq3A_273 : i32 to vector<16xi32>
      %eq3A_275 = arith.cmpi eq, %and3A_240, %eq3A_274 : vector<16xi32>
      %swap3A_276 = arith.index_cast %scan3A_220 : i32 to index
      %swap3A_277 = tpu.vector_load %arg12[%swap3A_276] masked %eq3A_275 {strides = array<i32>} : memref<10272xi32, #tpu.memory_space<vmem>>, vector<16xi32>, vector<16xi1>
      tpu.vector_store %arg12[%swap3A_276], %get3A_235 masked %eq3A_275 {strides = array<i32>} : memref<10272xi32, #tpu.memory_space<vmem>>, vector<16xi32>, vector<16xi1>
      %convert_element_type3A_278 = arith.extui %eq3A_275 : vector<16xi1> to vector<16xi32>
      %reduce_sum3A_279 = arith.constant true
      %reduce_sum3A_280 = vector.broadcast %reduce_sum3A_279 : i1 to vector<16xi1>
      %reduce_sum3A_281 = tpu.scan <sum>, %convert_element_type3A_278 masked %reduce_sum3A_280 : vector<16xi32>, vector<16xi1> -> vector<16xi32>
      %reduce_sum3A_282 = vector.extract %reduce_sum3A_281[15] : i32 from vector<16xi32>
      %add3A_283 = arith.addi %scan3A_220, %reduce_sum3A_282 : i32
      %eq3A_284 = arith.constant 4 : i32
      %eq3A_285 = vector.broadcast %eq3A_284 : i32 to vector<16xi32>
      %eq3A_286 = arith.cmpi eq, %and3A_240, %eq3A_285 : vector<16xi32>
      %swap3A_287 = arith.index_cast %scan3A_221 : i32 to index
      %swap3A_288 = tpu.vector_load %arg12[%swap3A_287] masked %eq3A_286 {strides = array<i32>} : memref<10272xi32, #tpu.memory_space<vmem>>, vector<16xi32>, vector<16xi1>
      tpu.vector_store %arg12[%swap3A_287], %get3A_235 masked %eq3A_286 {strides = array<i32>} : memref<10272xi32, #tpu.memory_space<vmem>>, vector<16xi32>, vector<16xi1>
      %convert_element_type3A_289 = arith.extui %eq3A_286 : vector<16xi1> to vector<16xi32>
      %reduce_sum3A_290 = arith.constant true
      %reduce_sum3A_291 = vector.broadcast %reduce_sum3A_290 : i1 to vector<16xi1>
      %reduce_sum3A_292 = tpu.scan <sum>, %convert_element_type3A_289 masked %reduce_sum3A_291 : vector<16xi32>, vector<16xi1> -> vector<16xi32>
      %reduce_sum3A_293 = vector.extract %reduce_sum3A_292[15] : i32 from vector<16xi32>
      %add3A_294 = arith.addi %scan3A_221, %reduce_sum3A_293 : i32
      %eq3A_295 = arith.constant 5 : i32
      %eq3A_296 = vector.broadcast %eq3A_295 : i32 to vector<16xi32>
      %eq3A_297 = arith.cmpi eq, %and3A_240, %eq3A_296 : vector<16xi32>
      %swap3A_298 = arith.index_cast %scan3A_222 : i32 to index
      %swap3A_299 = tpu.vector_load %arg12[%swap3A_298] masked %eq3A_297 {strides = array<i32>} : memref<10272xi32, #tpu.memory_space<vmem>>, vector<16xi32>, vector<16xi1>
      tpu.vector_store %arg12[%swap3A_298], %get3A_235 masked %eq3A_297 {strides = array<i32>} : memref<10272xi32, #tpu.memory_space<vmem>>, vector<16xi32>, vector<16xi1>
      %convert_element_type3A_300 = arith.extui %eq3A_297 : vector<16xi1> to vector<16xi32>
      %reduce_sum3A_301 = arith.constant true
      %reduce_sum3A_302 = vector.broadcast %reduce_sum3A_301 : i1 to vector<16xi1>
      %reduce_sum3A_303 = tpu.scan <sum>, %convert_element_type3A_300 masked %reduce_sum3A_302 : vector<16xi32>, vector<16xi1> -> vector<16xi32>
      %reduce_sum3A_304 = vector.extract %reduce_sum3A_303[15] : i32 from vector<16xi32>
      %add3A_305 = arith.addi %scan3A_222, %reduce_sum3A_304 : i32
      %eq3A_306 = arith.constant 6 : i32
      %eq3A_307 = vector.broadcast %eq3A_306 : i32 to vector<16xi32>
      %eq3A_308 = arith.cmpi eq, %and3A_240, %eq3A_307 : vector<16xi32>
      %swap3A_309 = arith.index_cast %scan3A_223 : i32 to index
      %swap3A_310 = tpu.vector_load %arg12[%swap3A_309] masked %eq3A_308 {strides = array<i32>} : memref<10272xi32, #tpu.memory_space<vmem>>, vector<16xi32>, vector<16xi1>
      tpu.vector_store %arg12[%swap3A_309], %get3A_235 masked %eq3A_308 {strides = array<i32>} : memref<10272xi32, #tpu.memory_space<vmem>>, vector<16xi32>, vector<16xi1>
      %convert_element_type3A_311 = arith.extui %eq3A_308 : vector<16xi1> to vector<16xi32>
      %reduce_sum3A_312 = arith.constant true
      %reduce_sum3A_313 = vector.broadcast %reduce_sum3A_312 : i1 to vector<16xi1>
      %reduce_sum3A_314 = tpu.scan <sum>, %convert_element_type3A_311 masked %reduce_sum3A_313 : vector<16xi32>, vector<16xi1> -> vector<16xi32>
      %reduce_sum3A_315 = vector.extract %reduce_sum3A_314[15] : i32 from vector<16xi32>
      %add3A_316 = arith.addi %scan3A_223, %reduce_sum3A_315 : i32
      %eq3A_317 = arith.constant 7 : i32
      %eq3A_318 = vector.broadcast %eq3A_317 : i32 to vector<16xi32>
      %eq3A_319 = arith.cmpi eq, %and3A_240, %eq3A_318 : vector<16xi32>
      %swap3A_320 = arith.index_cast %scan3A_224 : i32 to index
      %swap3A_321 = tpu.vector_load %arg12[%swap3A_320] masked %eq3A_319 {strides = array<i32>} : memref<10272xi32, #tpu.memory_space<vmem>>, vector<16xi32>, vector<16xi1>
      tpu.vector_store %arg12[%swap3A_320], %get3A_235 masked %eq3A_319 {strides = array<i32>} : memref<10272xi32, #tpu.memory_space<vmem>>, vector<16xi32>, vector<16xi1>
      %convert_element_type3A_322 = arith.extui %eq3A_319 : vector<16xi1> to vector<16xi32>
      %reduce_sum3A_323 = arith.constant true
      %reduce_sum3A_324 = vector.broadcast %reduce_sum3A_323 : i1 to vector<16xi1>
      %reduce_sum3A_325 = tpu.scan <sum>, %convert_element_type3A_322 masked %reduce_sum3A_324 : vector<16xi32>, vector<16xi1> -> vector<16xi32>
      %reduce_sum3A_326 = vector.extract %reduce_sum3A_325[15] : i32 from vector<16xi32>
      %add3A_327 = arith.addi %scan3A_224, %reduce_sum3A_326 : i32
      %eq3A_328 = arith.constant 8 : i32
      %eq3A_329 = vector.broadcast %eq3A_328 : i32 to vector<16xi32>
      %eq3A_330 = arith.cmpi eq, %and3A_240, %eq3A_329 : vector<16xi32>
      %swap3A_331 = arith.index_cast %scan3A_225 : i32 to index
      %swap3A_332 = tpu.vector_load %arg12[%swap3A_331] masked %eq3A_330 {strides = array<i32>} : memref<10272xi32, #tpu.memory_space<vmem>>, vector<16xi32>, vector<16xi1>
      tpu.vector_store %arg12[%swap3A_331], %get3A_235 masked %eq3A_330 {strides = array<i32>} : memref<10272xi32, #tpu.memory_space<vmem>>, vector<16xi32>, vector<16xi1>
      %convert_element_type3A_333 = arith.extui %eq3A_330 : vector<16xi1> to vector<16xi32>
      %reduce_sum3A_334 = arith.constant true
      %reduce_sum3A_335 = vector.broadcast %reduce_sum3A_334 : i1 to vector<16xi1>
      %reduce_sum3A_336 = tpu.scan <sum>, %convert_element_type3A_333 masked %reduce_sum3A_335 : vector<16xi32>, vector<16xi1> -> vector<16xi32>
      %reduce_sum3A_337 = vector.extract %reduce_sum3A_336[15] : i32 from vector<16xi32>
      %add3A_338 = arith.addi %scan3A_225, %reduce_sum3A_337 : i32
      %eq3A_339 = arith.constant 9 : i32
      %eq3A_340 = vector.broadcast %eq3A_339 : i32 to vector<16xi32>
      %eq3A_341 = arith.cmpi eq, %and3A_240, %eq3A_340 : vector<16xi32>
      %swap3A_342 = arith.index_cast %scan3A_226 : i32 to index
      %swap3A_343 = tpu.vector_load %arg12[%swap3A_342] masked %eq3A_341 {strides = array<i32>} : memref<10272xi32, #tpu.memory_space<vmem>>, vector<16xi32>, vector<16xi1>
      tpu.vector_store %arg12[%swap3A_342], %get3A_235 masked %eq3A_341 {strides = array<i32>} : memref<10272xi32, #tpu.memory_space<vmem>>, vector<16xi32>, vector<16xi1>
      %convert_element_type3A_344 = arith.extui %eq3A_341 : vector<16xi1> to vector<16xi32>
      %reduce_sum3A_345 = arith.constant true
      %reduce_sum3A_346 = vector.broadcast %reduce_sum3A_345 : i1 to vector<16xi1>
      %reduce_sum3A_347 = tpu.scan <sum>, %convert_element_type3A_344 masked %reduce_sum3A_346 : vector<16xi32>, vector<16xi1> -> vector<16xi32>
      %reduce_sum3A_348 = vector.extract %reduce_sum3A_347[15] : i32 from vector<16xi32>
      %add3A_349 = arith.addi %scan3A_226, %reduce_sum3A_348 : i32
      %eq3A_350 = arith.constant 10 : i32
      %eq3A_351 = vector.broadcast %eq3A_350 : i32 to vector<16xi32>
      %eq3A_352 = arith.cmpi eq, %and3A_240, %eq3A_351 : vector<16xi32>
      %swap3A_353 = arith.index_cast %scan3A_227 : i32 to index
      %swap3A_354 = tpu.vector_load %arg12[%swap3A_353] masked %eq3A_352 {strides = array<i32>} : memref<10272xi32, #tpu.memory_space<vmem>>, vector<16xi32>, vector<16xi1>
      tpu.vector_store %arg12[%swap3A_353], %get3A_235 masked %eq3A_352 {strides = array<i32>} : memref<10272xi32, #tpu.memory_space<vmem>>, vector<16xi32>, vector<16xi1>
      %convert_element_type3A_355 = arith.extui %eq3A_352 : vector<16xi1> to vector<16xi32>
      %reduce_sum3A_356 = arith.constant true
      %reduce_sum3A_357 = vector.broadcast %reduce_sum3A_356 : i1 to vector<16xi1>
      %reduce_sum3A_358 = tpu.scan <sum>, %convert_element_type3A_355 masked %reduce_sum3A_357 : vector<16xi32>, vector<16xi1> -> vector<16xi32>
      %reduce_sum3A_359 = vector.extract %reduce_sum3A_358[15] : i32 from vector<16xi32>
      %add3A_360 = arith.addi %scan3A_227, %reduce_sum3A_359 : i32
      %eq3A_361 = arith.constant 11 : i32
      %eq3A_362 = vector.broadcast %eq3A_361 : i32 to vector<16xi32>
      %eq3A_363 = arith.cmpi eq, %and3A_240, %eq3A_362 : vector<16xi32>
      %swap3A_364 = arith.index_cast %scan3A_228 : i32 to index
      %swap3A_365 = tpu.vector_load %arg12[%swap3A_364] masked %eq3A_363 {strides = array<i32>} : memref<10272xi32, #tpu.memory_space<vmem>>, vector<16xi32>, vector<16xi1>
      tpu.vector_store %arg12[%swap3A_364], %get3A_235 masked %eq3A_363 {strides = array<i32>} : memref<10272xi32, #tpu.memory_space<vmem>>, vector<16xi32>, vector<16xi1>
      %convert_element_type3A_366 = arith.extui %eq3A_363 : vector<16xi1> to vector<16xi32>
      %reduce_sum3A_367 = arith.constant true
      %reduce_sum3A_368 = vector.broadcast %reduce_sum3A_367 : i1 to vector<16xi1>
      %reduce_sum3A_369 = tpu.scan <sum>, %convert_element_type3A_366 masked %reduce_sum3A_368 : vector<16xi32>, vector<16xi1> -> vector<16xi32>
      %reduce_sum3A_370 = vector.extract %reduce_sum3A_369[15] : i32 from vector<16xi32>
      %add3A_371 = arith.addi %scan3A_228, %reduce_sum3A_370 : i32
      %eq3A_372 = arith.constant 12 : i32
      %eq3A_373 = vector.broadcast %eq3A_372 : i32 to vector<16xi32>
      %eq3A_374 = arith.cmpi eq, %and3A_240, %eq3A_373 : vector<16xi32>
      %swap3A_375 = arith.index_cast %scan3A_229 : i32 to index
      %swap3A_376 = tpu.vector_load %arg12[%swap3A_375] masked %eq3A_374 {strides = array<i32>} : memref<10272xi32, #tpu.memory_space<vmem>>, vector<16xi32>, vector<16xi1>
      tpu.vector_store %arg12[%swap3A_375], %get3A_235 masked %eq3A_374 {strides = array<i32>} : memref<10272xi32, #tpu.memory_space<vmem>>, vector<16xi32>, vector<16xi1>
      %convert_element_type3A_377 = arith.extui %eq3A_374 : vector<16xi1> to vector<16xi32>
      %reduce_sum3A_378 = arith.constant true
      %reduce_sum3A_379 = vector.broadcast %reduce_sum3A_378 : i1 to vector<16xi1>
      %reduce_sum3A_380 = tpu.scan <sum>, %convert_element_type3A_377 masked %reduce_sum3A_379 : vector<16xi32>, vector<16xi1> -> vector<16xi32>
      %reduce_sum3A_381 = vector.extract %reduce_sum3A_380[15] : i32 from vector<16xi32>
      %add3A_382 = arith.addi %scan3A_229, %reduce_sum3A_381 : i32
      %eq3A_383 = arith.constant 13 : i32
      %eq3A_384 = vector.broadcast %eq3A_383 : i32 to vector<16xi32>
      %eq3A_385 = arith.cmpi eq, %and3A_240, %eq3A_384 : vector<16xi32>
      %swap3A_386 = arith.index_cast %scan3A_230 : i32 to index
      %swap3A_387 = tpu.vector_load %arg12[%swap3A_386] masked %eq3A_385 {strides = array<i32>} : memref<10272xi32, #tpu.memory_space<vmem>>, vector<16xi32>, vector<16xi1>
      tpu.vector_store %arg12[%swap3A_386], %get3A_235 masked %eq3A_385 {strides = array<i32>} : memref<10272xi32, #tpu.memory_space<vmem>>, vector<16xi32>, vector<16xi1>
      %convert_element_type3A_388 = arith.extui %eq3A_385 : vector<16xi1> to vector<16xi32>
      %reduce_sum3A_389 = arith.constant true
      %reduce_sum3A_390 = vector.broadcast %reduce_sum3A_389 : i1 to vector<16xi1>
      %reduce_sum3A_391 = tpu.scan <sum>, %convert_element_type3A_388 masked %reduce_sum3A_390 : vector<16xi32>, vector<16xi1> -> vector<16xi32>
      %reduce_sum3A_392 = vector.extract %reduce_sum3A_391[15] : i32 from vector<16xi32>
      %add3A_393 = arith.addi %scan3A_230, %reduce_sum3A_392 : i32
      %eq3A_394 = arith.constant 14 : i32
      %eq3A_395 = vector.broadcast %eq3A_394 : i32 to vector<16xi32>
      %eq3A_396 = arith.cmpi eq, %and3A_240, %eq3A_395 : vector<16xi32>
      %swap3A_397 = arith.index_cast %scan3A_231 : i32 to index
      %swap3A_398 = tpu.vector_load %arg12[%swap3A_397] masked %eq3A_396 {strides = array<i32>} : memref<10272xi32, #tpu.memory_space<vmem>>, vector<16xi32>, vector<16xi1>
      tpu.vector_store %arg12[%swap3A_397], %get3A_235 masked %eq3A_396 {strides = array<i32>} : memref<10272xi32, #tpu.memory_space<vmem>>, vector<16xi32>, vector<16xi1>
      %convert_element_type3A_399 = arith.extui %eq3A_396 : vector<16xi1> to vector<16xi32>
      %reduce_sum3A_400 = arith.constant true
      %reduce_sum3A_401 = vector.broadcast %reduce_sum3A_400 : i1 to vector<16xi1>
      %reduce_sum3A_402 = tpu.scan <sum>, %convert_element_type3A_399 masked %reduce_sum3A_401 : vector<16xi32>, vector<16xi1> -> vector<16xi32>
      %reduce_sum3A_403 = vector.extract %reduce_sum3A_402[15] : i32 from vector<16xi32>
      %add3A_404 = arith.addi %scan3A_231, %reduce_sum3A_403 : i32
      %eq3A_405 = arith.constant 15 : i32
      %eq3A_406 = vector.broadcast %eq3A_405 : i32 to vector<16xi32>
      %eq3A_407 = arith.cmpi eq, %and3A_240, %eq3A_406 : vector<16xi32>
      %swap3A_408 = arith.index_cast %scan3A_232 : i32 to index
      %swap3A_409 = tpu.vector_load %arg12[%swap3A_408] masked %eq3A_407 {strides = array<i32>} : memref<10272xi32, #tpu.memory_space<vmem>>, vector<16xi32>, vector<16xi1>
      tpu.vector_store %arg12[%swap3A_408], %get3A_235 masked %eq3A_407 {strides = array<i32>} : memref<10272xi32, #tpu.memory_space<vmem>>, vector<16xi32>, vector<16xi1>
      %convert_element_type3A_410 = arith.extui %eq3A_407 : vector<16xi1> to vector<16xi32>
      %reduce_sum3A_411 = arith.constant true
      %reduce_sum3A_412 = vector.broadcast %reduce_sum3A_411 : i1 to vector<16xi1>
      %reduce_sum3A_413 = tpu.scan <sum>, %convert_element_type3A_410 masked %reduce_sum3A_412 : vector<16xi32>, vector<16xi1> -> vector<16xi32>
      %reduce_sum3A_414 = vector.extract %reduce_sum3A_413[15] : i32 from vector<16xi32>
      %add3A_415 = arith.addi %scan3A_232, %reduce_sum3A_414 : i32
      scf.yield %add3A_250, %add3A_261, %add3A_272, %add3A_283, %add3A_294, %add3A_305, %add3A_316, %add3A_327, %add3A_338, %add3A_349, %add3A_360, %add3A_371, %add3A_382, %add3A_393, %add3A_404, %add3A_415 : i32, i32, i32, i32, i32, i32, i32, i32, i32, i32, i32, i32, i32, i32, i32, i32
    }
    %scan3A_206 = arith.constant 625 : i32
    %swap3A = arith.constant 0 : index
    %swap3A_207 = tpu.vector_load %arg13[%swap3A] {strides = array<i32>} : memref<32xi32, #tpu.memory_space<vmem>>, vector<16xi32>,
    tpu.vector_store %arg13[%swap3A], %add3A_44 {strides = array<i32>} : memref<32xi32, #tpu.memory_space<vmem>>, vector<16xi32>,
    %swap3A_208 = arith.constant 16 : index
    %swap3A_209 = tpu.vector_load %arg13[%swap3A_208] {strides = array<i32>} : memref<32xi32, #tpu.memory_space<vmem>>, vector<16xi32>,
    tpu.vector_store %arg13[%swap3A_208], %scan3A_35 {strides = array<i32>} : memref<32xi32, #tpu.memory_space<vmem>>, vector<16xi32>,
    %mul3A_210 = arith.constant 10272 : i32
    %mul3A_211 = arith.muli %add3A, %mul3A_210 : i32
    "tpu.region"() ({
      %run_scoped3A = tpu.sem_alloc : memref<!tpu.dma_semaphore, #tpu.memory_space<semaphore_mem>>
      %dma_start3A = tpu.memref_slice %arg5[%mul3A_211] : memref<328704xi32, #tpu.memory_space<hbm>> -> memref<10272xi32, #tpu.memory_space<hbm>>
      %dma_start3A_216 = tpu.memref_slice %arg5[%mul3A_211] : memref<328704xi32, #tpu.memory_space<hbm>> -> memref<10272xi32, #tpu.memory_space<hbm>>
      tpu.enqueue_dma source(%arg12 : memref<10272xi32, #tpu.memory_space<vmem>>) target(%dma_start3A_216 : memref<10272xi32, #tpu.memory_space<hbm>>) target_semaphore(%run_scoped3A : memref<!tpu.dma_semaphore, #tpu.memory_space<semaphore_mem>>)
      %dma_wait3A = tpu.memref_slice %arg5[%mul3A_211] : memref<328704xi32, #tpu.memory_space<hbm>> -> memref<10272xi32, #tpu.memory_space<hbm>>
      %dma_wait3A_217 = tpu.memref_slice %arg5[%mul3A_211] : memref<328704xi32, #tpu.memory_space<hbm>> -> memref<10272xi32, #tpu.memory_space<hbm>>
      tpu.wait_dma2 semaphore(%run_scoped3A : memref<!tpu.dma_semaphore, #tpu.memory_space<semaphore_mem>>) src(%arg12 : memref<10272xi32, #tpu.memory_space<vmem>>) dst(%dma_wait3A_217 : memref<10272xi32, #tpu.memory_space<hbm>>)
      tpu.yield
    }) : () -> ()
    %mul3A_212 = arith.constant 2 : i32
    %mul3A_213 = arith.muli %add3A, %mul3A_212 : i32
    %mul3A_214 = arith.constant 16 : i32
    %mul3A_215 = arith.muli %mul3A_213, %mul3A_214 : i32
    "tpu.region"() ({
      %run_scoped3A = tpu.sem_alloc : memref<!tpu.dma_semaphore, #tpu.memory_space<semaphore_mem>>
      %dma_start3A = tpu.memref_slice %arg6[%mul3A_215] : memref<1024xi32, #tpu.memory_space<hbm>> -> memref<32xi32, #tpu.memory_space<hbm>>
      %dma_start3A_216 = tpu.memref_slice %arg6[%mul3A_215] : memref<1024xi32, #tpu.memory_space<hbm>> -> memref<32xi32, #tpu.memory_space<hbm>>
      tpu.enqueue_dma source(%arg13 : memref<32xi32, #tpu.memory_space<vmem>>) target(%dma_start3A_216 : memref<32xi32, #tpu.memory_space<hbm>>) target_semaphore(%run_scoped3A : memref<!tpu.dma_semaphore, #tpu.memory_space<semaphore_mem>>)
      %dma_wait3A = tpu.memref_slice %arg6[%mul3A_215] : memref<1024xi32, #tpu.memory_space<hbm>> -> memref<32xi32, #tpu.memory_space<hbm>>
      %dma_wait3A_217 = tpu.memref_slice %arg6[%mul3A_215] : memref<1024xi32, #tpu.memory_space<hbm>> -> memref<32xi32, #tpu.memory_space<hbm>>
      tpu.wait_dma2 semaphore(%run_scoped3A : memref<!tpu.dma_semaphore, #tpu.memory_space<semaphore_mem>>) src(%arg13 : memref<32xi32, #tpu.memory_space<vmem>>) dst(%dma_wait3A_217 : memref<32xi32, #tpu.memory_space<hbm>>)
      tpu.yield
    }) : () -> ()
    return
  }
}

#map = affine_map<(d0, d1) -> (0)>
module attributes {stable_mosaic.version = 14 : i64} {
  func.func @_sc_layer_body(%arg0: i32, %arg1: i32, %arg2: memref<655360xi32, #tpu.memory_space<hbm>>, %arg3: memref<328704xi32, #tpu.memory_space<hbm>>, %arg4: memref<1024xi32, #tpu.memory_space<hbm>>, %arg5: memref<1310720xf32, #tpu.memory_space<hbm>>, %arg6: memref<20480xi32, #tpu.memory_space<vmem>>, %arg7: memref<40960xf32, #tpu.memory_space<vmem>>, %arg8: memref<10272xi32, #tpu.memory_space<vmem>>, %arg9: memref<10272xi32, #tpu.memory_space<vmem>>, %arg10: memref<1024xi32, #tpu.memory_space<vmem>>, %arg11: memref<!tpu.dma_semaphore, #tpu.memory_space<semaphore_mem>>, %arg12: memref<!tpu.dma_semaphore, #tpu.memory_space<semaphore_mem>>) attributes {dimension_semantics = [#tpu.dimension_semantics<core_parallel>, #tpu.dimension_semantics<subcore_parallel>], iteration_bounds = array<i64: 2, 16>, scalar_prefetch = 0 : i64, scratch_operands = 7 : i64, tpu.core_type = #tpu.core_type<sc_vector_subcore>, window_params = [{transform_indices = #map}, {transform_indices = #map}, {transform_indices = #map}, {transform_indices = #map}]} {
    %mul3A = arith.constant 2 : i32
    %mul3A_0 = arith.muli %arg1, %mul3A : i32
    %add3A = arith.addi %mul3A_0, %arg0 : i32
    "tpu.region"() ({
      %run_scoped3A = tpu.sem_alloc : memref<!tpu.dma_semaphore, #tpu.memory_space<semaphore_mem>>
      tpu.enqueue_dma source(%arg4 : memref<1024xi32, #tpu.memory_space<hbm>>) target(%arg10 : memref<1024xi32, #tpu.memory_space<vmem>>) target_semaphore(%run_scoped3A : memref<!tpu.dma_semaphore, #tpu.memory_space<semaphore_mem>>)
      tpu.wait_dma2 semaphore(%run_scoped3A : memref<!tpu.dma_semaphore, #tpu.memory_space<semaphore_mem>>) src(%arg4 : memref<1024xi32, #tpu.memory_space<hbm>>) dst(%arg10 : memref<1024xi32, #tpu.memory_space<vmem>>)
      tpu.yield
    }) : () -> ()
    %mul3A_1 = arith.constant 2 : i32
    %mul3A_2 = arith.muli %add3A, %mul3A_1 : i32
    %mul3A_3 = arith.constant 10240 : i32
    %mul3A_4 = arith.muli %mul3A_2, %mul3A_3 : i32
    "tpu.region"() ({
      %run_scoped3A = tpu.sem_alloc : memref<!tpu.dma_semaphore, #tpu.memory_space<semaphore_mem>>
      %dma_start3A_23 = tpu.memref_slice %arg2[%mul3A_4] : memref<655360xi32, #tpu.memory_space<hbm>> -> memref<20480xi32, #tpu.memory_space<hbm>>
      %dma_start3A_24 = tpu.memref_slice %arg2[%mul3A_4] : memref<655360xi32, #tpu.memory_space<hbm>> -> memref<20480xi32, #tpu.memory_space<hbm>>
      tpu.enqueue_dma source(%dma_start3A_24 : memref<20480xi32, #tpu.memory_space<hbm>>) target(%arg6 : memref<20480xi32, #tpu.memory_space<vmem>>) target_semaphore(%run_scoped3A : memref<!tpu.dma_semaphore, #tpu.memory_space<semaphore_mem>>)
      %dma_wait3A = tpu.memref_slice %arg2[%mul3A_4] : memref<655360xi32, #tpu.memory_space<hbm>> -> memref<20480xi32, #tpu.memory_space<hbm>>
      %dma_wait3A_25 = tpu.memref_slice %arg2[%mul3A_4] : memref<655360xi32, #tpu.memory_space<hbm>> -> memref<20480xi32, #tpu.memory_space<hbm>>
      tpu.wait_dma2 semaphore(%run_scoped3A : memref<!tpu.dma_semaphore, #tpu.memory_space<semaphore_mem>>) src(%dma_wait3A_25 : memref<20480xi32, #tpu.memory_space<hbm>>) dst(%arg6 : memref<20480xi32, #tpu.memory_space<vmem>>)
      tpu.yield
    }) : () -> ()
    %broadcast_in_dim3A = arith.constant 0.000000e+00 : f32
    %broadcast_in_dim3A_5 = vector.broadcast %broadcast_in_dim3A : f32 to vector<16xf32>
    %parallel_loop3A = arith.constant 0 : i32
    %parallel_loop3A_6 = arith.constant 2560 : i32
    %parallel_loop3A_7 = arith.constant 1 : i32
    scf.for %parallel_loop3A_23 = %parallel_loop3A to %parallel_loop3A_6 step %parallel_loop3A_7  : i32 {
      %parallel_loop3A_24 = arith.constant 16 : i32
      %parallel_loop3A_25 = arith.muli %parallel_loop3A_23, %parallel_loop3A_24 : i32
      %parallel_loop3A_26 = arith.index_cast %parallel_loop3A_25 : i32 to index
      %parallel_loop3A_27 = tpu.vector_load %arg7[%parallel_loop3A_26] {strides = array<i32>} : memref<40960xf32, #tpu.memory_space<vmem>>, vector<16xf32>,
      tpu.vector_store %arg7[%parallel_loop3A_26], %broadcast_in_dim3A_5 {strides = array<i32>} : memref<40960xf32, #tpu.memory_space<vmem>>, vector<16xf32>,
    } {sc.loop_unroll_factor = 8 : i64, sc.parallel_access}
    %broadcast_in_dim3A_8 = arith.constant -65536 : i32
    %broadcast_in_dim3A_9 = vector.broadcast %broadcast_in_dim3A_8 : i32 to vector<16xi32>
    %dma_start3A = arith.constant 0 : i32
    %dma_start3A_10 = tpu.memref_slice %arg3[%dma_start3A] : memref<328704xi32, #tpu.memory_space<hbm>> -> memref<10272xi32, #tpu.memory_space<hbm>>
    %dma_start3A_11 = arith.constant 0 : i32
    %dma_start3A_12 = tpu.memref_slice %arg3[%dma_start3A_11] : memref<328704xi32, #tpu.memory_space<hbm>> -> memref<10272xi32, #tpu.memory_space<hbm>>
    tpu.enqueue_dma source(%dma_start3A_12 : memref<10272xi32, #tpu.memory_space<hbm>>) target(%arg8 : memref<10272xi32, #tpu.memory_space<vmem>>) target_semaphore(%arg11 : memref<!tpu.dma_semaphore, #tpu.memory_space<semaphore_mem>>)
    %scan3A = arith.constant 0 : i32
    %scan3A_13 = arith.constant 0 : i32
    %scan3A_14 = arith.constant 16 : i32
    %scan3A_15 = arith.addi %scan3A_13, %scan3A_14 : i32
    %scan3A_16 = arith.constant 1 : i32
    %scan3A_17 = scf.for %scan3A_23 = %scan3A_13 to %scan3A_15 step %scan3A_16 iter_args(%scan3A_24 = %scan3A) -> (i32)  : i32 {
      %mul3A_25 = arith.constant 2 : i32
      %mul3A_26 = arith.muli %scan3A_23, %mul3A_25 : i32
      %add3A_27 = arith.constant 0 : i32
      %add3A_28 = arith.addi %mul3A_26, %add3A_27 : i32
      %add3A_29 = arith.constant 1 : i32
      %add3A_30 = arith.addi %add3A_28, %add3A_29 : i32
      %lt3A = arith.constant 32 : i32
      %lt3A_31 = arith.cmpi slt, %add3A_30, %lt3A : i32
      %convert_element_type3A = arith.extui %lt3A_31 : i1 to i32
      %cond3A = arith.constant 0 : i32
      %cond3A_32 = arith.cmpi ne, %convert_element_type3A, %cond3A : i32
      scf.if %cond3A_32 {
        %mul3A_98 = arith.constant 10272 : i32
        %mul3A_99 = arith.muli %add3A_30, %mul3A_98 : i32
        %dma_start3A_100 = tpu.memref_slice %arg3[%mul3A_99] : memref<328704xi32, #tpu.memory_space<hbm>> -> memref<10272xi32, #tpu.memory_space<hbm>>
        %dma_start3A_101 = tpu.memref_slice %arg3[%mul3A_99] : memref<328704xi32, #tpu.memory_space<hbm>> -> memref<10272xi32, #tpu.memory_space<hbm>>
        tpu.enqueue_dma source(%dma_start3A_101 : memref<10272xi32, #tpu.memory_space<hbm>>) target(%arg9 : memref<10272xi32, #tpu.memory_space<vmem>>) target_semaphore(%arg12 : memref<!tpu.dma_semaphore, #tpu.memory_space<semaphore_mem>>)
      } else {
      }
      %dma_wait3A = arith.constant 0 : i32
      %dma_wait3A_33 = tpu.memref_slice %arg3[%dma_wait3A] : memref<328704xi32, #tpu.memory_space<hbm>> -> memref<10272xi32, #tpu.memory_space<hbm>>
      %dma_wait3A_34 = arith.constant 0 : i32
      %dma_wait3A_35 = tpu.memref_slice %arg3[%dma_wait3A_34] : memref<328704xi32, #tpu.memory_space<hbm>> -> memref<10272xi32, #tpu.memory_space<hbm>>
      tpu.wait_dma2 semaphore(%arg11 : memref<!tpu.dma_semaphore, #tpu.memory_space<semaphore_mem>>) src(%dma_wait3A_35 : memref<10272xi32, #tpu.memory_space<hbm>>) dst(%arg8 : memref<10272xi32, #tpu.memory_space<vmem>>)
      %mul3A_36 = arith.constant 2 : i32
      %mul3A_37 = arith.muli %add3A_28, %mul3A_36 : i32
      %mul3A_38 = arith.constant 16 : i32
      %mul3A_39 = arith.muli %mul3A_37, %mul3A_38 : i32
      %get3A = arith.index_cast %mul3A_39 : i32 to index
      %get3A_40 = tpu.vector_load %arg10[%get3A] {strides = array<i32>} : memref<1024xi32, #tpu.memory_space<vmem>>, vector<16xi32>,
      %mul3A_41 = arith.constant 2 : i32
      %mul3A_42 = arith.muli %add3A_28, %mul3A_41 : i32
      %mul3A_43 = arith.constant 16 : i32
      %mul3A_44 = arith.muli %mul3A_42, %mul3A_43 : i32
      %add3A_45 = arith.constant 16 : i32
      %add3A_46 = arith.addi %mul3A_44, %add3A_45 : i32
      %get3A_47 = arith.index_cast %add3A_46 : i32 to index
      %get3A_48 = tpu.vector_load %arg10[%get3A_47] {strides = array<i32>} : memref<1024xi32, #tpu.memory_space<vmem>>, vector<16xi32>,
      %reduce_max3A = arith.constant true
      %reduce_max3A_49 = vector.broadcast %reduce_max3A : i1 to vector<16xi1>
      %reduce_max3A_50 = arith.constant -2147483648 : i32
      %reduce_max3A_51 = vector.broadcast %reduce_max3A_50 : i32 to vector<16xi32>
      %reduce_max3A_52 = arith.xori %get3A_48, %reduce_max3A_51 : vector<16xi32>
      %reduce_max3A_53 = tpu.scan <max>, %reduce_max3A_52 masked %reduce_max3A_49 : vector<16xi32>, vector<16xi1> -> vector<16xi32>
      %reduce_max3A_54 = arith.xori %reduce_max3A_53, %reduce_max3A_51 : vector<16xi32>
      %reduce_max3A_55 = vector.extract %reduce_max3A_54[15] : i32 from vector<16xi32>
      %parallel_loop3A_56 = arith.constant 0 : i32
      %parallel_loop3A_57 = arith.constant 1 : i32
      scf.for %parallel_loop3A_98 = %parallel_loop3A_56 to %reduce_max3A_55 step %parallel_loop3A_57  : i32 {
        %parallel_loop3A_99 = vector.broadcast %parallel_loop3A_98 : i32 to vector<16xi32>
        %parallel_loop3A_100 = arith.cmpi slt, %parallel_loop3A_99, %get3A_48 : vector<16xi32>
        %parallel_loop3A_101 = vector.broadcast %parallel_loop3A_98 : i32 to vector<16xi32>
        %parallel_loop3A_102 = arith.addi %get3A_40, %parallel_loop3A_101 : vector<16xi32>
        %parallel_loop3A_103 = tpu.vector_load_idx %arg8[%parallel_loop3A_102] masked %parallel_loop3A_100 : memref<10272xi32, #tpu.memory_space<vmem>>[vector<16xi32>], vector<16xi32>, vector<16xi1>
        %parallel_loop3A_104 = arith.constant 16383 : i32
        %parallel_loop3A_105 = vector.broadcast %parallel_loop3A_104 : i32 to vector<16xi32>
        %parallel_loop3A_106 = arith.andi %parallel_loop3A_103, %parallel_loop3A_105 : vector<16xi32>
        %parallel_loop3A_107 = arith.constant 14 : i32
        %parallel_loop3A_108 = vector.broadcast %parallel_loop3A_107 : i32 to vector<16xi32>
        %parallel_loop3A_109 = arith.shrui %parallel_loop3A_103, %parallel_loop3A_108 : vector<16xi32>
        %parallel_loop3A_110 = arith.constant 0 : i32
        %parallel_loop3A_111 = vector.broadcast %parallel_loop3A_110 : i32 to vector<16xi32>
        %parallel_loop3A_112 = arith.addi %parallel_loop3A_106, %parallel_loop3A_111 : vector<16xi32>
        %parallel_loop3A_113 = tpu.vector_load_idx %arg6[%parallel_loop3A_112] masked %parallel_loop3A_100 : memref<20480xi32, #tpu.memory_space<vmem>>[vector<16xi32>], vector<16xi32>, vector<16xi1>
        %parallel_loop3A_114 = arith.constant 16 : i32
        %parallel_loop3A_115 = vector.broadcast %parallel_loop3A_114 : i32 to vector<16xi32>
        %parallel_loop3A_116 = arith.shli %parallel_loop3A_113, %parallel_loop3A_115 : vector<16xi32>
        %parallel_loop3A_117 = vector.bitcast %parallel_loop3A_116 : vector<16xi32> to vector<16xf32>
        %parallel_loop3A_118 = arith.andi %parallel_loop3A_113, %broadcast_in_dim3A_9 : vector<16xi32>
        %parallel_loop3A_119 = vector.bitcast %parallel_loop3A_118 : vector<16xi32> to vector<16xf32>
        %parallel_loop3A_120 = arith.constant 0 : i32
        %parallel_loop3A_121 = vector.broadcast %parallel_loop3A_120 : i32 to vector<16xi32>
        %parallel_loop3A_122 = arith.addi %parallel_loop3A_109, %parallel_loop3A_121 : vector<16xi32>
        tpu.vector_store_idx %arg7[%parallel_loop3A_122], %parallel_loop3A_117 masked %parallel_loop3A_100 {add = true} : memref<40960xf32, #tpu.memory_space<vmem>>[vector<16xi32>], vector<16xf32>, vector<16xi1>
        %parallel_loop3A_123 = arith.constant 10240 : i32
        %parallel_loop3A_124 = vector.broadcast %parallel_loop3A_123 : i32 to vector<16xi32>
        %parallel_loop3A_125 = arith.addi %parallel_loop3A_109, %parallel_loop3A_124 : vector<16xi32>
        tpu.vector_store_idx %arg7[%parallel_loop3A_125], %parallel_loop3A_119 masked %parallel_loop3A_100 {add = true} : memref<40960xf32, #tpu.memory_space<vmem>>[vector<16xi32>], vector<16xf32>, vector<16xi1>
        %parallel_loop3A_126 = arith.constant 10240 : i32
        %parallel_loop3A_127 = vector.broadcast %parallel_loop3A_126 : i32 to vector<16xi32>
        %parallel_loop3A_128 = arith.addi %parallel_loop3A_106, %parallel_loop3A_127 : vector<16xi32>
        %parallel_loop3A_129 = tpu.vector_load_idx %arg6[%parallel_loop3A_128] masked %parallel_loop3A_100 : memref<20480xi32, #tpu.memory_space<vmem>>[vector<16xi32>], vector<16xi32>, vector<16xi1>
        %parallel_loop3A_130 = arith.constant 16 : i32
        %parallel_loop3A_131 = vector.broadcast %parallel_loop3A_130 : i32 to vector<16xi32>
        %parallel_loop3A_132 = arith.shli %parallel_loop3A_129, %parallel_loop3A_131 : vector<16xi32>
        %parallel_loop3A_133 = vector.bitcast %parallel_loop3A_132 : vector<16xi32> to vector<16xf32>
        %parallel_loop3A_134 = arith.andi %parallel_loop3A_129, %broadcast_in_dim3A_9 : vector<16xi32>
        %parallel_loop3A_135 = vector.bitcast %parallel_loop3A_134 : vector<16xi32> to vector<16xf32>
        %parallel_loop3A_136 = arith.constant 20480 : i32
        %parallel_loop3A_137 = vector.broadcast %parallel_loop3A_136 : i32 to vector<16xi32>
        %parallel_loop3A_138 = arith.addi %parallel_loop3A_109, %parallel_loop3A_137 : vector<16xi32>
        tpu.vector_store_idx %arg7[%parallel_loop3A_138], %parallel_loop3A_133 masked %parallel_loop3A_100 {add = true} : memref<40960xf32, #tpu.memory_space<vmem>>[vector<16xi32>], vector<16xf32>, vector<16xi1>
        %parallel_loop3A_139 = arith.constant 30720 : i32
        %parallel_loop3A_140 = vector.broadcast %parallel_loop3A_139 : i32 to vector<16xi32>
        %parallel_loop3A_141 = arith.addi %parallel_loop3A_109, %parallel_loop3A_140 : vector<16xi32>
        tpu.vector_store_idx %arg7[%parallel_loop3A_141], %parallel_loop3A_135 masked %parallel_loop3A_100 {add = true} : memref<40960xf32, #tpu.memory_space<vmem>>[vector<16xi32>], vector<16xf32>, vector<16xi1>
      } {sc.loop_unroll_factor = 8 : i64, sc.parallel_access}
      %mul3A_58 = arith.constant 2 : i32
      %mul3A_59 = arith.muli %scan3A_23, %mul3A_58 : i32
      %add3A_60 = arith.constant 1 : i32
      %add3A_61 = arith.addi %mul3A_59, %add3A_60 : i32
      %add3A_62 = arith.constant 1 : i32
      %add3A_63 = arith.addi %add3A_61, %add3A_62 : i32
      %lt3A_64 = arith.constant 32 : i32
      %lt3A_65 = arith.cmpi slt, %add3A_63, %lt3A_64 : i32
      %convert_element_type3A_66 = arith.extui %lt3A_65 : i1 to i32
      %cond3A_67 = arith.constant 0 : i32
      %cond3A_68 = arith.cmpi ne, %convert_element_type3A_66, %cond3A_67 : i32
      scf.if %cond3A_68 {
        %mul3A_98 = arith.constant 10272 : i32
        %mul3A_99 = arith.muli %add3A_63, %mul3A_98 : i32
        %dma_start3A_100 = tpu.memref_slice %arg3[%mul3A_99] : memref<328704xi32, #tpu.memory_space<hbm>> -> memref<10272xi32, #tpu.memory_space<hbm>>
        %dma_start3A_101 = tpu.memref_slice %arg3[%mul3A_99] : memref<328704xi32, #tpu.memory_space<hbm>> -> memref<10272xi32, #tpu.memory_space<hbm>>
        tpu.enqueue_dma source(%dma_start3A_101 : memref<10272xi32, #tpu.memory_space<hbm>>) target(%arg8 : memref<10272xi32, #tpu.memory_space<vmem>>) target_semaphore(%arg11 : memref<!tpu.dma_semaphore, #tpu.memory_space<semaphore_mem>>)
      } else {
      }
      %dma_wait3A_69 = arith.constant 0 : i32
      %dma_wait3A_70 = tpu.memref_slice %arg3[%dma_wait3A_69] : memref<328704xi32, #tpu.memory_space<hbm>> -> memref<10272xi32, #tpu.memory_space<hbm>>
      %dma_wait3A_71 = arith.constant 0 : i32
      %dma_wait3A_72 = tpu.memref_slice %arg3[%dma_wait3A_71] : memref<328704xi32, #tpu.memory_space<hbm>> -> memref<10272xi32, #tpu.memory_space<hbm>>
      tpu.wait_dma2 semaphore(%arg12 : memref<!tpu.dma_semaphore, #tpu.memory_space<semaphore_mem>>) src(%dma_wait3A_72 : memref<10272xi32, #tpu.memory_space<hbm>>) dst(%arg9 : memref<10272xi32, #tpu.memory_space<vmem>>)
      %mul3A_73 = arith.constant 2 : i32
      %mul3A_74 = arith.muli %add3A_61, %mul3A_73 : i32
      %mul3A_75 = arith.constant 16 : i32
      %mul3A_76 = arith.muli %mul3A_74, %mul3A_75 : i32
      %get3A_77 = arith.index_cast %mul3A_76 : i32 to index
      %get3A_78 = tpu.vector_load %arg10[%get3A_77] {strides = array<i32>} : memref<1024xi32, #tpu.memory_space<vmem>>, vector<16xi32>,
      %mul3A_79 = arith.constant 2 : i32
      %mul3A_80 = arith.muli %add3A_61, %mul3A_79 : i32
      %mul3A_81 = arith.constant 16 : i32
      %mul3A_82 = arith.muli %mul3A_80, %mul3A_81 : i32
      %add3A_83 = arith.constant 16 : i32
      %add3A_84 = arith.addi %mul3A_82, %add3A_83 : i32
      %get3A_85 = arith.index_cast %add3A_84 : i32 to index
      %get3A_86 = tpu.vector_load %arg10[%get3A_85] {strides = array<i32>} : memref<1024xi32, #tpu.memory_space<vmem>>, vector<16xi32>,
      %reduce_max3A_87 = arith.constant true
      %reduce_max3A_88 = vector.broadcast %reduce_max3A_87 : i1 to vector<16xi1>
      %reduce_max3A_89 = arith.constant -2147483648 : i32
      %reduce_max3A_90 = vector.broadcast %reduce_max3A_89 : i32 to vector<16xi32>
      %reduce_max3A_91 = arith.xori %get3A_86, %reduce_max3A_90 : vector<16xi32>
      %reduce_max3A_92 = tpu.scan <max>, %reduce_max3A_91 masked %reduce_max3A_88 : vector<16xi32>, vector<16xi1> -> vector<16xi32>
      %reduce_max3A_93 = arith.xori %reduce_max3A_92, %reduce_max3A_90 : vector<16xi32>
      %reduce_max3A_94 = vector.extract %reduce_max3A_93[15] : i32 from vector<16xi32>
      %parallel_loop3A_95 = arith.constant 0 : i32
      %parallel_loop3A_96 = arith.constant 1 : i32
      scf.for %parallel_loop3A_98 = %parallel_loop3A_95 to %reduce_max3A_94 step %parallel_loop3A_96  : i32 {
        %parallel_loop3A_99 = vector.broadcast %parallel_loop3A_98 : i32 to vector<16xi32>
        %parallel_loop3A_100 = arith.cmpi slt, %parallel_loop3A_99, %get3A_86 : vector<16xi32>
        %parallel_loop3A_101 = vector.broadcast %parallel_loop3A_98 : i32 to vector<16xi32>
        %parallel_loop3A_102 = arith.addi %get3A_78, %parallel_loop3A_101 : vector<16xi32>
        %parallel_loop3A_103 = tpu.vector_load_idx %arg9[%parallel_loop3A_102] masked %parallel_loop3A_100 : memref<10272xi32, #tpu.memory_space<vmem>>[vector<16xi32>], vector<16xi32>, vector<16xi1>
        %parallel_loop3A_104 = arith.constant 16383 : i32
        %parallel_loop3A_105 = vector.broadcast %parallel_loop3A_104 : i32 to vector<16xi32>
        %parallel_loop3A_106 = arith.andi %parallel_loop3A_103, %parallel_loop3A_105 : vector<16xi32>
        %parallel_loop3A_107 = arith.constant 14 : i32
        %parallel_loop3A_108 = vector.broadcast %parallel_loop3A_107 : i32 to vector<16xi32>
        %parallel_loop3A_109 = arith.shrui %parallel_loop3A_103, %parallel_loop3A_108 : vector<16xi32>
        %parallel_loop3A_110 = arith.constant 0 : i32
        %parallel_loop3A_111 = vector.broadcast %parallel_loop3A_110 : i32 to vector<16xi32>
        %parallel_loop3A_112 = arith.addi %parallel_loop3A_106, %parallel_loop3A_111 : vector<16xi32>
        %parallel_loop3A_113 = tpu.vector_load_idx %arg6[%parallel_loop3A_112] masked %parallel_loop3A_100 : memref<20480xi32, #tpu.memory_space<vmem>>[vector<16xi32>], vector<16xi32>, vector<16xi1>
        %parallel_loop3A_114 = arith.constant 16 : i32
        %parallel_loop3A_115 = vector.broadcast %parallel_loop3A_114 : i32 to vector<16xi32>
        %parallel_loop3A_116 = arith.shli %parallel_loop3A_113, %parallel_loop3A_115 : vector<16xi32>
        %parallel_loop3A_117 = vector.bitcast %parallel_loop3A_116 : vector<16xi32> to vector<16xf32>
        %parallel_loop3A_118 = arith.andi %parallel_loop3A_113, %broadcast_in_dim3A_9 : vector<16xi32>
        %parallel_loop3A_119 = vector.bitcast %parallel_loop3A_118 : vector<16xi32> to vector<16xf32>
        %parallel_loop3A_120 = arith.constant 0 : i32
        %parallel_loop3A_121 = vector.broadcast %parallel_loop3A_120 : i32 to vector<16xi32>
        %parallel_loop3A_122 = arith.addi %parallel_loop3A_109, %parallel_loop3A_121 : vector<16xi32>
        tpu.vector_store_idx %arg7[%parallel_loop3A_122], %parallel_loop3A_117 masked %parallel_loop3A_100 {add = true} : memref<40960xf32, #tpu.memory_space<vmem>>[vector<16xi32>], vector<16xf32>, vector<16xi1>
        %parallel_loop3A_123 = arith.constant 10240 : i32
        %parallel_loop3A_124 = vector.broadcast %parallel_loop3A_123 : i32 to vector<16xi32>
        %parallel_loop3A_125 = arith.addi %parallel_loop3A_109, %parallel_loop3A_124 : vector<16xi32>
        tpu.vector_store_idx %arg7[%parallel_loop3A_125], %parallel_loop3A_119 masked %parallel_loop3A_100 {add = true} : memref<40960xf32, #tpu.memory_space<vmem>>[vector<16xi32>], vector<16xf32>, vector<16xi1>
        %parallel_loop3A_126 = arith.constant 10240 : i32
        %parallel_loop3A_127 = vector.broadcast %parallel_loop3A_126 : i32 to vector<16xi32>
        %parallel_loop3A_128 = arith.addi %parallel_loop3A_106, %parallel_loop3A_127 : vector<16xi32>
        %parallel_loop3A_129 = tpu.vector_load_idx %arg6[%parallel_loop3A_128] masked %parallel_loop3A_100 : memref<20480xi32, #tpu.memory_space<vmem>>[vector<16xi32>], vector<16xi32>, vector<16xi1>
        %parallel_loop3A_130 = arith.constant 16 : i32
        %parallel_loop3A_131 = vector.broadcast %parallel_loop3A_130 : i32 to vector<16xi32>
        %parallel_loop3A_132 = arith.shli %parallel_loop3A_129, %parallel_loop3A_131 : vector<16xi32>
        %parallel_loop3A_133 = vector.bitcast %parallel_loop3A_132 : vector<16xi32> to vector<16xf32>
        %parallel_loop3A_134 = arith.andi %parallel_loop3A_129, %broadcast_in_dim3A_9 : vector<16xi32>
        %parallel_loop3A_135 = vector.bitcast %parallel_loop3A_134 : vector<16xi32> to vector<16xf32>
        %parallel_loop3A_136 = arith.constant 20480 : i32
        %parallel_loop3A_137 = vector.broadcast %parallel_loop3A_136 : i32 to vector<16xi32>
        %parallel_loop3A_138 = arith.addi %parallel_loop3A_109, %parallel_loop3A_137 : vector<16xi32>
        tpu.vector_store_idx %arg7[%parallel_loop3A_138], %parallel_loop3A_133 masked %parallel_loop3A_100 {add = true} : memref<40960xf32, #tpu.memory_space<vmem>>[vector<16xi32>], vector<16xf32>, vector<16xi1>
        %parallel_loop3A_139 = arith.constant 30720 : i32
        %parallel_loop3A_140 = vector.broadcast %parallel_loop3A_139 : i32 to vector<16xi32>
        %parallel_loop3A_141 = arith.addi %parallel_loop3A_109, %parallel_loop3A_140 : vector<16xi32>
        tpu.vector_store_idx %arg7[%parallel_loop3A_141], %parallel_loop3A_135 masked %parallel_loop3A_100 {add = true} : memref<40960xf32, #tpu.memory_space<vmem>>[vector<16xi32>], vector<16xf32>, vector<16xi1>
      } {sc.loop_unroll_factor = 8 : i64, sc.parallel_access}
      %scan3A_97 = arith.constant 0 : i32
      scf.yield %scan3A_97 : i32
    }
    %scan3A_18 = arith.constant 16 : i32
    %mul3A_19 = arith.constant 4 : i32
    %mul3A_20 = arith.muli %add3A, %mul3A_19 : i32
    %mul3A_21 = arith.constant 10240 : i32
    %mul3A_22 = arith.muli %mul3A_20, %mul3A_21 : i32
    "tpu.region"() ({
      %run_scoped3A = tpu.sem_alloc : memref<!tpu.dma_semaphore, #tpu.memory_space<semaphore_mem>>
      %dma_start3A_23 = tpu.memref_slice %arg5[%mul3A_22] : memref<1310720xf32, #tpu.memory_space<hbm>> -> memref<40960xf32, #tpu.memory_space<hbm>>
      %dma_start3A_24 = tpu.memref_slice %arg5[%mul3A_22] : memref<1310720xf32, #tpu.memory_space<hbm>> -> memref<40960xf32, #tpu.memory_space<hbm>>
      tpu.enqueue_dma source(%arg7 : memref<40960xf32, #tpu.memory_space<vmem>>) target(%dma_start3A_24 : memref<40960xf32, #tpu.memory_space<hbm>>) target_semaphore(%run_scoped3A : memref<!tpu.dma_semaphore, #tpu.memory_space<semaphore_mem>>)
      %dma_wait3A = tpu.memref_slice %arg5[%mul3A_22] : memref<1310720xf32, #tpu.memory_space<hbm>> -> memref<40960xf32, #tpu.memory_space<hbm>>
      %dma_wait3A_25 = tpu.memref_slice %arg5[%mul3A_22] : memref<1310720xf32, #tpu.memory_space<hbm>> -> memref<40960xf32, #tpu.memory_space<hbm>>
      tpu.wait_dma2 semaphore(%run_scoped3A : memref<!tpu.dma_semaphore, #tpu.memory_space<semaphore_mem>>) src(%arg7 : memref<40960xf32, #tpu.memory_space<vmem>>) dst(%dma_wait3A_25 : memref<40960xf32, #tpu.memory_space<hbm>>)
      tpu.yield
    }) : () -> ()
    return
  }
}

module attributes {stable_mosaic.version = 14 : i64} {
  func.func @_tc1_body(%arg0: i32, %arg1: memref<1280x128xf32, #tpu.memory_space<vmem>>, %arg2: memref<128x128xf32, #tpu.memory_space<vmem>>, %arg3: memref<2x32x1280xf32, #tpu.memory_space<vmem>>, %arg4: memref<64x1280xi32, #tpu.memory_space<vmem>>, %arg5: memref<1x1280xf32, #tpu.memory_space<vmem>>, %arg6: memref<1x1280xf32, #tpu.memory_space<vmem>>) attributes {dimension_semantics = [#tpu.dimension_semantics<arbitrary>], iteration_bounds = array<i64: 8>, scalar_prefetch = 0 : i64, scratch_operands = 0 : i64, tpu.core_type = #tpu.core_type<tc>, window_params = [{transform_indices = @transform_0, window_bounds = array<i64: 1280, 128>}, {pipeline_mode = #tpu.pipeline_mode<synchronous>, transform_indices = @transform_1, window_bounds = array<i64: 128, 128>}, {transform_indices = @transform_2, window_bounds = array<i64: 2, 32, 1280>}, {transform_indices = @transform_3, window_bounds = array<i64: 64, 1280>}, {transform_indices = @transform_4, window_bounds = array<i64: 1, 1280>}, {transform_indices = @transform_5, window_bounds = array<i64: 1, 1280>}]} {
    %get3A = arith.constant 0 : index
    %get3A_0 = arith.constant 0 : index
    %get3A_1 = arith.constant 0 : index
    %get3A_2 = vector.load %arg3[%get3A, %get3A_0, %get3A_1] : memref<2x32x1280xf32, #tpu.memory_space<vmem>>, vector<2x32x1280xf32>
    %reduce_sum3A = arith.constant dense<0.000000e+00> : vector<2x1280xf32>
    %reduce_sum3A_3 = vector.multi_reduction <add>, %get3A_2, %reduce_sum3A [1] : vector<2x32x1280xf32> to vector<2x1280xf32>
    %slice3A = vector.extract_strided_slice %reduce_sum3A_3 {offsets = [0, 0], sizes = [1, 1280], strides = [1, 1]} : vector<2x1280xf32> to vector<1x1280xf32>
    %max3A = arith.constant 1.000000e+00 : f32
    %max3A_4 = vector.broadcast %max3A : f32 to vector<1x1280xf32>
    %max3A_5 = arith.maximumf %slice3A, %max3A_4 : vector<1x1280xf32>
    %rsqrt3A = math.rsqrt %max3A_5 : vector<1x1280xf32>
    %slice3A_6 = vector.extract_strided_slice %reduce_sum3A_3 {offsets = [1, 0], sizes = [1, 1280], strides = [1, 1]} : vector<2x1280xf32> to vector<1x1280xf32>
    %max3A_7 = arith.constant 1.000000e+00 : f32
    %max3A_8 = vector.broadcast %max3A_7 : f32 to vector<1x1280xf32>
    %max3A_9 = arith.maximumf %slice3A_6, %max3A_8 : vector<1x1280xf32>
    %rsqrt3A_10 = math.rsqrt %max3A_9 : vector<1x1280xf32>
    %get3A_11 = arith.constant 0 : index
    %get3A_12 = arith.constant 0 : index
    %get3A_13 = vector.load %arg2[%get3A_11, %get3A_12] : memref<128x128xf32, #tpu.memory_space<vmem>>, vector<128x128xf32>
    %get3A_14 = arith.constant 0 : index
    %get3A_15 = arith.constant 0 : index
    %get3A_16 = vector.load %arg1[%get3A_14, %get3A_15] : memref<1280x128xf32, #tpu.memory_space<vmem>>, vector<1280x128xf32>
    %dot_general3A = arith.constant dense<0.000000e+00> : vector<128x1280xf32>
    %dot_general3A_17 = tpu.matmul %get3A_13, %get3A_16, %dot_general3A {dimension_numbers = #tpu.dot_dimension_numbers<[0], [1], [1], [0], [0, 1, 1, 0], [], []>, transpose_lhs_hint = false} : vector<128x128xf32>, vector<1280x128xf32>, vector<128x1280xf32> -> vector<128x1280xf32>
    %mul3A = vector.broadcast %rsqrt3A : vector<1x1280xf32> to vector<128x1280xf32>
    %mul3A_18 = arith.mulf %dot_general3A_17, %mul3A : vector<128x1280xf32>
    %slice3A_19 = vector.extract_strided_slice %mul3A_18 {offsets = [0, 0], sizes = [64, 1280], strides = [1, 1]} : vector<128x1280xf32> to vector<64x1280xf32>
    %bitcast_convert_type3A = tpu.bitcast %slice3A_19 : vector<64x1280xf32> -> vector<64x1280xi32>
    %slice3A_20 = vector.extract_strided_slice %mul3A_18 {offsets = [64, 0], sizes = [64, 1280], strides = [1, 1]} : vector<128x1280xf32> to vector<64x1280xf32>
    %bitcast_convert_type3A_21 = tpu.bitcast %slice3A_20 : vector<64x1280xf32> -> vector<64x1280xi32>
    %add3A = arith.constant 32768 : i32
    %add3A_22 = vector.broadcast %add3A : i32 to vector<64x1280xi32>
    %add3A_23 = arith.addi %bitcast_convert_type3A, %add3A_22 : vector<64x1280xi32>
    %shift_right_logical3A = arith.constant 16 : i32
    %shift_right_logical3A_24 = vector.broadcast %shift_right_logical3A : i32 to vector<64x1280xi32>
    %shift_right_logical3A_25 = arith.shrui %add3A_23, %shift_right_logical3A_24 : vector<64x1280xi32>
    %add3A_26 = arith.constant 32768 : i32
    %add3A_27 = vector.broadcast %add3A_26 : i32 to vector<64x1280xi32>
    %add3A_28 = arith.addi %bitcast_convert_type3A_21, %add3A_27 : vector<64x1280xi32>
    %and3A = arith.constant -65536 : i32
    %and3A_29 = vector.broadcast %and3A : i32 to vector<64x1280xi32>
    %and3A_30 = arith.andi %add3A_28, %and3A_29 : vector<64x1280xi32>
    %or3A = arith.ori %shift_right_logical3A_25, %and3A_30 : vector<64x1280xi32>
    %swap3A = arith.constant 0 : index
    %swap3A_31 = arith.constant 0 : index
    %swap3A_32 = vector.load %arg4[%swap3A, %swap3A_31] : memref<64x1280xi32, #tpu.memory_space<vmem>>, vector<64x1280xi32>
    tpu.vector_store %arg4[%swap3A, %swap3A_31], %or3A {strides = array<i32>} : memref<64x1280xi32, #tpu.memory_space<vmem>>, vector<64x1280xi32>,
    %swap3A_33 = arith.constant 0 : index
    %swap3A_34 = arith.constant 0 : index
    %swap3A_35 = vector.load %arg5[%swap3A_33, %swap3A_34] : memref<1x1280xf32, #tpu.memory_space<vmem>>, vector<1x1280xf32>
    tpu.vector_store %arg5[%swap3A_33, %swap3A_34], %rsqrt3A {strides = array<i32>} : memref<1x1280xf32, #tpu.memory_space<vmem>>, vector<1x1280xf32>,
    %swap3A_36 = arith.constant 0 : index
    %swap3A_37 = arith.constant 0 : index
    %swap3A_38 = vector.load %arg6[%swap3A_36, %swap3A_37] : memref<1x1280xf32, #tpu.memory_space<vmem>>, vector<1x1280xf32>
    tpu.vector_store %arg6[%swap3A_36, %swap3A_37], %rsqrt3A_10 {strides = array<i32>} : memref<1x1280xf32, #tpu.memory_space<vmem>>, vector<1x1280xf32>,
    return
  }
  func.func @transform_0(%arg0: i32) -> (i32, i32) {
    %c0_i32 = arith.constant 0 : i32
    %c0_i32_0 = arith.constant 0 : i32
    return %arg0, %c0_i32 : i32, i32
  }
  func.func @transform_1(%arg0: i32) -> (i32, i32) {
    %c0_i32 = arith.constant 0 : i32
    %c0_i32_0 = arith.constant 0 : i32
    %c0_i32_1 = arith.constant 0 : i32
    return %c0_i32, %c0_i32_0 : i32, i32
  }
  func.func @transform_2(%arg0: i32) -> (i32, i32, i32) {
    %c0_i32 = arith.constant 0 : i32
    %c0_i32_0 = arith.constant 0 : i32
    %c0_i32_1 = arith.constant 0 : i32
    return %c0_i32, %c0_i32_0, %arg0 : i32, i32, i32
  }
  func.func @transform_3(%arg0: i32) -> (i32, i32) {
    %c0_i32 = arith.constant 0 : i32
    %c0_i32_0 = arith.constant 0 : i32
    return %c0_i32, %arg0 : i32, i32
  }
  func.func @transform_4(%arg0: i32) -> (i32, i32) {
    %c0_i32 = arith.constant 0 : i32
    %c0_i32_0 = arith.constant 0 : i32
    return %c0_i32, %arg0 : i32, i32
  }
  func.func @transform_5(%arg0: i32) -> (i32, i32) {
    %c0_i32 = arith.constant 0 : i32
    %c0_i32_0 = arith.constant 0 : i32
    return %c0_i32, %arg0 : i32, i32
  }
}

module attributes {stable_mosaic.version = 14 : i64} {
  func.func @_tc_mid_body(%arg0: i32, %arg1: memref<128x1280xf32, #tpu.memory_space<vmem>>, %arg2: memref<1x1280xf32, #tpu.memory_space<vmem>>, %arg3: memref<1x1280xf32, #tpu.memory_space<vmem>>, %arg4: memref<128x1xf32, #tpu.memory_space<vmem>>, %arg5: memref<128x128xf32, #tpu.memory_space<vmem>>, %arg6: memref<64x1280xi32, #tpu.memory_space<vmem>>) attributes {dimension_semantics = [#tpu.dimension_semantics<arbitrary>], iteration_bounds = array<i64: 8>, scalar_prefetch = 0 : i64, scratch_operands = 0 : i64, tpu.core_type = #tpu.core_type<tc>, window_params = [{transform_indices = @transform_0, window_bounds = array<i64: 128, 1280>}, {transform_indices = @transform_1, window_bounds = array<i64: 1, 1280>}, {transform_indices = @transform_2, window_bounds = array<i64: 1, 1280>}, {pipeline_mode = #tpu.pipeline_mode<synchronous>, transform_indices = @transform_3, window_bounds = array<i64: 128, 1>}, {pipeline_mode = #tpu.pipeline_mode<synchronous>, transform_indices = @transform_4, window_bounds = array<i64: 128, 128>}, {transform_indices = @transform_5, window_bounds = array<i64: 64, 1280>}]} {
    %get3A = arith.constant 0 : index
    %get3A_0 = arith.constant 0 : index
    %get3A_1 = vector.load %arg1[%get3A, %get3A_0] : memref<128x1280xf32, #tpu.memory_space<vmem>>, vector<128x1280xf32>
    %get3A_2 = arith.constant 0 : index
    %get3A_3 = arith.constant 0 : index
    %get3A_4 = vector.load %arg2[%get3A_2, %get3A_3] : memref<1x1280xf32, #tpu.memory_space<vmem>>, vector<1x1280xf32>
    %mul3A = vector.broadcast %get3A_4 : vector<1x1280xf32> to vector<128x1280xf32>
    %mul3A_5 = arith.mulf %get3A_1, %mul3A : vector<128x1280xf32>
    %get3A_6 = arith.constant 0 : index
    %get3A_7 = arith.constant 0 : index
    %get3A_8 = vector.load %arg4[%get3A_6, %get3A_7] : memref<128x1xf32, #tpu.memory_space<vmem>>, vector<128x1xf32>
    %add3A = vector.broadcast %get3A_8 : vector<128x1xf32> to vector<128x1280xf32>
    %add3A_9 = arith.addf %mul3A_5, %add3A : vector<128x1280xf32>
    %max3A = arith.constant 0.000000e+00 : f32
    %max3A_10 = vector.broadcast %max3A : f32 to vector<128x1280xf32>
    %max3A_11 = arith.maximumf %add3A_9, %max3A_10 : vector<128x1280xf32>
    %get3A_12 = arith.constant 0 : index
    %get3A_13 = arith.constant 0 : index
    %get3A_14 = vector.load %arg5[%get3A_12, %get3A_13] : memref<128x128xf32, #tpu.memory_space<vmem>>, vector<128x128xf32>
    %dot_general3A = arith.constant dense<0.000000e+00> : vector<128x1280xf32>
    %dot_general3A_15 = tpu.matmul %get3A_14, %max3A_11, %dot_general3A {dimension_numbers = #tpu.dot_dimension_numbers<[0], [0], [1], [1], [0, 1, 1, 1], [], []>, transpose_lhs_hint = false} : vector<128x128xf32>, vector<128x1280xf32>, vector<128x1280xf32> -> vector<128x1280xf32>
    %get3A_16 = arith.constant 0 : index
    %get3A_17 = arith.constant 0 : index
    %get3A_18 = vector.load %arg3[%get3A_16, %get3A_17] : memref<1x1280xf32, #tpu.memory_space<vmem>>, vector<1x1280xf32>
    %mul3A_19 = vector.broadcast %get3A_18 : vector<1x1280xf32> to vector<128x1280xf32>
    %mul3A_20 = arith.mulf %dot_general3A_15, %mul3A_19 : vector<128x1280xf32>
    %slice3A = vector.extract_strided_slice %mul3A_20 {offsets = [0, 0], sizes = [64, 1280], strides = [1, 1]} : vector<128x1280xf32> to vector<64x1280xf32>
    %bitcast_convert_type3A = tpu.bitcast %slice3A : vector<64x1280xf32> -> vector<64x1280xi32>
    %slice3A_21 = vector.extract_strided_slice %mul3A_20 {offsets = [64, 0], sizes = [64, 1280], strides = [1, 1]} : vector<128x1280xf32> to vector<64x1280xf32>
    %bitcast_convert_type3A_22 = tpu.bitcast %slice3A_21 : vector<64x1280xf32> -> vector<64x1280xi32>
    %add3A_23 = arith.constant 32768 : i32
    %add3A_24 = vector.broadcast %add3A_23 : i32 to vector<64x1280xi32>
    %add3A_25 = arith.addi %bitcast_convert_type3A, %add3A_24 : vector<64x1280xi32>
    %shift_right_logical3A = arith.constant 16 : i32
    %shift_right_logical3A_26 = vector.broadcast %shift_right_logical3A : i32 to vector<64x1280xi32>
    %shift_right_logical3A_27 = arith.shrui %add3A_25, %shift_right_logical3A_26 : vector<64x1280xi32>
    %add3A_28 = arith.constant 32768 : i32
    %add3A_29 = vector.broadcast %add3A_28 : i32 to vector<64x1280xi32>
    %add3A_30 = arith.addi %bitcast_convert_type3A_22, %add3A_29 : vector<64x1280xi32>
    %and3A = arith.constant -65536 : i32
    %and3A_31 = vector.broadcast %and3A : i32 to vector<64x1280xi32>
    %and3A_32 = arith.andi %add3A_30, %and3A_31 : vector<64x1280xi32>
    %or3A = arith.ori %shift_right_logical3A_27, %and3A_32 : vector<64x1280xi32>
    %swap3A = arith.constant 0 : index
    %swap3A_33 = arith.constant 0 : index
    %swap3A_34 = vector.load %arg6[%swap3A, %swap3A_33] : memref<64x1280xi32, #tpu.memory_space<vmem>>, vector<64x1280xi32>
    tpu.vector_store %arg6[%swap3A, %swap3A_33], %or3A {strides = array<i32>} : memref<64x1280xi32, #tpu.memory_space<vmem>>, vector<64x1280xi32>,
    return
  }
  func.func @transform_0(%arg0: i32) -> (i32, i32) {
    %c0_i32 = arith.constant 0 : i32
    %c0_i32_0 = arith.constant 0 : i32
    return %c0_i32, %arg0 : i32, i32
  }
  func.func @transform_1(%arg0: i32) -> (i32, i32) {
    %c0_i32 = arith.constant 0 : i32
    %c0_i32_0 = arith.constant 0 : i32
    return %c0_i32, %arg0 : i32, i32
  }
  func.func @transform_2(%arg0: i32) -> (i32, i32) {
    %c0_i32 = arith.constant 0 : i32
    %c0_i32_0 = arith.constant 0 : i32
    return %c0_i32, %arg0 : i32, i32
  }
  func.func @transform_3(%arg0: i32) -> (i32, i32) {
    %c0_i32 = arith.constant 0 : i32
    %c0_i32_0 = arith.constant 0 : i32
    %c0_i32_1 = arith.constant 0 : i32
    return %c0_i32, %c0_i32_0 : i32, i32
  }
  func.func @transform_4(%arg0: i32) -> (i32, i32) {
    %c0_i32 = arith.constant 0 : i32
    %c0_i32_0 = arith.constant 0 : i32
    %c0_i32_1 = arith.constant 0 : i32
    return %c0_i32, %c0_i32_0 : i32, i32
  }
  func.func @transform_5(%arg0: i32) -> (i32, i32) {
    %c0_i32 = arith.constant 0 : i32
    %c0_i32_0 = arith.constant 0 : i32
    return %c0_i32, %arg0 : i32, i32
  }
}

module attributes {stable_mosaic.version = 14 : i64} {
  func.func @_tc_fin_body(%arg0: i32, %arg1: memref<128x1280xf32, #tpu.memory_space<vmem>>, %arg2: memref<1x1280xf32, #tpu.memory_space<vmem>>, %arg3: memref<128x1xf32, #tpu.memory_space<vmem>>, %arg4: memref<1x128xf32, #tpu.memory_space<vmem>>) attributes {dimension_semantics = [#tpu.dimension_semantics<arbitrary>], iteration_bounds = array<i64: 8>, scalar_prefetch = 0 : i64, scratch_operands = 0 : i64, tpu.core_type = #tpu.core_type<tc>, window_params = [{transform_indices = @transform_0, window_bounds = array<i64: 128, 1280>}, {transform_indices = @transform_1, window_bounds = array<i64: 1, 1280>}, {pipeline_mode = #tpu.pipeline_mode<synchronous>, transform_indices = @transform_2, window_bounds = array<i64: 128, 1>}, {pipeline_mode = #tpu.pipeline_mode<synchronous>, transform_indices = @transform_3, window_bounds = array<i64: 1, 128>}]} {
    %get3A = arith.constant 0 : index
    %get3A_0 = arith.constant 0 : index
    %get3A_1 = vector.load %arg1[%get3A, %get3A_0] : memref<128x1280xf32, #tpu.memory_space<vmem>>, vector<128x1280xf32>
    %get3A_2 = arith.constant 0 : index
    %get3A_3 = arith.constant 0 : index
    %get3A_4 = vector.load %arg2[%get3A_2, %get3A_3] : memref<1x1280xf32, #tpu.memory_space<vmem>>, vector<1x1280xf32>
    %mul3A = vector.broadcast %get3A_4 : vector<1x1280xf32> to vector<128x1280xf32>
    %mul3A_5 = arith.mulf %get3A_1, %mul3A : vector<128x1280xf32>
    %get3A_6 = arith.constant 0 : index
    %get3A_7 = arith.constant 0 : index
    %get3A_8 = vector.load %arg3[%get3A_6, %get3A_7] : memref<128x1xf32, #tpu.memory_space<vmem>>, vector<128x1xf32>
    %add3A = vector.broadcast %get3A_8 : vector<128x1xf32> to vector<128x1280xf32>
    %add3A_9 = arith.addf %mul3A_5, %add3A : vector<128x1280xf32>
    %max3A = arith.constant 0.000000e+00 : f32
    %max3A_10 = vector.broadcast %max3A : f32 to vector<128x1280xf32>
    %max3A_11 = arith.maximumf %add3A_9, %max3A_10 : vector<128x1280xf32>
    %iota3A = tpu.iota {dimensions = array<i32: 1>} : vector<1x1280xi32>
    %mul3A_12 = arith.constant 1280 : i32
    %mul3A_13 = arith.muli %arg0, %mul3A_12 : i32
    %add3A_14 = vector.broadcast %mul3A_13 : i32 to vector<1x1280xi32>
    %add3A_15 = arith.addi %iota3A, %add3A_14 : vector<1x1280xi32>
    %lt3A = arith.constant 10000 : i32
    %lt3A_16 = vector.broadcast %lt3A : i32 to vector<1x1280xi32>
    %lt3A_17 = arith.cmpi slt, %add3A_15, %lt3A_16 : vector<1x1280xi32>
    %jit3A = arith.constant 0.000000e+00 : f32
    %broadcast_in_dim3A = vector.shape_cast %lt3A_17 : vector<1x1280xi1> to vector<1x1280xi1>
    %broadcast_in_dim3A_18 = vector.broadcast %broadcast_in_dim3A : vector<1x1280xi1> to vector<128x1280xi1>
    %broadcast_in_dim3A_19 = vector.broadcast %jit3A : f32 to vector<128x1280xf32>
    %select_n3A = arith.select %broadcast_in_dim3A_18, %max3A_11, %broadcast_in_dim3A_19 : vector<128x1280xi1>, vector<128x1280xf32>
    %reduce_sum3A = arith.constant dense<0.000000e+00> : vector<128xf32>
    %reduce_sum3A_20 = vector.multi_reduction <add>, %select_n3A, %reduce_sum3A [1] : vector<128x1280xf32> to vector<128xf32>
    %eq3A = arith.constant 0 : i32
    %eq3A_21 = arith.cmpi eq, %arg0, %eq3A : i32
    %convert_element_type3A = arith.extui %eq3A_21 : i1 to i32
    %cond3A = arith.constant 0 : i32
    %cond3A_22 = arith.cmpi ne, %convert_element_type3A, %cond3A : i32
    scf.if %cond3A_22 {
      %broadcast_in_dim3A_35 = arith.constant 0.000000e+00 : f32
      %broadcast_in_dim3A_36 = vector.broadcast %broadcast_in_dim3A_35 : f32 to vector<1x128xf32>
      %swap3A_37 = arith.constant 0 : index
      %swap3A_38 = arith.constant 0 : index
      %swap3A_39 = vector.load %arg4[%swap3A_37, %swap3A_38] : memref<1x128xf32, #tpu.memory_space<vmem>>, vector<1x128xf32>
      tpu.vector_store %arg4[%swap3A_37, %swap3A_38], %broadcast_in_dim3A_36 {strides = array<i32>} : memref<1x128xf32, #tpu.memory_space<vmem>>, vector<1x128xf32>,
    } else {
    }
    %get3A_23 = arith.constant 0 : index
    %get3A_24 = arith.constant 0 : index
    %get3A_25 = vector.load %arg4[%get3A_23, %get3A_24] : memref<1x128xf32, #tpu.memory_space<vmem>>, vector<1x128xf32>
    %broadcast_in_dim3A_26 = vector.shape_cast %reduce_sum3A_20 : vector<128xf32> to vector<1x128xf32>
    %add3A_27 = arith.addf %get3A_25, %broadcast_in_dim3A_26 : vector<1x128xf32>
    %swap3A = arith.constant 0 : index
    %swap3A_28 = arith.constant 0 : index
    %swap3A_29 = vector.load %arg4[%swap3A, %swap3A_28] : memref<1x128xf32, #tpu.memory_space<vmem>>, vector<1x128xf32>
    tpu.vector_store %arg4[%swap3A, %swap3A_28], %add3A_27 {strides = array<i32>} : memref<1x128xf32, #tpu.memory_space<vmem>>, vector<1x128xf32>,
    %eq3A_30 = arith.constant 7 : i32
    %eq3A_31 = arith.cmpi eq, %arg0, %eq3A_30 : i32
    %convert_element_type3A_32 = arith.extui %eq3A_31 : i1 to i32
    %cond3A_33 = arith.constant 0 : i32
    %cond3A_34 = arith.cmpi ne, %convert_element_type3A_32, %cond3A_33 : i32
    scf.if %cond3A_34 {
      %get3A_35 = arith.constant 0 : index
      %get3A_36 = arith.constant 0 : index
      %get3A_37 = vector.load %arg4[%get3A_35, %get3A_36] : memref<1x128xf32, #tpu.memory_space<vmem>>, vector<1x128xf32>
      %mul3A_38 = arith.constant 9.99999974E-5 : f32
      %mul3A_39 = vector.broadcast %mul3A_38 : f32 to vector<1x128xf32>
      %mul3A_40 = arith.mulf %get3A_37, %mul3A_39 : vector<1x128xf32>
      %swap3A_41 = arith.constant 0 : index
      %swap3A_42 = arith.constant 0 : index
      %swap3A_43 = vector.load %arg4[%swap3A_41, %swap3A_42] : memref<1x128xf32, #tpu.memory_space<vmem>>, vector<1x128xf32>
      tpu.vector_store %arg4[%swap3A_41, %swap3A_42], %mul3A_40 {strides = array<i32>} : memref<1x128xf32, #tpu.memory_space<vmem>>, vector<1x128xf32>,
    } else {
    }
    return
  }
  func.func @transform_0(%arg0: i32) -> (i32, i32) {
    %c0_i32 = arith.constant 0 : i32
    %c0_i32_0 = arith.constant 0 : i32
    return %c0_i32, %arg0 : i32, i32
  }
  func.func @transform_1(%arg0: i32) -> (i32, i32) {
    %c0_i32 = arith.constant 0 : i32
    %c0_i32_0 = arith.constant 0 : i32
    return %c0_i32, %arg0 : i32, i32
  }
  func.func @transform_2(%arg0: i32) -> (i32, i32) {
    %c0_i32 = arith.constant 0 : i32
    %c0_i32_0 = arith.constant 0 : i32
    %c0_i32_1 = arith.constant 0 : i32
    return %c0_i32, %c0_i32_0 : i32, i32
  }
  func.func @transform_3(%arg0: i32) -> (i32, i32) {
    %c0_i32 = arith.constant 0 : i32
    %c0_i32_0 = arith.constant 0 : i32
    %c0_i32_1 = arith.constant 0 : i32
    return %c0_i32, %c0_i32_0 : i32, i32
  }
}

</mosaic_0001>

<sc_bundles>
// kernel: kernel.10.cloned.1.call-start
scs
__scs_entry_jumppad:
0x0: {  	(pc) =	sbr.rel $0x88, $3  }
0x1: {  	(tag) =	ssettag $0x0;
	lr =	simm.s32 $0x1  }
0x2: {  	[smem:$0x3F99] =	sst lr;
	_ =	strace $0xD0000000  }
0x3: {  	_ = 	snop  }
0x4: {  	_ = 	snop  }
0x5: {  	_ = 	snop  }
0x6: {  	_ = 	snop  }
0x7: {  	_ = 	snop  }
__scs_overlays_trampoline_lowered:
0x8: {  	[smem:$0x3FA8] =	sst s0  }
0x9: {  	[smem:$0x3FA9] =	sst s1  }
0xa: {  	[smem:$0x3FAA] =	sst s2  }
0xb: {  	[smem:$0x3FAB] =	sst s3  }
0xc: {  	[smem:$0x3FAC] =	sst s4  }
0xd: {  	[smem:$0x3FAD] =	sst s5  }
0xe: {  	[smem:$0x3FAE] =	sst s6  }
0xf: {  	[smem:$0x3FAF] =	sst s7  }
0x10: {  	[smem:$0x3FB0] =	sst s8  }
0x11: {  	[smem:$0x3FB1] =	sst s9;
	s0 =	simm.s32 @!p0 $0x0  }
0x12: {  	s1 =	sld [smem:$0x3F97];
	s0 =	simm.s32 @p0 $0x1  }
0x13: {  	[smem:$0x3FB2] =	sst s0;
	s0 =	simm.s32 @!p1 $0x0  }
0x14: {  	s2 =	sld [smem:$0x3F96];
	s0 =	simm.s32 @p1 $0x1  }
0x15: {  	[smem:$0x3FB3] =	sst s0;
	s0 =	simm.s32 @!p2 $0x0  }
0x16: {  	s3 =	sld [smem:$0x3FDB];
	s0 =	simm.s32 @p2 $0x1  }
0x17: {  	s4 =	simm.s32 $0x1BF5;
	[smem:$0x3FB5] =	sst s0  }
0x18: {  	s0 =	sld [smem:$0x3F98];
	_ =	swait.ge [sflag:s4], $0x0  }
0x19: {  	s7 =	sld [smem:$0x3F99]  }
0x1a: {  	s8 =	sadd.s32 $0xFFFFE003, lr  }
0x1b: {  	s9 =	sadd.s32 $0xFFFFFEF7, lr;
	s5 =	simm.s32 $0xFFFFFFFF;
	p2 =	slt.u32 s8, $0xFFFFF086  }
0x1c: {  	p1 =	slt.u32 s9, $0xF7A;
	s5 =	simm.s32 @!p2 $0x0  }
0x1d: {  	s5 =	simm.s32 @p1 $0x1;
	p0 =	seq.s32 s7, s2  }
0x1e: {  	s7 =	smul.u32 @!p0 $0xF7A, s2;
	p2 =	seq.s32 @!p0 s5, $0x0  }
0x1f: {  	s9 =	smul.u32 $0xF7A, s1;
	s8 =	simm.s32 @!p0 $0x1BF5;
	p2 =	por !p2, p0  }
0x20: {  	[sflag:s8] =	ssyncset.s32 @!p0 $0xFFFFF086;
	s6 =	sadd.s32 @!p0 s3, s7;
	s7 =	simm.s32 @!p0 $0x108  }
0x21: {  	s3 =	sadd.s32 s3, s9;
	s6 =	sadd.s32 @!p0 $0x88, s6;
	s7 =	simm.s32 @p2 $0x1082  }
0x22: {  	[simem:s7], [sflag:s8] =	dma.local @!p0 [hbm:s6], $0xF7A  }
0x23: {  	s9 =	sor.u32 $0xD0000000, s2;
	s6 =	simm.s32 $0x108;
	_ =	swait.ge @!p0 [sflag:s8], $0x0  }
0x24: {  	s3 =	sadd.s32 $0x88, s3;
	s6 =	simm.s32 @!p1 $0x1082;
	[sflag:s4] =	ssyncset.s32 $0xFFFFF086  }
0x25: {  	[simem:s6], [sflag:s4] =	dma.local [hbm:s3], $0xF7A  }
0x26: {  	[smem:$0x3F99] =	sst s1;
	(tag) =	ssettag s2;
	_ =	strace s9  }
0x27: {  	s1 =	sld [smem:$0x3FA9]  }
0x28: {  	s2 =	sld [smem:$0x3FAA]  }
0x29: {  	s4 =	sld [smem:$0x3FAC]  }
0x2a: {  	p0 =	seq.s32 s5, $0x0;
	s5 =	sld [smem:$0x3FAD]  }
0x2b: {  	s6 =	sld [smem:$0x3FAE]  }
0x2c: {  	s7 =	sld [smem:$0x3FAF]  }
0x2d: {  	s3 =	simm.s32 $0x108;
	s8 =	sld [smem:$0x3FB0]  }
0x2e: {  	s3 =	simm.s32 @!p0 $0x1082;
	s9 =	sld [smem:$0x3FB1]  }
0x2f: {  	lr =	sadd.s32 s0, s3;
	s0 =	sld [smem:$0x3FA8]  }
0x30: {  	s3 =	sld [smem:$0x3FAB]  }
0x31: {  	[smem:$0x3FB4] =	sst s10  }
0x32: {  	s10 =	sld [smem:$0x3FB2];
	_ =	sdelay $0x3  }
0x33: {  	p0 =	seq.s32 s10, $0x1;
	s10 =	sld [smem:$0x3FB4];
	_ =	sdelay $0x3  }
0x34: {  	[smem:$0x3FB4] =	sst s10  }
0x35: {  	s10 =	sld [smem:$0x3FB3];
	_ =	sdelay $0x3  }
0x36: {  	p1 =	seq.s32 s10, $0x1;
	s10 =	sld [smem:$0x3FB4];
	_ =	sdelay $0x3  }
0x37: {  	[smem:$0x3FB4] =	sst s10  }
0x38: {  	s10 =	sld [smem:$0x3FB5]  }
0x39: {  	_ = 	snop;
	(pc) =	sbr.ind lr, $3  }
0x3a: {  	_ = 	snop  }
0x3b: {  	_ = 	snop  }
0x3c: {  	p2 =	seq.s32 s10, $0x1;
	s10 =	sld [smem:$0x3FB4]  }
0x3d: {  	_ =	shalt  }
0x3e: {  	_ =	shalt  }
0x3f: {  	_ =	shalt  }
0x40: {  	_ =	shalt  }
0x41: {  	_ =	shalt  }
0x42: {  	_ =	shalt  }
0x43: {  	_ =	shalt  }
0x44: {  	_ =	shalt  }
0x45: {  	_ =	shalt  }
0x46: {  	_ =	shalt  }
0x47: {  	_ =	shalt  }
0x48: {  	_ =	shalt  }
0x49: {  	_ =	shalt  }
0x4a: {  	_ =	shalt  }
0x4b: {  	_ =	shalt  }
0x4c: {  	_ =	shalt  }
0x4d: {  	_ =	shalt  }
0x4e: {  	_ =	shalt  }
0x4f: {  	_ =	shalt  }
0x50: {  	_ =	shalt  }
0x51: {  	_ =	shalt  }
0x52: {  	_ =	shalt  }
0x53: {  	_ =	shalt  }
0x54: {  	_ =	shalt  }
0x55: {  	_ =	shalt  }
0x56: {  	_ =	shalt  }
0x57: {  	_ =	shalt  }
0x58: {  	_ =	shalt  }
0x59: {  	_ =	shalt  }
0x5a: {  	_ =	shalt  }
0x5b: {  	_ =	shalt  }
0x5c: {  	_ =	shalt  }
0x5d: {  	_ =	shalt  }
0x5e: {  	_ =	shalt  }
0x5f: {  	_ =	shalt  }
0x60: {  	_ =	shalt  }
0x61: {  	_ =	shalt  }
0x62: {  	_ =	shalt  }
0x63: {  	_ =	shalt  }
0x64: {  	_ =	shalt  }
0x65: {  	_ =	shalt  }
0x66: {  	_ =	shalt  }
0x67: {  	_ =	shalt  }
0x68: {  	_ =	shalt  }
0x69: {  	_ =	shalt  }
0x6a: {  	_ =	shalt  }
0x6b: {  	_ =	shalt  }
0x6c: {  	_ =	shalt  }
0x6d: {  	_ =	shalt  }
0x6e: {  	_ =	shalt  }
0x6f: {  	_ =	shalt  }
0x70: {  	_ =	shalt  }
0x71: {  	_ =	shalt  }
0x72: {  	_ =	shalt  }
0x73: {  	_ =	shalt  }
0x74: {  	_ =	shalt  }
0x75: {  	_ =	shalt  }
0x76: {  	_ =	shalt  }
0x77: {  	_ =	shalt  }
0x78: {  	_ =	shalt  }
0x79: {  	_ =	shalt  }
0x7a: {  	_ =	shalt  }
0x7b: {  	_ =	shalt  }
0x7c: {  	_ =	shalt  }
0x7d: {  	_ =	shalt  }
0x7e: {  	_ =	shalt  }
0x7f: {  	_ =	shalt  }
0x80: {  	_ =	shalt  }
0x81: {  	_ =	shalt  }
0x82: {  	_ =	shalt  }
0x83: {  	_ =	shalt  }
0x84: {  	_ =	shalt  }
0x85: {  	_ =	shalt  }
0x86: {  	_ =	shalt  }
0x87: {  	_ =	shalt  }
.Lfunc_end0:
.L_simem_size_0:
called_computation_lowered:
.L_overlay_start_0:
0x88: {  	s2 =	sld [smem:$0x3FD9]  }
0x89: {  	s3 =	sld [smem:$0x3FFE];
	_ =	sdelay $0x1  }
0x8a: {  	s1 =	srdreg.scid  }
0x8b: {  	s0 =	sand.u32 $0x1, s1  }
0x8c: {  	s16 =	sshll.u32 s0, $0xA;
	s2 =	sadd.s32 s3, s2  }
0x8d: {  	s2 =	sadd.s32 s2, s16  }
0x8e: {  	[smem:$0x3FC0] =	sst s2  }
0x8f: {  	_ = 	snop  }
0x90: {  	(tm) =	ssettm $0x1  }
0x91: {  	s17 =	sld [smem:$0x3FFB];
	_ =	sdelay $0x3  }
0x92: {  	_ =	strace s17  }
0x93: {  	s2 =	sld [smem:$0x3FFC];
	_ =	sdelay $0x3  }
0x94: {  	_ =	strace s2  }
0x95: {  	s2 =	sld [smem:$0x3FFD];
	_ =	sdelay $0x3  }
0x96: {  	_ =	strace s2  }
0x97: {  	_ =	strace $0x8FFFFFFF  }
0x98: {  	s18 =	sld [smem:$0x3FDB];
	_ =	sdelay $0x1  }
0x99: {  	s19 =	simm.s32 $_scs_section_size  }
0x9a: {  	s4 =	simm.s32 $_size__tile_overlayer_lowered;
	s5 =	simm.s32 $_tile_overlayer_lowered  }
0x9b: {  	s22 =	simm.s32 $0x1BFF;
	s21 =	sshll.u32 s5, $0x1;
	s2 =	sadd.s32 s19, s18  }
0x9c: {  	s6 =	simm.s32 $0x0;
	s20 =	sshll.u32 s4, $0x1;
	s4 =	sadd.s32 s21, s2  }
0x9d: {  	[timem:s6], [sflag:s22] =	dma.local [hbm:s4], s20  }
0x9e: {  	_ =	swait.ge [sflag:s22], s20  }
0x9f: {  	s3 =	ssub.s32 $0x0, s20;
	[sflag:s22] =	ssyncset.done $0x0  }
0xa0: {  	[sflag:s22] =	ssyncadd.s32 s3;
	_ =	sdelay $0x1  }
0xa1: {  	s23 =	simm.s32 $0x1B8B  }
0xa2: {  	_ =	swait.ge [sflag:s23], $0x1  }
0xa3: {  	[sflag:s23] =	ssyncset.done $0x0  }
0xa4: {  	s25 =	simm.s32 $0x1B8E;
	s24 =	sld [smem:$0x3FFE];
	[sflag:s23] =	ssyncadd.s32 $0xFFFFFFFF  }
0xa5: {  	s26 =	simm.s32 $execute0_lowered;
	[smem:$0x3FD2] =	sst s25  }
0xa6: {  	s4 =	sshll.u32 s26, $0x1;
	_ =	strace $0x80000046;
	[dreg:$0x1] =	wrdreg $0xFFFFFFFF  }
0xa7: {  	s28 =	simm.s32 $_size_execute0_lowered;
	s2 =	sadd.s32 s2, s4;
	[dreg:$0x0] =	wrdreg $0x0  }
0xa8: {  	s4 =	sshll.u32 s28, $0x1;
	[dreg:$0x2] =	wrdreg s2  }
0xa9: {  	[dreg:$0x3] =	wrdreg s4  }
0xaa: {  	[dreg:$0x4] =	wrdreg $0xC0  }
0xab: {  	_ =	task [dreg:s6], $0x5FFFF  }
0xac: {  	[dreg:$0x1] =	wrdreg $0xFFFFFFFF  }
0xad: {  	[dreg:$0x0] =	wrdreg $0x60  }
0xae: {  	[dreg:$0x2] =	wrdreg s24  }
0xaf: {  	[dreg:$0x3] =	wrdreg $0x9  }
0xb0: {  	_ =	task.clear_ibuf [dreg:s6], $0x4FFFF;
	_ =	strace $0x90000046  }
0xb1: {  	s29 =	simm.s32 $0x9;
	_ =	strace $0x80000048  }
0xb2: {  	_ =	swait.ge [sflag:s29], $0x1  }
0xb3: {  	[sflag:s29] =	ssyncadd.s32 $0xFFFFFFFF  }
0xb4: {  	_ =	strace $0x90000048  }
0xb5: {  	_ =	sfence  }
0xb6: {  	s30 =	sld [smem:$0x0];
	_ =	sdelay $0x2  }
0xb7: {  	s31 =	sshll.u32 s1, $0xD;
	s1 =	sshrl.u32 s1, $0x2  }
0xb8: {  	s3 =	sand.u32 $0x4000, s31;
	s1 =	sadd.s32 s1, s30  }
0xb9: {  	s0 =	sor.u32 s3, s0;
	s1 =	sshll.u32 s1, $0x11  }
0xba: {  	s0 =	sor.u32 s1, s0  }
0xbb: {  	s0 =	sadd.s32 $0x8F2B, s0  }
0xbc: {  	[sflag:s0] =	ssyncadd.remote.s32 $0x1  }
0xbd: {  	_ =	sfence.sel $0xFFFF  }
0xbe: {  	[dreg:$0x0] =	wrdreg $0xFFFFFFFF;
	(pc) =	sbr.abs _section_cstart, $3  }
0xbf: {  	[dreg:$0x1] =	wrdreg $0xFFFFFFFF  }
0xc0: {  	_ =	task.clear_ibuf [dreg:s6], $0x2FFFF;
	_ =	strace $0x9FFFFFFF  }
0xc1: {  	(tm) =	ssettm $0x7FFFFFFF  }
tec
execute0_lowered:
.L_overlay_start_1:
0x0: {  	(tag) =	ssettag $0x1  }
0x1: {  	s0 =	srdreg.scid;
	s1 =	stileid.u32  }
0x2: {  	s0 =	sand.u32 $0x1, s0;
	s1 =	sshll.u32 s1, $0x1  }
0x3: {  	s1 =	sor.u32 s0, s1  }
0x4: {  	s4 =	smul.u32 $0x4E2, s1  }
0x5: {  	s3 =	rddreg [dreg:$0x0];
	s2 =	simm.s32 $0x0;
	s5 =	smul.u32 $0x2800, s1  }
0x6: {  	s0 =	ssub.s32 $0x2, s0;
	s6 =	smul.u32 $0x504, s1;
	s1 =	sshll.u32 s1, $0x2  }
0x7: {  	[smem:$0x7FF] =	sst s2;
	s25 =	sshrl.u32 s0, $0x1;
	s1 =	sadd.s32 s1, s3  }
0x8: {  	v0 =	vimm.f32 $0.0e+00;
	_ =	strace $0x80000047;
	s0 =	ssub.s32 s0, s25;
	s1 =	sadd.s32 $0x34200, s1  }
0x9: {  	v1 =	vlaneseq.u32;
	v2 =	vimm.f32 $1.000000000e+00;
	v3 =	vimm.s32 $0x9FC27FF;
	s4 =	sadd.s32 s4, s3;
	s0 =	smax.u32 s0, $0x1;
	[dreg:$0x7] =	wrdreg s1  }
0xa: {  	vm15 =	vmmov $0x1;
	vm13 =	vcmask $0x308;
	vm9 =	vcmask $0x70C;
	s5 =	sshrl.u32 s5, $0x3;
	s26 =	sadd.s32 $0xC200, s4;
	[dreg:$0x8] =	wrdreg s0  }
0xb: {  	vm12 =	vcmask $0xB10;
	vm8 =	vmmov $0x7fff;
	v5 =	vimm.s32 $0x0;
	s8 =	sadd.s32 s6, s3;
	s28 =	sadd.s32 $0x2400, s4;
	[dreg:$0x2] =	wrdreg s26  }
0xc: {  	vm0 =	vcmask $0xF14;
	vm10 =	vcmask $0x1318;
	v5 =	vsel vm8, $0xFFFFFFFF, v5;
	s7 =	sadd.s32 s5, s3;
	s31 =	sadd.s32 $0x2A000, s8;
	[dreg:$0x3] =	wrdreg s28  }
0xd: {  	vm11 =	vcmask $0x171C;
	vm3 =	vcmask $0x1B20;
	s12 =	simm.s32 $0x9F00;
	[tilespmem:$0x1FFE0] =	vst v5;
	v5 =	vimm.s32 $0x0;
	s29 =	sadd.s32 $0x16000, s7;
	[dreg:$0x6] =	wrdreg s31  }
0xe: {  	vm4 =	vcmask $0x1F24;
	vm5 =	vcmask $0x2328;
	s13 =	simm.s32 $0x4F00;
	v5 =	vsel vm15, $0xFFFFFFFF, v5;
	s30 =	sadd.s32 $0x20000, s7;
	[dreg:$0x4] =	wrdreg s29  }
0xf: {  	vm6 =	vcmask $0x272C;
	vm7 =	vcmask $0x2B30;
	v4 =	vimm.s32 $0x0;
	[tilespmem:$0x1FFF0] =	vst v5;
	s3 =	simm.s32 $0x1;
	s1 =	simm.s32 $0x0;
	[dreg:$0x5] =	wrdreg s30  }
.LBB2_1:
0x10: {  	[dreg:$0x9] =	wrdreg s1  }
0x11: {  	s0 =	rddreg [dreg:$0x2]  }
0x12: {  	[tilespmem:s2], [sflag:$0x1] =	stream.linear.gather [hbm4b:s0+s2], $0x2710, $0x38;
	[tilespmem:$0x11780] =	vst v63  }
0x13: {  	_ =	swait.ge [sflag:s3], $0x2710  }
0x14: {  	[sflag:s3] =	ssyncset.done $0x0  }
0x15: {  	s31 =	simm.s32 $0x2780;
	s30 =	rddreg [dreg:$0x3];
	[sflag:s3] =	ssyncadd.s32 $0xFFFFD8F0  }
0x16: {  	[tilespmem:s31], [sflag:$0x1] =	stream.linear.gather [hbm4b:s30+s2], $0x2710, $0x38;
	[tilespmem:$0x11780] =	vst v63  }
0x17: {  	_ =	swait.ge [sflag:s3], $0x2710  }
0x18: {  	[sflag:s3] =	ssyncset.done $0x0  }
0x19: {  	s0 =	simm.s32 $0x4F40;
	[sflag:s3] =	ssyncadd.s32 $0xFFFFD8F0  }
0x1a: {  	[tilespmem:s0+$0xFFFFFFC0] =	vst v0  }
0x1b: {  	[tilespmem:s0+$0x30] =	vst v0  }
0x1c: {  	[tilespmem:s0+$0x20] =	vst v0  }
0x1d: {  	[tilespmem:s0+$0x10] =	vst v0  }
0x1e: {  	[tilespmem:s0+$0x0] =	vst v0  }
0x1f: {  	[tilespmem:s0+$0xFFFFFFF0] =	vst v0  }
0x20: {  	s1 =	simm.s32 $0x0;
	[tilespmem:s0+$0xFFFFFFE0] =	vst v0  }
.LBB2_2:
0x21: {  	s1 =	sadd.s32 $0x8, s1;
	[tilespmem:s0+$0xFFFFFFD0] =	vst v0;
	s0 =	sadd.s32 $0x80, s0  }
0x22: {  	[tilespmem:s0+$0xFFFFFFC0] =	vst v0;
	p0 =	slt.u32 s1, $0x4F8  }
0x23: {  	[tilespmem:s0+$0x30] =	vst v0  }
.Ltmp0:
0x24: {  	[tilespmem:s0+$0x20] =	vst v0;
	(pc) =	sbr.rel @p0 .LBB2_2-.Ltmp0, $4  }
0x25: {  	[tilespmem:s0+$0x10] =	vst v0  }
0x26: {  	[tilespmem:s0+$0x0] =	vst v0  }
0x27: {  	[tilespmem:s0+$0xFFFFFFF0] =	vst v0  }
0x28: {  	[tilespmem:s0+$0xFFFFFFE0] =	vst v0  }
.Ltmp1:
0x29: {  	(pc) =	sbr.rel .LBB2_4-.Ltmp1, $2  }
0x2a: {  	_ =	sdelay $0x2  }
0x2b: {  	[tilespmem:s0+$0xFFFFFFD0] =	vst v0;
	s0 =	simm.s32 $0x0  }
.LBB2_10:
0x2c: {  	s0 =	sadd.s32 $0x1, s0  }
0x2d: {  	p0 =	sne.s32 s0, $0x271  }
.Ltmp2:
0x2e: {  	_ = 	snop;
	(pc) =	sbr.rel @!p0 .LBB2_11-.Ltmp2, $1  }
0x2f: {  	_ =	sdelay $0x3  }
.LBB2_4:
0x30: {  	s1 =	sshll.u32 s0, $0x4  }
0x31: {  	v6 =	vld [tilespmem:s1+$0x0];
	_ =	sdelay $0x7  }
0x32: {  	[tilespmem:v6+s12+$0x0] =	vst.idx.msk $0xffff, v1  }
0x33: {  	v5 =	vld.idx.msk [tilespmem:v6+s12+$0x0], $0xffff;
	_ =	sdelay $0x4  }
0x34: {  	vm1 =	veq.s32 v5, v1  }
0x35: {  	v7 =	vsel vm1, $0x0, v2  }
0x36: {  	(xrf0) =	vmax.scan.msk.f32 $0xffff, v7;
	_ =	sdelay $0x5  }
0x37: {  	v7, _, _ =	vpop (xrf0)  }
0x38: {  	(v2sf) =	vpush v7, $0xF;
	_ =	sdelay $0xe  }
0x39: {  	s11 =	spop (v2sf)  }
0x3a: {  	p0 =	sgt.f32 s11, $0.0e+00  }
.Ltmp3:
0x3b: {  	_ = 	snop;
	(pc) =	sbr.rel @!p0 .LBB2_7-.Ltmp3, $2  }
0x3c: {  	_ =	sdelay $0x2  }
0x3d: {  	[tilespmem:v6+s13+$0x0] =	vst.idx.add.f32.msk vm1, v2  }
0x3e: {  	vm1 =	vne.s32 v5, v1  }
.LBB2_6:
0x3f: {  	[tilespmem:v6+s12+$0x0] =	vst.idx.msk vm1, v1  }
0x40: {  	v5 =	vld.idx.msk [tilespmem:v6+s12+$0x0], vm1;
	_ =	sdelay $0x4  }
0x41: {  	vm2 =	veq.s32 v5, v1  }
0x42: {  	vm2 =	vmand vm1, vm2  }
0x43: {  	vm1 =	vmxor vm1, vm2  }
0x44: {  	v5 =	vsel vm1, $0x3F800000, v0  }
0x45: {  	(xrf0) =	vmax.scan.msk.f32 $0xffff, v5;
	_ =	sdelay $0x5  }
0x46: {  	v5, _, _ =	vpop (xrf0)  }
0x47: {  	(v2sf) =	vpush v5, $0xF;
	_ =	sdelay $0xe  }
0x48: {  	s11 =	spop (v2sf)  }
0x49: {  	p0 =	sgt.f32 s11, $0.0e+00  }
.Ltmp4:
0x4a: {  	_ = 	snop;
	(pc) =	sbr.rel @p0 .LBB2_6-.Ltmp4, $2  }
0x4b: {  	_ =	sdelay $0x2  }
0x4c: {  	[tilespmem:v6+s13+$0x0] =	vst.idx.add.f32.msk vm2, v2  }
.LBB2_7:
0x4d: {  	v5 =	vld [tilespmem:s1+$0x2780];
	_ =	sdelay $0x4  }
0x4e: {  	v7 =	vshll.u32 v5, $0xE  }
0x4f: {  	v6 =	vor.u32 v6, v7  }
0x50: {  	[tilespmem:s1+$0xC700] =	vst v6  }
0x51: {  	[tilespmem:v5+s12+$0x0] =	vst.idx.msk $0xffff, v1  }
0x52: {  	v7 =	vld.idx.msk [tilespmem:v5+s12+$0x0], $0xffff;
	_ =	sdelay $0x4  }
0x53: {  	vm1 =	veq.s32 v7, v1  }
0x54: {  	v6 =	vsel vm1, $0x0, v2  }
0x55: {  	(xrf0) =	vmax.scan.msk.f32 $0xffff, v6;
	_ =	sdelay $0x5  }
0x56: {  	v6, _, _ =	vpop (xrf0)  }
0x57: {  	(v2sf) =	vpush v6, $0xF;
	_ =	sdelay $0xe  }
0x58: {  	s31 =	spop (v2sf)  }
0x59: {  	v6 =	vadd.s32 $0x2800, v5;
	p0 =	sgt.f32 s31, $0.0e+00  }
.Ltmp5:
0x5a: {  	_ = 	snop;
	(pc) =	sbr.rel @!p0 .LBB2_10-.Ltmp5, $2  }
0x5b: {  	_ =	sdelay $0x2  }
0x5c: {  	[tilespmem:v6+s13+$0x0] =	vst.idx.add.f32.msk vm1, v2  }
0x5d: {  	vm1 =	vne.s32 v7, v1  }
.LBB2_9:
0x5e: {  	[tilespmem:v5+s12+$0x0] =	vst.idx.msk vm1, v1  }
0x5f: {  	v7 =	vld.idx.msk [tilespmem:v5+s12+$0x0], vm1;
	_ =	sdelay $0x4  }
0x60: {  	vm2 =	veq.s32 v7, v1  }
0x61: {  	vm2 =	vmand vm1, vm2  }
0x62: {  	vm1 =	vmxor vm1, vm2  }
0x63: {  	v7 =	vsel vm1, $0x3F800000, v0  }
0x64: {  	(xrf0) =	vmax.scan.msk.f32 $0xffff, v7;
	_ =	sdelay $0x5  }
0x65: {  	v7, _, _ =	vpop (xrf0)  }
0x66: {  	(v2sf) =	vpush v7, $0xF;
	_ =	sdelay $0xe  }
0x67: {  	s1 =	spop (v2sf)  }
0x68: {  	p0 =	sgt.f32 s1, $0.0e+00  }
.Ltmp6:
0x69: {  	_ = 	snop;
	(pc) =	sbr.rel @p0 .LBB2_9-.Ltmp6, $2  }
0x6a: {  	_ =	sdelay $0x2  }
0x6b: {  	[tilespmem:v6+s13+$0x0] =	vst.idx.add.f32.msk vm2, v2  }
.Ltmp7:
0x6c: {  	_ = 	snop;
	(pc) =	sbr.rel .LBB2_10-.Ltmp7, $1  }
0x6d: {  	_ =	sdelay $0x3  }
.LBB2_11:
0x6e: {  	s0 =	simm.s32 $0x0;
	s1 =	rddreg [dreg:$0x4]  }
0x6f: {  	[hbm4b:s1+s0] =	stream.linear.scatter [tilespmem:s13], [sflag:$0x1], $0x2800, $0x38;
	[tilespmem:$0x11780] =	vst v63  }
0x70: {  	_ =	swait.ge [sflag:s3], $0x2800  }
0x71: {  	[sflag:s3] =	ssyncset.done $0x0  }
0x72: {  	s2 =	simm.s32 $0x7700;
	s31 =	rddreg [dreg:$0x5];
	[sflag:s3] =	ssyncadd.s32 $0xFFFFD800  }
0x73: {  	[hbm4b:s31+s0] =	stream.linear.scatter [tilespmem:s2], [sflag:$0x1], $0x2800, $0x38;
	[tilespmem:$0x11780] =	vst v63  }
0x74: {  	_ =	swait.ge [sflag:s3], $0x2800  }
0x75: {  	[sflag:s3] =	ssyncset.done $0x0  }
0x76: {  	[sflag:s3] =	ssyncadd.s32 $0xFFFFD800  }
.LBB2_12:
0x77: {  	p0 =	sne.s32 s0, $0xA040  }
.Ltmp8:
0x78: {  	_ = 	snop;
	(pc) =	sbr.rel @p0 .LBB2_12-.Ltmp8, $3  }
0x79: {  	_ =	sdelay $0x1  }
0x7a: {  	s1 =	sshra.s32 s0, $0x2  }
0x7b: {  	s0 =	sadd.s32 $0x40, s0;
	[tilespmem:s1+$0xEE80] =	vst v3  }
0x7c: {  	s0 =	simm.s32 $0x0  }
0x7d: {  	v5 =	vld [tilespmem:s0+$0xC700];
	_ =	sdelay $0x4  }
0x7e: {  	v5 =	vshrl.u32 v5, $0xE  }
0x7f: {  	v5 =	vand.u32 $0xF, v5  }
0x80: {  	vm1 =	veq.s32 v5, $0x0;
	vm2 =	veq.s32 v5, $0x1  }
0x81: {  	v7 =	vmpcnt.ones.xlane vm1;
	v8 =	vmpcnt.ones.xlane vm2;
	vm2 =	veq.s32 v5, $0x2  }
0x82: {  	v9 =	vmpcnt.ones.xlane vm2;
	vm2 =	veq.s32 v5, $0x3  }
0x83: {  	v6 =	vimm.s32 $0x0;
	v10 =	vmpcnt.ones.xlane vm2;
	v7 =	vnsel vm15, $0x0, v7  }
0x84: {  	vm2 =	veq.s32 v5, $0x4;
	v6 =	vadd.s32 v6, v7;
	v7 =	vsel vm13, $0x0, v8  }
0x85: {  	v8 =	vmpcnt.ones.xlane vm2;
	vm2 =	veq.s32 v5, $0x5;
	v6 =	vadd.s32 v7, v6  }
0x86: {  	v7 =	vsel vm9, $0x0, v9;
	v9 =	vmpcnt.ones.xlane vm2;
	vm2 =	veq.s32 v5, $0x6  }
0x87: {  	v10 =	vsel vm12, $0x0, v10;
	v6 =	vadd.s32 v7, v6;
	v7 =	vmpcnt.ones.xlane vm2  }
0x88: {  	vm2 =	veq.s32 v5, $0x7;
	v8 =	vsel vm0, $0x0, v8;
	v6 =	vadd.s32 v10, v6  }
0x89: {  	v10 =	vmpcnt.ones.xlane vm2;
	vm2 =	veq.s32 v5, $0x8;
	v6 =	vadd.s32 v8, v6  }
0x8a: {  	v8 =	vsel vm10, $0x0, v9;
	v9 =	vmpcnt.ones.xlane vm2;
	vm2 =	veq.s32 v5, $0x9  }
0x8b: {  	v7 =	vsel vm11, $0x0, v7;
	v6 =	vadd.s32 v8, v6;
	v8 =	vmpcnt.ones.xlane vm2  }
0x8c: {  	vm2 =	veq.s32 v5, $0xA;
	v6 =	vadd.s32 v7, v6;
	v7 =	vsel vm3, $0x0, v10  }
0x8d: {  	v10 =	vmpcnt.ones.xlane vm2;
	v6 =	vadd.s32 v7, v6;
	v7 =	vsel vm4, $0x0, v9  }
0x8e: {  	v8 =	vsel vm5, $0x0, v8;
	v7 =	vadd.s32 v7, v6  }
0x8f: {  	v10 =	vsel vm6, $0x0, v10;
	v8 =	vadd.s32 v8, v7  }
0x90: {  	v8 =	vadd.s32 v10, v8;
	v10 =	vld [tilespmem:$0x1FFE0]  }
0x91: {  	vm2 =	veq.s32 v5, $0xB  }
0x92: {  	v9 =	vmpcnt.ones.xlane vm2;
	vm2 =	veq.s32 v5, $0xC  }
0x93: {  	s31 =	simm.s32 $0x10;
	v6 =	vmpcnt.ones.xlane vm2;
	vm2 =	veq.s32 v5, $0xD  }
0x94: {  	vm1 =	veq.s32 v5, $0xE;
	v7 =	vmpcnt.ones.xlane vm2;
	vm2 =	veq.s32 v5, $0xF;
	v5 =	vld [tilespmem:s31+$0xC700]  }
0x95: {  	vm14 =	vmmov vm13;
	s0 =	simm.s32 $0x80;
	v9 =	vsel vm7, $0x0, v9;
	vm0 =	vnez.u8 v10  }
.LBB2_14:
0x96: {  	v8 =	vadd.s32 v9, v8  }
0x97: {  	vm3 =	vcmask $0x2F34;
	v9 =	vmpcnt.ones.xlane vm1;
	vm1 =	vcmask $0x3338  }
0x98: {  	v6 =	vsel vm3, $0x0, v6;
	v7 =	vsel vm1, $0x0, v7;
	vm1 =	vcmask $0x373C  }
0x99: {  	v6 =	vadd.s32 v6, v8;
	v8 =	vmpcnt.ones.xlane vm2;
	v5 =	vshrl.u32 v5, $0xE  }
0x9a: {  	v6 =	vadd.s32 v7, v6;
	v7 =	vsel vm1, $0x0, v9;
	v5 =	vand.u32 $0xF, v5  }
0x9b: {  	p0 =	sne.s32 s0, $0x9C00;
	v6 =	vadd.s32 v7, v6;
	v7 =	vsel vm0, $0x0, v8;
	vm1 =	veq.s32 v5, $0xE  }
0x9c: {  	vm2 =	veq.s32 v5, $0xF;
	vm5 =	veq.s32 v5, $0xB;
	vm4 =	veq.s32 v5, $0xC  }
0x9d: {  	vm3 =	veq.s32 v5, $0xD;
	vm8 =	veq.s32 v5, $0x8;
	vm7 =	veq.s32 v5, $0x9  }
0x9e: {  	vm6 =	veq.s32 v5, $0xA;
	vm9 =	veq.s32 v5, $0x0;
	vm10 =	veq.s32 v5, $0x6  }
0x9f: {  	vm11 =	veq.s32 v5, $0x7;
	v6 =	vadd.s32 v7, v6;
	v7 =	vmpcnt.ones.xlane vm9  }
0xa0: {  	vm12 =	veq.s32 v5, $0x5;
	vm13 =	veq.s32 v5, $0x4;
	vm9 =	veq.s32 v5, $0x1  }
0xa1: {  	v8 =	vmpcnt.ones.xlane vm9;
	vm9 =	veq.s32 v5, $0x2;
	v7 =	vnsel vm15, $0x0, v7  }
0xa2: {  	v9 =	vmpcnt.ones.xlane vm9;
	vm9 =	veq.s32 v5, $0x3;
	v5 =	vadd.s32 v6, v7  }
0xa3: {  	v6 =	vsel vm14, $0x0, v8;
	v7 =	vmpcnt.ones.xlane vm9;
	vm9 =	vcmask $0x70C  }
0xa4: {  	v10 =	vmpcnt.ones.xlane vm5;
	v5 =	vadd.s32 v6, v5;
	v6 =	vsel vm9, $0x0, v9  }
0xa5: {  	v8 =	vmpcnt.ones.xlane vm13;
	vm13 =	vcmask $0xB10;
	v5 =	vadd.s32 v6, v5  }
0xa6: {  	v6 =	vsel vm13, $0x0, v7;
	v7 =	vmpcnt.ones.xlane vm12;
	vm12 =	vcmask $0xF14  }
0xa7: {  	vm5 =	vcmask $0x272C;
	v5 =	vadd.s32 v6, v5;
	v6 =	vsel vm12, $0x0, v8  }
0xa8: {  	v8 =	vmpcnt.ones.xlane vm10;
	vm10 =	vcmask $0x1318;
	v5 =	vadd.s32 v6, v5  }
0xa9: {  	v6 =	vsel vm10, $0x0, v7;
	v7 =	vmpcnt.ones.xlane vm11;
	vm11 =	vcmask $0x171C  }
0xaa: {  	v9 =	vmpcnt.ones.xlane vm6;
	v5 =	vadd.s32 v6, v5;
	v6 =	vsel vm11, $0x0, v8  }
0xab: {  	v8 =	vmpcnt.ones.xlane vm8;
	vm8 =	vcmask $0x1B20;
	v5 =	vadd.s32 v6, v5  }
.Ltmp9:
0xac: {  	v6 =	vsel vm8, $0x0, v7;
	v7 =	vmpcnt.ones.xlane vm7;
	vm7 =	vcmask $0x1F24;
	(pc) =	sbr.rel @p0 .LBB2_14-.Ltmp9, $4  }
0xad: {  	s1 =	sshra.s32 s0, $0x2;
	vm6 =	vcmask $0x2328;
	v6 =	vadd.s32 v6, v5;
	v8 =	vsel vm7, $0x0, v8  }
0xae: {  	v6 =	vadd.s32 v8, v6;
	v7 =	vsel vm6, $0x0, v7;
	v8 =	vsel vm5, $0x0, v9;
	v5 =	vld [tilespmem:s1+$0xC700]  }
0xaf: {  	v7 =	vadd.s32 v7, v6;
	v6 =	vmpcnt.ones.xlane vm4;
	vm4 =	vcmask $0x2B30  }
0xb0: {  	s0 =	sadd.s32 $0x40, s0;
	v8 =	vadd.s32 v8, v7;
	v9 =	vsel vm4, $0x0, v10;
	v7 =	vmpcnt.ones.xlane vm3  }
0xb1: {  	v8 =	vadd.s32 v9, v8  }
0xb2: {  	vm3 =	vcmask $0x2F34;
	v9 =	vmpcnt.ones.xlane vm1;
	vm1 =	vcmask $0x3338  }
0xb3: {  	vm12 =	vmmov vm0;
	vm13 =	vmmov vm14;
	v6 =	vsel vm3, $0x0, v6  }
0xb4: {  	v7 =	vsel vm1, $0x0, v7;
	vm1 =	vcmask $0x373C;
	v6 =	vadd.s32 v6, v8  }
0xb5: {  	v8 =	vmpcnt.ones.xlane vm2;
	v5 =	vshrl.u32 v5, $0xE;
	vm2 =	vcmask $0xB10  }
0xb6: {  	v6 =	vadd.s32 v7, v6;
	v7 =	vsel vm1, $0x0, v9;
	v5 =	vand.u32 $0xF, v5  }
0xb7: {  	vm1 =	vcmask $0x1F24;
	v6 =	vadd.s32 v7, v6;
	v7 =	vsel vm0, $0x0, v8  }
0xb8: {  	vm0 =	veq.s32 v5, $0xE;
	v8 =	vimm.s32 $0x0;
	vm5 =	veq.s32 v5, $0xB  }
0xb9: {  	vm4 =	veq.s32 v5, $0xC;
	vm6 =	veq.s32 v5, $0x0;
	vm3 =	veq.s32 v5, $0xD  }
0xba: {  	vm7 =	veq.s32 v5, $0x3;
	v8 =	vsel vm0, $0xFFFFFFFF, v8;
	vm0 =	veq.s32 v5, $0xF  }
0xbb: {  	v6 =	vadd.s32 v7, v6;
	v7 =	vmpcnt.ones.xlane vm6;
	[tilespmem:$0x1FFC0] =	vst v8;
	v8 =	vimm.s32 $0x0  }
0xbc: {  	vm6 =	veq.s32 v5, $0x1;
	v10 =	vmpcnt.ones.xlane vm7;
	v8 =	vsel vm0, $0xFFFFFFFF, v8  }
0xbd: {  	vm7 =	veq.s32 v5, $0x8;
	[tilespmem:$0x1FFD0] =	vst v8;
	v8 =	vmpcnt.ones.xlane vm6;
	vm6 =	veq.s32 v5, $0x2  }
0xbe: {  	v7 =	vnsel vm15, $0x0, v7;
	v9 =	vmpcnt.ones.xlane vm6;
	vm6 =	veq.s32 v5, $0x4  }
0xbf: {  	vm0 =	vcmask $0x2B30;
	v6 =	vadd.s32 v6, v7;
	v11 =	vmpcnt.ones.xlane vm6  }
0xc0: {  	vm6 =	veq.s32 v5, $0x5;
	v7 =	vsel vm14, $0x0, v8;
	vm14 =	vcmask $0xF14  }
0xc1: {  	v12 =	vmpcnt.ones.xlane vm6;
	vm6 =	veq.s32 v5, $0x6;
	v6 =	vadd.s32 v7, v6  }
0xc2: {  	v7 =	vsel vm9, $0x0, v9;
	v8 =	vmpcnt.ones.xlane vm6;
	vm6 =	veq.s32 v5, $0x7  }
0xc3: {  	v6 =	vadd.s32 v7, v6;
	v7 =	vsel vm2, $0x0, v10;
	v10 =	vmpcnt.ones.xlane vm7  }
0xc4: {  	vm7 =	veq.s32 v5, $0xA;
	v6 =	vadd.s32 v7, v6;
	v7 =	vsel vm14, $0x0, v11  }
0xc5: {  	v9 =	vmpcnt.ones.xlane vm6;
	v6 =	vadd.s32 v7, v6;
	v7 =	vsel vm10, $0x0, v12  }
0xc6: {  	vm6 =	veq.s32 v5, $0x9;
	v5 =	vadd.s32 v7, v6;
	v6 =	vsel vm11, $0x0, v8  }
0xc7: {  	v7 =	vmpcnt.ones.xlane vm6;
	v5 =	vadd.s32 v6, v5;
	v6 =	vsel vm8, $0x0, v9  }
0xc8: {  	v8 =	vmpcnt.ones.xlane vm7;
	v5 =	vadd.s32 v6, v5;
	v6 =	vsel vm1, $0x0, v10  }
0xc9: {  	vm6 =	vcmask $0x2328;
	vm7 =	vcmask $0x2F34;
	v5 =	vadd.s32 v6, v5  }
0xca: {  	v6 =	vsel vm6, $0x0, v7;
	v7 =	vmpcnt.ones.xlane vm5;
	vm5 =	vcmask $0x272C  }
0xcb: {  	v5 =	vadd.s32 v6, v5;
	v6 =	vsel vm5, $0x0, v8;
	v8 =	vmpcnt.ones.xlane vm4  }
0xcc: {  	v5 =	vadd.s32 v6, v5;
	v6 =	vsel vm0, $0x0, v7;
	v7 =	vmpcnt.ones.xlane vm3  }
0xcd: {  	vm4 =	vcmask $0x3338;
	v5 =	vadd.s32 v6, v5;
	v6 =	vsel vm7, $0x0, v8;
	v8 =	vld [tilespmem:$0x1FFC0]  }
0xce: {  	v5 =	vadd.s32 v6, v5;
	v6 =	vsel vm4, $0x0, v7;
	v7 =	vld [tilespmem:$0x1FFD0];
	_ =	sdelay $0x3  }
0xcf: {  	vm3 =	vnez.u8 v8  }
0xd0: {  	v8 =	vmpcnt.ones.xlane vm3;
	vm3 =	vnez.u8 v7  }
0xd1: {  	v7 =	vmpcnt.ones.xlane vm3;
	vm3 =	vcmask $0x373C  }
0xd2: {  	v5 =	vadd.s32 v6, v5;
	v6 =	vsel vm3, $0x0, v8  }
0xd3: {  	v5 =	vadd.s32 v6, v5;
	v6 =	vsel vm12, $0x0, v7  }
0xd4: {  	v5 =	vadd.s32 v6, v5  }
0xd5: {  	v6 =	vadd.s32 $0xF, v5  }
0xd6: {  	v6 =	vand.u32 $0xFFFFFFF0, v6  }
0xd7: {  	(xrf0) =	vadd.scan.msk.s32 $0xffff, v6;
	_ =	sdelay $0x5  }
0xd8: {  	v7, _, _ =	vpop (xrf0)  }
0xd9: {  	v6 =	vsub.s32 v7, v6  }
0xda: {  	v6 =	vadd.s32 v1, v6  }
0xdb: {  	v7 =	vnsel vm15, $0x0, v6  }
0xdc: {  	(xrf0) =	vadd.scan.msk.s32 $0xffff, v7;
	v7 =	vsel vm13, $0x0, v6  }
0xdd: {  	(xrf0) =	vadd.scan.msk.s32 $0xffff, v7;
	v7 =	vsel vm9, $0x0, v6  }
0xde: {  	(xrf0) =	vadd.scan.msk.s32 $0xffff, v7;
	v7 =	vsel vm2, $0x0, v6  }
0xdf: {  	(xrf0) =	vadd.scan.msk.s32 $0xffff, v7;
	v7 =	vsel vm14, $0x0, v6  }
0xe0: {  	(xrf0) =	vadd.scan.msk.s32 $0xffff, v7;
	v7 =	vsel vm10, $0x0, v6  }
0xe1: {  	(xrf0) =	vadd.scan.msk.s32 $0xffff, v7;
	v7 =	vsel vm11, $0x0, v6  }
0xe2: {  	v8, _, _ =	vpop (xrf0);
	(xrf0) =	vadd.scan.msk.s32 $0xffff, v7;
	v7 =	vsel vm8, $0x0, v6  }
0xe3: {  	(v2sf) =	vpush v8, $0xF;
	v8, _, _ =	vpop (xrf0);
	(xrf0) =	vadd.scan.msk.s32 $0xffff, v7;
	v7 =	vsel vm1, $0x0, v6  }
0xe4: {  	(v2sf) =	vpush v8, $0xF;
	v8, _, _ =	vpop (xrf0);
	(xrf0) =	vadd.scan.msk.s32 $0xffff, v7;
	v7 =	vsel vm6, $0x0, v6  }
0xe5: {  	(v2sf) =	vpush v8, $0xF;
	v8, _, _ =	vpop (xrf0);
	(xrf0) =	vadd.scan.msk.s32 $0xffff, v7;
	v7 =	vsel vm5, $0x0, v6  }
0xe6: {  	(v2sf) =	vpush v8, $0xF;
	v8, _, _ =	vpop (xrf0);
	(xrf0) =	vadd.scan.msk.s32 $0xffff, v7;
	v7 =	vsel vm0, $0x0, v6  }
0xe7: {  	(v2sf) =	vpush v8, $0xF;
	v8, _, _ =	vpop (xrf0);
	(xrf0) =	vadd.scan.msk.s32 $0xffff, v7;
	v7 =	vsel vm7, $0x0, v6  }
0xe8: {  	(v2sf) =	vpush v8, $0xF;
	v8, _, _ =	vpop (xrf0);
	(xrf0) =	vadd.scan.msk.s32 $0xffff, v7;
	v7 =	vsel vm4, $0x0, v6  }
0xe9: {  	(v2sf) =	vpush v8, $0xF;
	v8, _, _ =	vpop (xrf0);
	(xrf0) =	vadd.scan.msk.s32 $0xffff, v7;
	v7 =	vsel vm3, $0x0, v6  }
0xea: {  	s0 =	simm.s32 $0x0;
	(v2sf) =	vpush v8, $0xF;
	v8, _, _ =	vpop (xrf0);
	(xrf0) =	vadd.scan.msk.s32 $0xffff, v7;
	v7 =	vsel vm12, $0x0, v6  }
0xeb: {  	(v2sf) =	vpush v8, $0xF;
	v8, _, _ =	vpop (xrf0);
	(xrf0) =	vadd.scan.msk.s32 $0xffff, v7;
	v7 =	vld [tilespmem:s0+$0xC700]  }
0xec: {  	(v2sf) =	vpush v8, $0xF;
	v8, _, _ =	vpop (xrf0)  }
0xed: {  	(v2sf) =	vpush v8, $0xF;
	v8, _, _ =	vpop (xrf0)  }
0xee: {  	(v2sf) =	vpush v8, $0xF;
	v8, _, _ =	vpop (xrf0)  }
0xef: {  	(v2sf) =	vpush v8, $0xF;
	v8, _, _ =	vpop (xrf0)  }
0xf0: {  	(v2sf) =	vpush v8, $0xF;
	v8, _, _ =	vpop (xrf0);
	v9 =	vshrl.u32 v7, $0xE  }
0xf1: {  	(v2sf) =	vpush v8, $0xF;
	v8, _, _ =	vpop (xrf0);
	v12 =	vand.u32 $0xF, v9  }
0xf2: {  	s23 =	spop (v2sf);
	(v2sf) =	vpush v8, $0xF;
	vm7 =	veq.s32 v12, $0x8  }
0xf3: {  	s22 =	spop (v2sf);
	v8 =	vsel vm7, $0x1, v4  }
0xf4: {  	vm5 =	veq.s32 v12, $0x1;
	vm1 =	veq.s32 v12, $0xC;
	s20 =	spop (v2sf);
	(xrf0) =	vadd.scan.msk.s32 $0xffff, v8  }
0xf5: {  	vm6 =	veq.s32 v12, $0x3;
	vm4 =	veq.s32 v12, $0xA;
	vm2 =	veq.s32 v12, $0x0;
	s18 =	spop (v2sf)  }
0xf6: {  	vm3 =	veq.s32 v12, $0xD;
	v9 =	vsel vm4, $0x1, v4;
	[tilespmem:s23+$0xEE80] =	vst.msk vm2, v7;
	v10 =	vsel vm5, $0x1, v4;
	s19 =	spop (v2sf)  }
0xf7: {  	v8 =	vsel vm2, $0x1, v4;
	vm2 =	veq.s32 v12, $0xF;
	(xrf0) =	vadd.scan.msk.s32 $0xffff, v9;
	v9 =	vsel vm6, $0x1, v4;
	s21 =	spop (v2sf)  }
0xf8: {  	[tilespmem:s22+$0xEE80] =	vst.msk vm5, v7;
	vm5 =	veq.s32 v12, $0x2;
	v11 =	vsel vm2, $0x1, v4;
	(xrf0) =	vadd.scan.msk.s32 $0xffff, v9;
	s24 =	spop (v2sf)  }
0xf9: {  	[tilespmem:s20+$0xEE80] =	vst.msk vm5, v7;
	v13 =	vsel vm5, $0x1, v4;
	vm5 =	veq.s32 v12, $0x4;
	(xrf0) =	vadd.scan.msk.s32 $0xffff, v11;
	s25 =	spop (v2sf)  }
0xfa: {  	v9 =	vsel vm5, $0x1, v4;
	[tilespmem:s18+$0xEE80] =	vst.msk vm6, v7;
	vm6 =	veq.s32 v12, $0x5;
	(xrf0) =	vadd.scan.msk.s32 $0xffff, v8;
	s26 =	spop (v2sf);
	v14, _, _ =	vpop (xrf0)  }
0xfb: {  	[tilespmem:s19+$0xEE80] =	vst.msk vm5, v7;
	v8 =	vsel vm6, $0x1, v4;
	(xrf0) =	vadd.scan.msk.s32 $0xffff, v9;
	s28 =	spop (v2sf);
	(v2sf) =	vpush v14, $0xF  }
0xfc: {  	v11 =	vsel vm3, $0x1, v4;
	[tilespmem:s21+$0xEE80] =	vst.msk vm6, v7;
	vm6 =	veq.s32 v12, $0x6;
	(xrf0) =	vadd.scan.msk.s32 $0xffff, v8;
	s29 =	spop (v2sf)  }
0xfd: {  	[tilespmem:s24+$0xEE80] =	vst.msk vm6, v7;
	v15 =	vsel vm6, $0x1, v4;
	vm6 =	veq.s32 v12, $0x7;
	v9, _, _ =	vpop (xrf0);
	(xrf0) =	vadd.scan.msk.s32 $0xffff, v11;
	s30 =	spop (v2sf)  }
0xfe: {  	vm5 =	veq.s32 v12, $0x9;
	[tilespmem:s25+$0xEE80] =	vst.msk vm6, v7;
	v11 =	vsel vm6, $0x1, v4;
	(xrf0) =	vadd.scan.msk.s32 $0xffff, v10;
	v10, _, _ =	vpop (xrf0);
	s31 =	spop (v2sf)  }
0xff: {  	v8 =	vsel vm1, $0x1, v4;
	vm6 =	veq.s32 v12, $0xB;
	(v2sf) =	vpush v10, $0xF;
	(xrf0) =	vadd.scan.msk.s32 $0xffff, v11;
	v14, _, _ =	vpop (xrf0);
	s1 =	spop (v2sf)  }
0x100: {  	[tilespmem:s26+$0xEE80] =	vst.msk vm7, v7;
	vm7 =	veq.s32 v12, $0xE;
	v16, _, _ =	vpop (xrf0);
	(xrf0) =	vadd.scan.msk.s32 $0xffff, v15;
	(v2sf) =	vpush v14, $0xF;
	s0 =	spop (v2sf)  }
0x101: {  	s14 =	simm.s32 $0x80;
	s16 =	simm.s32 $0x10;
	v11 =	vsel vm6, $0x1, v4;
	v10 =	vsel vm5, $0x1, v4;
	(v2sf) =	vpush v16, $0xF;
	(xrf0) =	vadd.scan.msk.s32 $0xffff, v13;
	v12, _, _ =	vpop (xrf0);
	s11 =	spop (v2sf)  }
.LBB2_16:
0x102: {  	p0 =	sne.s32 s14, $0x9C00;
	[tilespmem:s28+$0xEE80] =	vst.msk vm5, v7;
	v13 =	vsel vm7, $0x1, v4;
	(v2sf) =	vpush v12, $0xF;
	v12, _, _ =	vpop (xrf0);
	(xrf0) =	vadd.scan.msk.s32 $0xffff, v11;
	s15 =	smov.u32 s14;
	s14 =	sadd.s32 $0x40, s14  }
0x103: {  	[tilespmem:s29+$0xEE80] =	vst.msk vm4, v7;
	(v2sf) =	vpush v12, $0xF;
	v11, _, _ =	vpop (xrf0);
	(xrf0) =	vadd.scan.msk.s32 $0xffff, v13  }
0x104: {  	[tilespmem:s30+$0xEE80] =	vst.msk vm6, v7;
	v12, _, _ =	vpop (xrf0);
	(xrf0) =	vadd.scan.msk.s32 $0xffff, v10;
	(v2sf) =	vpush v9, $0xF  }
0x105: {  	[tilespmem:s31+$0xEE80] =	vst.msk vm1, v7;
	(v2sf) =	vpush v12, $0xF;
	v9, _, _ =	vpop (xrf0);
	(xrf0) =	vadd.scan.msk.s32 $0xffff, v8  }
0x106: {  	[tilespmem:s1+$0xEE80] =	vst.msk vm3, v7;
	v8, _, _ =	vpop (xrf0);
	(v2sf) =	vpush v9, $0xF  }
0x107: {  	[tilespmem:s0+$0xEE80] =	vst.msk vm7, v7;
	v9, _, _ =	vpop (xrf0);
	(v2sf) =	vpush v8, $0xF  }
0x108: {  	[tilespmem:s11+$0xEE80] =	vst.msk vm2, v7;
	(v2sf) =	vpush v9, $0xF;
	v8, _, _ =	vpop (xrf0)  }
0x109: {  	v7 =	vld [tilespmem:s16+$0xC700];
	(v2sf) =	vpush v8, $0xF;
	v8, _, _ =	vpop (xrf0)  }
0x10a: {  	s16 =	spop (v2sf);
	v9, _, _ =	vpop (xrf0);
	(v2sf) =	vpush v8, $0xF  }
0x10b: {  	s26 =	sadd.s32 s26, s16;
	(v2sf) =	vpush v9, $0xF;
	v8, _, _ =	vpop (xrf0)  }
0x10c: {  	(v2sf) =	vpush v11, $0xF  }
0x10d: {  	(v2sf) =	vpush v8, $0xF  }
0x10e: {  	v8 =	vshrl.u32 v7, $0xE;
	s16 =	spop (v2sf)  }
0x10f: {  	v12 =	vand.u32 $0xF, v8;
	s18 =	sadd.s32 s18, s16;
	s16 =	spop (v2sf)  }
0x110: {  	vm10 =	veq.s32 v12, $0x1;
	vm7 =	veq.s32 v12, $0x8;
	vm1 =	veq.s32 v12, $0xC;
	s11 =	sadd.s32 s11, s16;
	s16 =	spop (v2sf)  }
0x111: {  	vm8 =	veq.s32 v12, $0x3;
	vm4 =	veq.s32 v12, $0xA;
	v8 =	vsel vm7, $0x1, v4;
	s23 =	sadd.s32 s23, s16;
	s16 =	spop (v2sf)  }
0x112: {  	vm3 =	veq.s32 v12, $0xD;
	vm2 =	veq.s32 v12, $0xF;
	v9 =	vsel vm4, $0x1, v4;
	(xrf0) =	vadd.scan.msk.s32 $0xffff, v8;
	s3 =	spop (v2sf)  }
0x113: {  	vm11 =	veq.s32 v12, $0x0;
	vm5 =	veq.s32 v12, $0x9;
	vm6 =	veq.s32 v12, $0xB;
	(xrf0) =	vadd.scan.msk.s32 $0xffff, v9;
	s21 =	sadd.s32 s21, s3;
	s3 =	spop (v2sf)  }
0x114: {  	vm9 =	veq.s32 v12, $0x4;
	v13 =	vsel vm10, $0x1, v4;
	v9 =	vsel vm8, $0x1, v4;
	s29 =	sadd.s32 s29, s3;
	s3 =	spop (v2sf)  }
0x115: {  	v14 =	vsel vm9, $0x1, v4;
	v10 =	vsel vm2, $0x1, v4;
	v8 =	vsel vm1, $0x1, v4;
	[tilespmem:s23+$0xEE80] =	vst.msk vm11, v7;
	s22 =	sadd.s32 s22, s3;
	s3 =	spop (v2sf)  }
0x116: {  	v15 =	vsel vm11, $0x1, v4;
	vm11 =	veq.s32 v12, $0x2;
	[tilespmem:s22+$0xEE80] =	vst.msk vm10, v7;
	(xrf0) =	vadd.scan.msk.s32 $0xffff, v9;
	s25 =	sadd.s32 s25, s3;
	s3 =	spop (v2sf)  }
0x117: {  	v11 =	vsel vm6, $0x1, v4;
	v16 =	vsel vm3, $0x1, v4;
	s19 =	sadd.s32 s19, s16;
	vm10 =	veq.s32 v12, $0x5;
	(xrf0) =	vadd.scan.msk.s32 $0xffff, v10;
	s24 =	sadd.s32 s24, s3;
	s3 =	spop (v2sf)  }
0x118: {  	v17 =	vsel vm10, $0x1, v4;
	v10 =	vsel vm5, $0x1, v4;
	(xrf0) =	vadd.scan.msk.s32 $0xffff, v15;
	v9, _, _ =	vpop (xrf0);
	s20 =	sadd.s32 s20, s3;
	s3 =	spop (v2sf)  }
0x119: {  	v15 =	vsel vm11, $0x1, v4;
	[tilespmem:s20+$0xEE80] =	vst.msk vm11, v7;
	(xrf0) =	vadd.scan.msk.s32 $0xffff, v14;
	(v2sf) =	vpush v9, $0xF;
	v9, _, _ =	vpop (xrf0);
	s30 =	sadd.s32 s30, s3;
	s3 =	spop (v2sf)  }
0x11a: {  	[tilespmem:s18+$0xEE80] =	vst.msk vm8, v7;
	(xrf0) =	vadd.scan.msk.s32 $0xffff, v17;
	s0 =	sadd.s32 s0, s3;
	s3 =	spop (v2sf)  }
.Ltmp10:
0x11b: {  	vm8 =	veq.s32 v12, $0x7;
	[tilespmem:s19+$0xEE80] =	vst.msk vm9, v7;
	(xrf0) =	vadd.scan.msk.s32 $0xffff, v16;
	s28 =	sadd.s32 s28, s3;
	s3 =	spop (v2sf);
	(pc) =	sbr.rel @p0 .LBB2_16-.Ltmp10, $4  }
0x11c: {  	vm9 =	veq.s32 v12, $0x6;
	v17 =	vsel vm8, $0x1, v4;
	[tilespmem:s21+$0xEE80] =	vst.msk vm10, v7;
	(xrf0) =	vadd.scan.msk.s32 $0xffff, v13;
	v13, _, _ =	vpop (xrf0);
	s1 =	sadd.s32 s1, s3;
	s3 =	spop (v2sf)  }
0x11d: {  	s16 =	sshra.s32 s15, $0x2;
	v16 =	vsel vm9, $0x1, v4;
	[tilespmem:s24+$0xEE80] =	vst.msk vm9, v7;
	(v2sf) =	vpush v13, $0xF;
	(xrf0) =	vadd.scan.msk.s32 $0xffff, v17;
	v13, _, _ =	vpop (xrf0);
	s31 =	sadd.s32 s31, s3  }
0x11e: {  	[tilespmem:s25+$0xEE80] =	vst.msk vm8, v7;
	v14, _, _ =	vpop (xrf0);
	(xrf0) =	vadd.scan.msk.s32 $0xffff, v16;
	(v2sf) =	vpush v13, $0xF  }
0x11f: {  	[tilespmem:s26+$0xEE80] =	vst.msk vm7, v7;
	vm7 =	veq.s32 v12, $0xE;
	(v2sf) =	vpush v14, $0xF;
	(xrf0) =	vadd.scan.msk.s32 $0xffff, v15;
	v12, _, _ =	vpop (xrf0)  }
0x120: {  	[tilespmem:s28+$0xEE80] =	vst.msk vm5, v7  }
0x121: {  	[tilespmem:s29+$0xEE80] =	vst.msk vm4, v7  }
0x122: {  	[tilespmem:s30+$0xEE80] =	vst.msk vm6, v7  }
0x123: {  	[tilespmem:s31+$0xEE80] =	vst.msk vm1, v7  }
0x124: {  	[tilespmem:s1+$0xEE80] =	vst.msk vm3, v7  }
0x125: {  	[tilespmem:s0+$0xEE80] =	vst.msk vm7, v7  }
0x126: {  	[tilespmem:s11+$0xEE80] =	vst.msk vm2, v7  }
0x127: {  	(v2sf) =	vpush v12, $0xF;
	v21, _, _ =	vpop (xrf0);
	v7 =	vld [tilespmem:s16+$0xC700]  }
0x128: {  	(v2sf) =	vpush v21, $0xF;
	v23, _, _ =	vpop (xrf0)  }
0x129: {  	v24, _, _ =	vpop (xrf0);
	(v2sf) =	vpush v9, $0xF  }
0x12a: {  	(v2sf) =	vpush v24, $0xF;
	v25, _, _ =	vpop (xrf0)  }
0x12b: {  	v13 =	vsel vm7, $0x1, v4;
	(xrf0) =	vadd.scan.msk.s32 $0xffff, v11;
	v27, _, _ =	vpop (xrf0);
	(v2sf) =	vpush v25, $0xF  }
0x12c: {  	(xrf0) =	vadd.scan.msk.s32 $0xffff, v13;
	v29, _, _ =	vpop (xrf0);
	(v2sf) =	vpush v27, $0xF;
	v22 =	vshrl.u32 v7, $0xE  }
0x12d: {  	(xrf0) =	vadd.scan.msk.s32 $0xffff, v10;
	(v2sf) =	vpush v29, $0xF;
	v11 =	vand.u32 $0xF, v22  }
0x12e: {  	vm9 =	veq.s32 v11, $0x8  }
0x12f: {  	(xrf0) =	vadd.scan.msk.s32 $0xffff, v8;
	vm8 =	veq.s32 v11, $0xA;
	v26 =	vsel vm9, $0x1, v4  }
0x130: {  	vm11 =	veq.s32 v11, $0x3;
	v28 =	vsel vm8, $0x1, v4;
	(xrf0) =	vadd.scan.msk.s32 $0xffff, v26  }
0x131: {  	v31, _, _ =	vpop (xrf0);
	vm0 =	veq.s32 v11, $0xF;
	v30 =	vsel vm11, $0x1, v4;
	(xrf0) =	vadd.scan.msk.s32 $0xffff, v28  }
0x132: {  	(v2sf) =	vpush v31, $0xF;
	v33, _, _ =	vpop (xrf0);
	s15 =	spop (v2sf);
	vm15 =	veq.s32 v11, $0x0;
	v32 =	vsel vm0, $0x1, v4;
	(xrf0) =	vadd.scan.msk.s32 $0xffff, v30  }
0x133: {  	v35, _, _ =	vpop (xrf0);
	(v2sf) =	vpush v33, $0xF;
	s16 =	spop (v2sf);
	vm12 =	veq.s32 v11, $0x4;
	v34 =	vsel vm15, $0x1, v4;
	(xrf0) =	vadd.scan.msk.s32 $0xffff, v32  }
0x134: {  	(v2sf) =	vpush v35, $0xF;
	s14 =	spop (v2sf);
	vm13 =	veq.s32 v11, $0x5;
	v36 =	vsel vm12, $0x1, v4;
	(xrf0) =	vadd.scan.msk.s32 $0xffff, v34  }
0x135: {  	v37, _, _ =	vpop (xrf0);
	(v2sf) =	vpush v23, $0xF;
	s3 =	spop (v2sf);
	v38 =	vsel vm13, $0x1, v4;
	(xrf0) =	vadd.scan.msk.s32 $0xffff, v36  }
0x136: {  	(v2sf) =	vpush v37, $0xF;
	vm10 =	veq.s32 v11, $0xD;
	vm4 =	veq.s32 v11, $0x1;
	s4 =	spop (v2sf);
	v40, _, _ =	vpop (xrf0);
	(xrf0) =	vadd.scan.msk.s32 $0xffff, v38  }
0x137: {  	vm14 =	veq.s32 v11, $0x7;
	vm5 =	veq.s32 v11, $0x6;
	v39 =	vsel vm10, $0x1, v4;
	s5 =	spop (v2sf);
	v42, _, _ =	vpop (xrf0)  }
0x138: {  	vm1 =	veq.s32 v11, $0x2;
	v41 =	vsel vm4, $0x1, v4;
	s6 =	spop (v2sf);
	(xrf0) =	vadd.scan.msk.s32 $0xffff, v39;
	(v2sf) =	vpush v40, $0xF;
	v44, _, _ =	vpop (xrf0)  }
0x139: {  	vm6 =	veq.s32 v11, $0xB;
	v43 =	vsel vm14, $0x1, v4;
	s7 =	spop (v2sf);
	(xrf0) =	vadd.scan.msk.s32 $0xffff, v41;
	(v2sf) =	vpush v44, $0xF;
	v46, _, _ =	vpop (xrf0)  }
0x13a: {  	vm7 =	veq.s32 v11, $0xE;
	v45 =	vsel vm5, $0x1, v4;
	s8 =	spop (v2sf);
	(xrf0) =	vadd.scan.msk.s32 $0xffff, v43;
	v48, _, _ =	vpop (xrf0);
	(v2sf) =	vpush v46, $0xF  }
0x13b: {  	vm3 =	veq.s32 v11, $0x9;
	v47 =	vsel vm1, $0x1, v4;
	s3 =	sadd.s32 s23, s3;
	s9 =	spop (v2sf);
	(xrf0) =	vadd.scan.msk.s32 $0xffff, v45;
	(v2sf) =	vpush v48, $0xF;
	v50, _, _ =	vpop (xrf0)  }
0x13c: {  	v49 =	vsel vm6, $0x1, v4;
	[tilespmem:s3+$0xEE80] =	vst.msk vm15, v7;
	s22 =	sadd.s32 s22, s7;
	s2 =	spop (v2sf);
	(xrf0) =	vadd.scan.msk.s32 $0xffff, v47;
	(v2sf) =	vpush v50, $0xF;
	v52, _, _ =	vpop (xrf0)  }
0x13d: {  	v51 =	vsel vm7, $0x1, v4;
	[tilespmem:s22+$0xEE80] =	vst.msk vm4, v7;
	s2 =	sadd.s32 s20, s2;
	(xrf0) =	vadd.scan.msk.s32 $0xffff, v49;
	(v2sf) =	vpush v52, $0xF  }
0x13e: {  	v53 =	vsel vm3, $0x1, v4;
	s22 =	sadd.s32 s18, s16;
	[tilespmem:s2+$0xEE80] =	vst.msk vm1, v7;
	v54, _, _ =	vpop (xrf0);
	(xrf0) =	vadd.scan.msk.s32 $0xffff, v51;
	(v2sf) =	vpush v42, $0xF  }
0x13f: {  	vm2 =	veq.s32 v11, $0xC;
	s19 =	sadd.s32 s19, s4;
	[tilespmem:s22+$0xEE80] =	vst.msk vm11, v7;
	v55, _, _ =	vpop (xrf0);
	(xrf0) =	vadd.scan.msk.s32 $0xffff, v53  }
0x140: {  	v56 =	vsel vm2, $0x1, v4;
	s21 =	sadd.s32 s21, s5;
	[tilespmem:s19+$0xEE80] =	vst.msk vm12, v7;
	(v2sf) =	vpush v55, $0xF;
	v57, _, _ =	vpop (xrf0)  }
0x141: {  	s4 =	sadd.s32 s24, s9;
	s17 =	spop (v2sf);
	[tilespmem:s21+$0xEE80] =	vst.msk vm13, v7;
	(xrf0) =	vadd.scan.msk.s32 $0xffff, v56;
	v58, _, _ =	vpop (xrf0);
	(v2sf) =	vpush v57, $0xF  }
0x142: {  	s10 =	spop (v2sf);
	s2 =	sadd.s32 s25, s8;
	[tilespmem:s4+$0xEE80] =	vst.msk vm5, v7;
	v59, _, _ =	vpop (xrf0);
	(v2sf) =	vpush v58, $0xF  }
0x143: {  	s23 =	spop (v2sf);
	s4 =	sadd.s32 s26, s15;
	[tilespmem:s2+$0xEE80] =	vst.msk vm14, v7;
	(v2sf) =	vpush v59, $0xF;
	v60, _, _ =	vpop (xrf0)  }
0x144: {  	s2 =	sadd.s32 s28, s23;
	[tilespmem:s4+$0xEE80] =	vst.msk vm9, v7;
	(v2sf) =	vpush v60, $0xF;
	v61, _, _ =	vpop (xrf0)  }
0x145: {  	s7 =	spop (v2sf);
	s4 =	sadd.s32 s29, s6;
	[tilespmem:s2+$0xEE80] =	vst.msk vm3, v7;
	v62, _, _ =	vpop (xrf0);
	(v2sf) =	vpush v61, $0xF  }
0x146: {  	s3 =	spop (v2sf);
	s2 =	sadd.s32 s30, s17;
	[tilespmem:s4+$0xEE80] =	vst.msk vm8, v7;
	(v2sf) =	vpush v62, $0xF  }
0x147: {  	s3 =	sadd.s32 s31, s3;
	[tilespmem:s2+$0xEE80] =	vst.msk vm6, v7;
	v63, _, _ =	vpop (xrf0);
	(v2sf) =	vpush v54, $0xF;
	s18 =	spop (v2sf)  }
0x148: {  	[tilespmem:s3+$0xEE80] =	vst.msk vm2, v7;
	(v2sf) =	vpush v63, $0xF;
	s18 =	sadd.s32 s1, s7;
	s20 =	spop (v2sf)  }
0x149: {  	[tilespmem:s18+$0xEE80] =	vst.msk vm10, v7;
	s22 =	spop (v2sf);
	s20 =	sadd.s32 s0, s10  }
0x14a: {  	s1 =	sadd.s32 s11, s14;
	s24 =	spop (v2sf);
	[tilespmem:s20+$0xEE80] =	vst.msk vm7, v7  }
0x14b: {  	s5 =	spop (v2sf);
	[tilespmem:s1+$0xEE80] =	vst.msk vm0, v7  }
0x14c: {  	s26 =	simm.s32 $0xEE80;
	s8 =	spop (v2sf);
	[tilespmem:$0x11700] =	vst v6  }
0x14d: {  	s2 =	simm.s32 $0x0;
	s0 =	rddreg [dreg:$0x6];
	[tilespmem:$0x11710] =	vst v5;
	s9 =	spop (v2sf)  }
0x14e: {  	[hbm4b:s0+s2] =	stream.linear.scatter [tilespmem:s26], [sflag:$0x1], $0x2820, $0x38;
	[tilespmem:$0x11780] =	vst v63  }
0x14f: {  	s15 =	spop (v2sf)  }
0x150: {  	s16 =	spop (v2sf)  }
0x151: {  	s17 =	spop (v2sf)  }
0x152: {  	s19 =	spop (v2sf)  }
0x153: {  	s21 =	spop (v2sf)  }
0x154: {  	s22 =	spop (v2sf)  }
0x155: {  	s23 =	spop (v2sf)  }
0x156: {  	s24 =	spop (v2sf)  }
0x157: {  	s3 =	simm.s32 $0x1;
	s25 =	spop (v2sf)  }
0x158: {  	_ =	swait.ge [sflag:s3], $0x2820  }
0x159: {  	[sflag:s3] =	ssyncset.done $0x0  }
0x15a: {  	s29 =	simm.s32 $0x11700;
	s28 =	rddreg [dreg:$0x7];
	[sflag:s3] =	ssyncadd.s32 $0xFFFFD7E0  }
0x15b: {  	[hbm4b:s28+s2] =	stream.linear.scatter [tilespmem:s29], [sflag:$0x1], $0x20, $0x38;
	[tilespmem:$0x11780] =	vst v63  }
0x15c: {  	_ =	swait.ge [sflag:s3], $0x20  }
0x15d: {  	s30 =	rddreg [dreg:$0x9]  }
0x15e: {  	s31 =	rddreg [dreg:$0x8];
	s1 =	sadd.s32 $0x1, s30  }
0x15f: {  	v5 =	vld [tilespmem:$0x1FFF0];
	p0 =	sne.s32 s1, s31  }
.Ltmp11:
0x160: {  	_ = 	snop;
	(pc) =	sbr.rel @p0 .LBB2_1-.Ltmp11, $4  }
0x161: {  	vm4 =	vcmask $0x1F24;
	vm11 =	vcmask $0x171C;
	vm12 =	vcmask $0xB10  }
0x162: {  	vm13 =	vcmask $0x308;
	vm5 =	vcmask $0x2328;
	vm9 =	vcmask $0x70C  }
0x163: {  	vm3 =	vcmask $0x1B20;
	vm6 =	vcmask $0x272C;
	vm10 =	vcmask $0x1318;
	[sflag:s3] =	ssyncset.done $0x0  }
0x164: {  	vm7 =	vcmask $0x2B30;
	vm0 =	vcmask $0xF14;
	[sflag:s3] =	ssyncadd.s32 $0xFFFFFFE0;
	vm15 =	vnez.u8 v5  }
0x165: {  	_ =	sfence.sel $0x180000  }
0x166: {  	[bflag:$0x0] =	sbarrier.arrive $0xFFFF  }
0x167: {  	_ =	strace $0x90000047  }
0x168: {  	s0 =	stileid.u32;
	[bflag:$0x2] =	sbarrier.arrive $0xFFFF  }
0x169: {  	p0 =	sne.s32 s0, $0x0;
	s0 =	rddreg [dreg:$0x1]  }
0x16a: {  	s0 =	sadd.s32 @!p0 $0x100000, s0  }
0x16b: {  	[sflag:s0] =	ssyncadd.tile.s32 @!p0 $0x1;
	_ =	shalt  }
.Lfunc_end2:
_tile_overlayer_lowered:
.L_overlay_start_2:
0x16c: {  	(tag) =	ssettag $0x2  }
0x16d: {  	s0 =	rddreg [dreg:$0x0];
	s2 =	stileid.u32  }
0x16e: {  	s1 =	rddreg [dreg:$0x1];
	p0 =	sne.s32 s2, $0x0  }
0x16f: {  	s3 =	rddreg [dreg:$0x2];
	[bflag:$0x3] =	sbarrier.arrive $0xFFFF;
	s2 =	simm.s32 @!p0 $0x1C01  }
0x170: {  	[timem:s3], [sflag:s2] =	dma.local @!p0 [hbm:s0], s1  }
0x171: {  	s0 =	simm.s32 @!p0 $0x1  }
0x172: {  	_ =	swait.ge @!p0 [sflag:s0], s1  }
0x173: {  	s1 =	ssub.s32 @!p0 $0x0, s1;
	[sflag:s0] =	ssyncset.done @!p0 $0x0  }
0x174: {  	[sflag:s0] =	ssyncadd.s32 @!p0 s1  }
0x175: {  	[bflag:$0x3] =	sbarrier.arrive $0xFFFF  }
0x176: {  	_ =	shalt  }

// kernel: kernel.13.cloned.1.call-start
scs
__scs_entry_jumppad:
0x0: {  	(pc) =	sbr.rel $0x88, $3  }
0x1: {  	(tag) =	ssettag $0x0;
	lr =	simm.s32 $0x1  }
0x2: {  	[smem:$0x3F99] =	sst lr;
	_ =	strace $0xD0000000  }
0x3: {  	_ = 	snop  }
0x4: {  	_ = 	snop  }
0x5: {  	_ = 	snop  }
0x6: {  	_ = 	snop  }
0x7: {  	_ = 	snop  }
__scs_overlays_trampoline_lowered:
0x8: {  	[smem:$0x3FA8] =	sst s0  }
0x9: {  	[smem:$0x3FA9] =	sst s1  }
0xa: {  	[smem:$0x3FAA] =	sst s2  }
0xb: {  	[smem:$0x3FAB] =	sst s3  }
0xc: {  	[smem:$0x3FAC] =	sst s4  }
0xd: {  	[smem:$0x3FAD] =	sst s5  }
0xe: {  	[smem:$0x3FAE] =	sst s6  }
0xf: {  	[smem:$0x3FAF] =	sst s7  }
0x10: {  	[smem:$0x3FB0] =	sst s8  }
0x11: {  	[smem:$0x3FB1] =	sst s9;
	s0 =	simm.s32 @!p0 $0x0  }
0x12: {  	s1 =	sld [smem:$0x3F97];
	s0 =	simm.s32 @p0 $0x1  }
0x13: {  	[smem:$0x3FB2] =	sst s0;
	s0 =	simm.s32 @!p1 $0x0  }
0x14: {  	s2 =	sld [smem:$0x3F96];
	s0 =	simm.s32 @p1 $0x1  }
0x15: {  	[smem:$0x3FB3] =	sst s0;
	s0 =	simm.s32 @!p2 $0x0  }
0x16: {  	s3 =	sld [smem:$0x3FDB];
	s0 =	simm.s32 @p2 $0x1  }
0x17: {  	s4 =	simm.s32 $0x1BF5;
	[smem:$0x3FB5] =	sst s0  }
0x18: {  	s0 =	sld [smem:$0x3F98];
	_ =	swait.ge [sflag:s4], $0x0  }
0x19: {  	s7 =	sld [smem:$0x3F99]  }
0x1a: {  	s8 =	sadd.s32 $0xFFFFE003, lr  }
0x1b: {  	s9 =	sadd.s32 $0xFFFFFEF7, lr;
	s5 =	simm.s32 $0xFFFFFFFF;
	p2 =	slt.u32 s8, $0xFFFFF086  }
0x1c: {  	p1 =	slt.u32 s9, $0xF7A;
	s5 =	simm.s32 @!p2 $0x0  }
0x1d: {  	s5 =	simm.s32 @p1 $0x1;
	p0 =	seq.s32 s7, s2  }
0x1e: {  	s7 =	smul.u32 @!p0 $0xF7A, s2;
	p2 =	seq.s32 @!p0 s5, $0x0  }
0x1f: {  	s9 =	smul.u32 $0xF7A, s1;
	s8 =	simm.s32 @!p0 $0x1BF5;
	p2 =	por !p2, p0  }
0x20: {  	[sflag:s8] =	ssyncset.s32 @!p0 $0xFFFFF086;
	s6 =	sadd.s32 @!p0 s3, s7;
	s7 =	simm.s32 @!p0 $0x108  }
0x21: {  	s3 =	sadd.s32 s3, s9;
	s6 =	sadd.s32 @!p0 $0x88, s6;
	s7 =	simm.s32 @p2 $0x1082  }
0x22: {  	[simem:s7], [sflag:s8] =	dma.local @!p0 [hbm:s6], $0xF7A  }
0x23: {  	s9 =	sor.u32 $0xD0000000, s2;
	s6 =	simm.s32 $0x108;
	_ =	swait.ge @!p0 [sflag:s8], $0x0  }
0x24: {  	s3 =	sadd.s32 $0x88, s3;
	s6 =	simm.s32 @!p1 $0x1082;
	[sflag:s4] =	ssyncset.s32 $0xFFFFF086  }
0x25: {  	[simem:s6], [sflag:s4] =	dma.local [hbm:s3], $0xF7A  }
0x26: {  	[smem:$0x3F99] =	sst s1;
	(tag) =	ssettag s2;
	_ =	strace s9  }
0x27: {  	s1 =	sld [smem:$0x3FA9]  }
0x28: {  	s2 =	sld [smem:$0x3FAA]  }
0x29: {  	s4 =	sld [smem:$0x3FAC]  }
0x2a: {  	p0 =	seq.s32 s5, $0x0;
	s5 =	sld [smem:$0x3FAD]  }
0x2b: {  	s6 =	sld [smem:$0x3FAE]  }
0x2c: {  	s7 =	sld [smem:$0x3FAF]  }
0x2d: {  	s3 =	simm.s32 $0x108;
	s8 =	sld [smem:$0x3FB0]  }
0x2e: {  	s3 =	simm.s32 @!p0 $0x1082;
	s9 =	sld [smem:$0x3FB1]  }
0x2f: {  	lr =	sadd.s32 s0, s3;
	s0 =	sld [smem:$0x3FA8]  }
0x30: {  	s3 =	sld [smem:$0x3FAB]  }
0x31: {  	[smem:$0x3FB4] =	sst s10  }
0x32: {  	s10 =	sld [smem:$0x3FB2];
	_ =	sdelay $0x3  }
0x33: {  	p0 =	seq.s32 s10, $0x1;
	s10 =	sld [smem:$0x3FB4];
	_ =	sdelay $0x3  }
0x34: {  	[smem:$0x3FB4] =	sst s10  }
0x35: {  	s10 =	sld [smem:$0x3FB3];
	_ =	sdelay $0x3  }
0x36: {  	p1 =	seq.s32 s10, $0x1;
	s10 =	sld [smem:$0x3FB4];
	_ =	sdelay $0x3  }
0x37: {  	[smem:$0x3FB4] =	sst s10  }
0x38: {  	s10 =	sld [smem:$0x3FB5]  }
0x39: {  	_ = 	snop;
	(pc) =	sbr.ind lr, $3  }
0x3a: {  	_ = 	snop  }
0x3b: {  	_ = 	snop  }
0x3c: {  	p2 =	seq.s32 s10, $0x1;
	s10 =	sld [smem:$0x3FB4]  }
0x3d: {  	_ =	shalt  }
0x3e: {  	_ =	shalt  }
0x3f: {  	_ =	shalt  }
0x40: {  	_ =	shalt  }
0x41: {  	_ =	shalt  }
0x42: {  	_ =	shalt  }
0x43: {  	_ =	shalt  }
0x44: {  	_ =	shalt  }
0x45: {  	_ =	shalt  }
0x46: {  	_ =	shalt  }
0x47: {  	_ =	shalt  }
0x48: {  	_ =	shalt  }
0x49: {  	_ =	shalt  }
0x4a: {  	_ =	shalt  }
0x4b: {  	_ =	shalt  }
0x4c: {  	_ =	shalt  }
0x4d: {  	_ =	shalt  }
0x4e: {  	_ =	shalt  }
0x4f: {  	_ =	shalt  }
0x50: {  	_ =	shalt  }
0x51: {  	_ =	shalt  }
0x52: {  	_ =	shalt  }
0x53: {  	_ =	shalt  }
0x54: {  	_ =	shalt  }
0x55: {  	_ =	shalt  }
0x56: {  	_ =	shalt  }
0x57: {  	_ =	shalt  }
0x58: {  	_ =	shalt  }
0x59: {  	_ =	shalt  }
0x5a: {  	_ =	shalt  }
0x5b: {  	_ =	shalt  }
0x5c: {  	_ =	shalt  }
0x5d: {  	_ =	shalt  }
0x5e: {  	_ =	shalt  }
0x5f: {  	_ =	shalt  }
0x60: {  	_ =	shalt  }
0x61: {  	_ =	shalt  }
0x62: {  	_ =	shalt  }
0x63: {  	_ =	shalt  }
0x64: {  	_ =	shalt  }
0x65: {  	_ =	shalt  }
0x66: {  	_ =	shalt  }
0x67: {  	_ =	shalt  }
0x68: {  	_ =	shalt  }
0x69: {  	_ =	shalt  }
0x6a: {  	_ =	shalt  }
0x6b: {  	_ =	shalt  }
0x6c: {  	_ =	shalt  }
0x6d: {  	_ =	shalt  }
0x6e: {  	_ =	shalt  }
0x6f: {  	_ =	shalt  }
0x70: {  	_ =	shalt  }
0x71: {  	_ =	shalt  }
0x72: {  	_ =	shalt  }
0x73: {  	_ =	shalt  }
0x74: {  	_ =	shalt  }
0x75: {  	_ =	shalt  }
0x76: {  	_ =	shalt  }
0x77: {  	_ =	shalt  }
0x78: {  	_ =	shalt  }
0x79: {  	_ =	shalt  }
0x7a: {  	_ =	shalt  }
0x7b: {  	_ =	shalt  }
0x7c: {  	_ =	shalt  }
0x7d: {  	_ =	shalt  }
0x7e: {  	_ =	shalt  }
0x7f: {  	_ =	shalt  }
0x80: {  	_ =	shalt  }
0x81: {  	_ =	shalt  }
0x82: {  	_ =	shalt  }
0x83: {  	_ =	shalt  }
0x84: {  	_ =	shalt  }
0x85: {  	_ =	shalt  }
0x86: {  	_ =	shalt  }
0x87: {  	_ =	shalt  }
.Lfunc_end0:
.L_simem_size_0:
called_computation.1_lowered:
.L_overlay_start_0:
0x88: {  	s2 =	sld [smem:$0x3FD9]  }
0x89: {  	s3 =	sld [smem:$0x3FFE];
	_ =	sdelay $0x1  }
0x8a: {  	s1 =	srdreg.scid  }
0x8b: {  	s0 =	sand.u32 $0x1, s1  }
0x8c: {  	s16 =	sshll.u32 s0, $0xA;
	s2 =	sadd.s32 s3, s2  }
0x8d: {  	s2 =	sadd.s32 s2, s16  }
0x8e: {  	[smem:$0x3FC0] =	sst s2  }
0x8f: {  	_ = 	snop  }
0x90: {  	(tm) =	ssettm $0x1  }
0x91: {  	s17 =	sld [smem:$0x3FFB];
	_ =	sdelay $0x3  }
0x92: {  	_ =	strace s17  }
0x93: {  	s2 =	sld [smem:$0x3FFC];
	_ =	sdelay $0x3  }
0x94: {  	_ =	strace s2  }
0x95: {  	s2 =	sld [smem:$0x3FFD];
	_ =	sdelay $0x3  }
0x96: {  	_ =	strace s2  }
0x97: {  	_ =	strace $0x8FFFFFFF  }
0x98: {  	s18 =	sld [smem:$0x3FDB];
	_ =	sdelay $0x1  }
0x99: {  	s19 =	simm.s32 $_scs_section_size  }
0x9a: {  	s4 =	simm.s32 $_size__tile_overlayer_lowered;
	s5 =	simm.s32 $_tile_overlayer_lowered  }
0x9b: {  	s22 =	simm.s32 $0x1BFF;
	s21 =	sshll.u32 s5, $0x1;
	s2 =	sadd.s32 s19, s18  }
0x9c: {  	s6 =	simm.s32 $0x0;
	s20 =	sshll.u32 s4, $0x1;
	s4 =	sadd.s32 s21, s2  }
0x9d: {  	[timem:s6], [sflag:s22] =	dma.local [hbm:s4], s20  }
0x9e: {  	_ =	swait.ge [sflag:s22], s20  }
0x9f: {  	s3 =	ssub.s32 $0x0, s20;
	[sflag:s22] =	ssyncset.done $0x0  }
0xa0: {  	[sflag:s22] =	ssyncadd.s32 s3;
	_ =	sdelay $0x1  }
0xa1: {  	s23 =	simm.s32 $0x1B8B  }
0xa2: {  	_ =	swait.ge [sflag:s23], $0x1  }
0xa3: {  	[sflag:s23] =	ssyncset.done $0x0  }
0xa4: {  	s25 =	simm.s32 $0x1B8E;
	s24 =	sld [smem:$0x3FFE];
	[sflag:s23] =	ssyncadd.s32 $0xFFFFFFFF  }
0xa5: {  	s26 =	simm.s32 $execute0_lowered;
	[smem:$0x3FD2] =	sst s25  }
0xa6: {  	s4 =	sshll.u32 s26, $0x1;
	_ =	strace $0x80000049;
	[dreg:$0x1] =	wrdreg $0xFFFFFFFF  }
0xa7: {  	s28 =	simm.s32 $_size_execute0_lowered;
	s2 =	sadd.s32 s2, s4;
	[dreg:$0x0] =	wrdreg $0x0  }
0xa8: {  	s4 =	sshll.u32 s28, $0x1;
	[dreg:$0x2] =	wrdreg s2  }
0xa9: {  	[dreg:$0x3] =	wrdreg s4  }
0xaa: {  	[dreg:$0x4] =	wrdreg $0xC0  }
0xab: {  	_ =	task [dreg:s6], $0x5FFFF  }
0xac: {  	[dreg:$0x1] =	wrdreg $0xFFFFFFFF  }
0xad: {  	[dreg:$0x0] =	wrdreg $0x60  }
0xae: {  	[dreg:$0x2] =	wrdreg s24  }
0xaf: {  	[dreg:$0x3] =	wrdreg $0x9  }
0xb0: {  	_ =	task.clear_ibuf [dreg:s6], $0x4FFFF;
	_ =	strace $0x90000049  }
0xb1: {  	s29 =	simm.s32 $0x9;
	_ =	strace $0x8000004B  }
0xb2: {  	_ =	swait.ge [sflag:s29], $0x1  }
0xb3: {  	[sflag:s29] =	ssyncadd.s32 $0xFFFFFFFF  }
0xb4: {  	_ =	strace $0x9000004B  }
0xb5: {  	_ =	sfence  }
0xb6: {  	s30 =	sld [smem:$0x0];
	_ =	sdelay $0x2  }
0xb7: {  	s31 =	sshll.u32 s1, $0xD;
	s1 =	sshrl.u32 s1, $0x2  }
0xb8: {  	s3 =	sand.u32 $0x4000, s31;
	s1 =	sadd.s32 s1, s30  }
0xb9: {  	s0 =	sor.u32 s3, s0;
	s1 =	sshll.u32 s1, $0x11  }
0xba: {  	s0 =	sor.u32 s1, s0  }
0xbb: {  	s0 =	sadd.s32 $0x8F2B, s0  }
0xbc: {  	[sflag:s0] =	ssyncadd.remote.s32 $0x1  }
0xbd: {  	_ =	sfence.sel $0xFFFF  }
0xbe: {  	[dreg:$0x0] =	wrdreg $0xFFFFFFFF;
	(pc) =	sbr.abs _section_cstart, $3  }
0xbf: {  	[dreg:$0x1] =	wrdreg $0xFFFFFFFF  }
0xc0: {  	_ =	task.clear_ibuf [dreg:s6], $0x2FFFF;
	_ =	strace $0x9FFFFFFF  }
0xc1: {  	(tm) =	ssettm $0x7FFFFFFF  }
tec
execute0_lowered:
.L_overlay_start_1:
0x0: {  	(tag) =	ssettag $0x1  }
0x1: {  	s1 =	srdreg.scid  }
0x2: {  	s0 =	stileid.u32;
	s5 =	rddreg [dreg:$0x0];
	s2 =	simm.s32 $0x0  }
0x3: {  	s9 =	simm.s32 $0x3;
	s10 =	simm.s32 $0xF000;
	s11 =	simm.s32 $0x11880  }
0x4: {  	s12 =	simm.s32 $0x1;
	s4 =	sand.u32 $0x1, s1;
	s3 =	sshll.u32 s0, $0x1  }
0x5: {  	s13 =	simm.s32 $0x5000;
	s14 =	simm.s32 $0x2;
	s3 =	sor.u32 s4, s3  }
0x6: {  	s15 =	simm.s32 $0x0;
	[smem:$0x7FF] =	sst s2;
	s6 =	smul.u32 $0xA00, s3  }
.Ltmp0:
0x7: {  	s1 =	rddreg [dreg:$0x1];
	_ =	strace $0x8000004A;
	(pc) =	sbr.rel .LBB2_1-.Ltmp0, $4  }
0x8: {  	s8 =	ssub.s32 $0x2, s4;
	s4 =	sadd.s32 $0x34200, s5;
	s7 =	smul.u32 $0x1400, s3  }
0x9: {  	s3 =	sadd.s32 $0x2A000, s5;
	s31 =	sshrl.u32 s8, $0x1;
	s6 =	sadd.s32 s6, s5  }
0xa: {  	s8 =	ssub.s32 s8, s31;
	s7 =	sadd.s32 s7, s5;
	s5 =	sadd.s32 $0x2400, s6  }
0xb: {  	v0 =	vimm.f32 $0.0e+00;
	s6 =	sadd.s32 $0x34400, s7;
	s7 =	smax.u32 s8, $0x1;
	s8 =	simm.s32 $0x14100  }
.LBB2_19:
0xc: {  	s15 =	sadd.s32 $0x1, s15  }
0xd: {  	p0 =	sne.s32 s15, s7  }
.Ltmp1:
0xe: {  	_ = 	snop;
	(pc) =	sbr.rel @!p0 .LBB2_20-.Ltmp1, $4  }
0xf: {  	[hbm4b:s6+s2] =	stream.linear.scatter [tilespmem:s13], [sflag:$0x3], $0xA000, $0x38;
	[tilespmem:$0x14500] =	vst v63  }
0x10: {  	_ =	swait.ge [sflag:s9], $0xA000  }
0x11: {  	[sflag:s9] =	ssyncset.done $0x0  }
0x12: {  	[sflag:s9] =	ssyncadd.s32 $0xFFFF6000  }
.LBB2_1:
0x13: {  	[tilespmem:s8], [sflag:$0x3] =	stream.linear.gather [hbm4b:s4+s2], $0x400, $0x38;
	[tilespmem:$0x14500] =	vst v63  }
0x14: {  	_ =	swait.ge [sflag:s9], $0x400  }
0x15: {  	[sflag:s9] =	ssyncset.done $0x0  }
0x16: {  	[sflag:s9] =	ssyncadd.s32 $0xFFFFFC00  }
0x17: {  	[tilespmem:s2], [sflag:$0x3] =	stream.linear.gather [hbm4b:s5+s2], $0x5000, $0x38;
	[tilespmem:$0x14500] =	vst v63  }
0x18: {  	_ =	swait.ge [sflag:s9], $0x5000  }
0x19: {  	[sflag:s9] =	ssyncset.done $0x0  }
0x1a: {  	s16 =	simm.s32 $0x5040;
	[sflag:s9] =	ssyncadd.s32 $0xFFFFB000  }
0x1b: {  	[tilespmem:s16+$0xFFFFFFC0] =	vst v0  }
0x1c: {  	[tilespmem:s16+$0x30] =	vst v0  }
0x1d: {  	[tilespmem:s16+$0x20] =	vst v0  }
0x1e: {  	[tilespmem:s16+$0x10] =	vst v0  }
0x1f: {  	[tilespmem:s16+$0x0] =	vst v0  }
0x20: {  	[tilespmem:s16+$0xFFFFFFF0] =	vst v0  }
0x21: {  	s17 =	simm.s32 $0x0;
	[tilespmem:s16+$0xFFFFFFE0] =	vst v0  }
.LBB2_2:
0x22: {  	s17 =	sadd.s32 $0x8, s17;
	[tilespmem:s16+$0xFFFFFFD0] =	vst v0;
	s16 =	sadd.s32 $0x80, s16  }
0x23: {  	[tilespmem:s16+$0xFFFFFFC0] =	vst v0;
	p0 =	slt.u32 s17, $0x9F8  }
0x24: {  	[tilespmem:s16+$0x30] =	vst v0  }
.Ltmp2:
0x25: {  	[tilespmem:s16+$0x20] =	vst v0;
	(pc) =	sbr.rel @p0 .LBB2_2-.Ltmp2, $4  }
0x26: {  	[tilespmem:s16+$0x10] =	vst v0  }
0x27: {  	[tilespmem:s16+$0x0] =	vst v0  }
0x28: {  	[tilespmem:s16+$0xFFFFFFF0] =	vst v0  }
0x29: {  	[tilespmem:s16+$0xFFFFFFE0] =	vst v0  }
.Ltmp3:
0x2a: {  	(pc) =	sbr.rel .LBB2_4-.Ltmp3, $3  }
0x2b: {  	_ =	sdelay $0x1  }
0x2c: {  	[tilespmem:s16+$0xFFFFFFD0] =	vst v0;
	s16 =	simm.s32 $0x0  }
0x2d: {  	[tilespmem:s10], [sflag:$0x1] =	stream.linear.gather [hbm4b:s3+s16], $0x2820, $0x38;
	[tilespmem:$0x14500] =	vst v63  }
.LBB2_18:
0x2e: {  	s16 =	sadd.s32 $0x1, s16  }
0x2f: {  	p0 =	sne.s32 s16, $0x10  }
.Ltmp4:
0x30: {  	_ = 	snop;
	(pc) =	sbr.rel @!p0 .LBB2_19-.Ltmp4, $1  }
0x31: {  	_ =	sdelay $0x3  }
.LBB2_4:
0x32: {  	s17 =	sshllo.u32 s16, $0x1  }
0x33: {  	s18 =	smul.u32 $0x504, s17;
	_ =	sdelay $0x1  }
0x34: {  	s18 =	sadd.s32 s3, s18  }
0x35: {  	[tilespmem:s11], [sflag:$0x2] =	stream.linear.gather [hbm4b:s18+s2], $0x2820, $0x38;
	[tilespmem:$0x14500] =	vst v63  }
0x36: {  	_ =	swait.ge [sflag:s12], $0x2820  }
0x37: {  	s30 =	sshll.u32 s16, $0x6;
	[sflag:s12] =	ssyncset.done $0x0  }
0x38: {  	s20 =	sand.u32 $0x3FFFFFC0, s30;
	[sflag:s12] =	ssyncadd.s32 $0xFFFFD7E0  }
0x39: {  	v1 =	vld [tilespmem:s20+$0x14110];
	_ =	sdelay $0x4  }
0x3a: {  	v2 =	vxor.u32 $0x80000000, v1  }
0x3b: {  	(xrf0) =	vmax.scan.msk.u32 $0xffff, v2;
	_ =	sdelay $0x5  }
0x3c: {  	v2, _, _ =	vpop (xrf0)  }
0x3d: {  	(v2sf) =	vpush v2, $0xF;
	_ =	sdelay $0xe  }
0x3e: {  	s31 =	spop (v2sf)  }
0x3f: {  	s18 =	sxor.u32 $0x80000000, s31  }
0x40: {  	s19 =	sshra.s32 s18, $0x1F  }
0x41: {  	s19 =	sshrl.u32 s19, $0x1D  }
0x42: {  	s19 =	sadd.s32 s19, s18  }
0x43: {  	s19 =	sand.u32 $0xFFFFFFF8, s19  }
0x44: {  	p0 =	slt.s32 s19, $0x1  }
.Ltmp5:
0x45: {  	_ = 	snop;
	(pc) =	sbr.rel @p0 .LBB2_8-.Ltmp5, $2  }
0x46: {  	_ =	sdelay $0x1  }
0x47: {  	v2 =	vld [tilespmem:s20+$0x14100];
	_ =	sdelay $0x1  }
0x48: {  	s21 =	simm.s32 $0x4  }
0x49: {  	s22 =	simm.s32 $0x1;
	v3 =	vmov s21  }
0x4a: {  	s23 =	simm.s32 $0x2;
	vm6 =	vlt.s32 v3, v1;
	v3 =	vmov s22  }
0x4b: {  	s29 =	simm.s32 $0x3;
	v5 =	vmov s23;
	v4 =	vadd.s32 s21, v2;
	vm0 =	vlt.s32 v3, v1  }
0x4c: {  	s24 =	simm.s32 $0x5;
	vm8 =	vlt.s32 v5, v1;
	v3 =	vmov s29;
	v6 =	vadd.s32 s22, v2  }
0x4d: {  	v5 =	vmov s24;
	vm3 =	vlt.s32 v3, v1;
	v3 =	vadd.s32 s23, v2  }
0x4e: {  	s30 =	simm.s32 $0x6;
	vm1 =	vlt.s32 v5, v1;
	v7 =	vadd.s32 s29, v2  }
0x4f: {  	v5 =	vmov s30;
	v8 =	vadd.s32 s24, v2  }
0x50: {  	vm4 =	vlt.s32 v5, v1;
	v13 =	vld.idx.msk [tilespmem:v4+s10+$0x0], vm6  }
0x51: {  	v4 =	vadd.s32 s30, v2;
	v6 =	vld.idx.msk [tilespmem:v6+s10+$0x0], vm0  }
0x52: {  	s31 =	simm.s32 $0x7;
	v5 =	vld.idx.msk [tilespmem:v3+s10+$0x0], vm8  }
0x53: {  	v3 =	vmov s31;
	v9 =	vld.idx.msk [tilespmem:v7+s10+$0x0], vm3  }
0x54: {  	s20 =	simm.s32 $0x0;
	vm2 =	vlt.s32 v3, v1;
	v3 =	vld.idx.msk [tilespmem:v8+s10+$0x0], vm1  }
0x55: {  	v12 =	vadd.s32 s20, v2;
	vm5 =	vmmov vm0;
	vm7 =	vmmov vm1  }
0x56: {  	v7 =	vadd.s32 s31, v2;
	v14 =	vand.u32 $0x3FFF, v13;
	v10 =	vld.idx.msk [tilespmem:v4+s10+$0x0], vm4;
	v4 =	vmov s20  }
0x57: {  	v11 =	vand.u32 $0x3FFF, v6;
	vm0 =	vlt.s32 v4, v1;
	v8 =	vand.u32 $0x3FFF, v5  }
0x58: {  	v28 =	vshrl.u32 v6, $0xE;
	v30 =	vadd.s32 $0x2800, v14;
	v16 =	vand.u32 $0x3FFF, v9  }
0x59: {  	v22 =	vand.u32 $0x3FFF, v3;
	v19 =	vshrl.u32 v3, $0xE;
	vm1 =	vmmov vm0  }
0x5a: {  	v24 =	vadd.s32 $0x2800, v28;
	v20 =	vadd.s32 $0x2800, v11;
	vm0 =	vmmov vm4  }
0x5b: {  	v21 =	vadd.s32 $0x5000, v28;
	v4 =	vadd.s32 $0x2800, v8;
	v6 =	vshrl.u32 v9, $0xE  }
0x5c: {  	v27 =	vadd.s32 $0x7800, v28;
	v15 =	vld.idx.msk [tilespmem:v7+s10+$0x0], vm2;
	vm2 =	vmmov vm2;
	v3 =	vadd.s32 $0x7800, v19  }
0x5d: {  	v7 =	vadd.s32 $0x2800, v16;
	v9 =	vadd.s32 $0x2800, v6;
	v17 =	vld.idx.msk [tilespmem:v14+s2+$0x0], vm6;
	v18 =	vand.u32 $0x3FFF, v10  }
0x5e: {  	v31 =	vadd.s32 $0x2800, v22;
	v38 =	vand.u32 $0x7F, v19;
	v24 =	vand.u32 $0x7FF80, v24;
	v23 =	vld.idx.msk [tilespmem:v11+s2+$0x0], vm5  }
0x5f: {  	v34 =	vand.u32 $0x7FF80, v3;
	v3 =	vand.u32 $0x7F, v6;
	v9 =	vand.u32 $0x7FF80, v9  }
0x60: {  	vm13 =	vmmov vm1;
	v37 =	vshrl.u32 v10, $0xE;
	v9 =	vor.u32 v3, v9  }
0x61: {  	v10 =	vadd.s32 $0x7800, v37;
	v29 =	vadd.s32 $0x2800, v18;
	v11 =	vadd.s32 $0x5000, v37  }
0x62: {  	v41 =	vand.u32 $0x3FFF, v15;
	v35 =	vshll.u32 v17, $0x10;
	v26 =	vand.u32 $0xFFFF0000, v17;
	v33 =	vld.idx.msk [tilespmem:v18+s2+$0x0], vm4  }
0x63: {  	v17 =	vadd.s32 $0x2800, v37;
	v18 =	vshrl.u32 v13, $0xE;
	v36 =	vshll.u32 v23, $0x10  }
0x64: {  	v32 =	vand.u32 $0xFFFF0000, v23;
	v23 =	vld.idx.msk [tilespmem:v12+s10+$0x0], vm1;
	v12 =	vand.u32 $0x7F, v37;
	v17 =	vand.u32 $0x7FF80, v17  }
0x65: {  	p0 =	sgt.s32 s19, $0x8;
	v11 =	vand.u32 $0x7FF80, v11;
	v25 =	vld.idx.msk [tilespmem:v22+s2+$0x0], vm7;
	v22 =	vadd.s32 $0x2800, v19;
	v42 =	vor.u32 v12, v17  }
.Ltmp6:
0x66: {  	v39 =	vand.u32 $0x7FF80, v22;
	v22 =	vor.u32 v38, v34;
	v34 =	vand.u32 $0x7F, v28;
	(pc) =	sbr.rel @!p0 .LBB2_7-.Ltmp6, $4  }
0x67: {  	v13 =	vadd.s32 $0x5000, v19;
	v40 =	vshll.u32 v33, $0x10;
	v44 =	vand.u32 $0xFFFF0000, v33;
	v33 =	vld.idx.msk [tilespmem:v41+s2+$0x0], vm2  }
0x68: {  	v14 =	vand.u32 $0x7F, v18;
	v43 =	vand.u32 $0x7FF80, v13;
	v45 =	vadd.s32 $0x2800, v18;
	[tilespmem:v18+s13+$0x0] =	vst.idx.add.f32.msk vm6, v35  }
0x69: {  	v17 =	vadd.s32 $0x5000, v18;
	v35 =	vadd.s32 $0x2800, v41;
	v13 =	vand.u32 $0x3FFF, v23;
	[tilespmem:v37+s13+$0x0] =	vst.idx.add.f32.msk vm4, v40  }
0x6a: {  	s20 =	simm.s32 $0x8;
	v40 =	vand.u32 $0x7FF80, v45;
	v37 =	vor.u32 v34, v24;
	v24 =	vor.u32 v38, v43;
	[tilespmem:v42+s13+$0x0] =	vst.idx.add.f32.msk vm0, v44  }
.LBB2_6:
0x6b: {  	_ =	sdelay $0x2  }
0x6c: {  	v41 =	vimm.s32 $0x0;
	[tilespmem:v28+s13+$0x0] =	vst.idx.add.f32.msk vm5, v36;
	v54 =	vor.u32 v14, v40  }
0x6d: {  	v38 =	vor.u32 v38, v39;
	v15 =	vshrl.u32 v15, $0xE;
	vm9 =	vmmov vm3;
	v56 =	vld.idx.msk [tilespmem:v13+s2+$0x0], vm1  }
0x6e: {  	s22 =	sadd.s32 $0x1, s20;
	vm11 =	vmmov vm6;
	vm10 =	vmmov vm8;
	s21 =	smov.u32 s20;
	v29 =	vld.idx.msk [tilespmem:v29+s2+$0x0], vm0;
	v23 =	vshrl.u32 v23, $0xE  }
0x6f: {  	v21 =	vand.u32 $0x7FF80, v21;
	v27 =	vand.u32 $0x7FF80, v27;
	v28 =	vmov s22;
	s29 =	sadd.s32 $0x7, s21;
	[tilespmem:v37+s13+$0x0] =	vst.idx.add.f32.msk vm5, v32  }
0x70: {  	v53 =	vshrl.u32 v5, $0xE;
	vm12 =	vlt.s32 v28, v1;
	v28 =	vmov s29;
	v20 =	vld.idx.msk [tilespmem:v20+s2+$0x0], vm5  }
0x71: {  	s23 =	sadd.s32 $0x2, s20;
	s25 =	sadd.s32 $0x4, s20;
	v57 =	vand.u32 $0xFFFF0000, v25;
	v25 =	vshll.u32 v25, $0x10;
	vm14 =	vlt.s32 v28, v1;
	v28 =	vld.idx.msk [tilespmem:v16+s2+$0x0], vm3  }
0x72: {  	s24 =	sadd.s32 $0x3, s20;
	s26 =	sadd.s32 $0x5, s20;
	v41 =	vsel vm13, $0xFFFFFFFF, v41;
	v55 =	vmov s23;
	v42 =	vmov s25;
	[tilespmem:v19+s13+$0x0] =	vst.idx.add.f32.msk vm7, v25  }
0x73: {  	v43 =	vmov s26;
	v44 =	vmov s24;
	vm8 =	vlt.s32 v55, v1;
	[tilespmem:v38+s13+$0x0] =	vst.idx.add.f32.msk vm7, v57  }
0x74: {  	v58 =	vadd.s32 s25, v2;
	v49 =	vadd.s32 s23, v2;
	vm13 =	vlt.s32 v43, v1;
	[tilespmem:v54+s13+$0x0] =	vst.idx.add.f32.msk vm11, v26  }
0x75: {  	v61 =	vadd.s32 s26, v2;
	vm3 =	vlt.s32 v44, v1;
	v44 =	vshll.u32 v56, $0x10;
	v48 =	vld.idx.msk [tilespmem:v31+s2+$0x0], vm7  }
0x76: {  	vm6 =	vlt.s32 v42, v1;
	v25 =	vadd.s32 s22, v2;
	v26 =	vadd.s32 $0x2800, v15;
	[tilespmem:v23+s13+$0x0] =	vst.idx.add.f32.msk vm1, v44  }
0x77: {  	s28 =	sadd.s32 $0x6, s20;
	v62 =	vand.u32 $0x7F, v15;
	v19 =	vadd.s32 $0x5000, v23;
	v31 =	vand.u32 $0x7FF80, v26;
	v26 =	vld.idx.msk [tilespmem:v30+s2+$0x0], vm11  }
0x78: {  	v16 =	vmov s28;
	v45 =	vor.u32 v62, v31;
	v31 =	vand.u32 $0x7FF80, v19;
	v19 =	vld.idx.msk [tilespmem:v8+s2+$0x0], vm10  }
0x79: {  	v18 =	vadd.s32 $0x7800, v18;
	vm15 =	vlt.s32 v16, v1;
	v16 =	vor.u32 v34, v21;
	v5 =	vld.idx.msk [tilespmem:v49+s10+$0x0], vm8  }
0x7a: {  	v17 =	vand.u32 $0x7FF80, v17;
	v11 =	vor.u32 v12, v11;
	v59 =	vadd.s32 s24, v2;
	v37 =	vld.idx.msk [tilespmem:v61+s10+$0x0], vm13  }
0x7b: {  	v10 =	vand.u32 $0x7FF80, v10;
	v13 =	vadd.s32 $0x2800, v13;
	v27 =	vor.u32 v34, v27;
	v46 =	vld.idx.msk [tilespmem:v25+s10+$0x0], vm12  }
0x7c: {  	v60 =	vadd.s32 $0x5000, v15;
	v63 =	vadd.s32 s28, v2;
	v8 =	vshll.u32 v33, $0x10;
	v25 =	vld.idx.msk [tilespmem:v58+s10+$0x0], vm6  }
0x7d: {  	v50 =	vadd.s32 $0x7800, v23;
	v52 =	vadd.s32 $0x2800, v23;
	v47 =	vshll.u32 v20, $0x10;
	[tilespmem:v15+s13+$0x0] =	vst.idx.add.f32.msk vm2, v8  }
0x7e: {  	v18 =	vand.u32 $0x7FF80, v18;
	v10 =	vor.u32 v12, v10;
	v40 =	vand.u32 $0x7FF80, v52;
	[tilespmem:v16+s13+$0x0] =	vst.idx.add.f32.msk vm5, v47  }
0x7f: {  	v55 =	vand.u32 $0x7F, v53;
	v36 =	vand.u32 $0x7FF80, v60;
	v20 =	vand.u32 $0xFFFF0000, v20;
	v32 =	vld.idx.msk [tilespmem:v59+s10+$0x0], vm3  }
0x80: {  	v18 =	vor.u32 v14, v18;
	v16 =	vadd.s32 $0x2800, v53;
	[tilespmem:v27+s13+$0x0] =	vst.idx.add.f32.msk vm5, v20;
	v8 =	vshll.u32 v48, $0x10  }
0x81: {  	v14 =	vor.u32 v14, v17;
	v51 =	vand.u32 $0xFFFF0000, v33;
	v16 =	vand.u32 $0x7FF80, v16;
	[tilespmem:v24+s13+$0x0] =	vst.idx.add.f32.msk vm7, v8  }
0x82: {  	v21 =	vadd.s32 s29, v2;
	v54 =	vand.u32 $0xFFFF0000, v48;
	v59 =	vor.u32 v55, v16;
	[tilespmem:v45+s13+$0x0] =	vst.idx.add.f32.msk vm2, v51  }
0x83: {  	v57 =	vadd.s32 s21, v2;
	v30 =	vand.u32 $0xFFFF0000, v56;
	v15 =	vadd.s32 $0x7800, v15;
	[tilespmem:v22+s13+$0x0] =	vst.idx.add.f32.msk vm7, v54  }
0x84: {  	v58 =	vmov s21;
	v15 =	vand.u32 $0x7FF80, v15;
	v16 =	vadd.s32 $0x5000, v53;
	v22 =	vld.idx.msk [tilespmem:v63+s10+$0x0], vm15  }
0x85: {  	v60 =	vshll.u32 v19, $0x10;
	v12 =	vand.u32 $0xFFFF0000, v19;
	v19 =	vand.u32 $0x7FF80, v16;
	v35 =	vld.idx.msk [tilespmem:v35+s2+$0x0], vm2  }
0x86: {  	vm4 =	vlt.s32 v58, v1;
	[tilespmem:v53+s13+$0x0] =	vst.idx.add.f32.msk vm10, v60;
	v27 =	vor.u32 v55, v19;
	v19 =	vadd.s32 $0x7800, v53  }
0x87: {  	v20 =	vadd.s32 $0x5000, v6;
	[tilespmem:v59+s13+$0x0] =	vst.idx.add.f32.msk vm10, v12;
	v12 =	vand.u32 $0x7FF80, v19;
	v19 =	vshll.u32 v28, $0x10  }
0x88: {  	vm5 =	vmmov vm12;
	v56 =	vor.u32 v62, v15;
	[tilespmem:v6+s13+$0x0] =	vst.idx.add.f32.msk vm9, v19;
	v6 =	vadd.s32 $0x7800, v6  }
0x89: {  	v20 =	vand.u32 $0x7FF80, v20;
	v15 =	vld.idx.msk [tilespmem:v21+s10+$0x0], vm14;
	v21 =	vor.u32 v62, v36;
	v6 =	vand.u32 $0x7FF80, v6  }
0x8a: {  	[tilespmem:$0x1FFF0] =	vst v41;
	v48 =	vor.u32 v3, v20;
	v41 =	vld.idx.msk [tilespmem:v4+s2+$0x0], vm10;
	v51 =	vor.u32 v3, v6;
	v3 =	vshll.u32 v29, $0x10  }
0x8b: {  	vm12 =	vmmov vm1;
	vm1 =	vmmov vm4;
	v4 =	vand.u32 $0xFFFF0000, v29;
	[tilespmem:v11+s13+$0x0] =	vst.idx.add.f32.msk vm0, v3  }
0x8c: {  	v8 =	vand.u32 $0x3FFF, v5;
	v63 =	vand.u32 $0x3FFF, v37;
	vm7 =	vmmov vm13;
	[tilespmem:v10+s13+$0x0] =	vst.idx.add.f32.msk vm0, v4  }
0x8d: {  	v61 =	vand.u32 $0x3FFF, v25;
	v16 =	vand.u32 $0x3FFF, v32;
	v17 =	vshll.u32 v35, $0x10;
	v4 =	vld [tilespmem:$0x1FFF0]  }
0x8e: {  	v62 =	vand.u32 $0x3FFF, v46;
	[tilespmem:v21+s13+$0x0] =	vst.idx.add.f32.msk vm2, v17;
	v17 =	vand.u32 $0x7F, v23;
	v21 =	vand.u32 $0x7FF80, v50  }
0x8f: {  	v19 =	vshrl.u32 v37, $0xE;
	v38 =	vor.u32 v17, v21;
	v21 =	vand.u32 $0xFFFF0000, v28  }
0x90: {  	v20 =	vadd.s32 $0x2800, v62;
	v12 =	vor.u32 v55, v12;
	v60 =	vadd.s32 $0x2800, v19;
	[tilespmem:v9+s13+$0x0] =	vst.idx.add.f32.msk vm9, v21  }
0x91: {  	v24 =	vand.u32 $0xFFFF0000, v35;
	v6 =	vshrl.u32 v32, $0xE;
	v39 =	vand.u32 $0x7FF80, v60;
	v49 =	vld.idx.msk [tilespmem:v7+s2+$0x0], vm9  }
0x92: {  	v50 =	vand.u32 $0x3FFF, v22;
	v3 =	vshll.u32 v26, $0x10;
	[tilespmem:v56+s13+$0x0] =	vst.idx.add.f32.msk vm2, v24;
	vm13 =	vnez.u8 v4  }
0x93: {  	v47 =	vor.u32 v17, v40;
	v24 =	vld.idx.msk [tilespmem:v61+s2+$0x0], vm6;
	vm2 =	vmmov vm14;
	v28 =	vshrl.u32 v46, $0xE  }
0x94: {  	vm0 =	vmmov vm15;
	v17 =	vor.u32 v17, v31;
	[tilespmem:v14+s13+$0x0] =	vst.idx.add.f32.msk vm11, v3;
	v10 =	vshll.u32 v41, $0x10  }
0x95: {  	v56 =	vand.u32 $0x3FFF, v15;
	v3 =	vand.u32 $0x7F, v6;
	v14 =	vand.u32 $0xFFFF0000, v41;
	[tilespmem:v27+s13+$0x0] =	vst.idx.add.f32.msk vm10, v10  }
0x96: {  	v29 =	vadd.s32 $0x2800, v50;
	v9 =	vadd.s32 $0x7800, v19;
	[tilespmem:v12+s13+$0x0] =	vst.idx.add.f32.msk vm10, v14;
	v31 =	vshll.u32 v49, $0x10  }
0x97: {  	v52 =	vadd.s32 $0x2800, v28;
	v21 =	vadd.s32 $0x5000, v28;
	v34 =	vand.u32 $0x7F, v28;
	[tilespmem:v48+s13+$0x0] =	vst.idx.add.f32.msk vm9, v31  }
0x98: {  	v35 =	vadd.s32 $0x2800, v56;
	v7 =	vadd.s32 $0x2800, v16;
	v53 =	vand.u32 $0x7FF80, v9;
	[tilespmem:v47+s13+$0x0] =	vst.idx.add.f32.msk vm13, v30  }
0x99: {  	v9 =	vand.u32 $0xFFFF0000, v26;
	v27 =	vadd.s32 $0x7800, v28;
	v4 =	vadd.s32 $0x2800, v8;
	v30 =	vld.idx.msk [tilespmem:v62+s2+$0x0], vm5  }
0x9a: {  	v55 =	vshll.u32 v24, $0x10;
	v26 =	vand.u32 $0xFFFF0000, v24;
	v24 =	vadd.s32 $0x2800, v6;
	v13 =	vld.idx.msk [tilespmem:v13+s2+$0x0], vm12  }
0x9b: {  	v14 =	vand.u32 $0x7FF80, v24;
	v54 =	vand.u32 $0xFFFF0000, v49;
	v23 =	vld.idx.msk [tilespmem:v57+s10+$0x0], vm4;
	v57 =	vshrl.u32 v22, $0xE  }
0x9c: {  	v31 =	vadd.s32 $0x2800, v63;
	vm13 =	vmmov vm4;
	v22 =	vld.idx.msk [tilespmem:v50+s2+$0x0], vm15;
	v10 =	vadd.s32 $0x7800, v57  }
0x9d: {  	[tilespmem:v18+s13+$0x0] =	vst.idx.add.f32.msk vm11, v9;
	v11 =	vadd.s32 $0x5000, v57;
	v18 =	vadd.s32 $0x2800, v57;
	v12 =	vand.u32 $0x7F, v57  }
0x9e: {  	v33 =	vld.idx.msk [tilespmem:v56+s2+$0x0], vm2;
	v11 =	vand.u32 $0x7FF80, v11;
	v24 =	vand.u32 $0x7FF80, v18;
	v18 =	vshrl.u32 v25, $0xE  }
0x9f: {  	s20 =	sadd.s32 $0x8, s20;
	v25 =	vld.idx.msk [tilespmem:v63+s2+$0x0], vm7;
	v63 =	vand.u32 $0x7FF80, v52;
	v58 =	vor.u32 v12, v24;
	v62 =	vadd.s32 $0x2800, v18  }
0xa0: {  	p0 =	slt.s32 s20, s19;
	[tilespmem:v51+s13+$0x0] =	vst.idx.add.f32.msk vm9, v54;
	v37 =	vor.u32 v34, v63;
	v36 =	vshll.u32 v30, $0x10;
	v9 =	vshll.u32 v13, $0x10  }
.Ltmp7:
0xa1: {  	v32 =	vand.u32 $0xFFFF0000, v30;
	v30 =	vadd.s32 $0x2800, v61;
	v59 =	vshll.u32 v22, $0x10;
	[tilespmem:v17+s13+$0x0] =	vst.idx.add.f32.msk vm12, v9;
	(pc) =	sbr.rel @p0 .LBB2_6-.Ltmp7, $4  }
0xa2: {  	v40 =	vand.u32 $0x7FF80, v62;
	v13 =	vand.u32 $0xFFFF0000, v13;
	v61 =	vand.u32 $0xFFFF0000, v22;
	[tilespmem:v57+s13+$0x0] =	vst.idx.add.f32.msk vm0, v59  }
0xa3: {  	v9 =	vor.u32 v3, v14;
	v14 =	vand.u32 $0x7F, v18;
	[tilespmem:v38+s13+$0x0] =	vst.idx.add.f32.msk vm12, v13;
	v13 =	vadd.s32 $0x5000, v19  }
0xa4: {  	v17 =	vadd.s32 $0x5000, v18;
	v38 =	vand.u32 $0x7F, v19;
	[tilespmem:v18+s13+$0x0] =	vst.idx.add.f32.msk vm6, v55;
	v24 =	vand.u32 $0x7FF80, v13  }
0xa5: {  	v13 =	vand.u32 $0x3FFF, v23;
	v22 =	vor.u32 v38, v53;
	[tilespmem:v58+s13+$0x0] =	vst.idx.add.f32.msk vm0, v61;
	v24 =	vor.u32 v38, v24  }
.LBB2_7:
0xa6: {  	_ =	sdelay $0x4  }
0xa7: {  	[tilespmem:v28+s13+$0x0] =	vst.idx.add.f32.msk vm5, v36  }
0xa8: {  	v48 =	vld.idx.msk [tilespmem:v13+s2+$0x0], vm1  }
0xa9: {  	v47 =	vor.u32 v38, v39;
	v29 =	vld.idx.msk [tilespmem:v29+s2+$0x0], vm0  }
0xaa: {  	vm6 =	vmmov vm6;
	v50 =	vshll.u32 v25, $0x10;
	v16 =	vld.idx.msk [tilespmem:v16+s2+$0x0], vm3;
	v15 =	vshrl.u32 v15, $0xE  }
0xab: {  	v49 =	vor.u32 v14, v40;
	[tilespmem:v19+s13+$0x0] =	vst.idx.add.f32.msk vm7, v50  }
0xac: {  	vm8 =	vmmov vm8;
	[tilespmem:v37+s13+$0x0] =	vst.idx.add.f32.msk vm5, v32  }
0xad: {  	v51 =	vand.u32 $0xFFFF0000, v25;
	vm14 =	vmmov vm3;
	v20 =	vld.idx.msk [tilespmem:v20+s2+$0x0], vm5  }
0xae: {  	v55 =	vshll.u32 v33, $0x10;
	[tilespmem:v47+s13+$0x0] =	vst.idx.add.f32.msk vm7, v51  }
0xaf: {  	[tilespmem:v15+s13+$0x0] =	vst.idx.add.f32.msk vm2, v55  }
0xb0: {  	v52 =	vadd.s32 $0x2800, v15;
	[tilespmem:v49+s13+$0x0] =	vst.idx.add.f32.msk vm6, v26  }
0xb1: {  	v11 =	vor.u32 v12, v11;
	v53 =	vand.u32 $0x7F, v15;
	v19 =	vand.u32 $0x7FF80, v52;
	v54 =	vld.idx.msk [tilespmem:v31+s2+$0x0], vm7  }
0xb2: {  	v21 =	vand.u32 $0x7FF80, v21;
	v19 =	vor.u32 v53, v19;
	v38 =	vshll.u32 v16, $0x10;
	v8 =	vld.idx.msk [tilespmem:v8+s2+$0x0], vm8  }
0xb3: {  	v21 =	vor.u32 v34, v21;
	[tilespmem:v6+s13+$0x0] =	vst.idx.add.f32.msk vm14, v38  }
0xb4: {  	v10 =	vand.u32 $0x7FF80, v10;
	v41 =	vand.u32 $0xFFFF0000, v16;
	v28 =	vld.idx.msk [tilespmem:v30+s2+$0x0], vm6  }
0xb5: {  	v10 =	vor.u32 v12, v10;
	v49 =	vshll.u32 v29, $0x10;
	[tilespmem:v9+s13+$0x0] =	vst.idx.add.f32.msk vm14, v41  }
0xb6: {  	v27 =	vand.u32 $0x7FF80, v27;
	v5 =	vshrl.u32 v5, $0xE;
	v56 =	vand.u32 $0xFFFF0000, v33;
	[tilespmem:v11+s13+$0x0] =	vst.idx.add.f32.msk vm0, v49  }
0xb7: {  	v42 =	vadd.s32 $0x7800, v18;
	v27 =	vor.u32 v34, v27;
	v59 =	vshll.u32 v20, $0x10;
	[tilespmem:v19+s13+$0x0] =	vst.idx.add.f32.msk vm2, v56  }
0xb8: {  	v46 =	vand.u32 $0x7FF80, v17;
	v57 =	vadd.s32 $0x5000, v15;
	v58 =	vadd.s32 $0x2800, v5;
	[tilespmem:v21+s13+$0x0] =	vst.idx.add.f32.msk vm5, v59  }
0xb9: {  	v61 =	vand.u32 $0x7F, v5;
	v44 =	vand.u32 $0x7FF80, v42;
	v51 =	vand.u32 $0xFFFF0000, v29;
	v7 =	vld.idx.msk [tilespmem:v7+s2+$0x0], vm14  }
0xba: {  	v50 =	vadd.s32 $0x5000, v6;
	v63 =	vand.u32 $0x7FF80, v57;
	v19 =	vand.u32 $0x7FF80, v58;
	[tilespmem:v10+s13+$0x0] =	vst.idx.add.f32.msk vm0, v51  }
0xbb: {  	v52 =	vand.u32 $0x7FF80, v50;
	v20 =	vand.u32 $0xFFFF0000, v20;
	v60 =	vld.idx.msk [tilespmem:v35+s2+$0x0], vm2;
	v19 =	vor.u32 v61, v19  }
0xbc: {  	v15 =	vadd.s32 $0x7800, v15;
	v30 =	vshrl.u32 v23, $0xE;
	[tilespmem:v27+s13+$0x0] =	vst.idx.add.f32.msk vm5, v20;
	v62 =	vshll.u32 v54, $0x10  }
0xbd: {  	v34 =	vshll.u32 v48, $0x10;
	v16 =	vor.u32 v14, v46;
	v26 =	vand.u32 $0xFFFF0000, v54;
	[tilespmem:v24+s13+$0x0] =	vst.idx.add.f32.msk vm7, v62  }
0xbe: {  	v36 =	vand.u32 $0xFFFF0000, v48;
	v9 =	vor.u32 v14, v44;
	[tilespmem:v22+s13+$0x0] =	vst.idx.add.f32.msk vm7, v26;
	v26 =	vshll.u32 v8, $0x10  }
0xbf: {  	v21 =	vor.u32 v53, v63;
	v37 =	vadd.s32 $0x2800, v30;
	v8 =	vand.u32 $0xFFFF0000, v8;
	[tilespmem:v5+s13+$0x0] =	vst.idx.add.f32.msk vm8, v26  }
0xc0: {  	v47 =	vadd.s32 $0x5000, v5;
	v43 =	vand.u32 $0x7F, v30;
	[tilespmem:v19+s13+$0x0] =	vst.idx.add.f32.msk vm8, v8;
	v19 =	vand.u32 $0x7FF80, v37  }
0xc1: {  	v48 =	vadd.s32 $0x2800, v13;
	[tilespmem:v30+s13+$0x0] =	vst.idx.add.f32.msk vm1, v34;
	v55 =	vshll.u32 v28, $0x10;
	v45 =	vor.u32 v43, v19  }
0xc2: {  	v15 =	vand.u32 $0x7FF80, v15;
	v17 =	vand.u32 $0x7FF80, v47;
	v59 =	vand.u32 $0xFFFF0000, v28;
	[tilespmem:v16+s13+$0x0] =	vst.idx.add.f32.msk vm6, v55  }
0xc3: {  	v11 =	vor.u32 v3, v52;
	v54 =	vadd.s32 $0x7800, v6;
	v35 =	vshll.u32 v60, $0x10;
	[tilespmem:v9+s13+$0x0] =	vst.idx.add.f32.msk vm6, v59  }
0xc4: {  	v15 =	vor.u32 v53, v15;
	v17 =	vor.u32 v61, v17;
	v6 =	vand.u32 $0x7FF80, v54;
	[tilespmem:v21+s13+$0x0] =	vst.idx.add.f32.msk vm2, v35  }
0xc5: {  	v31 =	vadd.s32 $0x5000, v30;
	v3 =	vor.u32 v3, v6;
	v5 =	vadd.s32 $0x7800, v5;
	v4 =	vld.idx.msk [tilespmem:v4+s2+$0x0], vm8  }
0xc6: {  	v53 =	vadd.s32 $0x7800, v30;
	v39 =	vand.u32 $0x7FF80, v31;
	v5 =	vand.u32 $0x7FF80, v5;
	[tilespmem:v45+s13+$0x0] =	vst.idx.add.f32.msk vm13, v36  }
0xc7: {  	v40 =	vand.u32 $0xFFFF0000, v60;
	v60 =	vshll.u32 v7, $0x10;
	v5 =	vor.u32 v61, v5;
	v13 =	vld.idx.msk [tilespmem:v48+s2+$0x0], vm1  }
0xc8: {  	v58 =	vand.u32 $0x7FF80, v53;
	v56 =	vor.u32 v43, v39;
	[tilespmem:v11+s13+$0x0] =	vst.idx.add.f32.msk vm14, v60  }
0xc9: {  	v62 =	vand.u32 $0xFFFF0000, v7;
	v8 =	vor.u32 v43, v58;
	[tilespmem:v15+s13+$0x0] =	vst.idx.add.f32.msk vm2, v40  }
0xca: {  	[tilespmem:v3+s13+$0x0] =	vst.idx.add.f32.msk vm14, v62;
	v57 =	vshll.u32 v4, $0x10  }
0xcb: {  	v4 =	vand.u32 $0xFFFF0000, v4;
	[tilespmem:v17+s13+$0x0] =	vst.idx.add.f32.msk vm8, v57  }
0xcc: {  	[tilespmem:v5+s13+$0x0] =	vst.idx.add.f32.msk vm8, v4;
	v61 =	vshll.u32 v13, $0x10  }
0xcd: {  	v63 =	vand.u32 $0xFFFF0000, v13;
	[tilespmem:v56+s13+$0x0] =	vst.idx.add.f32.msk vm1, v61  }
0xce: {  	vm15 =	vmmov vm1;
	[tilespmem:v8+s13+$0x0] =	vst.idx.add.f32.msk vm1, v63  }
.LBB2_8:
0xcf: {  	p0 =	sge.s32 s19, s18  }
.Ltmp8:
0xd0: {  	_ = 	snop;
	(pc) =	sbr.rel @p0 .LBB2_11-.Ltmp8, $1  }
0xd1: {  	_ =	sdelay $0x3  }
0xd2: {  	s19 =	ssub.s32 s18, s19  }
0xd3: {  	s19 =	ssub.s32 $0x0, s19  }
.LBB2_10:
0xd4: {  	s20 =	sadd.s32 s19, s18  }
0xd5: {  	v3 =	vmov s20  }
0xd6: {  	vm0 =	vlt.s32 v3, v1  }
0xd7: {  	v3 =	vadd.s32 s20, v2;
	_ =	sdelay $0x4  }
0xd8: {  	v3 =	vld.idx.msk [tilespmem:v3+s10+$0x0], vm0;
	_ =	sdelay $0x4  }
0xd9: {  	v4 =	vand.u32 $0x3FFF, v3;
	_ =	sdelay $0x3  }
0xda: {  	v3 =	vshrl.u32 v3, $0xE  }
0xdb: {  	v6 =	vadd.s32 $0x2800, v3;
	v5 =	vld.idx.msk [tilespmem:v4+s2+$0x0], vm0  }
0xdc: {  	v7 =	vand.u32 $0x7F, v3;
	v6 =	vand.u32 $0x7FF80, v6  }
0xdd: {  	v6 =	vor.u32 v7, v6  }
0xde: {  	v4 =	vadd.s32 $0x2800, v4;
	_ =	sdelay $0x1  }
0xdf: {  	v8 =	vshll.u32 v5, $0x10  }
0xe0: {  	v5 =	vand.u32 $0xFFFF0000, v5;
	[tilespmem:v3+s13+$0x0] =	vst.idx.add.f32.msk vm0, v8  }
0xe1: {  	v62 =	vadd.s32 $0x5000, v3;
	[tilespmem:v6+s13+$0x0] =	vst.idx.add.f32.msk vm0, v5  }
0xe2: {  	v3 =	vadd.s32 $0x7800, v3;
	v5 =	vand.u32 $0x7FF80, v62;
	v4 =	vld.idx.msk [tilespmem:v4+s2+$0x0], vm0  }
0xe3: {  	s19 =	sadd.s32 $0x1, s19;
	v3 =	vand.u32 $0x7FF80, v3;
	v5 =	vor.u32 v7, v5  }
0xe4: {  	p0 =	seq.s32 s19, $0x0;
	v3 =	vor.u32 v7, v3  }
.Ltmp9:
0xe5: {  	_ = 	snop;
	(pc) =	sbr.rel @!p0 .LBB2_10-.Ltmp9, $4  }
0xe6: {  	_ = 	snop  }
0xe7: {  	v63 =	vshll.u32 v4, $0x10  }
0xe8: {  	v4 =	vand.u32 $0xFFFF0000, v4;
	[tilespmem:v5+s13+$0x0] =	vst.idx.add.f32.msk vm0, v63  }
0xe9: {  	[tilespmem:v3+s13+$0x0] =	vst.idx.add.f32.msk vm0, v4  }
.LBB2_11:
0xea: {  	p0 =	seq.s32 s16, $0xF  }
0xeb: {  	s18 =	smul.u32 @!p0 $0x5040, s16;
	_ =	sdelay $0x1  }
0xec: {  	s18 =	sshrl.u32 @!p0 s18, $0x3  }
0xed: {  	s18 =	sadd.s32 @!p0 s3, s18  }
0xee: {  	s19 =	simm.s32 @!p0 $0x0;
	s20 =	simm.s32 @!p0 $0xF000;
	s18 =	sadd.s32 @!p0 $0xA08, s18  }
0xef: {  	[tilespmem:s20], [sflag:$0x1] =	stream.linear.gather @!p0 [hbm4b:s18+s19], $0x2820, $0x38;
	[tilespmem:$0x14500] =	vst v63  }
0xf0: {  	_ =	swait.ge [sflag:s14], $0x2820  }
0xf1: {  	s17 =	sshll.u32 s17, $0x5;
	[sflag:s14] =	ssyncset.done $0x0  }
0xf2: {  	s29 =	sand.u32 $0x3FFFFFE0, s17;
	[sflag:s14] =	ssyncadd.s32 $0xFFFFD7E0  }
0xf3: {  	v1 =	vld [tilespmem:s29+$0x14110];
	_ =	sdelay $0x4  }
0xf4: {  	v2 =	vxor.u32 $0x80000000, v1  }
0xf5: {  	(xrf0) =	vmax.scan.msk.u32 $0xffff, v2;
	_ =	sdelay $0x5  }
0xf6: {  	v2, _, _ =	vpop (xrf0)  }
0xf7: {  	(v2sf) =	vpush v2, $0xF;
	_ =	sdelay $0xe  }
0xf8: {  	s30 =	spop (v2sf)  }
0xf9: {  	s17 =	sxor.u32 $0x80000000, s30  }
0xfa: {  	s31 =	sshra.s32 s17, $0x1F  }
0xfb: {  	s18 =	sshrl.u32 s31, $0x1D  }
0xfc: {  	s18 =	sadd.s32 s18, s17  }
0xfd: {  	s18 =	sand.u32 $0xFFFFFFF8, s18  }
0xfe: {  	p0 =	slt.s32 s18, $0x1  }
.Ltmp10:
0xff: {  	_ = 	snop;
	(pc) =	sbr.rel @p0 .LBB2_15-.Ltmp10, $2  }
0x100: {  	_ =	sdelay $0x1  }
0x101: {  	v2 =	vld [tilespmem:s29+$0x14100];
	_ =	sdelay $0x1  }
0x102: {  	s20 =	simm.s32 $0x4  }
0x103: {  	s21 =	simm.s32 $0x1;
	v3 =	vmov s20  }
0x104: {  	s22 =	simm.s32 $0x2;
	vm6 =	vlt.s32 v3, v1;
	v3 =	vmov s21  }
0x105: {  	s29 =	simm.s32 $0x3;
	v5 =	vmov s22;
	v4 =	vadd.s32 s20, v2;
	vm0 =	vlt.s32 v3, v1  }
0x106: {  	s23 =	simm.s32 $0x5;
	vm8 =	vlt.s32 v5, v1;
	v3 =	vmov s29;
	v6 =	vadd.s32 s21, v2  }
0x107: {  	v5 =	vmov s23;
	vm3 =	vlt.s32 v3, v1;
	v3 =	vadd.s32 s22, v2  }
0x108: {  	s30 =	simm.s32 $0x6;
	vm1 =	vlt.s32 v5, v1;
	v7 =	vadd.s32 s29, v2  }
0x109: {  	v5 =	vmov s30;
	v8 =	vadd.s32 s23, v2  }
0x10a: {  	vm4 =	vlt.s32 v5, v1;
	v13 =	vld.idx.msk [tilespmem:v4+s11+$0x0], vm6  }
0x10b: {  	v4 =	vadd.s32 s30, v2;
	v6 =	vld.idx.msk [tilespmem:v6+s11+$0x0], vm0  }
0x10c: {  	s31 =	simm.s32 $0x7;
	v5 =	vld.idx.msk [tilespmem:v3+s11+$0x0], vm8  }
0x10d: {  	v3 =	vmov s31;
	v9 =	vld.idx.msk [tilespmem:v7+s11+$0x0], vm3  }
0x10e: {  	s19 =	simm.s32 $0x0;
	vm2 =	vlt.s32 v3, v1;
	v3 =	vld.idx.msk [tilespmem:v8+s11+$0x0], vm1  }
0x10f: {  	v12 =	vadd.s32 s19, v2;
	vm5 =	vmmov vm0;
	vm7 =	vmmov vm1  }
0x110: {  	v7 =	vadd.s32 s31, v2;
	v14 =	vand.u32 $0x3FFF, v13;
	v10 =	vld.idx.msk [tilespmem:v4+s11+$0x0], vm4;
	v4 =	vmov s19  }
0x111: {  	v11 =	vand.u32 $0x3FFF, v6;
	vm0 =	vlt.s32 v4, v1;
	v8 =	vand.u32 $0x3FFF, v5  }
0x112: {  	v28 =	vshrl.u32 v6, $0xE;
	v30 =	vadd.s32 $0x2800, v14;
	v16 =	vand.u32 $0x3FFF, v9  }
0x113: {  	v22 =	vand.u32 $0x3FFF, v3;
	v19 =	vshrl.u32 v3, $0xE;
	vm1 =	vmmov vm0  }
0x114: {  	v24 =	vadd.s32 $0x2800, v28;
	v20 =	vadd.s32 $0x2800, v11;
	vm0 =	vmmov vm4  }
0x115: {  	v21 =	vadd.s32 $0x5000, v28;
	v4 =	vadd.s32 $0x2800, v8;
	v6 =	vshrl.u32 v9, $0xE  }
0x116: {  	v27 =	vadd.s32 $0x7800, v28;
	v15 =	vld.idx.msk [tilespmem:v7+s11+$0x0], vm2;
	vm2 =	vmmov vm2;
	v3 =	vadd.s32 $0x7800, v19  }
0x117: {  	v7 =	vadd.s32 $0x2800, v16;
	v9 =	vadd.s32 $0x2800, v6;
	v17 =	vld.idx.msk [tilespmem:v14+s2+$0x0], vm6;
	v18 =	vand.u32 $0x3FFF, v10  }
0x118: {  	v31 =	vadd.s32 $0x2800, v22;
	v38 =	vand.u32 $0x7F, v19;
	v24 =	vand.u32 $0x7FF80, v24;
	v23 =	vld.idx.msk [tilespmem:v11+s2+$0x0], vm5  }
0x119: {  	v34 =	vand.u32 $0x7FF80, v3;
	v3 =	vand.u32 $0x7F, v6;
	v9 =	vand.u32 $0x7FF80, v9  }
0x11a: {  	vm13 =	vmmov vm1;
	v37 =	vshrl.u32 v10, $0xE;
	v9 =	vor.u32 v3, v9  }
0x11b: {  	v10 =	vadd.s32 $0x7800, v37;
	v29 =	vadd.s32 $0x2800, v18;
	v11 =	vadd.s32 $0x5000, v37  }
0x11c: {  	v41 =	vand.u32 $0x3FFF, v15;
	v35 =	vshll.u32 v17, $0x10;
	v26 =	vand.u32 $0xFFFF0000, v17;
	v33 =	vld.idx.msk [tilespmem:v18+s2+$0x0], vm4  }
0x11d: {  	v17 =	vadd.s32 $0x2800, v37;
	v18 =	vshrl.u32 v13, $0xE;
	v36 =	vshll.u32 v23, $0x10  }
0x11e: {  	v32 =	vand.u32 $0xFFFF0000, v23;
	v23 =	vld.idx.msk [tilespmem:v12+s11+$0x0], vm1;
	v12 =	vand.u32 $0x7F, v37;
	v17 =	vand.u32 $0x7FF80, v17  }
0x11f: {  	p0 =	sgt.s32 s18, $0x8;
	v11 =	vand.u32 $0x7FF80, v11;
	v25 =	vld.idx.msk [tilespmem:v22+s2+$0x0], vm7;
	v22 =	vadd.s32 $0x2800, v19;
	v42 =	vor.u32 v12, v17  }
.Ltmp11:
0x120: {  	v39 =	vand.u32 $0x7FF80, v22;
	v22 =	vor.u32 v38, v34;
	v34 =	vand.u32 $0x7F, v28;
	(pc) =	sbr.rel @!p0 .LBB2_14-.Ltmp11, $4  }
0x121: {  	v13 =	vadd.s32 $0x5000, v19;
	v40 =	vshll.u32 v33, $0x10;
	v44 =	vand.u32 $0xFFFF0000, v33;
	v33 =	vld.idx.msk [tilespmem:v41+s2+$0x0], vm2  }
0x122: {  	v14 =	vand.u32 $0x7F, v18;
	v43 =	vand.u32 $0x7FF80, v13;
	v45 =	vadd.s32 $0x2800, v18;
	[tilespmem:v18+s13+$0x0] =	vst.idx.add.f32.msk vm6, v35  }
0x123: {  	v17 =	vadd.s32 $0x5000, v18;
	v35 =	vadd.s32 $0x2800, v41;
	v13 =	vand.u32 $0x3FFF, v23;
	[tilespmem:v37+s13+$0x0] =	vst.idx.add.f32.msk vm4, v40  }
0x124: {  	s19 =	simm.s32 $0x8;
	v40 =	vand.u32 $0x7FF80, v45;
	v37 =	vor.u32 v34, v24;
	v24 =	vor.u32 v38, v43;
	[tilespmem:v42+s13+$0x0] =	vst.idx.add.f32.msk vm0, v44  }
.LBB2_13:
0x125: {  	_ =	sdelay $0x2  }
0x126: {  	v41 =	vimm.s32 $0x0;
	[tilespmem:v28+s13+$0x0] =	vst.idx.add.f32.msk vm5, v36;
	v54 =	vor.u32 v14, v40  }
0x127: {  	v38 =	vor.u32 v38, v39;
	v15 =	vshrl.u32 v15, $0xE;
	vm9 =	vmmov vm3;
	v56 =	vld.idx.msk [tilespmem:v13+s2+$0x0], vm1  }
0x128: {  	s21 =	sadd.s32 $0x1, s19;
	vm11 =	vmmov vm6;
	vm10 =	vmmov vm8;
	s20 =	smov.u32 s19;
	v29 =	vld.idx.msk [tilespmem:v29+s2+$0x0], vm0;
	v23 =	vshrl.u32 v23, $0xE  }
0x129: {  	v21 =	vand.u32 $0x7FF80, v21;
	v27 =	vand.u32 $0x7FF80, v27;
	v28 =	vmov s21;
	s28 =	sadd.s32 $0x7, s20;
	[tilespmem:v37+s13+$0x0] =	vst.idx.add.f32.msk vm5, v32  }
0x12a: {  	v53 =	vshrl.u32 v5, $0xE;
	vm12 =	vlt.s32 v28, v1;
	v28 =	vmov s28;
	v20 =	vld.idx.msk [tilespmem:v20+s2+$0x0], vm5  }
0x12b: {  	s22 =	sadd.s32 $0x2, s19;
	s24 =	sadd.s32 $0x4, s19;
	v57 =	vand.u32 $0xFFFF0000, v25;
	v25 =	vshll.u32 v25, $0x10;
	vm14 =	vlt.s32 v28, v1;
	v28 =	vld.idx.msk [tilespmem:v16+s2+$0x0], vm3  }
0x12c: {  	s23 =	sadd.s32 $0x3, s19;
	s25 =	sadd.s32 $0x5, s19;
	v41 =	vsel vm13, $0xFFFFFFFF, v41;
	v55 =	vmov s22;
	v42 =	vmov s24;
	[tilespmem:v19+s13+$0x0] =	vst.idx.add.f32.msk vm7, v25  }
0x12d: {  	v43 =	vmov s25;
	v44 =	vmov s23;
	vm8 =	vlt.s32 v55, v1;
	[tilespmem:v38+s13+$0x0] =	vst.idx.add.f32.msk vm7, v57  }
0x12e: {  	v58 =	vadd.s32 s24, v2;
	v49 =	vadd.s32 s22, v2;
	vm13 =	vlt.s32 v43, v1;
	[tilespmem:v54+s13+$0x0] =	vst.idx.add.f32.msk vm11, v26  }
0x12f: {  	v61 =	vadd.s32 s25, v2;
	vm3 =	vlt.s32 v44, v1;
	v44 =	vshll.u32 v56, $0x10;
	v48 =	vld.idx.msk [tilespmem:v31+s2+$0x0], vm7  }
0x130: {  	vm6 =	vlt.s32 v42, v1;
	v25 =	vadd.s32 s21, v2;
	v26 =	vadd.s32 $0x2800, v15;
	[tilespmem:v23+s13+$0x0] =	vst.idx.add.f32.msk vm1, v44  }
0x131: {  	s26 =	sadd.s32 $0x6, s19;
	v62 =	vand.u32 $0x7F, v15;
	v19 =	vadd.s32 $0x5000, v23;
	v31 =	vand.u32 $0x7FF80, v26;
	v26 =	vld.idx.msk [tilespmem:v30+s2+$0x0], vm11  }
0x132: {  	v16 =	vmov s26;
	v45 =	vor.u32 v62, v31;
	v31 =	vand.u32 $0x7FF80, v19;
	v19 =	vld.idx.msk [tilespmem:v8+s2+$0x0], vm10  }
0x133: {  	v18 =	vadd.s32 $0x7800, v18;
	vm15 =	vlt.s32 v16, v1;
	v16 =	vor.u32 v34, v21;
	v5 =	vld.idx.msk [tilespmem:v49+s11+$0x0], vm8  }
0x134: {  	v17 =	vand.u32 $0x7FF80, v17;
	v11 =	vor.u32 v12, v11;
	v59 =	vadd.s32 s23, v2;
	v37 =	vld.idx.msk [tilespmem:v61+s11+$0x0], vm13  }
0x135: {  	v10 =	vand.u32 $0x7FF80, v10;
	v13 =	vadd.s32 $0x2800, v13;
	v27 =	vor.u32 v34, v27;
	v46 =	vld.idx.msk [tilespmem:v25+s11+$0x0], vm12  }
0x136: {  	v60 =	vadd.s32 $0x5000, v15;
	v63 =	vadd.s32 s26, v2;
	v8 =	vshll.u32 v33, $0x10;
	v25 =	vld.idx.msk [tilespmem:v58+s11+$0x0], vm6  }
0x137: {  	v50 =	vadd.s32 $0x7800, v23;
	v52 =	vadd.s32 $0x2800, v23;
	v47 =	vshll.u32 v20, $0x10;
	[tilespmem:v15+s13+$0x0] =	vst.idx.add.f32.msk vm2, v8  }
0x138: {  	v18 =	vand.u32 $0x7FF80, v18;
	v10 =	vor.u32 v12, v10;
	v40 =	vand.u32 $0x7FF80, v52;
	[tilespmem:v16+s13+$0x0] =	vst.idx.add.f32.msk vm5, v47  }
0x139: {  	v55 =	vand.u32 $0x7F, v53;
	v36 =	vand.u32 $0x7FF80, v60;
	v20 =	vand.u32 $0xFFFF0000, v20;
	v32 =	vld.idx.msk [tilespmem:v59+s11+$0x0], vm3  }
0x13a: {  	v18 =	vor.u32 v14, v18;
	v16 =	vadd.s32 $0x2800, v53;
	[tilespmem:v27+s13+$0x0] =	vst.idx.add.f32.msk vm5, v20;
	v8 =	vshll.u32 v48, $0x10  }
0x13b: {  	v14 =	vor.u32 v14, v17;
	v51 =	vand.u32 $0xFFFF0000, v33;
	v16 =	vand.u32 $0x7FF80, v16;
	[tilespmem:v24+s13+$0x0] =	vst.idx.add.f32.msk vm7, v8  }
0x13c: {  	v21 =	vadd.s32 s28, v2;
	v54 =	vand.u32 $0xFFFF0000, v48;
	v59 =	vor.u32 v55, v16;
	[tilespmem:v45+s13+$0x0] =	vst.idx.add.f32.msk vm2, v51  }
0x13d: {  	v57 =	vadd.s32 s20, v2;
	v30 =	vand.u32 $0xFFFF0000, v56;
	v15 =	vadd.s32 $0x7800, v15;
	[tilespmem:v22+s13+$0x0] =	vst.idx.add.f32.msk vm7, v54  }
0x13e: {  	v58 =	vmov s20;
	v15 =	vand.u32 $0x7FF80, v15;
	v16 =	vadd.s32 $0x5000, v53;
	v22 =	vld.idx.msk [tilespmem:v63+s11+$0x0], vm15  }
0x13f: {  	v60 =	vshll.u32 v19, $0x10;
	v12 =	vand.u32 $0xFFFF0000, v19;
	v19 =	vand.u32 $0x7FF80, v16;
	v35 =	vld.idx.msk [tilespmem:v35+s2+$0x0], vm2  }
0x140: {  	vm4 =	vlt.s32 v58, v1;
	[tilespmem:v53+s13+$0x0] =	vst.idx.add.f32.msk vm10, v60;
	v27 =	vor.u32 v55, v19;
	v19 =	vadd.s32 $0x7800, v53  }
0x141: {  	v20 =	vadd.s32 $0x5000, v6;
	[tilespmem:v59+s13+$0x0] =	vst.idx.add.f32.msk vm10, v12;
	v12 =	vand.u32 $0x7FF80, v19;
	v19 =	vshll.u32 v28, $0x10  }
0x142: {  	vm5 =	vmmov vm12;
	v56 =	vor.u32 v62, v15;
	[tilespmem:v6+s13+$0x0] =	vst.idx.add.f32.msk vm9, v19;
	v6 =	vadd.s32 $0x7800, v6  }
0x143: {  	v20 =	vand.u32 $0x7FF80, v20;
	v15 =	vld.idx.msk [tilespmem:v21+s11+$0x0], vm14;
	v21 =	vor.u32 v62, v36;
	v6 =	vand.u32 $0x7FF80, v6  }
0x144: {  	[tilespmem:$0x1FFE0] =	vst v41;
	v48 =	vor.u32 v3, v20;
	v41 =	vld.idx.msk [tilespmem:v4+s2+$0x0], vm10;
	v51 =	vor.u32 v3, v6;
	v3 =	vshll.u32 v29, $0x10  }
0x145: {  	vm12 =	vmmov vm1;
	vm1 =	vmmov vm4;
	v4 =	vand.u32 $0xFFFF0000, v29;
	[tilespmem:v11+s13+$0x0] =	vst.idx.add.f32.msk vm0, v3  }
0x146: {  	v8 =	vand.u32 $0x3FFF, v5;
	v63 =	vand.u32 $0x3FFF, v37;
	vm7 =	vmmov vm13;
	[tilespmem:v10+s13+$0x0] =	vst.idx.add.f32.msk vm0, v4  }
0x147: {  	v61 =	vand.u32 $0x3FFF, v25;
	v16 =	vand.u32 $0x3FFF, v32;
	v17 =	vshll.u32 v35, $0x10;
	v4 =	vld [tilespmem:$0x1FFE0]  }
0x148: {  	v62 =	vand.u32 $0x3FFF, v46;
	[tilespmem:v21+s13+$0x0] =	vst.idx.add.f32.msk vm2, v17;
	v17 =	vand.u32 $0x7F, v23;
	v21 =	vand.u32 $0x7FF80, v50  }
0x149: {  	v19 =	vshrl.u32 v37, $0xE;
	v38 =	vor.u32 v17, v21;
	v21 =	vand.u32 $0xFFFF0000, v28  }
0x14a: {  	v20 =	vadd.s32 $0x2800, v62;
	v12 =	vor.u32 v55, v12;
	v60 =	vadd.s32 $0x2800, v19;
	[tilespmem:v9+s13+$0x0] =	vst.idx.add.f32.msk vm9, v21  }
0x14b: {  	v24 =	vand.u32 $0xFFFF0000, v35;
	v6 =	vshrl.u32 v32, $0xE;
	v39 =	vand.u32 $0x7FF80, v60;
	v49 =	vld.idx.msk [tilespmem:v7+s2+$0x0], vm9  }
0x14c: {  	v50 =	vand.u32 $0x3FFF, v22;
	v3 =	vshll.u32 v26, $0x10;
	[tilespmem:v56+s13+$0x0] =	vst.idx.add.f32.msk vm2, v24;
	vm13 =	vnez.u8 v4  }
0x14d: {  	v47 =	vor.u32 v17, v40;
	v24 =	vld.idx.msk [tilespmem:v61+s2+$0x0], vm6;
	vm2 =	vmmov vm14;
	v28 =	vshrl.u32 v46, $0xE  }
0x14e: {  	vm0 =	vmmov vm15;
	v17 =	vor.u32 v17, v31;
	[tilespmem:v14+s13+$0x0] =	vst.idx.add.f32.msk vm11, v3;
	v10 =	vshll.u32 v41, $0x10  }
0x14f: {  	v56 =	vand.u32 $0x3FFF, v15;
	v3 =	vand.u32 $0x7F, v6;
	v14 =	vand.u32 $0xFFFF0000, v41;
	[tilespmem:v27+s13+$0x0] =	vst.idx.add.f32.msk vm10, v10  }
0x150: {  	v29 =	vadd.s32 $0x2800, v50;
	v9 =	vadd.s32 $0x7800, v19;
	[tilespmem:v12+s13+$0x0] =	vst.idx.add.f32.msk vm10, v14;
	v31 =	vshll.u32 v49, $0x10  }
0x151: {  	v52 =	vadd.s32 $0x2800, v28;
	v21 =	vadd.s32 $0x5000, v28;
	v34 =	vand.u32 $0x7F, v28;
	[tilespmem:v48+s13+$0x0] =	vst.idx.add.f32.msk vm9, v31  }
0x152: {  	v35 =	vadd.s32 $0x2800, v56;
	v7 =	vadd.s32 $0x2800, v16;
	v53 =	vand.u32 $0x7FF80, v9;
	[tilespmem:v47+s13+$0x0] =	vst.idx.add.f32.msk vm13, v30  }
0x153: {  	v9 =	vand.u32 $0xFFFF0000, v26;
	v27 =	vadd.s32 $0x7800, v28;
	v4 =	vadd.s32 $0x2800, v8;
	v30 =	vld.idx.msk [tilespmem:v62+s2+$0x0], vm5  }
0x154: {  	v55 =	vshll.u32 v24, $0x10;
	v26 =	vand.u32 $0xFFFF0000, v24;
	v24 =	vadd.s32 $0x2800, v6;
	v13 =	vld.idx.msk [tilespmem:v13+s2+$0x0], vm12  }
0x155: {  	v14 =	vand.u32 $0x7FF80, v24;
	v54 =	vand.u32 $0xFFFF0000, v49;
	v23 =	vld.idx.msk [tilespmem:v57+s11+$0x0], vm4;
	v57 =	vshrl.u32 v22, $0xE  }
0x156: {  	v31 =	vadd.s32 $0x2800, v63;
	vm13 =	vmmov vm4;
	v22 =	vld.idx.msk [tilespmem:v50+s2+$0x0], vm15;
	v10 =	vadd.s32 $0x7800, v57  }
0x157: {  	[tilespmem:v18+s13+$0x0] =	vst.idx.add.f32.msk vm11, v9;
	v11 =	vadd.s32 $0x5000, v57;
	v18 =	vadd.s32 $0x2800, v57;
	v12 =	vand.u32 $0x7F, v57  }
0x158: {  	v33 =	vld.idx.msk [tilespmem:v56+s2+$0x0], vm2;
	v11 =	vand.u32 $0x7FF80, v11;
	v24 =	vand.u32 $0x7FF80, v18;
	v18 =	vshrl.u32 v25, $0xE  }
0x159: {  	s19 =	sadd.s32 $0x8, s19;
	v25 =	vld.idx.msk [tilespmem:v63+s2+$0x0], vm7;
	v63 =	vand.u32 $0x7FF80, v52;
	v58 =	vor.u32 v12, v24;
	v62 =	vadd.s32 $0x2800, v18  }
0x15a: {  	p0 =	slt.s32 s19, s18;
	[tilespmem:v51+s13+$0x0] =	vst.idx.add.f32.msk vm9, v54;
	v37 =	vor.u32 v34, v63;
	v36 =	vshll.u32 v30, $0x10;
	v9 =	vshll.u32 v13, $0x10  }
.Ltmp12:
0x15b: {  	v32 =	vand.u32 $0xFFFF0000, v30;
	v30 =	vadd.s32 $0x2800, v61;
	v59 =	vshll.u32 v22, $0x10;
	[tilespmem:v17+s13+$0x0] =	vst.idx.add.f32.msk vm12, v9;
	(pc) =	sbr.rel @p0 .LBB2_13-.Ltmp12, $4  }
0x15c: {  	v40 =	vand.u32 $0x7FF80, v62;
	v13 =	vand.u32 $0xFFFF0000, v13;
	v61 =	vand.u32 $0xFFFF0000, v22;
	[tilespmem:v57+s13+$0x0] =	vst.idx.add.f32.msk vm0, v59  }
0x15d: {  	v9 =	vor.u32 v3, v14;
	v14 =	vand.u32 $0x7F, v18;
	[tilespmem:v38+s13+$0x0] =	vst.idx.add.f32.msk vm12, v13;
	v13 =	vadd.s32 $0x5000, v19  }
0x15e: {  	v17 =	vadd.s32 $0x5000, v18;
	v38 =	vand.u32 $0x7F, v19;
	[tilespmem:v18+s13+$0x0] =	vst.idx.add.f32.msk vm6, v55;
	v24 =	vand.u32 $0x7FF80, v13  }
0x15f: {  	v13 =	vand.u32 $0x3FFF, v23;
	v22 =	vor.u32 v38, v53;
	[tilespmem:v58+s13+$0x0] =	vst.idx.add.f32.msk vm0, v61;
	v24 =	vor.u32 v38, v24  }
.LBB2_14:
0x160: {  	_ =	sdelay $0x4  }
0x161: {  	[tilespmem:v28+s13+$0x0] =	vst.idx.add.f32.msk vm5, v36  }
0x162: {  	v48 =	vld.idx.msk [tilespmem:v13+s2+$0x0], vm1  }
0x163: {  	v47 =	vor.u32 v38, v39;
	v29 =	vld.idx.msk [tilespmem:v29+s2+$0x0], vm0  }
0x164: {  	vm6 =	vmmov vm6;
	v50 =	vshll.u32 v25, $0x10;
	v16 =	vld.idx.msk [tilespmem:v16+s2+$0x0], vm3;
	v15 =	vshrl.u32 v15, $0xE  }
0x165: {  	v49 =	vor.u32 v14, v40;
	[tilespmem:v19+s13+$0x0] =	vst.idx.add.f32.msk vm7, v50  }
0x166: {  	vm8 =	vmmov vm8;
	[tilespmem:v37+s13+$0x0] =	vst.idx.add.f32.msk vm5, v32  }
0x167: {  	v51 =	vand.u32 $0xFFFF0000, v25;
	vm14 =	vmmov vm3;
	v20 =	vld.idx.msk [tilespmem:v20+s2+$0x0], vm5  }
0x168: {  	v55 =	vshll.u32 v33, $0x10;
	[tilespmem:v47+s13+$0x0] =	vst.idx.add.f32.msk vm7, v51  }
0x169: {  	[tilespmem:v15+s13+$0x0] =	vst.idx.add.f32.msk vm2, v55  }
0x16a: {  	v52 =	vadd.s32 $0x2800, v15;
	[tilespmem:v49+s13+$0x0] =	vst.idx.add.f32.msk vm6, v26  }
0x16b: {  	v11 =	vor.u32 v12, v11;
	v53 =	vand.u32 $0x7F, v15;
	v19 =	vand.u32 $0x7FF80, v52;
	v54 =	vld.idx.msk [tilespmem:v31+s2+$0x0], vm7  }
0x16c: {  	v21 =	vand.u32 $0x7FF80, v21;
	v19 =	vor.u32 v53, v19;
	v38 =	vshll.u32 v16, $0x10;
	v8 =	vld.idx.msk [tilespmem:v8+s2+$0x0], vm8  }
0x16d: {  	v21 =	vor.u32 v34, v21;
	[tilespmem:v6+s13+$0x0] =	vst.idx.add.f32.msk vm14, v38  }
0x16e: {  	v10 =	vand.u32 $0x7FF80, v10;
	v41 =	vand.u32 $0xFFFF0000, v16;
	v28 =	vld.idx.msk [tilespmem:v30+s2+$0x0], vm6  }
0x16f: {  	v10 =	vor.u32 v12, v10;
	v49 =	vshll.u32 v29, $0x10;
	[tilespmem:v9+s13+$0x0] =	vst.idx.add.f32.msk vm14, v41  }
0x170: {  	v27 =	vand.u32 $0x7FF80, v27;
	v5 =	vshrl.u32 v5, $0xE;
	v56 =	vand.u32 $0xFFFF0000, v33;
	[tilespmem:v11+s13+$0x0] =	vst.idx.add.f32.msk vm0, v49  }
0x171: {  	v42 =	vadd.s32 $0x7800, v18;
	v27 =	vor.u32 v34, v27;
	v59 =	vshll.u32 v20, $0x10;
	[tilespmem:v19+s13+$0x0] =	vst.idx.add.f32.msk vm2, v56  }
0x172: {  	v46 =	vand.u32 $0x7FF80, v17;
	v57 =	vadd.s32 $0x5000, v15;
	v58 =	vadd.s32 $0x2800, v5;
	[tilespmem:v21+s13+$0x0] =	vst.idx.add.f32.msk vm5, v59  }
0x173: {  	v61 =	vand.u32 $0x7F, v5;
	v44 =	vand.u32 $0x7FF80, v42;
	v51 =	vand.u32 $0xFFFF0000, v29;
	v7 =	vld.idx.msk [tilespmem:v7+s2+$0x0], vm14  }
0x174: {  	v50 =	vadd.s32 $0x5000, v6;
	v63 =	vand.u32 $0x7FF80, v57;
	v19 =	vand.u32 $0x7FF80, v58;
	[tilespmem:v10+s13+$0x0] =	vst.idx.add.f32.msk vm0, v51  }
0x175: {  	v52 =	vand.u32 $0x7FF80, v50;
	v20 =	vand.u32 $0xFFFF0000, v20;
	v60 =	vld.idx.msk [tilespmem:v35+s2+$0x0], vm2;
	v19 =	vor.u32 v61, v19  }
0x176: {  	v15 =	vadd.s32 $0x7800, v15;
	v30 =	vshrl.u32 v23, $0xE;
	[tilespmem:v27+s13+$0x0] =	vst.idx.add.f32.msk vm5, v20;
	v62 =	vshll.u32 v54, $0x10  }
0x177: {  	v34 =	vshll.u32 v48, $0x10;
	v16 =	vor.u32 v14, v46;
	v26 =	vand.u32 $0xFFFF0000, v54;
	[tilespmem:v24+s13+$0x0] =	vst.idx.add.f32.msk vm7, v62  }
0x178: {  	v36 =	vand.u32 $0xFFFF0000, v48;
	v9 =	vor.u32 v14, v44;
	[tilespmem:v22+s13+$0x0] =	vst.idx.add.f32.msk vm7, v26;
	v26 =	vshll.u32 v8, $0x10  }
0x179: {  	v21 =	vor.u32 v53, v63;
	v37 =	vadd.s32 $0x2800, v30;
	v8 =	vand.u32 $0xFFFF0000, v8;
	[tilespmem:v5+s13+$0x0] =	vst.idx.add.f32.msk vm8, v26  }
0x17a: {  	v47 =	vadd.s32 $0x5000, v5;
	v43 =	vand.u32 $0x7F, v30;
	[tilespmem:v19+s13+$0x0] =	vst.idx.add.f32.msk vm8, v8;
	v19 =	vand.u32 $0x7FF80, v37  }
0x17b: {  	v48 =	vadd.s32 $0x2800, v13;
	[tilespmem:v30+s13+$0x0] =	vst.idx.add.f32.msk vm1, v34;
	v55 =	vshll.u32 v28, $0x10;
	v45 =	vor.u32 v43, v19  }
0x17c: {  	v15 =	vand.u32 $0x7FF80, v15;
	v17 =	vand.u32 $0x7FF80, v47;
	v59 =	vand.u32 $0xFFFF0000, v28;
	[tilespmem:v16+s13+$0x0] =	vst.idx.add.f32.msk vm6, v55  }
0x17d: {  	v11 =	vor.u32 v3, v52;
	v54 =	vadd.s32 $0x7800, v6;
	v35 =	vshll.u32 v60, $0x10;
	[tilespmem:v9+s13+$0x0] =	vst.idx.add.f32.msk vm6, v59  }
0x17e: {  	v15 =	vor.u32 v53, v15;
	v17 =	vor.u32 v61, v17;
	v6 =	vand.u32 $0x7FF80, v54;
	[tilespmem:v21+s13+$0x0] =	vst.idx.add.f32.msk vm2, v35  }
0x17f: {  	v31 =	vadd.s32 $0x5000, v30;
	v3 =	vor.u32 v3, v6;
	v5 =	vadd.s32 $0x7800, v5;
	v4 =	vld.idx.msk [tilespmem:v4+s2+$0x0], vm8  }
0x180: {  	v53 =	vadd.s32 $0x7800, v30;
	v39 =	vand.u32 $0x7FF80, v31;
	v5 =	vand.u32 $0x7FF80, v5;
	[tilespmem:v45+s13+$0x0] =	vst.idx.add.f32.msk vm13, v36  }
0x181: {  	v40 =	vand.u32 $0xFFFF0000, v60;
	v60 =	vshll.u32 v7, $0x10;
	v5 =	vor.u32 v61, v5;
	v13 =	vld.idx.msk [tilespmem:v48+s2+$0x0], vm1  }
0x182: {  	v58 =	vand.u32 $0x7FF80, v53;
	v56 =	vor.u32 v43, v39;
	[tilespmem:v11+s13+$0x0] =	vst.idx.add.f32.msk vm14, v60  }
0x183: {  	v62 =	vand.u32 $0xFFFF0000, v7;
	v8 =	vor.u32 v43, v58;
	[tilespmem:v15+s13+$0x0] =	vst.idx.add.f32.msk vm2, v40  }
0x184: {  	[tilespmem:v3+s13+$0x0] =	vst.idx.add.f32.msk vm14, v62;
	v57 =	vshll.u32 v4, $0x10  }
0x185: {  	v4 =	vand.u32 $0xFFFF0000, v4;
	[tilespmem:v17+s13+$0x0] =	vst.idx.add.f32.msk vm8, v57  }
0x186: {  	[tilespmem:v5+s13+$0x0] =	vst.idx.add.f32.msk vm8, v4;
	v61 =	vshll.u32 v13, $0x10  }
0x187: {  	v63 =	vand.u32 $0xFFFF0000, v13;
	[tilespmem:v56+s13+$0x0] =	vst.idx.add.f32.msk vm1, v61  }
0x188: {  	vm15 =	vmmov vm1;
	[tilespmem:v8+s13+$0x0] =	vst.idx.add.f32.msk vm1, v63  }
.LBB2_15:
0x189: {  	p0 =	sge.s32 s18, s17  }
.Ltmp13:
0x18a: {  	_ = 	snop;
	(pc) =	sbr.rel @p0 .LBB2_18-.Ltmp13, $1  }
0x18b: {  	_ =	sdelay $0x3  }
0x18c: {  	s18 =	ssub.s32 s17, s18  }
0x18d: {  	s18 =	ssub.s32 $0x0, s18  }
.LBB2_17:
0x18e: {  	s19 =	sadd.s32 s18, s17  }
0x18f: {  	v3 =	vmov s19  }
0x190: {  	vm0 =	vlt.s32 v3, v1  }
0x191: {  	v3 =	vadd.s32 s19, v2;
	_ =	sdelay $0x4  }
0x192: {  	v3 =	vld.idx.msk [tilespmem:v3+s11+$0x0], vm0;
	_ =	sdelay $0x4  }
0x193: {  	v4 =	vand.u32 $0x3FFF, v3;
	_ =	sdelay $0x3  }
0x194: {  	v3 =	vshrl.u32 v3, $0xE  }
0x195: {  	v6 =	vadd.s32 $0x2800, v3;
	v5 =	vld.idx.msk [tilespmem:v4+s2+$0x0], vm0  }
0x196: {  	v7 =	vand.u32 $0x7F, v3;
	v6 =	vand.u32 $0x7FF80, v6  }
0x197: {  	v6 =	vor.u32 v7, v6  }
0x198: {  	v4 =	vadd.s32 $0x2800, v4;
	_ =	sdelay $0x1  }
0x199: {  	v8 =	vshll.u32 v5, $0x10  }
0x19a: {  	v5 =	vand.u32 $0xFFFF0000, v5;
	[tilespmem:v3+s13+$0x0] =	vst.idx.add.f32.msk vm0, v8  }
0x19b: {  	v62 =	vadd.s32 $0x5000, v3;
	[tilespmem:v6+s13+$0x0] =	vst.idx.add.f32.msk vm0, v5  }
0x19c: {  	v3 =	vadd.s32 $0x7800, v3;
	v5 =	vand.u32 $0x7FF80, v62;
	v4 =	vld.idx.msk [tilespmem:v4+s2+$0x0], vm0  }
0x19d: {  	s18 =	sadd.s32 $0x1, s18;
	v3 =	vand.u32 $0x7FF80, v3;
	v5 =	vor.u32 v7, v5  }
0x19e: {  	p0 =	seq.s32 s18, $0x0;
	v3 =	vor.u32 v7, v3  }
.Ltmp14:
0x19f: {  	_ = 	snop;
	(pc) =	sbr.rel @!p0 .LBB2_17-.Ltmp14, $4  }
0x1a0: {  	_ = 	snop  }
0x1a1: {  	v63 =	vshll.u32 v4, $0x10  }
0x1a2: {  	v4 =	vand.u32 $0xFFFF0000, v4;
	[tilespmem:v5+s13+$0x0] =	vst.idx.add.f32.msk vm0, v63  }
0x1a3: {  	[tilespmem:v3+s13+$0x0] =	vst.idx.add.f32.msk vm0, v4  }
.Ltmp15:
0x1a4: {  	_ = 	snop;
	(pc) =	sbr.rel .LBB2_18-.Ltmp15, $1  }
0x1a5: {  	_ =	sdelay $0x3  }
.LBB2_20:
0x1a6: {  	_ =	sfence.sel $0x180000  }
0x1a7: {  	[bflag:$0x0] =	sbarrier.arrive $0xFFFF  }
0x1a8: {  	p0 =	sne.s32 s0, $0x0;
	_ =	strace $0x9000004A  }
0x1a9: {  	s0 =	sadd.s32 @!p0 $0x100000, s1;
	[bflag:$0x2] =	sbarrier.arrive $0xFFFF  }
0x1aa: {  	[sflag:s0] =	ssyncadd.tile.s32 @!p0 $0x1;
	_ =	shalt  }
.Lfunc_end2:
_tile_overlayer_lowered:
.L_overlay_start_2:
0x1ab: {  	(tag) =	ssettag $0x2  }
0x1ac: {  	s0 =	rddreg [dreg:$0x0];
	s2 =	stileid.u32  }
0x1ad: {  	s1 =	rddreg [dreg:$0x1];
	p0 =	sne.s32 s2, $0x0  }
0x1ae: {  	s3 =	rddreg [dreg:$0x2];
	[bflag:$0x3] =	sbarrier.arrive $0xFFFF;
	s2 =	simm.s32 @!p0 $0x1C03  }
0x1af: {  	[timem:s3], [sflag:s2] =	dma.local @!p0 [hbm:s0], s1  }
0x1b0: {  	s0 =	simm.s32 @!p0 $0x3  }
0x1b1: {  	_ =	swait.ge @!p0 [sflag:s0], s1  }
0x1b2: {  	s1 =	ssub.s32 @!p0 $0x0, s1;
	[sflag:s0] =	ssyncset.done @!p0 $0x0  }
0x1b3: {  	[sflag:s0] =	ssyncadd.s32 @!p0 s1  }
0x1b4: {  	[bflag:$0x3] =	sbarrier.arrive $0xFFFF  }
0x1b5: {  	_ =	shalt  }

// kernel: kernel.16.cloned.1.call-start
scs
__scs_entry_jumppad:
0x0: {  	(pc) =	sbr.rel $0x88, $3  }
0x1: {  	(tag) =	ssettag $0x0;
	lr =	simm.s32 $0x1  }
0x2: {  	[smem:$0x3F99] =	sst lr;
	_ =	strace $0xD0000000  }
0x3: {  	_ = 	snop  }
0x4: {  	_ = 	snop  }
0x5: {  	_ = 	snop  }
0x6: {  	_ = 	snop  }
0x7: {  	_ = 	snop  }
__scs_overlays_trampoline_lowered:
0x8: {  	[smem:$0x3FA8] =	sst s0  }
0x9: {  	[smem:$0x3FA9] =	sst s1  }
0xa: {  	[smem:$0x3FAA] =	sst s2  }
0xb: {  	[smem:$0x3FAB] =	sst s3  }
0xc: {  	[smem:$0x3FAC] =	sst s4  }
0xd: {  	[smem:$0x3FAD] =	sst s5  }
0xe: {  	[smem:$0x3FAE] =	sst s6  }
0xf: {  	[smem:$0x3FAF] =	sst s7  }
0x10: {  	[smem:$0x3FB0] =	sst s8  }
0x11: {  	[smem:$0x3FB1] =	sst s9;
	s0 =	simm.s32 @!p0 $0x0  }
0x12: {  	s1 =	sld [smem:$0x3F97];
	s0 =	simm.s32 @p0 $0x1  }
0x13: {  	[smem:$0x3FB2] =	sst s0;
	s0 =	simm.s32 @!p1 $0x0  }
0x14: {  	s2 =	sld [smem:$0x3F96];
	s0 =	simm.s32 @p1 $0x1  }
0x15: {  	[smem:$0x3FB3] =	sst s0;
	s0 =	simm.s32 @!p2 $0x0  }
0x16: {  	s3 =	sld [smem:$0x3FDB];
	s0 =	simm.s32 @p2 $0x1  }
0x17: {  	s4 =	simm.s32 $0x1BF5;
	[smem:$0x3FB5] =	sst s0  }
0x18: {  	s0 =	sld [smem:$0x3F98];
	_ =	swait.ge [sflag:s4], $0x0  }
0x19: {  	s7 =	sld [smem:$0x3F99]  }
0x1a: {  	s8 =	sadd.s32 $0xFFFFE003, lr  }
0x1b: {  	s9 =	sadd.s32 $0xFFFFFEF7, lr;
	s5 =	simm.s32 $0xFFFFFFFF;
	p2 =	slt.u32 s8, $0xFFFFF086  }
0x1c: {  	p1 =	slt.u32 s9, $0xF7A;
	s5 =	simm.s32 @!p2 $0x0  }
0x1d: {  	s5 =	simm.s32 @p1 $0x1;
	p0 =	seq.s32 s7, s2  }
0x1e: {  	s7 =	smul.u32 @!p0 $0xF7A, s2;
	p2 =	seq.s32 @!p0 s5, $0x0  }
0x1f: {  	s9 =	smul.u32 $0xF7A, s1;
	s8 =	simm.s32 @!p0 $0x1BF5;
	p2 =	por !p2, p0  }
0x20: {  	[sflag:s8] =	ssyncset.s32 @!p0 $0xFFFFF086;
	s6 =	sadd.s32 @!p0 s3, s7;
	s7 =	simm.s32 @!p0 $0x108  }
0x21: {  	s3 =	sadd.s32 s3, s9;
	s6 =	sadd.s32 @!p0 $0x88, s6;
	s7 =	simm.s32 @p2 $0x1082  }
0x22: {  	[simem:s7], [sflag:s8] =	dma.local @!p0 [hbm:s6], $0xF7A  }
0x23: {  	s9 =	sor.u32 $0xD0000000, s2;
	s6 =	simm.s32 $0x108;
	_ =	swait.ge @!p0 [sflag:s8], $0x0  }
0x24: {  	s3 =	sadd.s32 $0x88, s3;
	s6 =	simm.s32 @!p1 $0x1082;
	[sflag:s4] =	ssyncset.s32 $0xFFFFF086  }
0x25: {  	[simem:s6], [sflag:s4] =	dma.local [hbm:s3], $0xF7A  }
0x26: {  	[smem:$0x3F99] =	sst s1;
	(tag) =	ssettag s2;
	_ =	strace s9  }
0x27: {  	s1 =	sld [smem:$0x3FA9]  }
0x28: {  	s2 =	sld [smem:$0x3FAA]  }
0x29: {  	s4 =	sld [smem:$0x3FAC]  }
0x2a: {  	p0 =	seq.s32 s5, $0x0;
	s5 =	sld [smem:$0x3FAD]  }
0x2b: {  	s6 =	sld [smem:$0x3FAE]  }
0x2c: {  	s7 =	sld [smem:$0x3FAF]  }
0x2d: {  	s3 =	simm.s32 $0x108;
	s8 =	sld [smem:$0x3FB0]  }
0x2e: {  	s3 =	simm.s32 @!p0 $0x1082;
	s9 =	sld [smem:$0x3FB1]  }
0x2f: {  	lr =	sadd.s32 s0, s3;
	s0 =	sld [smem:$0x3FA8]  }
0x30: {  	s3 =	sld [smem:$0x3FAB]  }
0x31: {  	[smem:$0x3FB4] =	sst s10  }
0x32: {  	s10 =	sld [smem:$0x3FB2];
	_ =	sdelay $0x3  }
0x33: {  	p0 =	seq.s32 s10, $0x1;
	s10 =	sld [smem:$0x3FB4];
	_ =	sdelay $0x3  }
0x34: {  	[smem:$0x3FB4] =	sst s10  }
0x35: {  	s10 =	sld [smem:$0x3FB3];
	_ =	sdelay $0x3  }
0x36: {  	p1 =	seq.s32 s10, $0x1;
	s10 =	sld [smem:$0x3FB4];
	_ =	sdelay $0x3  }
0x37: {  	[smem:$0x3FB4] =	sst s10  }
0x38: {  	s10 =	sld [smem:$0x3FB5]  }
0x39: {  	_ = 	snop;
	(pc) =	sbr.ind lr, $3  }
0x3a: {  	_ = 	snop  }
0x3b: {  	_ = 	snop  }
0x3c: {  	p2 =	seq.s32 s10, $0x1;
	s10 =	sld [smem:$0x3FB4]  }
0x3d: {  	_ =	shalt  }
0x3e: {  	_ =	shalt  }
0x3f: {  	_ =	shalt  }
0x40: {  	_ =	shalt  }
0x41: {  	_ =	shalt  }
0x42: {  	_ =	shalt  }
0x43: {  	_ =	shalt  }
0x44: {  	_ =	shalt  }
0x45: {  	_ =	shalt  }
0x46: {  	_ =	shalt  }
0x47: {  	_ =	shalt  }
0x48: {  	_ =	shalt  }
0x49: {  	_ =	shalt  }
0x4a: {  	_ =	shalt  }
0x4b: {  	_ =	shalt  }
0x4c: {  	_ =	shalt  }
0x4d: {  	_ =	shalt  }
0x4e: {  	_ =	shalt  }
0x4f: {  	_ =	shalt  }
0x50: {  	_ =	shalt  }
0x51: {  	_ =	shalt  }
0x52: {  	_ =	shalt  }
0x53: {  	_ =	shalt  }
0x54: {  	_ =	shalt  }
0x55: {  	_ =	shalt  }
0x56: {  	_ =	shalt  }
0x57: {  	_ =	shalt  }
0x58: {  	_ =	shalt  }
0x59: {  	_ =	shalt  }
0x5a: {  	_ =	shalt  }
0x5b: {  	_ =	shalt  }
0x5c: {  	_ =	shalt  }
0x5d: {  	_ =	shalt  }
0x5e: {  	_ =	shalt  }
0x5f: {  	_ =	shalt  }
0x60: {  	_ =	shalt  }
0x61: {  	_ =	shalt  }
0x62: {  	_ =	shalt  }
0x63: {  	_ =	shalt  }
0x64: {  	_ =	shalt  }
0x65: {  	_ =	shalt  }
0x66: {  	_ =	shalt  }
0x67: {  	_ =	shalt  }
0x68: {  	_ =	shalt  }
0x69: {  	_ =	shalt  }
0x6a: {  	_ =	shalt  }
0x6b: {  	_ =	shalt  }
0x6c: {  	_ =	shalt  }
0x6d: {  	_ =	shalt  }
0x6e: {  	_ =	shalt  }
0x6f: {  	_ =	shalt  }
0x70: {  	_ =	shalt  }
0x71: {  	_ =	shalt  }
0x72: {  	_ =	shalt  }
0x73: {  	_ =	shalt  }
0x74: {  	_ =	shalt  }
0x75: {  	_ =	shalt  }
0x76: {  	_ =	shalt  }
0x77: {  	_ =	shalt  }
0x78: {  	_ =	shalt  }
0x79: {  	_ =	shalt  }
0x7a: {  	_ =	shalt  }
0x7b: {  	_ =	shalt  }
0x7c: {  	_ =	shalt  }
0x7d: {  	_ =	shalt  }
0x7e: {  	_ =	shalt  }
0x7f: {  	_ =	shalt  }
0x80: {  	_ =	shalt  }
0x81: {  	_ =	shalt  }
0x82: {  	_ =	shalt  }
0x83: {  	_ =	shalt  }
0x84: {  	_ =	shalt  }
0x85: {  	_ =	shalt  }
0x86: {  	_ =	shalt  }
0x87: {  	_ =	shalt  }
.Lfunc_end0:
.L_simem_size_0:
called_computation.2_lowered:
.L_overlay_start_0:
0x88: {  	s2 =	sld [smem:$0x3FD9]  }
0x89: {  	s3 =	sld [smem:$0x3FFE];
	_ =	sdelay $0x1  }
0x8a: {  	s1 =	srdreg.scid  }
0x8b: {  	s0 =	sand.u32 $0x1, s1  }
0x8c: {  	s16 =	sshll.u32 s0, $0xA;
	s2 =	sadd.s32 s3, s2  }
0x8d: {  	s2 =	sadd.s32 s2, s16  }
0x8e: {  	[smem:$0x3FC0] =	sst s2  }
0x8f: {  	_ = 	snop  }
0x90: {  	(tm) =	ssettm $0x1  }
0x91: {  	s17 =	sld [smem:$0x3FFB];
	_ =	sdelay $0x3  }
0x92: {  	_ =	strace s17  }
0x93: {  	s2 =	sld [smem:$0x3FFC];
	_ =	sdelay $0x3  }
0x94: {  	_ =	strace s2  }
0x95: {  	s2 =	sld [smem:$0x3FFD];
	_ =	sdelay $0x3  }
0x96: {  	_ =	strace s2  }
0x97: {  	_ =	strace $0x8FFFFFFF  }
0x98: {  	s18 =	sld [smem:$0x3FDB];
	_ =	sdelay $0x1  }
0x99: {  	s19 =	simm.s32 $_scs_section_size  }
0x9a: {  	s4 =	simm.s32 $_size__tile_overlayer_lowered;
	s5 =	simm.s32 $_tile_overlayer_lowered  }
0x9b: {  	s22 =	simm.s32 $0x1BFF;
	s21 =	sshll.u32 s5, $0x1;
	s2 =	sadd.s32 s19, s18  }
0x9c: {  	s6 =	simm.s32 $0x0;
	s20 =	sshll.u32 s4, $0x1;
	s4 =	sadd.s32 s21, s2  }
0x9d: {  	[timem:s6], [sflag:s22] =	dma.local [hbm:s4], s20  }
0x9e: {  	_ =	swait.ge [sflag:s22], s20  }
0x9f: {  	s3 =	ssub.s32 $0x0, s20;
	[sflag:s22] =	ssyncset.done $0x0  }
0xa0: {  	[sflag:s22] =	ssyncadd.s32 s3;
	_ =	sdelay $0x1  }
0xa1: {  	s23 =	simm.s32 $0x1B8B  }
0xa2: {  	_ =	swait.ge [sflag:s23], $0x1  }
0xa3: {  	[sflag:s23] =	ssyncset.done $0x0  }
0xa4: {  	s25 =	simm.s32 $0x1B8E;
	s24 =	sld [smem:$0x3FFE];
	[sflag:s23] =	ssyncadd.s32 $0xFFFFFFFF  }
0xa5: {  	s26 =	simm.s32 $execute0_lowered;
	[smem:$0x3FD2] =	sst s25  }
0xa6: {  	s4 =	sshll.u32 s26, $0x1;
	_ =	strace $0x8000004C;
	[dreg:$0x1] =	wrdreg $0xFFFFFFFF  }
0xa7: {  	s28 =	simm.s32 $_size_execute0_lowered;
	s2 =	sadd.s32 s2, s4;
	[dreg:$0x0] =	wrdreg $0x0  }
0xa8: {  	s4 =	sshll.u32 s28, $0x1;
	[dreg:$0x2] =	wrdreg s2  }
0xa9: {  	[dreg:$0x3] =	wrdreg s4  }
0xaa: {  	[dreg:$0x4] =	wrdreg $0xC0  }
0xab: {  	_ =	task [dreg:s6], $0x5FFFF  }
0xac: {  	[dreg:$0x1] =	wrdreg $0xFFFFFFFF  }
0xad: {  	[dreg:$0x0] =	wrdreg $0x60  }
0xae: {  	[dreg:$0x2] =	wrdreg s24  }
0xaf: {  	[dreg:$0x3] =	wrdreg $0x9  }
0xb0: {  	_ =	task.clear_ibuf [dreg:s6], $0x4FFFF;
	_ =	strace $0x9000004C  }
0xb1: {  	s29 =	simm.s32 $0x9;
	_ =	strace $0x8000004E  }
0xb2: {  	_ =	swait.ge [sflag:s29], $0x1  }
0xb3: {  	[sflag:s29] =	ssyncadd.s32 $0xFFFFFFFF  }
0xb4: {  	_ =	strace $0x9000004E  }
0xb5: {  	_ =	sfence  }
0xb6: {  	s30 =	sld [smem:$0x0];
	_ =	sdelay $0x2  }
0xb7: {  	s31 =	sshll.u32 s1, $0xD;
	s1 =	sshrl.u32 s1, $0x2  }
0xb8: {  	s3 =	sand.u32 $0x4000, s31;
	s1 =	sadd.s32 s1, s30  }
0xb9: {  	s0 =	sor.u32 s3, s0;
	s1 =	sshll.u32 s1, $0x11  }
0xba: {  	s0 =	sor.u32 s1, s0  }
0xbb: {  	s0 =	sadd.s32 $0x8F2B, s0  }
0xbc: {  	[sflag:s0] =	ssyncadd.remote.s32 $0x1  }
0xbd: {  	_ =	sfence.sel $0xFFFF  }
0xbe: {  	[dreg:$0x0] =	wrdreg $0xFFFFFFFF;
	(pc) =	sbr.abs _section_cstart, $3  }
0xbf: {  	[dreg:$0x1] =	wrdreg $0xFFFFFFFF  }
0xc0: {  	_ =	task.clear_ibuf [dreg:s6], $0x2FFFF;
	_ =	strace $0x9FFFFFFF  }
0xc1: {  	(tm) =	ssettm $0x7FFFFFFF  }
tec
execute0_lowered:
.L_overlay_start_1:
0x0: {  	(tag) =	ssettag $0x1  }
0x1: {  	s1 =	srdreg.scid  }
0x2: {  	s0 =	stileid.u32;
	s5 =	rddreg [dreg:$0x0];
	s2 =	simm.s32 $0x0  }
0x3: {  	s9 =	simm.s32 $0x3;
	s10 =	simm.s32 $0xF000;
	s11 =	simm.s32 $0x11880  }
0x4: {  	s12 =	simm.s32 $0x1;
	s4 =	sand.u32 $0x1, s1;
	s3 =	sshll.u32 s0, $0x1  }
0x5: {  	s13 =	simm.s32 $0x5000;
	s14 =	simm.s32 $0x2;
	s3 =	sor.u32 s4, s3  }
0x6: {  	s15 =	simm.s32 $0x0;
	[smem:$0x7FF] =	sst s2;
	s6 =	smul.u32 $0xA00, s3  }
.Ltmp0:
0x7: {  	s1 =	rddreg [dreg:$0x1];
	_ =	strace $0x8000004D;
	(pc) =	sbr.rel .LBB2_1-.Ltmp0, $4  }
0x8: {  	s8 =	ssub.s32 $0x2, s4;
	s4 =	sadd.s32 $0x34200, s5;
	s7 =	smul.u32 $0x1400, s3  }
0x9: {  	s3 =	sadd.s32 $0x2A000, s5;
	s31 =	sshrl.u32 s8, $0x1;
	s6 =	sadd.s32 s6, s5  }
0xa: {  	s8 =	ssub.s32 s8, s31;
	s7 =	sadd.s32 s7, s5;
	s5 =	sadd.s32 $0x2400, s6  }
0xb: {  	v0 =	vimm.f32 $0.0e+00;
	s6 =	sadd.s32 $0x34400, s7;
	s7 =	smax.u32 s8, $0x1;
	s8 =	simm.s32 $0x14100  }
.LBB2_19:
0xc: {  	s15 =	sadd.s32 $0x1, s15  }
0xd: {  	p0 =	sne.s32 s15, s7  }
.Ltmp1:
0xe: {  	_ = 	snop;
	(pc) =	sbr.rel @!p0 .LBB2_20-.Ltmp1, $4  }
0xf: {  	[hbm4b:s6+s2] =	stream.linear.scatter [tilespmem:s13], [sflag:$0x3], $0xA000, $0x38;
	[tilespmem:$0x14500] =	vst v63  }
0x10: {  	_ =	swait.ge [sflag:s9], $0xA000  }
0x11: {  	[sflag:s9] =	ssyncset.done $0x0  }
0x12: {  	[sflag:s9] =	ssyncadd.s32 $0xFFFF6000  }
.LBB2_1:
0x13: {  	[tilespmem:s8], [sflag:$0x3] =	stream.linear.gather [hbm4b:s4+s2], $0x400, $0x38;
	[tilespmem:$0x14500] =	vst v63  }
0x14: {  	_ =	swait.ge [sflag:s9], $0x400  }
0x15: {  	[sflag:s9] =	ssyncset.done $0x0  }
0x16: {  	[sflag:s9] =	ssyncadd.s32 $0xFFFFFC00  }
0x17: {  	[tilespmem:s2], [sflag:$0x3] =	stream.linear.gather [hbm4b:s5+s2], $0x5000, $0x38;
	[tilespmem:$0x14500] =	vst v63  }
0x18: {  	_ =	swait.ge [sflag:s9], $0x5000  }
0x19: {  	[sflag:s9] =	ssyncset.done $0x0  }
0x1a: {  	s16 =	simm.s32 $0x5040;
	[sflag:s9] =	ssyncadd.s32 $0xFFFFB000  }
0x1b: {  	[tilespmem:s16+$0xFFFFFFC0] =	vst v0  }
0x1c: {  	[tilespmem:s16+$0x30] =	vst v0  }
0x1d: {  	[tilespmem:s16+$0x20] =	vst v0  }
0x1e: {  	[tilespmem:s16+$0x10] =	vst v0  }
0x1f: {  	[tilespmem:s16+$0x0] =	vst v0  }
0x20: {  	[tilespmem:s16+$0xFFFFFFF0] =	vst v0  }
0x21: {  	s17 =	simm.s32 $0x0;
	[tilespmem:s16+$0xFFFFFFE0] =	vst v0  }
.LBB2_2:
0x22: {  	s17 =	sadd.s32 $0x8, s17;
	[tilespmem:s16+$0xFFFFFFD0] =	vst v0;
	s16 =	sadd.s32 $0x80, s16  }
0x23: {  	[tilespmem:s16+$0xFFFFFFC0] =	vst v0;
	p0 =	slt.u32 s17, $0x9F8  }
0x24: {  	[tilespmem:s16+$0x30] =	vst v0  }
.Ltmp2:
0x25: {  	[tilespmem:s16+$0x20] =	vst v0;
	(pc) =	sbr.rel @p0 .LBB2_2-.Ltmp2, $4  }
0x26: {  	[tilespmem:s16+$0x10] =	vst v0  }
0x27: {  	[tilespmem:s16+$0x0] =	vst v0  }
0x28: {  	[tilespmem:s16+$0xFFFFFFF0] =	vst v0  }
0x29: {  	[tilespmem:s16+$0xFFFFFFE0] =	vst v0  }
.Ltmp3:
0x2a: {  	(pc) =	sbr.rel .LBB2_4-.Ltmp3, $3  }
0x2b: {  	_ =	sdelay $0x1  }
0x2c: {  	[tilespmem:s16+$0xFFFFFFD0] =	vst v0;
	s16 =	simm.s32 $0x0  }
0x2d: {  	[tilespmem:s10], [sflag:$0x1] =	stream.linear.gather [hbm4b:s3+s16], $0x2820, $0x38;
	[tilespmem:$0x14500] =	vst v63  }
.LBB2_18:
0x2e: {  	s16 =	sadd.s32 $0x1, s16  }
0x2f: {  	p0 =	sne.s32 s16, $0x10  }
.Ltmp4:
0x30: {  	_ = 	snop;
	(pc) =	sbr.rel @!p0 .LBB2_19-.Ltmp4, $1  }
0x31: {  	_ =	sdelay $0x3  }
.LBB2_4:
0x32: {  	s17 =	sshllo.u32 s16, $0x1  }
0x33: {  	s18 =	smul.u32 $0x504, s17;
	_ =	sdelay $0x1  }
0x34: {  	s18 =	sadd.s32 s3, s18  }
0x35: {  	[tilespmem:s11], [sflag:$0x2] =	stream.linear.gather [hbm4b:s18+s2], $0x2820, $0x38;
	[tilespmem:$0x14500] =	vst v63  }
0x36: {  	_ =	swait.ge [sflag:s12], $0x2820  }
0x37: {  	s30 =	sshll.u32 s16, $0x6;
	[sflag:s12] =	ssyncset.done $0x0  }
0x38: {  	s20 =	sand.u32 $0x3FFFFFC0, s30;
	[sflag:s12] =	ssyncadd.s32 $0xFFFFD7E0  }
0x39: {  	v1 =	vld [tilespmem:s20+$0x14110];
	_ =	sdelay $0x4  }
0x3a: {  	v2 =	vxor.u32 $0x80000000, v1  }
0x3b: {  	(xrf0) =	vmax.scan.msk.u32 $0xffff, v2;
	_ =	sdelay $0x5  }
0x3c: {  	v2, _, _ =	vpop (xrf0)  }
0x3d: {  	(v2sf) =	vpush v2, $0xF;
	_ =	sdelay $0xe  }
0x3e: {  	s31 =	spop (v2sf)  }
0x3f: {  	s18 =	sxor.u32 $0x80000000, s31  }
0x40: {  	s19 =	sshra.s32 s18, $0x1F  }
0x41: {  	s19 =	sshrl.u32 s19, $0x1D  }
0x42: {  	s19 =	sadd.s32 s19, s18  }
0x43: {  	s19 =	sand.u32 $0xFFFFFFF8, s19  }
0x44: {  	p0 =	slt.s32 s19, $0x1  }
.Ltmp5:
0x45: {  	_ = 	snop;
	(pc) =	sbr.rel @p0 .LBB2_8-.Ltmp5, $2  }
0x46: {  	_ =	sdelay $0x1  }
0x47: {  	v2 =	vld [tilespmem:s20+$0x14100];
	_ =	sdelay $0x1  }
0x48: {  	s21 =	simm.s32 $0x4  }
0x49: {  	s22 =	simm.s32 $0x1;
	v3 =	vmov s21  }
0x4a: {  	s23 =	simm.s32 $0x2;
	vm6 =	vlt.s32 v3, v1;
	v3 =	vmov s22  }
0x4b: {  	s29 =	simm.s32 $0x3;
	v5 =	vmov s23;
	v4 =	vadd.s32 s21, v2;
	vm0 =	vlt.s32 v3, v1  }
0x4c: {  	s24 =	simm.s32 $0x5;
	vm8 =	vlt.s32 v5, v1;
	v3 =	vmov s29;
	v6 =	vadd.s32 s22, v2  }
0x4d: {  	v5 =	vmov s24;
	vm3 =	vlt.s32 v3, v1;
	v3 =	vadd.s32 s23, v2  }
0x4e: {  	s30 =	simm.s32 $0x6;
	vm1 =	vlt.s32 v5, v1;
	v7 =	vadd.s32 s29, v2  }
0x4f: {  	v5 =	vmov s30;
	v8 =	vadd.s32 s24, v2  }
0x50: {  	vm4 =	vlt.s32 v5, v1;
	v13 =	vld.idx.msk [tilespmem:v4+s10+$0x0], vm6  }
0x51: {  	v4 =	vadd.s32 s30, v2;
	v6 =	vld.idx.msk [tilespmem:v6+s10+$0x0], vm0  }
0x52: {  	s31 =	simm.s32 $0x7;
	v5 =	vld.idx.msk [tilespmem:v3+s10+$0x0], vm8  }
0x53: {  	v3 =	vmov s31;
	v9 =	vld.idx.msk [tilespmem:v7+s10+$0x0], vm3  }
0x54: {  	s20 =	simm.s32 $0x0;
	vm2 =	vlt.s32 v3, v1;
	v3 =	vld.idx.msk [tilespmem:v8+s10+$0x0], vm1  }
0x55: {  	v12 =	vadd.s32 s20, v2;
	vm5 =	vmmov vm0;
	vm7 =	vmmov vm1  }
0x56: {  	v7 =	vadd.s32 s31, v2;
	v14 =	vand.u32 $0x3FFF, v13;
	v10 =	vld.idx.msk [tilespmem:v4+s10+$0x0], vm4;
	v4 =	vmov s20  }
0x57: {  	v11 =	vand.u32 $0x3FFF, v6;
	vm0 =	vlt.s32 v4, v1;
	v8 =	vand.u32 $0x3FFF, v5  }
0x58: {  	v28 =	vshrl.u32 v6, $0xE;
	v30 =	vadd.s32 $0x2800, v14;
	v16 =	vand.u32 $0x3FFF, v9  }
0x59: {  	v22 =	vand.u32 $0x3FFF, v3;
	v19 =	vshrl.u32 v3, $0xE;
	vm1 =	vmmov vm0  }
0x5a: {  	v24 =	vadd.s32 $0x2800, v28;
	v20 =	vadd.s32 $0x2800, v11;
	vm0 =	vmmov vm4  }
0x5b: {  	v21 =	vadd.s32 $0x5000, v28;
	v4 =	vadd.s32 $0x2800, v8;
	v6 =	vshrl.u32 v9, $0xE  }
0x5c: {  	v27 =	vadd.s32 $0x7800, v28;
	v15 =	vld.idx.msk [tilespmem:v7+s10+$0x0], vm2;
	vm2 =	vmmov vm2;
	v3 =	vadd.s32 $0x7800, v19  }
0x5d: {  	v7 =	vadd.s32 $0x2800, v16;
	v9 =	vadd.s32 $0x2800, v6;
	v17 =	vld.idx.msk [tilespmem:v14+s2+$0x0], vm6;
	v18 =	vand.u32 $0x3FFF, v10  }
0x5e: {  	v31 =	vadd.s32 $0x2800, v22;
	v38 =	vand.u32 $0x7F, v19;
	v24 =	vand.u32 $0x7FF80, v24;
	v23 =	vld.idx.msk [tilespmem:v11+s2+$0x0], vm5  }
0x5f: {  	v34 =	vand.u32 $0x7FF80, v3;
	v3 =	vand.u32 $0x7F, v6;
	v9 =	vand.u32 $0x7FF80, v9  }
0x60: {  	vm13 =	vmmov vm1;
	v37 =	vshrl.u32 v10, $0xE;
	v9 =	vor.u32 v3, v9  }
0x61: {  	v10 =	vadd.s32 $0x7800, v37;
	v29 =	vadd.s32 $0x2800, v18;
	v11 =	vadd.s32 $0x5000, v37  }
0x62: {  	v41 =	vand.u32 $0x3FFF, v15;
	v35 =	vshll.u32 v17, $0x10;
	v26 =	vand.u32 $0xFFFF0000, v17;
	v33 =	vld.idx.msk [tilespmem:v18+s2+$0x0], vm4  }
0x63: {  	v17 =	vadd.s32 $0x2800, v37;
	v18 =	vshrl.u32 v13, $0xE;
	v36 =	vshll.u32 v23, $0x10  }
0x64: {  	v32 =	vand.u32 $0xFFFF0000, v23;
	v23 =	vld.idx.msk [tilespmem:v12+s10+$0x0], vm1;
	v12 =	vand.u32 $0x7F, v37;
	v17 =	vand.u32 $0x7FF80, v17  }
0x65: {  	p0 =	sgt.s32 s19, $0x8;
	v11 =	vand.u32 $0x7FF80, v11;
	v25 =	vld.idx.msk [tilespmem:v22+s2+$0x0], vm7;
	v22 =	vadd.s32 $0x2800, v19;
	v42 =	vor.u32 v12, v17  }
.Ltmp6:
0x66: {  	v39 =	vand.u32 $0x7FF80, v22;
	v22 =	vor.u32 v38, v34;
	v34 =	vand.u32 $0x7F, v28;
	(pc) =	sbr.rel @!p0 .LBB2_7-.Ltmp6, $4  }
0x67: {  	v13 =	vadd.s32 $0x5000, v19;
	v40 =	vshll.u32 v33, $0x10;
	v44 =	vand.u32 $0xFFFF0000, v33;
	v33 =	vld.idx.msk [tilespmem:v41+s2+$0x0], vm2  }
0x68: {  	v14 =	vand.u32 $0x7F, v18;
	v43 =	vand.u32 $0x7FF80, v13;
	v45 =	vadd.s32 $0x2800, v18;
	[tilespmem:v18+s13+$0x0] =	vst.idx.add.f32.msk vm6, v35  }
0x69: {  	v17 =	vadd.s32 $0x5000, v18;
	v35 =	vadd.s32 $0x2800, v41;
	v13 =	vand.u32 $0x3FFF, v23;
	[tilespmem:v37+s13+$0x0] =	vst.idx.add.f32.msk vm4, v40  }
0x6a: {  	s20 =	simm.s32 $0x8;
	v40 =	vand.u32 $0x7FF80, v45;
	v37 =	vor.u32 v34, v24;
	v24 =	vor.u32 v38, v43;
	[tilespmem:v42+s13+$0x0] =	vst.idx.add.f32.msk vm0, v44  }
.LBB2_6:
0x6b: {  	_ =	sdelay $0x2  }
0x6c: {  	v41 =	vimm.s32 $0x0;
	[tilespmem:v28+s13+$0x0] =	vst.idx.add.f32.msk vm5, v36;
	v54 =	vor.u32 v14, v40  }
0x6d: {  	v38 =	vor.u32 v38, v39;
	v15 =	vshrl.u32 v15, $0xE;
	vm9 =	vmmov vm3;
	v56 =	vld.idx.msk [tilespmem:v13+s2+$0x0], vm1  }
0x6e: {  	s22 =	sadd.s32 $0x1, s20;
	vm11 =	vmmov vm6;
	vm10 =	vmmov vm8;
	s21 =	smov.u32 s20;
	v29 =	vld.idx.msk [tilespmem:v29+s2+$0x0], vm0;
	v23 =	vshrl.u32 v23, $0xE  }
0x6f: {  	v21 =	vand.u32 $0x7FF80, v21;
	v27 =	vand.u32 $0x7FF80, v27;
	v28 =	vmov s22;
	s29 =	sadd.s32 $0x7, s21;
	[tilespmem:v37+s13+$0x0] =	vst.idx.add.f32.msk vm5, v32  }
0x70: {  	v53 =	vshrl.u32 v5, $0xE;
	vm12 =	vlt.s32 v28, v1;
	v28 =	vmov s29;
	v20 =	vld.idx.msk [tilespmem:v20+s2+$0x0], vm5  }
0x71: {  	s23 =	sadd.s32 $0x2, s20;
	s25 =	sadd.s32 $0x4, s20;
	v57 =	vand.u32 $0xFFFF0000, v25;
	v25 =	vshll.u32 v25, $0x10;
	vm14 =	vlt.s32 v28, v1;
	v28 =	vld.idx.msk [tilespmem:v16+s2+$0x0], vm3  }
0x72: {  	s24 =	sadd.s32 $0x3, s20;
	s26 =	sadd.s32 $0x5, s20;
	v41 =	vsel vm13, $0xFFFFFFFF, v41;
	v55 =	vmov s23;
	v42 =	vmov s25;
	[tilespmem:v19+s13+$0x0] =	vst.idx.add.f32.msk vm7, v25  }
0x73: {  	v43 =	vmov s26;
	v44 =	vmov s24;
	vm8 =	vlt.s32 v55, v1;
	[tilespmem:v38+s13+$0x0] =	vst.idx.add.f32.msk vm7, v57  }
0x74: {  	v58 =	vadd.s32 s25, v2;
	v49 =	vadd.s32 s23, v2;
	vm13 =	vlt.s32 v43, v1;
	[tilespmem:v54+s13+$0x0] =	vst.idx.add.f32.msk vm11, v26  }
0x75: {  	v61 =	vadd.s32 s26, v2;
	vm3 =	vlt.s32 v44, v1;
	v44 =	vshll.u32 v56, $0x10;
	v48 =	vld.idx.msk [tilespmem:v31+s2+$0x0], vm7  }
0x76: {  	vm6 =	vlt.s32 v42, v1;
	v25 =	vadd.s32 s22, v2;
	v26 =	vadd.s32 $0x2800, v15;
	[tilespmem:v23+s13+$0x0] =	vst.idx.add.f32.msk vm1, v44  }
0x77: {  	s28 =	sadd.s32 $0x6, s20;
	v62 =	vand.u32 $0x7F, v15;
	v19 =	vadd.s32 $0x5000, v23;
	v31 =	vand.u32 $0x7FF80, v26;
	v26 =	vld.idx.msk [tilespmem:v30+s2+$0x0], vm11  }
0x78: {  	v16 =	vmov s28;
	v45 =	vor.u32 v62, v31;
	v31 =	vand.u32 $0x7FF80, v19;
	v19 =	vld.idx.msk [tilespmem:v8+s2+$0x0], vm10  }
0x79: {  	v18 =	vadd.s32 $0x7800, v18;
	vm15 =	vlt.s32 v16, v1;
	v16 =	vor.u32 v34, v21;
	v5 =	vld.idx.msk [tilespmem:v49+s10+$0x0], vm8  }
0x7a: {  	v17 =	vand.u32 $0x7FF80, v17;
	v11 =	vor.u32 v12, v11;
	v59 =	vadd.s32 s24, v2;
	v37 =	vld.idx.msk [tilespmem:v61+s10+$0x0], vm13  }
0x7b: {  	v10 =	vand.u32 $0x7FF80, v10;
	v13 =	vadd.s32 $0x2800, v13;
	v27 =	vor.u32 v34, v27;
	v46 =	vld.idx.msk [tilespmem:v25+s10+$0x0], vm12  }
0x7c: {  	v60 =	vadd.s32 $0x5000, v15;
	v63 =	vadd.s32 s28, v2;
	v8 =	vshll.u32 v33, $0x10;
	v25 =	vld.idx.msk [tilespmem:v58+s10+$0x0], vm6  }
0x7d: {  	v50 =	vadd.s32 $0x7800, v23;
	v52 =	vadd.s32 $0x2800, v23;
	v47 =	vshll.u32 v20, $0x10;
	[tilespmem:v15+s13+$0x0] =	vst.idx.add.f32.msk vm2, v8  }
0x7e: {  	v18 =	vand.u32 $0x7FF80, v18;
	v10 =	vor.u32 v12, v10;
	v40 =	vand.u32 $0x7FF80, v52;
	[tilespmem:v16+s13+$0x0] =	vst.idx.add.f32.msk vm5, v47  }
0x7f: {  	v55 =	vand.u32 $0x7F, v53;
	v36 =	vand.u32 $0x7FF80, v60;
	v20 =	vand.u32 $0xFFFF0000, v20;
	v32 =	vld.idx.msk [tilespmem:v59+s10+$0x0], vm3  }
0x80: {  	v18 =	vor.u32 v14, v18;
	v16 =	vadd.s32 $0x2800, v53;
	[tilespmem:v27+s13+$0x0] =	vst.idx.add.f32.msk vm5, v20;
	v8 =	vshll.u32 v48, $0x10  }
0x81: {  	v14 =	vor.u32 v14, v17;
	v51 =	vand.u32 $0xFFFF0000, v33;
	v16 =	vand.u32 $0x7FF80, v16;
	[tilespmem:v24+s13+$0x0] =	vst.idx.add.f32.msk vm7, v8  }
0x82: {  	v21 =	vadd.s32 s29, v2;
	v54 =	vand.u32 $0xFFFF0000, v48;
	v59 =	vor.u32 v55, v16;
	[tilespmem:v45+s13+$0x0] =	vst.idx.add.f32.msk vm2, v51  }
0x83: {  	v57 =	vadd.s32 s21, v2;
	v30 =	vand.u32 $0xFFFF0000, v56;
	v15 =	vadd.s32 $0x7800, v15;
	[tilespmem:v22+s13+$0x0] =	vst.idx.add.f32.msk vm7, v54  }
0x84: {  	v58 =	vmov s21;
	v15 =	vand.u32 $0x7FF80, v15;
	v16 =	vadd.s32 $0x5000, v53;
	v22 =	vld.idx.msk [tilespmem:v63+s10+$0x0], vm15  }
0x85: {  	v60 =	vshll.u32 v19, $0x10;
	v12 =	vand.u32 $0xFFFF0000, v19;
	v19 =	vand.u32 $0x7FF80, v16;
	v35 =	vld.idx.msk [tilespmem:v35+s2+$0x0], vm2  }
0x86: {  	vm4 =	vlt.s32 v58, v1;
	[tilespmem:v53+s13+$0x0] =	vst.idx.add.f32.msk vm10, v60;
	v27 =	vor.u32 v55, v19;
	v19 =	vadd.s32 $0x7800, v53  }
0x87: {  	v20 =	vadd.s32 $0x5000, v6;
	[tilespmem:v59+s13+$0x0] =	vst.idx.add.f32.msk vm10, v12;
	v12 =	vand.u32 $0x7FF80, v19;
	v19 =	vshll.u32 v28, $0x10  }
0x88: {  	vm5 =	vmmov vm12;
	v56 =	vor.u32 v62, v15;
	[tilespmem:v6+s13+$0x0] =	vst.idx.add.f32.msk vm9, v19;
	v6 =	vadd.s32 $0x7800, v6  }
0x89: {  	v20 =	vand.u32 $0x7FF80, v20;
	v15 =	vld.idx.msk [tilespmem:v21+s10+$0x0], vm14;
	v21 =	vor.u32 v62, v36;
	v6 =	vand.u32 $0x7FF80, v6  }
0x8a: {  	[tilespmem:$0x1FFF0] =	vst v41;
	v48 =	vor.u32 v3, v20;
	v41 =	vld.idx.msk [tilespmem:v4+s2+$0x0], vm10;
	v51 =	vor.u32 v3, v6;
	v3 =	vshll.u32 v29, $0x10  }
0x8b: {  	vm12 =	vmmov vm1;
	vm1 =	vmmov vm4;
	v4 =	vand.u32 $0xFFFF0000, v29;
	[tilespmem:v11+s13+$0x0] =	vst.idx.add.f32.msk vm0, v3  }
0x8c: {  	v8 =	vand.u32 $0x3FFF, v5;
	v63 =	vand.u32 $0x3FFF, v37;
	vm7 =	vmmov vm13;
	[tilespmem:v10+s13+$0x0] =	vst.idx.add.f32.msk vm0, v4  }
0x8d: {  	v61 =	vand.u32 $0x3FFF, v25;
	v16 =	vand.u32 $0x3FFF, v32;
	v17 =	vshll.u32 v35, $0x10;
	v4 =	vld [tilespmem:$0x1FFF0]  }
0x8e: {  	v62 =	vand.u32 $0x3FFF, v46;
	[tilespmem:v21+s13+$0x0] =	vst.idx.add.f32.msk vm2, v17;
	v17 =	vand.u32 $0x7F, v23;
	v21 =	vand.u32 $0x7FF80, v50  }
0x8f: {  	v19 =	vshrl.u32 v37, $0xE;
	v38 =	vor.u32 v17, v21;
	v21 =	vand.u32 $0xFFFF0000, v28  }
0x90: {  	v20 =	vadd.s32 $0x2800, v62;
	v12 =	vor.u32 v55, v12;
	v60 =	vadd.s32 $0x2800, v19;
	[tilespmem:v9+s13+$0x0] =	vst.idx.add.f32.msk vm9, v21  }
0x91: {  	v24 =	vand.u32 $0xFFFF0000, v35;
	v6 =	vshrl.u32 v32, $0xE;
	v39 =	vand.u32 $0x7FF80, v60;
	v49 =	vld.idx.msk [tilespmem:v7+s2+$0x0], vm9  }
0x92: {  	v50 =	vand.u32 $0x3FFF, v22;
	v3 =	vshll.u32 v26, $0x10;
	[tilespmem:v56+s13+$0x0] =	vst.idx.add.f32.msk vm2, v24;
	vm13 =	vnez.u8 v4  }
0x93: {  	v47 =	vor.u32 v17, v40;
	v24 =	vld.idx.msk [tilespmem:v61+s2+$0x0], vm6;
	vm2 =	vmmov vm14;
	v28 =	vshrl.u32 v46, $0xE  }
0x94: {  	vm0 =	vmmov vm15;
	v17 =	vor.u32 v17, v31;
	[tilespmem:v14+s13+$0x0] =	vst.idx.add.f32.msk vm11, v3;
	v10 =	vshll.u32 v41, $0x10  }
0x95: {  	v56 =	vand.u32 $0x3FFF, v15;
	v3 =	vand.u32 $0x7F, v6;
	v14 =	vand.u32 $0xFFFF0000, v41;
	[tilespmem:v27+s13+$0x0] =	vst.idx.add.f32.msk vm10, v10  }
0x96: {  	v29 =	vadd.s32 $0x2800, v50;
	v9 =	vadd.s32 $0x7800, v19;
	[tilespmem:v12+s13+$0x0] =	vst.idx.add.f32.msk vm10, v14;
	v31 =	vshll.u32 v49, $0x10  }
0x97: {  	v52 =	vadd.s32 $0x2800, v28;
	v21 =	vadd.s32 $0x5000, v28;
	v34 =	vand.u32 $0x7F, v28;
	[tilespmem:v48+s13+$0x0] =	vst.idx.add.f32.msk vm9, v31  }
0x98: {  	v35 =	vadd.s32 $0x2800, v56;
	v7 =	vadd.s32 $0x2800, v16;
	v53 =	vand.u32 $0x7FF80, v9;
	[tilespmem:v47+s13+$0x0] =	vst.idx.add.f32.msk vm13, v30  }
0x99: {  	v9 =	vand.u32 $0xFFFF0000, v26;
	v27 =	vadd.s32 $0x7800, v28;
	v4 =	vadd.s32 $0x2800, v8;
	v30 =	vld.idx.msk [tilespmem:v62+s2+$0x0], vm5  }
0x9a: {  	v55 =	vshll.u32 v24, $0x10;
	v26 =	vand.u32 $0xFFFF0000, v24;
	v24 =	vadd.s32 $0x2800, v6;
	v13 =	vld.idx.msk [tilespmem:v13+s2+$0x0], vm12  }
0x9b: {  	v14 =	vand.u32 $0x7FF80, v24;
	v54 =	vand.u32 $0xFFFF0000, v49;
	v23 =	vld.idx.msk [tilespmem:v57+s10+$0x0], vm4;
	v57 =	vshrl.u32 v22, $0xE  }
0x9c: {  	v31 =	vadd.s32 $0x2800, v63;
	vm13 =	vmmov vm4;
	v22 =	vld.idx.msk [tilespmem:v50+s2+$0x0], vm15;
	v10 =	vadd.s32 $0x7800, v57  }
0x9d: {  	[tilespmem:v18+s13+$0x0] =	vst.idx.add.f32.msk vm11, v9;
	v11 =	vadd.s32 $0x5000, v57;
	v18 =	vadd.s32 $0x2800, v57;
	v12 =	vand.u32 $0x7F, v57  }
0x9e: {  	v33 =	vld.idx.msk [tilespmem:v56+s2+$0x0], vm2;
	v11 =	vand.u32 $0x7FF80, v11;
	v24 =	vand.u32 $0x7FF80, v18;
	v18 =	vshrl.u32 v25, $0xE  }
0x9f: {  	s20 =	sadd.s32 $0x8, s20;
	v25 =	vld.idx.msk [tilespmem:v63+s2+$0x0], vm7;
	v63 =	vand.u32 $0x7FF80, v52;
	v58 =	vor.u32 v12, v24;
	v62 =	vadd.s32 $0x2800, v18  }
0xa0: {  	p0 =	slt.s32 s20, s19;
	[tilespmem:v51+s13+$0x0] =	vst.idx.add.f32.msk vm9, v54;
	v37 =	vor.u32 v34, v63;
	v36 =	vshll.u32 v30, $0x10;
	v9 =	vshll.u32 v13, $0x10  }
.Ltmp7:
0xa1: {  	v32 =	vand.u32 $0xFFFF0000, v30;
	v30 =	vadd.s32 $0x2800, v61;
	v59 =	vshll.u32 v22, $0x10;
	[tilespmem:v17+s13+$0x0] =	vst.idx.add.f32.msk vm12, v9;
	(pc) =	sbr.rel @p0 .LBB2_6-.Ltmp7, $4  }
0xa2: {  	v40 =	vand.u32 $0x7FF80, v62;
	v13 =	vand.u32 $0xFFFF0000, v13;
	v61 =	vand.u32 $0xFFFF0000, v22;
	[tilespmem:v57+s13+$0x0] =	vst.idx.add.f32.msk vm0, v59  }
0xa3: {  	v9 =	vor.u32 v3, v14;
	v14 =	vand.u32 $0x7F, v18;
	[tilespmem:v38+s13+$0x0] =	vst.idx.add.f32.msk vm12, v13;
	v13 =	vadd.s32 $0x5000, v19  }
0xa4: {  	v17 =	vadd.s32 $0x5000, v18;
	v38 =	vand.u32 $0x7F, v19;
	[tilespmem:v18+s13+$0x0] =	vst.idx.add.f32.msk vm6, v55;
	v24 =	vand.u32 $0x7FF80, v13  }
0xa5: {  	v13 =	vand.u32 $0x3FFF, v23;
	v22 =	vor.u32 v38, v53;
	[tilespmem:v58+s13+$0x0] =	vst.idx.add.f32.msk vm0, v61;
	v24 =	vor.u32 v38, v24  }
.LBB2_7:
0xa6: {  	_ =	sdelay $0x4  }
0xa7: {  	[tilespmem:v28+s13+$0x0] =	vst.idx.add.f32.msk vm5, v36  }
0xa8: {  	v48 =	vld.idx.msk [tilespmem:v13+s2+$0x0], vm1  }
0xa9: {  	v47 =	vor.u32 v38, v39;
	v29 =	vld.idx.msk [tilespmem:v29+s2+$0x0], vm0  }
0xaa: {  	vm6 =	vmmov vm6;
	v50 =	vshll.u32 v25, $0x10;
	v16 =	vld.idx.msk [tilespmem:v16+s2+$0x0], vm3;
	v15 =	vshrl.u32 v15, $0xE  }
0xab: {  	v49 =	vor.u32 v14, v40;
	[tilespmem:v19+s13+$0x0] =	vst.idx.add.f32.msk vm7, v50  }
0xac: {  	vm8 =	vmmov vm8;
	[tilespmem:v37+s13+$0x0] =	vst.idx.add.f32.msk vm5, v32  }
0xad: {  	v51 =	vand.u32 $0xFFFF0000, v25;
	vm14 =	vmmov vm3;
	v20 =	vld.idx.msk [tilespmem:v20+s2+$0x0], vm5  }
0xae: {  	v55 =	vshll.u32 v33, $0x10;
	[tilespmem:v47+s13+$0x0] =	vst.idx.add.f32.msk vm7, v51  }
0xaf: {  	[tilespmem:v15+s13+$0x0] =	vst.idx.add.f32.msk vm2, v55  }
0xb0: {  	v52 =	vadd.s32 $0x2800, v15;
	[tilespmem:v49+s13+$0x0] =	vst.idx.add.f32.msk vm6, v26  }
0xb1: {  	v11 =	vor.u32 v12, v11;
	v53 =	vand.u32 $0x7F, v15;
	v19 =	vand.u32 $0x7FF80, v52;
	v54 =	vld.idx.msk [tilespmem:v31+s2+$0x0], vm7  }
0xb2: {  	v21 =	vand.u32 $0x7FF80, v21;
	v19 =	vor.u32 v53, v19;
	v38 =	vshll.u32 v16, $0x10;
	v8 =	vld.idx.msk [tilespmem:v8+s2+$0x0], vm8  }
0xb3: {  	v21 =	vor.u32 v34, v21;
	[tilespmem:v6+s13+$0x0] =	vst.idx.add.f32.msk vm14, v38  }
0xb4: {  	v10 =	vand.u32 $0x7FF80, v10;
	v41 =	vand.u32 $0xFFFF0000, v16;
	v28 =	vld.idx.msk [tilespmem:v30+s2+$0x0], vm6  }
0xb5: {  	v10 =	vor.u32 v12, v10;
	v49 =	vshll.u32 v29, $0x10;
	[tilespmem:v9+s13+$0x0] =	vst.idx.add.f32.msk vm14, v41  }
0xb6: {  	v27 =	vand.u32 $0x7FF80, v27;
	v5 =	vshrl.u32 v5, $0xE;
	v56 =	vand.u32 $0xFFFF0000, v33;
	[tilespmem:v11+s13+$0x0] =	vst.idx.add.f32.msk vm0, v49  }
0xb7: {  	v42 =	vadd.s32 $0x7800, v18;
	v27 =	vor.u32 v34, v27;
	v59 =	vshll.u32 v20, $0x10;
	[tilespmem:v19+s13+$0x0] =	vst.idx.add.f32.msk vm2, v56  }
0xb8: {  	v46 =	vand.u32 $0x7FF80, v17;
	v57 =	vadd.s32 $0x5000, v15;
	v58 =	vadd.s32 $0x2800, v5;
	[tilespmem:v21+s13+$0x0] =	vst.idx.add.f32.msk vm5, v59  }
0xb9: {  	v61 =	vand.u32 $0x7F, v5;
	v44 =	vand.u32 $0x7FF80, v42;
	v51 =	vand.u32 $0xFFFF0000, v29;
	v7 =	vld.idx.msk [tilespmem:v7+s2+$0x0], vm14  }
0xba: {  	v50 =	vadd.s32 $0x5000, v6;
	v63 =	vand.u32 $0x7FF80, v57;
	v19 =	vand.u32 $0x7FF80, v58;
	[tilespmem:v10+s13+$0x0] =	vst.idx.add.f32.msk vm0, v51  }
0xbb: {  	v52 =	vand.u32 $0x7FF80, v50;
	v20 =	vand.u32 $0xFFFF0000, v20;
	v60 =	vld.idx.msk [tilespmem:v35+s2+$0x0], vm2;
	v19 =	vor.u32 v61, v19  }
0xbc: {  	v15 =	vadd.s32 $0x7800, v15;
	v30 =	vshrl.u32 v23, $0xE;
	[tilespmem:v27+s13+$0x0] =	vst.idx.add.f32.msk vm5, v20;
	v62 =	vshll.u32 v54, $0x10  }
0xbd: {  	v34 =	vshll.u32 v48, $0x10;
	v16 =	vor.u32 v14, v46;
	v26 =	vand.u32 $0xFFFF0000, v54;
	[tilespmem:v24+s13+$0x0] =	vst.idx.add.f32.msk vm7, v62  }
0xbe: {  	v36 =	vand.u32 $0xFFFF0000, v48;
	v9 =	vor.u32 v14, v44;
	[tilespmem:v22+s13+$0x0] =	vst.idx.add.f32.msk vm7, v26;
	v26 =	vshll.u32 v8, $0x10  }
0xbf: {  	v21 =	vor.u32 v53, v63;
	v37 =	vadd.s32 $0x2800, v30;
	v8 =	vand.u32 $0xFFFF0000, v8;
	[tilespmem:v5+s13+$0x0] =	vst.idx.add.f32.msk vm8, v26  }
0xc0: {  	v47 =	vadd.s32 $0x5000, v5;
	v43 =	vand.u32 $0x7F, v30;
	[tilespmem:v19+s13+$0x0] =	vst.idx.add.f32.msk vm8, v8;
	v19 =	vand.u32 $0x7FF80, v37  }
0xc1: {  	v48 =	vadd.s32 $0x2800, v13;
	[tilespmem:v30+s13+$0x0] =	vst.idx.add.f32.msk vm1, v34;
	v55 =	vshll.u32 v28, $0x10;
	v45 =	vor.u32 v43, v19  }
0xc2: {  	v15 =	vand.u32 $0x7FF80, v15;
	v17 =	vand.u32 $0x7FF80, v47;
	v59 =	vand.u32 $0xFFFF0000, v28;
	[tilespmem:v16+s13+$0x0] =	vst.idx.add.f32.msk vm6, v55  }
0xc3: {  	v11 =	vor.u32 v3, v52;
	v54 =	vadd.s32 $0x7800, v6;
	v35 =	vshll.u32 v60, $0x10;
	[tilespmem:v9+s13+$0x0] =	vst.idx.add.f32.msk vm6, v59  }
0xc4: {  	v15 =	vor.u32 v53, v15;
	v17 =	vor.u32 v61, v17;
	v6 =	vand.u32 $0x7FF80, v54;
	[tilespmem:v21+s13+$0x0] =	vst.idx.add.f32.msk vm2, v35  }
0xc5: {  	v31 =	vadd.s32 $0x5000, v30;
	v3 =	vor.u32 v3, v6;
	v5 =	vadd.s32 $0x7800, v5;
	v4 =	vld.idx.msk [tilespmem:v4+s2+$0x0], vm8  }
0xc6: {  	v53 =	vadd.s32 $0x7800, v30;
	v39 =	vand.u32 $0x7FF80, v31;
	v5 =	vand.u32 $0x7FF80, v5;
	[tilespmem:v45+s13+$0x0] =	vst.idx.add.f32.msk vm13, v36  }
0xc7: {  	v40 =	vand.u32 $0xFFFF0000, v60;
	v60 =	vshll.u32 v7, $0x10;
	v5 =	vor.u32 v61, v5;
	v13 =	vld.idx.msk [tilespmem:v48+s2+$0x0], vm1  }
0xc8: {  	v58 =	vand.u32 $0x7FF80, v53;
	v56 =	vor.u32 v43, v39;
	[tilespmem:v11+s13+$0x0] =	vst.idx.add.f32.msk vm14, v60  }
0xc9: {  	v62 =	vand.u32 $0xFFFF0000, v7;
	v8 =	vor.u32 v43, v58;
	[tilespmem:v15+s13+$0x0] =	vst.idx.add.f32.msk vm2, v40  }
0xca: {  	[tilespmem:v3+s13+$0x0] =	vst.idx.add.f32.msk vm14, v62;
	v57 =	vshll.u32 v4, $0x10  }
0xcb: {  	v4 =	vand.u32 $0xFFFF0000, v4;
	[tilespmem:v17+s13+$0x0] =	vst.idx.add.f32.msk vm8, v57  }
0xcc: {  	[tilespmem:v5+s13+$0x0] =	vst.idx.add.f32.msk vm8, v4;
	v61 =	vshll.u32 v13, $0x10  }
0xcd: {  	v63 =	vand.u32 $0xFFFF0000, v13;
	[tilespmem:v56+s13+$0x0] =	vst.idx.add.f32.msk vm1, v61  }
0xce: {  	vm15 =	vmmov vm1;
	[tilespmem:v8+s13+$0x0] =	vst.idx.add.f32.msk vm1, v63  }
.LBB2_8:
0xcf: {  	p0 =	sge.s32 s19, s18  }
.Ltmp8:
0xd0: {  	_ = 	snop;
	(pc) =	sbr.rel @p0 .LBB2_11-.Ltmp8, $1  }
0xd1: {  	_ =	sdelay $0x3  }
0xd2: {  	s19 =	ssub.s32 s18, s19  }
0xd3: {  	s19 =	ssub.s32 $0x0, s19  }
.LBB2_10:
0xd4: {  	s20 =	sadd.s32 s19, s18  }
0xd5: {  	v3 =	vmov s20  }
0xd6: {  	vm0 =	vlt.s32 v3, v1  }
0xd7: {  	v3 =	vadd.s32 s20, v2;
	_ =	sdelay $0x4  }
0xd8: {  	v3 =	vld.idx.msk [tilespmem:v3+s10+$0x0], vm0;
	_ =	sdelay $0x4  }
0xd9: {  	v4 =	vand.u32 $0x3FFF, v3;
	_ =	sdelay $0x3  }
0xda: {  	v3 =	vshrl.u32 v3, $0xE  }
0xdb: {  	v6 =	vadd.s32 $0x2800, v3;
	v5 =	vld.idx.msk [tilespmem:v4+s2+$0x0], vm0  }
0xdc: {  	v7 =	vand.u32 $0x7F, v3;
	v6 =	vand.u32 $0x7FF80, v6  }
0xdd: {  	v6 =	vor.u32 v7, v6  }
0xde: {  	v4 =	vadd.s32 $0x2800, v4;
	_ =	sdelay $0x1  }
0xdf: {  	v8 =	vshll.u32 v5, $0x10  }
0xe0: {  	v5 =	vand.u32 $0xFFFF0000, v5;
	[tilespmem:v3+s13+$0x0] =	vst.idx.add.f32.msk vm0, v8  }
0xe1: {  	v62 =	vadd.s32 $0x5000, v3;
	[tilespmem:v6+s13+$0x0] =	vst.idx.add.f32.msk vm0, v5  }
0xe2: {  	v3 =	vadd.s32 $0x7800, v3;
	v5 =	vand.u32 $0x7FF80, v62;
	v4 =	vld.idx.msk [tilespmem:v4+s2+$0x0], vm0  }
0xe3: {  	s19 =	sadd.s32 $0x1, s19;
	v3 =	vand.u32 $0x7FF80, v3;
	v5 =	vor.u32 v7, v5  }
0xe4: {  	p0 =	seq.s32 s19, $0x0;
	v3 =	vor.u32 v7, v3  }
.Ltmp9:
0xe5: {  	_ = 	snop;
	(pc) =	sbr.rel @!p0 .LBB2_10-.Ltmp9, $4  }
0xe6: {  	_ = 	snop  }
0xe7: {  	v63 =	vshll.u32 v4, $0x10  }
0xe8: {  	v4 =	vand.u32 $0xFFFF0000, v4;
	[tilespmem:v5+s13+$0x0] =	vst.idx.add.f32.msk vm0, v63  }
0xe9: {  	[tilespmem:v3+s13+$0x0] =	vst.idx.add.f32.msk vm0, v4  }
.LBB2_11:
0xea: {  	p0 =	seq.s32 s16, $0xF  }
0xeb: {  	s18 =	smul.u32 @!p0 $0x5040, s16;
	_ =	sdelay $0x1  }
0xec: {  	s18 =	sshrl.u32 @!p0 s18, $0x3  }
0xed: {  	s18 =	sadd.s32 @!p0 s3, s18  }
0xee: {  	s19 =	simm.s32 @!p0 $0x0;
	s20 =	simm.s32 @!p0 $0xF000;
	s18 =	sadd.s32 @!p0 $0xA08, s18  }
0xef: {  	[tilespmem:s20], [sflag:$0x1] =	stream.linear.gather @!p0 [hbm4b:s18+s19], $0x2820, $0x38;
	[tilespmem:$0x14500] =	vst v63  }
0xf0: {  	_ =	swait.ge [sflag:s14], $0x2820  }
0xf1: {  	s17 =	sshll.u32 s17, $0x5;
	[sflag:s14] =	ssyncset.done $0x0  }
0xf2: {  	s29 =	sand.u32 $0x3FFFFFE0, s17;
	[sflag:s14] =	ssyncadd.s32 $0xFFFFD7E0  }
0xf3: {  	v1 =	vld [tilespmem:s29+$0x14110];
	_ =	sdelay $0x4  }
0xf4: {  	v2 =	vxor.u32 $0x80000000, v1  }
0xf5: {  	(xrf0) =	vmax.scan.msk.u32 $0xffff, v2;
	_ =	sdelay $0x5  }
0xf6: {  	v2, _, _ =	vpop (xrf0)  }
0xf7: {  	(v2sf) =	vpush v2, $0xF;
	_ =	sdelay $0xe  }
0xf8: {  	s30 =	spop (v2sf)  }
0xf9: {  	s17 =	sxor.u32 $0x80000000, s30  }
0xfa: {  	s31 =	sshra.s32 s17, $0x1F  }
0xfb: {  	s18 =	sshrl.u32 s31, $0x1D  }
0xfc: {  	s18 =	sadd.s32 s18, s17  }
0xfd: {  	s18 =	sand.u32 $0xFFFFFFF8, s18  }
0xfe: {  	p0 =	slt.s32 s18, $0x1  }
.Ltmp10:
0xff: {  	_ = 	snop;
	(pc) =	sbr.rel @p0 .LBB2_15-.Ltmp10, $2  }
0x100: {  	_ =	sdelay $0x1  }
0x101: {  	v2 =	vld [tilespmem:s29+$0x14100];
	_ =	sdelay $0x1  }
0x102: {  	s20 =	simm.s32 $0x4  }
0x103: {  	s21 =	simm.s32 $0x1;
	v3 =	vmov s20  }
0x104: {  	s22 =	simm.s32 $0x2;
	vm6 =	vlt.s32 v3, v1;
	v3 =	vmov s21  }
0x105: {  	s29 =	simm.s32 $0x3;
	v5 =	vmov s22;
	v4 =	vadd.s32 s20, v2;
	vm0 =	vlt.s32 v3, v1  }
0x106: {  	s23 =	simm.s32 $0x5;
	vm8 =	vlt.s32 v5, v1;
	v3 =	vmov s29;
	v6 =	vadd.s32 s21, v2  }
0x107: {  	v5 =	vmov s23;
	vm3 =	vlt.s32 v3, v1;
	v3 =	vadd.s32 s22, v2  }
0x108: {  	s30 =	simm.s32 $0x6;
	vm1 =	vlt.s32 v5, v1;
	v7 =	vadd.s32 s29, v2  }
0x109: {  	v5 =	vmov s30;
	v8 =	vadd.s32 s23, v2  }
0x10a: {  	vm4 =	vlt.s32 v5, v1;
	v13 =	vld.idx.msk [tilespmem:v4+s11+$0x0], vm6  }
0x10b: {  	v4 =	vadd.s32 s30, v2;
	v6 =	vld.idx.msk [tilespmem:v6+s11+$0x0], vm0  }
0x10c: {  	s31 =	simm.s32 $0x7;
	v5 =	vld.idx.msk [tilespmem:v3+s11+$0x0], vm8  }
0x10d: {  	v3 =	vmov s31;
	v9 =	vld.idx.msk [tilespmem:v7+s11+$0x0], vm3  }
0x10e: {  	s19 =	simm.s32 $0x0;
	vm2 =	vlt.s32 v3, v1;
	v3 =	vld.idx.msk [tilespmem:v8+s11+$0x0], vm1  }
0x10f: {  	v12 =	vadd.s32 s19, v2;
	vm5 =	vmmov vm0;
	vm7 =	vmmov vm1  }
0x110: {  	v7 =	vadd.s32 s31, v2;
	v14 =	vand.u32 $0x3FFF, v13;
	v10 =	vld.idx.msk [tilespmem:v4+s11+$0x0], vm4;
	v4 =	vmov s19  }
0x111: {  	v11 =	vand.u32 $0x3FFF, v6;
	vm0 =	vlt.s32 v4, v1;
	v8 =	vand.u32 $0x3FFF, v5  }
0x112: {  	v28 =	vshrl.u32 v6, $0xE;
	v30 =	vadd.s32 $0x2800, v14;
	v16 =	vand.u32 $0x3FFF, v9  }
0x113: {  	v22 =	vand.u32 $0x3FFF, v3;
	v19 =	vshrl.u32 v3, $0xE;
	vm1 =	vmmov vm0  }
0x114: {  	v24 =	vadd.s32 $0x2800, v28;
	v20 =	vadd.s32 $0x2800, v11;
	vm0 =	vmmov vm4  }
0x115: {  	v21 =	vadd.s32 $0x5000, v28;
	v4 =	vadd.s32 $0x2800, v8;
	v6 =	vshrl.u32 v9, $0xE  }
0x116: {  	v27 =	vadd.s32 $0x7800, v28;
	v15 =	vld.idx.msk [tilespmem:v7+s11+$0x0], vm2;
	vm2 =	vmmov vm2;
	v3 =	vadd.s32 $0x7800, v19  }
0x117: {  	v7 =	vadd.s32 $0x2800, v16;
	v9 =	vadd.s32 $0x2800, v6;
	v17 =	vld.idx.msk [tilespmem:v14+s2+$0x0], vm6;
	v18 =	vand.u32 $0x3FFF, v10  }
0x118: {  	v31 =	vadd.s32 $0x2800, v22;
	v38 =	vand.u32 $0x7F, v19;
	v24 =	vand.u32 $0x7FF80, v24;
	v23 =	vld.idx.msk [tilespmem:v11+s2+$0x0], vm5  }
0x119: {  	v34 =	vand.u32 $0x7FF80, v3;
	v3 =	vand.u32 $0x7F, v6;
	v9 =	vand.u32 $0x7FF80, v9  }
0x11a: {  	vm13 =	vmmov vm1;
	v37 =	vshrl.u32 v10, $0xE;
	v9 =	vor.u32 v3, v9  }
0x11b: {  	v10 =	vadd.s32 $0x7800, v37;
	v29 =	vadd.s32 $0x2800, v18;
	v11 =	vadd.s32 $0x5000, v37  }
0x11c: {  	v41 =	vand.u32 $0x3FFF, v15;
	v35 =	vshll.u32 v17, $0x10;
	v26 =	vand.u32 $0xFFFF0000, v17;
	v33 =	vld.idx.msk [tilespmem:v18+s2+$0x0], vm4  }
0x11d: {  	v17 =	vadd.s32 $0x2800, v37;
	v18 =	vshrl.u32 v13, $0xE;
	v36 =	vshll.u32 v23, $0x10  }
0x11e: {  	v32 =	vand.u32 $0xFFFF0000, v23;
	v23 =	vld.idx.msk [tilespmem:v12+s11+$0x0], vm1;
	v12 =	vand.u32 $0x7F, v37;
	v17 =	vand.u32 $0x7FF80, v17  }
0x11f: {  	p0 =	sgt.s32 s18, $0x8;
	v11 =	vand.u32 $0x7FF80, v11;
	v25 =	vld.idx.msk [tilespmem:v22+s2+$0x0], vm7;
	v22 =	vadd.s32 $0x2800, v19;
	v42 =	vor.u32 v12, v17  }
.Ltmp11:
0x120: {  	v39 =	vand.u32 $0x7FF80, v22;
	v22 =	vor.u32 v38, v34;
	v34 =	vand.u32 $0x7F, v28;
	(pc) =	sbr.rel @!p0 .LBB2_14-.Ltmp11, $4  }
0x121: {  	v13 =	vadd.s32 $0x5000, v19;
	v40 =	vshll.u32 v33, $0x10;
	v44 =	vand.u32 $0xFFFF0000, v33;
	v33 =	vld.idx.msk [tilespmem:v41+s2+$0x0], vm2  }
0x122: {  	v14 =	vand.u32 $0x7F, v18;
	v43 =	vand.u32 $0x7FF80, v13;
	v45 =	vadd.s32 $0x2800, v18;
	[tilespmem:v18+s13+$0x0] =	vst.idx.add.f32.msk vm6, v35  }
0x123: {  	v17 =	vadd.s32 $0x5000, v18;
	v35 =	vadd.s32 $0x2800, v41;
	v13 =	vand.u32 $0x3FFF, v23;
	[tilespmem:v37+s13+$0x0] =	vst.idx.add.f32.msk vm4, v40  }
0x124: {  	s19 =	simm.s32 $0x8;
	v40 =	vand.u32 $0x7FF80, v45;
	v37 =	vor.u32 v34, v24;
	v24 =	vor.u32 v38, v43;
	[tilespmem:v42+s13+$0x0] =	vst.idx.add.f32.msk vm0, v44  }
.LBB2_13:
0x125: {  	_ =	sdelay $0x2  }
0x126: {  	v41 =	vimm.s32 $0x0;
	[tilespmem:v28+s13+$0x0] =	vst.idx.add.f32.msk vm5, v36;
	v54 =	vor.u32 v14, v40  }
0x127: {  	v38 =	vor.u32 v38, v39;
	v15 =	vshrl.u32 v15, $0xE;
	vm9 =	vmmov vm3;
	v56 =	vld.idx.msk [tilespmem:v13+s2+$0x0], vm1  }
0x128: {  	s21 =	sadd.s32 $0x1, s19;
	vm11 =	vmmov vm6;
	vm10 =	vmmov vm8;
	s20 =	smov.u32 s19;
	v29 =	vld.idx.msk [tilespmem:v29+s2+$0x0], vm0;
	v23 =	vshrl.u32 v23, $0xE  }
0x129: {  	v21 =	vand.u32 $0x7FF80, v21;
	v27 =	vand.u32 $0x7FF80, v27;
	v28 =	vmov s21;
	s28 =	sadd.s32 $0x7, s20;
	[tilespmem:v37+s13+$0x0] =	vst.idx.add.f32.msk vm5, v32  }
0x12a: {  	v53 =	vshrl.u32 v5, $0xE;
	vm12 =	vlt.s32 v28, v1;
	v28 =	vmov s28;
	v20 =	vld.idx.msk [tilespmem:v20+s2+$0x0], vm5  }
0x12b: {  	s22 =	sadd.s32 $0x2, s19;
	s24 =	sadd.s32 $0x4, s19;
	v57 =	vand.u32 $0xFFFF0000, v25;
	v25 =	vshll.u32 v25, $0x10;
	vm14 =	vlt.s32 v28, v1;
	v28 =	vld.idx.msk [tilespmem:v16+s2+$0x0], vm3  }
0x12c: {  	s23 =	sadd.s32 $0x3, s19;
	s25 =	sadd.s32 $0x5, s19;
	v41 =	vsel vm13, $0xFFFFFFFF, v41;
	v55 =	vmov s22;
	v42 =	vmov s24;
	[tilespmem:v19+s13+$0x0] =	vst.idx.add.f32.msk vm7, v25  }
0x12d: {  	v43 =	vmov s25;
	v44 =	vmov s23;
	vm8 =	vlt.s32 v55, v1;
	[tilespmem:v38+s13+$0x0] =	vst.idx.add.f32.msk vm7, v57  }
0x12e: {  	v58 =	vadd.s32 s24, v2;
	v49 =	vadd.s32 s22, v2;
	vm13 =	vlt.s32 v43, v1;
	[tilespmem:v54+s13+$0x0] =	vst.idx.add.f32.msk vm11, v26  }
0x12f: {  	v61 =	vadd.s32 s25, v2;
	vm3 =	vlt.s32 v44, v1;
	v44 =	vshll.u32 v56, $0x10;
	v48 =	vld.idx.msk [tilespmem:v31+s2+$0x0], vm7  }
0x130: {  	vm6 =	vlt.s32 v42, v1;
	v25 =	vadd.s32 s21, v2;
	v26 =	vadd.s32 $0x2800, v15;
	[tilespmem:v23+s13+$0x0] =	vst.idx.add.f32.msk vm1, v44  }
0x131: {  	s26 =	sadd.s32 $0x6, s19;
	v62 =	vand.u32 $0x7F, v15;
	v19 =	vadd.s32 $0x5000, v23;
	v31 =	vand.u32 $0x7FF80, v26;
	v26 =	vld.idx.msk [tilespmem:v30+s2+$0x0], vm11  }
0x132: {  	v16 =	vmov s26;
	v45 =	vor.u32 v62, v31;
	v31 =	vand.u32 $0x7FF80, v19;
	v19 =	vld.idx.msk [tilespmem:v8+s2+$0x0], vm10  }
0x133: {  	v18 =	vadd.s32 $0x7800, v18;
	vm15 =	vlt.s32 v16, v1;
	v16 =	vor.u32 v34, v21;
	v5 =	vld.idx.msk [tilespmem:v49+s11+$0x0], vm8  }
0x134: {  	v17 =	vand.u32 $0x7FF80, v17;
	v11 =	vor.u32 v12, v11;
	v59 =	vadd.s32 s23, v2;
	v37 =	vld.idx.msk [tilespmem:v61+s11+$0x0], vm13  }
0x135: {  	v10 =	vand.u32 $0x7FF80, v10;
	v13 =	vadd.s32 $0x2800, v13;
	v27 =	vor.u32 v34, v27;
	v46 =	vld.idx.msk [tilespmem:v25+s11+$0x0], vm12  }
0x136: {  	v60 =	vadd.s32 $0x5000, v15;
	v63 =	vadd.s32 s26, v2;
	v8 =	vshll.u32 v33, $0x10;
	v25 =	vld.idx.msk [tilespmem:v58+s11+$0x0], vm6  }
0x137: {  	v50 =	vadd.s32 $0x7800, v23;
	v52 =	vadd.s32 $0x2800, v23;
	v47 =	vshll.u32 v20, $0x10;
	[tilespmem:v15+s13+$0x0] =	vst.idx.add.f32.msk vm2, v8  }
0x138: {  	v18 =	vand.u32 $0x7FF80, v18;
	v10 =	vor.u32 v12, v10;
	v40 =	vand.u32 $0x7FF80, v52;
	[tilespmem:v16+s13+$0x0] =	vst.idx.add.f32.msk vm5, v47  }
0x139: {  	v55 =	vand.u32 $0x7F, v53;
	v36 =	vand.u32 $0x7FF80, v60;
	v20 =	vand.u32 $0xFFFF0000, v20;
	v32 =	vld.idx.msk [tilespmem:v59+s11+$0x0], vm3  }
0x13a: {  	v18 =	vor.u32 v14, v18;
	v16 =	vadd.s32 $0x2800, v53;
	[tilespmem:v27+s13+$0x0] =	vst.idx.add.f32.msk vm5, v20;
	v8 =	vshll.u32 v48, $0x10  }
0x13b: {  	v14 =	vor.u32 v14, v17;
	v51 =	vand.u32 $0xFFFF0000, v33;
	v16 =	vand.u32 $0x7FF80, v16;
	[tilespmem:v24+s13+$0x0] =	vst.idx.add.f32.msk vm7, v8  }
0x13c: {  	v21 =	vadd.s32 s28, v2;
	v54 =	vand.u32 $0xFFFF0000, v48;
	v59 =	vor.u32 v55, v16;
	[tilespmem:v45+s13+$0x0] =	vst.idx.add.f32.msk vm2, v51  }
0x13d: {  	v57 =	vadd.s32 s20, v2;
	v30 =	vand.u32 $0xFFFF0000, v56;
	v15 =	vadd.s32 $0x7800, v15;
	[tilespmem:v22+s13+$0x0] =	vst.idx.add.f32.msk vm7, v54  }
0x13e: {  	v58 =	vmov s20;
	v15 =	vand.u32 $0x7FF80, v15;
	v16 =	vadd.s32 $0x5000, v53;
	v22 =	vld.idx.msk [tilespmem:v63+s11+$0x0], vm15  }
0x13f: {  	v60 =	vshll.u32 v19, $0x10;
	v12 =	vand.u32 $0xFFFF0000, v19;
	v19 =	vand.u32 $0x7FF80, v16;
	v35 =	vld.idx.msk [tilespmem:v35+s2+$0x0], vm2  }
0x140: {  	vm4 =	vlt.s32 v58, v1;
	[tilespmem:v53+s13+$0x0] =	vst.idx.add.f32.msk vm10, v60;
	v27 =	vor.u32 v55, v19;
	v19 =	vadd.s32 $0x7800, v53  }
0x141: {  	v20 =	vadd.s32 $0x5000, v6;
	[tilespmem:v59+s13+$0x0] =	vst.idx.add.f32.msk vm10, v12;
	v12 =	vand.u32 $0x7FF80, v19;
	v19 =	vshll.u32 v28, $0x10  }
0x142: {  	vm5 =	vmmov vm12;
	v56 =	vor.u32 v62, v15;
	[tilespmem:v6+s13+$0x0] =	vst.idx.add.f32.msk vm9, v19;
	v6 =	vadd.s32 $0x7800, v6  }
0x143: {  	v20 =	vand.u32 $0x7FF80, v20;
	v15 =	vld.idx.msk [tilespmem:v21+s11+$0x0], vm14;
	v21 =	vor.u32 v62, v36;
	v6 =	vand.u32 $0x7FF80, v6  }
0x144: {  	[tilespmem:$0x1FFE0] =	vst v41;
	v48 =	vor.u32 v3, v20;
	v41 =	vld.idx.msk [tilespmem:v4+s2+$0x0], vm10;
	v51 =	vor.u32 v3, v6;
	v3 =	vshll.u32 v29, $0x10  }
0x145: {  	vm12 =	vmmov vm1;
	vm1 =	vmmov vm4;
	v4 =	vand.u32 $0xFFFF0000, v29;
	[tilespmem:v11+s13+$0x0] =	vst.idx.add.f32.msk vm0, v3  }
0x146: {  	v8 =	vand.u32 $0x3FFF, v5;
	v63 =	vand.u32 $0x3FFF, v37;
	vm7 =	vmmov vm13;
	[tilespmem:v10+s13+$0x0] =	vst.idx.add.f32.msk vm0, v4  }
0x147: {  	v61 =	vand.u32 $0x3FFF, v25;
	v16 =	vand.u32 $0x3FFF, v32;
	v17 =	vshll.u32 v35, $0x10;
	v4 =	vld [tilespmem:$0x1FFE0]  }
0x148: {  	v62 =	vand.u32 $0x3FFF, v46;
	[tilespmem:v21+s13+$0x0] =	vst.idx.add.f32.msk vm2, v17;
	v17 =	vand.u32 $0x7F, v23;
	v21 =	vand.u32 $0x7FF80, v50  }
0x149: {  	v19 =	vshrl.u32 v37, $0xE;
	v38 =	vor.u32 v17, v21;
	v21 =	vand.u32 $0xFFFF0000, v28  }
0x14a: {  	v20 =	vadd.s32 $0x2800, v62;
	v12 =	vor.u32 v55, v12;
	v60 =	vadd.s32 $0x2800, v19;
	[tilespmem:v9+s13+$0x0] =	vst.idx.add.f32.msk vm9, v21  }
0x14b: {  	v24 =	vand.u32 $0xFFFF0000, v35;
	v6 =	vshrl.u32 v32, $0xE;
	v39 =	vand.u32 $0x7FF80, v60;
	v49 =	vld.idx.msk [tilespmem:v7+s2+$0x0], vm9  }
0x14c: {  	v50 =	vand.u32 $0x3FFF, v22;
	v3 =	vshll.u32 v26, $0x10;
	[tilespmem:v56+s13+$0x0] =	vst.idx.add.f32.msk vm2, v24;
	vm13 =	vnez.u8 v4  }
0x14d: {  	v47 =	vor.u32 v17, v40;
	v24 =	vld.idx.msk [tilespmem:v61+s2+$0x0], vm6;
	vm2 =	vmmov vm14;
	v28 =	vshrl.u32 v46, $0xE  }
0x14e: {  	vm0 =	vmmov vm15;
	v17 =	vor.u32 v17, v31;
	[tilespmem:v14+s13+$0x0] =	vst.idx.add.f32.msk vm11, v3;
	v10 =	vshll.u32 v41, $0x10  }
0x14f: {  	v56 =	vand.u32 $0x3FFF, v15;
	v3 =	vand.u32 $0x7F, v6;
	v14 =	vand.u32 $0xFFFF0000, v41;
	[tilespmem:v27+s13+$0x0] =	vst.idx.add.f32.msk vm10, v10  }
0x150: {  	v29 =	vadd.s32 $0x2800, v50;
	v9 =	vadd.s32 $0x7800, v19;
	[tilespmem:v12+s13+$0x0] =	vst.idx.add.f32.msk vm10, v14;
	v31 =	vshll.u32 v49, $0x10  }
0x151: {  	v52 =	vadd.s32 $0x2800, v28;
	v21 =	vadd.s32 $0x5000, v28;
	v34 =	vand.u32 $0x7F, v28;
	[tilespmem:v48+s13+$0x0] =	vst.idx.add.f32.msk vm9, v31  }
0x152: {  	v35 =	vadd.s32 $0x2800, v56;
	v7 =	vadd.s32 $0x2800, v16;
	v53 =	vand.u32 $0x7FF80, v9;
	[tilespmem:v47+s13+$0x0] =	vst.idx.add.f32.msk vm13, v30  }
0x153: {  	v9 =	vand.u32 $0xFFFF0000, v26;
	v27 =	vadd.s32 $0x7800, v28;
	v4 =	vadd.s32 $0x2800, v8;
	v30 =	vld.idx.msk [tilespmem:v62+s2+$0x0], vm5  }
0x154: {  	v55 =	vshll.u32 v24, $0x10;
	v26 =	vand.u32 $0xFFFF0000, v24;
	v24 =	vadd.s32 $0x2800, v6;
	v13 =	vld.idx.msk [tilespmem:v13+s2+$0x0], vm12  }
0x155: {  	v14 =	vand.u32 $0x7FF80, v24;
	v54 =	vand.u32 $0xFFFF0000, v49;
	v23 =	vld.idx.msk [tilespmem:v57+s11+$0x0], vm4;
	v57 =	vshrl.u32 v22, $0xE  }
0x156: {  	v31 =	vadd.s32 $0x2800, v63;
	vm13 =	vmmov vm4;
	v22 =	vld.idx.msk [tilespmem:v50+s2+$0x0], vm15;
	v10 =	vadd.s32 $0x7800, v57  }
0x157: {  	[tilespmem:v18+s13+$0x0] =	vst.idx.add.f32.msk vm11, v9;
	v11 =	vadd.s32 $0x5000, v57;
	v18 =	vadd.s32 $0x2800, v57;
	v12 =	vand.u32 $0x7F, v57  }
0x158: {  	v33 =	vld.idx.msk [tilespmem:v56+s2+$0x0], vm2;
	v11 =	vand.u32 $0x7FF80, v11;
	v24 =	vand.u32 $0x7FF80, v18;
	v18 =	vshrl.u32 v25, $0xE  }
0x159: {  	s19 =	sadd.s32 $0x8, s19;
	v25 =	vld.idx.msk [tilespmem:v63+s2+$0x0], vm7;
	v63 =	vand.u32 $0x7FF80, v52;
	v58 =	vor.u32 v12, v24;
	v62 =	vadd.s32 $0x2800, v18  }
0x15a: {  	p0 =	slt.s32 s19, s18;
	[tilespmem:v51+s13+$0x0] =	vst.idx.add.f32.msk vm9, v54;
	v37 =	vor.u32 v34, v63;
	v36 =	vshll.u32 v30, $0x10;
	v9 =	vshll.u32 v13, $0x10  }
.Ltmp12:
0x15b: {  	v32 =	vand.u32 $0xFFFF0000, v30;
	v30 =	vadd.s32 $0x2800, v61;
	v59 =	vshll.u32 v22, $0x10;
	[tilespmem:v17+s13+$0x0] =	vst.idx.add.f32.msk vm12, v9;
	(pc) =	sbr.rel @p0 .LBB2_13-.Ltmp12, $4  }
0x15c: {  	v40 =	vand.u32 $0x7FF80, v62;
	v13 =	vand.u32 $0xFFFF0000, v13;
	v61 =	vand.u32 $0xFFFF0000, v22;
	[tilespmem:v57+s13+$0x0] =	vst.idx.add.f32.msk vm0, v59  }
0x15d: {  	v9 =	vor.u32 v3, v14;
	v14 =	vand.u32 $0x7F, v18;
	[tilespmem:v38+s13+$0x0] =	vst.idx.add.f32.msk vm12, v13;
	v13 =	vadd.s32 $0x5000, v19  }
0x15e: {  	v17 =	vadd.s32 $0x5000, v18;
	v38 =	vand.u32 $0x7F, v19;
	[tilespmem:v18+s13+$0x0] =	vst.idx.add.f32.msk vm6, v55;
	v24 =	vand.u32 $0x7FF80, v13  }
0x15f: {  	v13 =	vand.u32 $0x3FFF, v23;
	v22 =	vor.u32 v38, v53;
	[tilespmem:v58+s13+$0x0] =	vst.idx.add.f32.msk vm0, v61;
	v24 =	vor.u32 v38, v24  }
.LBB2_14:
0x160: {  	_ =	sdelay $0x4  }
0x161: {  	[tilespmem:v28+s13+$0x0] =	vst.idx.add.f32.msk vm5, v36  }
0x162: {  	v48 =	vld.idx.msk [tilespmem:v13+s2+$0x0], vm1  }
0x163: {  	v47 =	vor.u32 v38, v39;
	v29 =	vld.idx.msk [tilespmem:v29+s2+$0x0], vm0  }
0x164: {  	vm6 =	vmmov vm6;
	v50 =	vshll.u32 v25, $0x10;
	v16 =	vld.idx.msk [tilespmem:v16+s2+$0x0], vm3;
	v15 =	vshrl.u32 v15, $0xE  }
0x165: {  	v49 =	vor.u32 v14, v40;
	[tilespmem:v19+s13+$0x0] =	vst.idx.add.f32.msk vm7, v50  }
0x166: {  	vm8 =	vmmov vm8;
	[tilespmem:v37+s13+$0x0] =	vst.idx.add.f32.msk vm5, v32  }
0x167: {  	v51 =	vand.u32 $0xFFFF0000, v25;
	vm14 =	vmmov vm3;
	v20 =	vld.idx.msk [tilespmem:v20+s2+$0x0], vm5  }
0x168: {  	v55 =	vshll.u32 v33, $0x10;
	[tilespmem:v47+s13+$0x0] =	vst.idx.add.f32.msk vm7, v51  }
0x169: {  	[tilespmem:v15+s13+$0x0] =	vst.idx.add.f32.msk vm2, v55  }
0x16a: {  	v52 =	vadd.s32 $0x2800, v15;
	[tilespmem:v49+s13+$0x0] =	vst.idx.add.f32.msk vm6, v26  }
0x16b: {  	v11 =	vor.u32 v12, v11;
	v53 =	vand.u32 $0x7F, v15;
	v19 =	vand.u32 $0x7FF80, v52;
	v54 =	vld.idx.msk [tilespmem:v31+s2+$0x0], vm7  }
0x16c: {  	v21 =	vand.u32 $0x7FF80, v21;
	v19 =	vor.u32 v53, v19;
	v38 =	vshll.u32 v16, $0x10;
	v8 =	vld.idx.msk [tilespmem:v8+s2+$0x0], vm8  }
0x16d: {  	v21 =	vor.u32 v34, v21;
	[tilespmem:v6+s13+$0x0] =	vst.idx.add.f32.msk vm14, v38  }
0x16e: {  	v10 =	vand.u32 $0x7FF80, v10;
	v41 =	vand.u32 $0xFFFF0000, v16;
	v28 =	vld.idx.msk [tilespmem:v30+s2+$0x0], vm6  }
0x16f: {  	v10 =	vor.u32 v12, v10;
	v49 =	vshll.u32 v29, $0x10;
	[tilespmem:v9+s13+$0x0] =	vst.idx.add.f32.msk vm14, v41  }
0x170: {  	v27 =	vand.u32 $0x7FF80, v27;
	v5 =	vshrl.u32 v5, $0xE;
	v56 =	vand.u32 $0xFFFF0000, v33;
	[tilespmem:v11+s13+$0x0] =	vst.idx.add.f32.msk vm0, v49  }
0x171: {  	v42 =	vadd.s32 $0x7800, v18;
	v27 =	vor.u32 v34, v27;
	v59 =	vshll.u32 v20, $0x10;
	[tilespmem:v19+s13+$0x0] =	vst.idx.add.f32.msk vm2, v56  }
0x172: {  	v46 =	vand.u32 $0x7FF80, v17;
	v57 =	vadd.s32 $0x5000, v15;
	v58 =	vadd.s32 $0x2800, v5;
	[tilespmem:v21+s13+$0x0] =	vst.idx.add.f32.msk vm5, v59  }
0x173: {  	v61 =	vand.u32 $0x7F, v5;
	v44 =	vand.u32 $0x7FF80, v42;
	v51 =	vand.u32 $0xFFFF0000, v29;
	v7 =	vld.idx.msk [tilespmem:v7+s2+$0x0], vm14  }
0x174: {  	v50 =	vadd.s32 $0x5000, v6;
	v63 =	vand.u32 $0x7FF80, v57;
	v19 =	vand.u32 $0x7FF80, v58;
	[tilespmem:v10+s13+$0x0] =	vst.idx.add.f32.msk vm0, v51  }
0x175: {  	v52 =	vand.u32 $0x7FF80, v50;
	v20 =	vand.u32 $0xFFFF0000, v20;
	v60 =	vld.idx.msk [tilespmem:v35+s2+$0x0], vm2;
	v19 =	vor.u32 v61, v19  }
0x176: {  	v15 =	vadd.s32 $0x7800, v15;
	v30 =	vshrl.u32 v23, $0xE;
	[tilespmem:v27+s13+$0x0] =	vst.idx.add.f32.msk vm5, v20;
	v62 =	vshll.u32 v54, $0x10  }
0x177: {  	v34 =	vshll.u32 v48, $0x10;
	v16 =	vor.u32 v14, v46;
	v26 =	vand.u32 $0xFFFF0000, v54;
	[tilespmem:v24+s13+$0x0] =	vst.idx.add.f32.msk vm7, v62  }
0x178: {  	v36 =	vand.u32 $0xFFFF0000, v48;
	v9 =	vor.u32 v14, v44;
	[tilespmem:v22+s13+$0x0] =	vst.idx.add.f32.msk vm7, v26;
	v26 =	vshll.u32 v8, $0x10  }
0x179: {  	v21 =	vor.u32 v53, v63;
	v37 =	vadd.s32 $0x2800, v30;
	v8 =	vand.u32 $0xFFFF0000, v8;
	[tilespmem:v5+s13+$0x0] =	vst.idx.add.f32.msk vm8, v26  }
0x17a: {  	v47 =	vadd.s32 $0x5000, v5;
	v43 =	vand.u32 $0x7F, v30;
	[tilespmem:v19+s13+$0x0] =	vst.idx.add.f32.msk vm8, v8;
	v19 =	vand.u32 $0x7FF80, v37  }
0x17b: {  	v48 =	vadd.s32 $0x2800, v13;
	[tilespmem:v30+s13+$0x0] =	vst.idx.add.f32.msk vm1, v34;
	v55 =	vshll.u32 v28, $0x10;
	v45 =	vor.u32 v43, v19  }
0x17c: {  	v15 =	vand.u32 $0x7FF80, v15;
	v17 =	vand.u32 $0x7FF80, v47;
	v59 =	vand.u32 $0xFFFF0000, v28;
	[tilespmem:v16+s13+$0x0] =	vst.idx.add.f32.msk vm6, v55  }
0x17d: {  	v11 =	vor.u32 v3, v52;
	v54 =	vadd.s32 $0x7800, v6;
	v35 =	vshll.u32 v60, $0x10;
	[tilespmem:v9+s13+$0x0] =	vst.idx.add.f32.msk vm6, v59  }
0x17e: {  	v15 =	vor.u32 v53, v15;
	v17 =	vor.u32 v61, v17;
	v6 =	vand.u32 $0x7FF80, v54;
	[tilespmem:v21+s13+$0x0] =	vst.idx.add.f32.msk vm2, v35  }
0x17f: {  	v31 =	vadd.s32 $0x5000, v30;
	v3 =	vor.u32 v3, v6;
	v5 =	vadd.s32 $0x7800, v5;
	v4 =	vld.idx.msk [tilespmem:v4+s2+$0x0], vm8  }
0x180: {  	v53 =	vadd.s32 $0x7800, v30;
	v39 =	vand.u32 $0x7FF80, v31;
	v5 =	vand.u32 $0x7FF80, v5;
	[tilespmem:v45+s13+$0x0] =	vst.idx.add.f32.msk vm13, v36  }
0x181: {  	v40 =	vand.u32 $0xFFFF0000, v60;
	v60 =	vshll.u32 v7, $0x10;
	v5 =	vor.u32 v61, v5;
	v13 =	vld.idx.msk [tilespmem:v48+s2+$0x0], vm1  }
0x182: {  	v58 =	vand.u32 $0x7FF80, v53;
	v56 =	vor.u32 v43, v39;
	[tilespmem:v11+s13+$0x0] =	vst.idx.add.f32.msk vm14, v60  }
0x183: {  	v62 =	vand.u32 $0xFFFF0000, v7;
	v8 =	vor.u32 v43, v58;
	[tilespmem:v15+s13+$0x0] =	vst.idx.add.f32.msk vm2, v40  }
0x184: {  	[tilespmem:v3+s13+$0x0] =	vst.idx.add.f32.msk vm14, v62;
	v57 =	vshll.u32 v4, $0x10  }
0x185: {  	v4 =	vand.u32 $0xFFFF0000, v4;
	[tilespmem:v17+s13+$0x0] =	vst.idx.add.f32.msk vm8, v57  }
0x186: {  	[tilespmem:v5+s13+$0x0] =	vst.idx.add.f32.msk vm8, v4;
	v61 =	vshll.u32 v13, $0x10  }
0x187: {  	v63 =	vand.u32 $0xFFFF0000, v13;
	[tilespmem:v56+s13+$0x0] =	vst.idx.add.f32.msk vm1, v61  }
0x188: {  	vm15 =	vmmov vm1;
	[tilespmem:v8+s13+$0x0] =	vst.idx.add.f32.msk vm1, v63  }
.LBB2_15:
0x189: {  	p0 =	sge.s32 s18, s17  }
.Ltmp13:
0x18a: {  	_ = 	snop;
	(pc) =	sbr.rel @p0 .LBB2_18-.Ltmp13, $1  }
0x18b: {  	_ =	sdelay $0x3  }
0x18c: {  	s18 =	ssub.s32 s17, s18  }
0x18d: {  	s18 =	ssub.s32 $0x0, s18  }
.LBB2_17:
0x18e: {  	s19 =	sadd.s32 s18, s17  }
0x18f: {  	v3 =	vmov s19  }
0x190: {  	vm0 =	vlt.s32 v3, v1  }
0x191: {  	v3 =	vadd.s32 s19, v2;
	_ =	sdelay $0x4  }
0x192: {  	v3 =	vld.idx.msk [tilespmem:v3+s11+$0x0], vm0;
	_ =	sdelay $0x4  }
0x193: {  	v4 =	vand.u32 $0x3FFF, v3;
	_ =	sdelay $0x3  }
0x194: {  	v3 =	vshrl.u32 v3, $0xE  }
0x195: {  	v6 =	vadd.s32 $0x2800, v3;
	v5 =	vld.idx.msk [tilespmem:v4+s2+$0x0], vm0  }
0x196: {  	v7 =	vand.u32 $0x7F, v3;
	v6 =	vand.u32 $0x7FF80, v6  }
0x197: {  	v6 =	vor.u32 v7, v6  }
0x198: {  	v4 =	vadd.s32 $0x2800, v4;
	_ =	sdelay $0x1  }
0x199: {  	v8 =	vshll.u32 v5, $0x10  }
0x19a: {  	v5 =	vand.u32 $0xFFFF0000, v5;
	[tilespmem:v3+s13+$0x0] =	vst.idx.add.f32.msk vm0, v8  }
0x19b: {  	v62 =	vadd.s32 $0x5000, v3;
	[tilespmem:v6+s13+$0x0] =	vst.idx.add.f32.msk vm0, v5  }
0x19c: {  	v3 =	vadd.s32 $0x7800, v3;
	v5 =	vand.u32 $0x7FF80, v62;
	v4 =	vld.idx.msk [tilespmem:v4+s2+$0x0], vm0  }
0x19d: {  	s18 =	sadd.s32 $0x1, s18;
	v3 =	vand.u32 $0x7FF80, v3;
	v5 =	vor.u32 v7, v5  }
0x19e: {  	p0 =	seq.s32 s18, $0x0;
	v3 =	vor.u32 v7, v3  }
.Ltmp14:
0x19f: {  	_ = 	snop;
	(pc) =	sbr.rel @!p0 .LBB2_17-.Ltmp14, $4  }
0x1a0: {  	_ = 	snop  }
0x1a1: {  	v63 =	vshll.u32 v4, $0x10  }
0x1a2: {  	v4 =	vand.u32 $0xFFFF0000, v4;
	[tilespmem:v5+s13+$0x0] =	vst.idx.add.f32.msk vm0, v63  }
0x1a3: {  	[tilespmem:v3+s13+$0x0] =	vst.idx.add.f32.msk vm0, v4  }
.Ltmp15:
0x1a4: {  	_ = 	snop;
	(pc) =	sbr.rel .LBB2_18-.Ltmp15, $1  }
0x1a5: {  	_ =	sdelay $0x3  }
.LBB2_20:
0x1a6: {  	_ =	sfence.sel $0x180000  }
0x1a7: {  	[bflag:$0x0] =	sbarrier.arrive $0xFFFF  }
0x1a8: {  	p0 =	sne.s32 s0, $0x0;
	_ =	strace $0x9000004D  }
0x1a9: {  	s0 =	sadd.s32 @!p0 $0x100000, s1;
	[bflag:$0x2] =	sbarrier.arrive $0xFFFF  }
0x1aa: {  	[sflag:s0] =	ssyncadd.tile.s32 @!p0 $0x1;
	_ =	shalt  }
.Lfunc_end2:
_tile_overlayer_lowered:
.L_overlay_start_2:
0x1ab: {  	(tag) =	ssettag $0x2  }
0x1ac: {  	s0 =	rddreg [dreg:$0x0];
	s2 =	stileid.u32  }
0x1ad: {  	s1 =	rddreg [dreg:$0x1];
	p0 =	sne.s32 s2, $0x0  }
0x1ae: {  	s3 =	rddreg [dreg:$0x2];
	[bflag:$0x3] =	sbarrier.arrive $0xFFFF;
	s2 =	simm.s32 @!p0 $0x1C03  }
0x1af: {  	[timem:s3], [sflag:s2] =	dma.local @!p0 [hbm:s0], s1  }
0x1b0: {  	s0 =	simm.s32 @!p0 $0x3  }
0x1b1: {  	_ =	swait.ge @!p0 [sflag:s0], s1  }
0x1b2: {  	s1 =	ssub.s32 @!p0 $0x0, s1;
	[sflag:s0] =	ssyncset.done @!p0 $0x0  }
0x1b3: {  	[sflag:s0] =	ssyncadd.s32 @!p0 s1  }
0x1b4: {  	[bflag:$0x3] =	sbarrier.arrive $0xFFFF  }
0x1b5: {  	_ =	shalt  }

// kernel: kernel.19.cloned.1.call-start
scs
__scs_entry_jumppad:
0x0: {  	(pc) =	sbr.rel $0x88, $3  }
0x1: {  	(tag) =	ssettag $0x0;
	lr =	simm.s32 $0x1  }
0x2: {  	[smem:$0x3F99] =	sst lr;
	_ =	strace $0xD0000000  }
0x3: {  	_ = 	snop  }
0x4: {  	_ = 	snop  }
0x5: {  	_ = 	snop  }
0x6: {  	_ = 	snop  }
0x7: {  	_ = 	snop  }
__scs_overlays_trampoline_lowered:
0x8: {  	[smem:$0x3FA8] =	sst s0  }
0x9: {  	[smem:$0x3FA9] =	sst s1  }
0xa: {  	[smem:$0x3FAA] =	sst s2  }
0xb: {  	[smem:$0x3FAB] =	sst s3  }
0xc: {  	[smem:$0x3FAC] =	sst s4  }
0xd: {  	[smem:$0x3FAD] =	sst s5  }
0xe: {  	[smem:$0x3FAE] =	sst s6  }
0xf: {  	[smem:$0x3FAF] =	sst s7  }
0x10: {  	[smem:$0x3FB0] =	sst s8  }
0x11: {  	[smem:$0x3FB1] =	sst s9;
	s0 =	simm.s32 @!p0 $0x0  }
0x12: {  	s1 =	sld [smem:$0x3F97];
	s0 =	simm.s32 @p0 $0x1  }
0x13: {  	[smem:$0x3FB2] =	sst s0;
	s0 =	simm.s32 @!p1 $0x0  }
0x14: {  	s2 =	sld [smem:$0x3F96];
	s0 =	simm.s32 @p1 $0x1  }
0x15: {  	[smem:$0x3FB3] =	sst s0;
	s0 =	simm.s32 @!p2 $0x0  }
0x16: {  	s3 =	sld [smem:$0x3FDB];
	s0 =	simm.s32 @p2 $0x1  }
0x17: {  	s4 =	simm.s32 $0x1BF5;
	[smem:$0x3FB5] =	sst s0  }
0x18: {  	s0 =	sld [smem:$0x3F98];
	_ =	swait.ge [sflag:s4], $0x0  }
0x19: {  	s7 =	sld [smem:$0x3F99]  }
0x1a: {  	s8 =	sadd.s32 $0xFFFFE003, lr  }
0x1b: {  	s9 =	sadd.s32 $0xFFFFFEF7, lr;
	s5 =	simm.s32 $0xFFFFFFFF;
	p2 =	slt.u32 s8, $0xFFFFF086  }
0x1c: {  	p1 =	slt.u32 s9, $0xF7A;
	s5 =	simm.s32 @!p2 $0x0  }
0x1d: {  	s5 =	simm.s32 @p1 $0x1;
	p0 =	seq.s32 s7, s2  }
0x1e: {  	s7 =	smul.u32 @!p0 $0xF7A, s2;
	p2 =	seq.s32 @!p0 s5, $0x0  }
0x1f: {  	s9 =	smul.u32 $0xF7A, s1;
	s8 =	simm.s32 @!p0 $0x1BF5;
	p2 =	por !p2, p0  }
0x20: {  	[sflag:s8] =	ssyncset.s32 @!p0 $0xFFFFF086;
	s6 =	sadd.s32 @!p0 s3, s7;
	s7 =	simm.s32 @!p0 $0x108  }
0x21: {  	s3 =	sadd.s32 s3, s9;
	s6 =	sadd.s32 @!p0 $0x88, s6;
	s7 =	simm.s32 @p2 $0x1082  }
0x22: {  	[simem:s7], [sflag:s8] =	dma.local @!p0 [hbm:s6], $0xF7A  }
0x23: {  	s9 =	sor.u32 $0xD0000000, s2;
	s6 =	simm.s32 $0x108;
	_ =	swait.ge @!p0 [sflag:s8], $0x0  }
0x24: {  	s3 =	sadd.s32 $0x88, s3;
	s6 =	simm.s32 @!p1 $0x1082;
	[sflag:s4] =	ssyncset.s32 $0xFFFFF086  }
0x25: {  	[simem:s6], [sflag:s4] =	dma.local [hbm:s3], $0xF7A  }
0x26: {  	[smem:$0x3F99] =	sst s1;
	(tag) =	ssettag s2;
	_ =	strace s9  }
0x27: {  	s1 =	sld [smem:$0x3FA9]  }
0x28: {  	s2 =	sld [smem:$0x3FAA]  }
0x29: {  	s4 =	sld [smem:$0x3FAC]  }
0x2a: {  	p0 =	seq.s32 s5, $0x0;
	s5 =	sld [smem:$0x3FAD]  }
0x2b: {  	s6 =	sld [smem:$0x3FAE]  }
0x2c: {  	s7 =	sld [smem:$0x3FAF]  }
0x2d: {  	s3 =	simm.s32 $0x108;
	s8 =	sld [smem:$0x3FB0]  }
0x2e: {  	s3 =	simm.s32 @!p0 $0x1082;
	s9 =	sld [smem:$0x3FB1]  }
0x2f: {  	lr =	sadd.s32 s0, s3;
	s0 =	sld [smem:$0x3FA8]  }
0x30: {  	s3 =	sld [smem:$0x3FAB]  }
0x31: {  	[smem:$0x3FB4] =	sst s10  }
0x32: {  	s10 =	sld [smem:$0x3FB2];
	_ =	sdelay $0x3  }
0x33: {  	p0 =	seq.s32 s10, $0x1;
	s10 =	sld [smem:$0x3FB4];
	_ =	sdelay $0x3  }
0x34: {  	[smem:$0x3FB4] =	sst s10  }
0x35: {  	s10 =	sld [smem:$0x3FB3];
	_ =	sdelay $0x3  }
0x36: {  	p1 =	seq.s32 s10, $0x1;
	s10 =	sld [smem:$0x3FB4];
	_ =	sdelay $0x3  }
0x37: {  	[smem:$0x3FB4] =	sst s10  }
0x38: {  	s10 =	sld [smem:$0x3FB5]  }
0x39: {  	_ = 	snop;
	(pc) =	sbr.ind lr, $3  }
0x3a: {  	_ = 	snop  }
0x3b: {  	_ = 	snop  }
0x3c: {  	p2 =	seq.s32 s10, $0x1;
	s10 =	sld [smem:$0x3FB4]  }
0x3d: {  	_ =	shalt  }
0x3e: {  	_ =	shalt  }
0x3f: {  	_ =	shalt  }
0x40: {  	_ =	shalt  }
0x41: {  	_ =	shalt  }
0x42: {  	_ =	shalt  }
0x43: {  	_ =	shalt  }
0x44: {  	_ =	shalt  }
0x45: {  	_ =	shalt  }
0x46: {  	_ =	shalt  }
0x47: {  	_ =	shalt  }
0x48: {  	_ =	shalt  }
0x49: {  	_ =	shalt  }
0x4a: {  	_ =	shalt  }
0x4b: {  	_ =	shalt  }
0x4c: {  	_ =	shalt  }
0x4d: {  	_ =	shalt  }
0x4e: {  	_ =	shalt  }
0x4f: {  	_ =	shalt  }
0x50: {  	_ =	shalt  }
0x51: {  	_ =	shalt  }
0x52: {  	_ =	shalt  }
0x53: {  	_ =	shalt  }
0x54: {  	_ =	shalt  }
0x55: {  	_ =	shalt  }
0x56: {  	_ =	shalt  }
0x57: {  	_ =	shalt  }
0x58: {  	_ =	shalt  }
0x59: {  	_ =	shalt  }
0x5a: {  	_ =	shalt  }
0x5b: {  	_ =	shalt  }
0x5c: {  	_ =	shalt  }
0x5d: {  	_ =	shalt  }
0x5e: {  	_ =	shalt  }
0x5f: {  	_ =	shalt  }
0x60: {  	_ =	shalt  }
0x61: {  	_ =	shalt  }
0x62: {  	_ =	shalt  }
0x63: {  	_ =	shalt  }
0x64: {  	_ =	shalt  }
0x65: {  	_ =	shalt  }
0x66: {  	_ =	shalt  }
0x67: {  	_ =	shalt  }
0x68: {  	_ =	shalt  }
0x69: {  	_ =	shalt  }
0x6a: {  	_ =	shalt  }
0x6b: {  	_ =	shalt  }
0x6c: {  	_ =	shalt  }
0x6d: {  	_ =	shalt  }
0x6e: {  	_ =	shalt  }
0x6f: {  	_ =	shalt  }
0x70: {  	_ =	shalt  }
0x71: {  	_ =	shalt  }
0x72: {  	_ =	shalt  }
0x73: {  	_ =	shalt  }
0x74: {  	_ =	shalt  }
0x75: {  	_ =	shalt  }
0x76: {  	_ =	shalt  }
0x77: {  	_ =	shalt  }
0x78: {  	_ =	shalt  }
0x79: {  	_ =	shalt  }
0x7a: {  	_ =	shalt  }
0x7b: {  	_ =	shalt  }
0x7c: {  	_ =	shalt  }
0x7d: {  	_ =	shalt  }
0x7e: {  	_ =	shalt  }
0x7f: {  	_ =	shalt  }
0x80: {  	_ =	shalt  }
0x81: {  	_ =	shalt  }
0x82: {  	_ =	shalt  }
0x83: {  	_ =	shalt  }
0x84: {  	_ =	shalt  }
0x85: {  	_ =	shalt  }
0x86: {  	_ =	shalt  }
0x87: {  	_ =	shalt  }
.Lfunc_end0:
.L_simem_size_0:
called_computation.3_lowered:
.L_overlay_start_0:
0x88: {  	s2 =	sld [smem:$0x3FD9]  }
0x89: {  	s3 =	sld [smem:$0x3FFE];
	_ =	sdelay $0x1  }
0x8a: {  	s1 =	srdreg.scid  }
0x8b: {  	s0 =	sand.u32 $0x1, s1  }
0x8c: {  	s16 =	sshll.u32 s0, $0xA;
	s2 =	sadd.s32 s3, s2  }
0x8d: {  	s2 =	sadd.s32 s2, s16  }
0x8e: {  	[smem:$0x3FC0] =	sst s2  }
0x8f: {  	_ = 	snop  }
0x90: {  	(tm) =	ssettm $0x1  }
0x91: {  	s17 =	sld [smem:$0x3FFB];
	_ =	sdelay $0x3  }
0x92: {  	_ =	strace s17  }
0x93: {  	s2 =	sld [smem:$0x3FFC];
	_ =	sdelay $0x3  }
0x94: {  	_ =	strace s2  }
0x95: {  	s2 =	sld [smem:$0x3FFD];
	_ =	sdelay $0x3  }
0x96: {  	_ =	strace s2  }
0x97: {  	_ =	strace $0x8FFFFFFF  }
0x98: {  	s18 =	sld [smem:$0x3FDB];
	_ =	sdelay $0x1  }
0x99: {  	s19 =	simm.s32 $_scs_section_size  }
0x9a: {  	s4 =	simm.s32 $_size__tile_overlayer_lowered;
	s5 =	simm.s32 $_tile_overlayer_lowered  }
0x9b: {  	s22 =	simm.s32 $0x1BFF;
	s21 =	sshll.u32 s5, $0x1;
	s2 =	sadd.s32 s19, s18  }
0x9c: {  	s6 =	simm.s32 $0x0;
	s20 =	sshll.u32 s4, $0x1;
	s4 =	sadd.s32 s21, s2  }
0x9d: {  	[timem:s6], [sflag:s22] =	dma.local [hbm:s4], s20  }
0x9e: {  	_ =	swait.ge [sflag:s22], s20  }
0x9f: {  	s3 =	ssub.s32 $0x0, s20;
	[sflag:s22] =	ssyncset.done $0x0  }
0xa0: {  	[sflag:s22] =	ssyncadd.s32 s3;
	_ =	sdelay $0x1  }
0xa1: {  	s23 =	simm.s32 $0x1B8B  }
0xa2: {  	_ =	swait.ge [sflag:s23], $0x1  }
0xa3: {  	[sflag:s23] =	ssyncset.done $0x0  }
0xa4: {  	s25 =	simm.s32 $0x1B8E;
	s24 =	sld [smem:$0x3FFE];
	[sflag:s23] =	ssyncadd.s32 $0xFFFFFFFF  }
0xa5: {  	s26 =	simm.s32 $execute0_lowered;
	[smem:$0x3FD2] =	sst s25  }
0xa6: {  	s4 =	sshll.u32 s26, $0x1;
	_ =	strace $0x8000004F;
	[dreg:$0x1] =	wrdreg $0xFFFFFFFF  }
0xa7: {  	s28 =	simm.s32 $_size_execute0_lowered;
	s2 =	sadd.s32 s2, s4;
	[dreg:$0x0] =	wrdreg $0x0  }
0xa8: {  	s4 =	sshll.u32 s28, $0x1;
	[dreg:$0x2] =	wrdreg s2  }
0xa9: {  	[dreg:$0x3] =	wrdreg s4  }
0xaa: {  	[dreg:$0x4] =	wrdreg $0xC0  }
0xab: {  	_ =	task [dreg:s6], $0x5FFFF  }
0xac: {  	[dreg:$0x1] =	wrdreg $0xFFFFFFFF  }
0xad: {  	[dreg:$0x0] =	wrdreg $0x60  }
0xae: {  	[dreg:$0x2] =	wrdreg s24  }
0xaf: {  	[dreg:$0x3] =	wrdreg $0x9  }
0xb0: {  	_ =	task.clear_ibuf [dreg:s6], $0x4FFFF;
	_ =	strace $0x9000004F  }
0xb1: {  	s29 =	simm.s32 $0x9;
	_ =	strace $0x80000051  }
0xb2: {  	_ =	swait.ge [sflag:s29], $0x1  }
0xb3: {  	[sflag:s29] =	ssyncadd.s32 $0xFFFFFFFF  }
0xb4: {  	_ =	strace $0x90000051  }
0xb5: {  	_ =	sfence  }
0xb6: {  	s30 =	sld [smem:$0x0];
	_ =	sdelay $0x2  }
0xb7: {  	s31 =	sshll.u32 s1, $0xD;
	s1 =	sshrl.u32 s1, $0x2  }
0xb8: {  	s3 =	sand.u32 $0x4000, s31;
	s1 =	sadd.s32 s1, s30  }
0xb9: {  	s0 =	sor.u32 s3, s0;
	s1 =	sshll.u32 s1, $0x11  }
0xba: {  	s0 =	sor.u32 s1, s0  }
0xbb: {  	s0 =	sadd.s32 $0x8F2B, s0  }
0xbc: {  	[sflag:s0] =	ssyncadd.remote.s32 $0x1  }
0xbd: {  	_ =	sfence.sel $0xFFFF  }
0xbe: {  	[dreg:$0x0] =	wrdreg $0xFFFFFFFF;
	(pc) =	sbr.abs _section_cstart, $3  }
0xbf: {  	[dreg:$0x1] =	wrdreg $0xFFFFFFFF  }
0xc0: {  	_ =	task.clear_ibuf [dreg:s6], $0x2FFFF;
	_ =	strace $0x9FFFFFFF  }
0xc1: {  	(tm) =	ssettm $0x7FFFFFFF  }
tec
execute0_lowered:
.L_overlay_start_1:
0x0: {  	(tag) =	ssettag $0x1  }
0x1: {  	s1 =	srdreg.scid  }
0x2: {  	s0 =	stileid.u32;
	s5 =	rddreg [dreg:$0x0];
	s2 =	simm.s32 $0x0  }
0x3: {  	s9 =	simm.s32 $0x3;
	s10 =	simm.s32 $0xF000;
	s11 =	simm.s32 $0x11880  }
0x4: {  	s12 =	simm.s32 $0x1;
	s4 =	sand.u32 $0x1, s1;
	s3 =	sshll.u32 s0, $0x1  }
0x5: {  	s13 =	simm.s32 $0x5000;
	s14 =	simm.s32 $0x2;
	s3 =	sor.u32 s4, s3  }
0x6: {  	s15 =	simm.s32 $0x0;
	[smem:$0x7FF] =	sst s2;
	s6 =	smul.u32 $0xA00, s3  }
.Ltmp0:
0x7: {  	s1 =	rddreg [dreg:$0x1];
	_ =	strace $0x80000050;
	(pc) =	sbr.rel .LBB2_1-.Ltmp0, $4  }
0x8: {  	s8 =	ssub.s32 $0x2, s4;
	s4 =	sadd.s32 $0x34200, s5;
	s7 =	smul.u32 $0x1400, s3  }
0x9: {  	s3 =	sadd.s32 $0x2A000, s5;
	s31 =	sshrl.u32 s8, $0x1;
	s6 =	sadd.s32 s6, s5  }
0xa: {  	s8 =	ssub.s32 s8, s31;
	s7 =	sadd.s32 s7, s5;
	s5 =	sadd.s32 $0x2400, s6  }
0xb: {  	v0 =	vimm.f32 $0.0e+00;
	s6 =	sadd.s32 $0x34400, s7;
	s7 =	smax.u32 s8, $0x1;
	s8 =	simm.s32 $0x14100  }
.LBB2_19:
0xc: {  	s15 =	sadd.s32 $0x1, s15  }
0xd: {  	p0 =	sne.s32 s15, s7  }
.Ltmp1:
0xe: {  	_ = 	snop;
	(pc) =	sbr.rel @!p0 .LBB2_20-.Ltmp1, $4  }
0xf: {  	[hbm4b:s6+s2] =	stream.linear.scatter [tilespmem:s13], [sflag:$0x3], $0xA000, $0x38;
	[tilespmem:$0x14500] =	vst v63  }
0x10: {  	_ =	swait.ge [sflag:s9], $0xA000  }
0x11: {  	[sflag:s9] =	ssyncset.done $0x0  }
0x12: {  	[sflag:s9] =	ssyncadd.s32 $0xFFFF6000  }
.LBB2_1:
0x13: {  	[tilespmem:s8], [sflag:$0x3] =	stream.linear.gather [hbm4b:s4+s2], $0x400, $0x38;
	[tilespmem:$0x14500] =	vst v63  }
0x14: {  	_ =	swait.ge [sflag:s9], $0x400  }
0x15: {  	[sflag:s9] =	ssyncset.done $0x0  }
0x16: {  	[sflag:s9] =	ssyncadd.s32 $0xFFFFFC00  }
0x17: {  	[tilespmem:s2], [sflag:$0x3] =	stream.linear.gather [hbm4b:s5+s2], $0x5000, $0x38;
	[tilespmem:$0x14500] =	vst v63  }
0x18: {  	_ =	swait.ge [sflag:s9], $0x5000  }
0x19: {  	[sflag:s9] =	ssyncset.done $0x0  }
0x1a: {  	s16 =	simm.s32 $0x5040;
	[sflag:s9] =	ssyncadd.s32 $0xFFFFB000  }
0x1b: {  	[tilespmem:s16+$0xFFFFFFC0] =	vst v0  }
0x1c: {  	[tilespmem:s16+$0x30] =	vst v0  }
0x1d: {  	[tilespmem:s16+$0x20] =	vst v0  }
0x1e: {  	[tilespmem:s16+$0x10] =	vst v0  }
0x1f: {  	[tilespmem:s16+$0x0] =	vst v0  }
0x20: {  	[tilespmem:s16+$0xFFFFFFF0] =	vst v0  }
0x21: {  	s17 =	simm.s32 $0x0;
	[tilespmem:s16+$0xFFFFFFE0] =	vst v0  }
.LBB2_2:
0x22: {  	s17 =	sadd.s32 $0x8, s17;
	[tilespmem:s16+$0xFFFFFFD0] =	vst v0;
	s16 =	sadd.s32 $0x80, s16  }
0x23: {  	[tilespmem:s16+$0xFFFFFFC0] =	vst v0;
	p0 =	slt.u32 s17, $0x9F8  }
0x24: {  	[tilespmem:s16+$0x30] =	vst v0  }
.Ltmp2:
0x25: {  	[tilespmem:s16+$0x20] =	vst v0;
	(pc) =	sbr.rel @p0 .LBB2_2-.Ltmp2, $4  }
0x26: {  	[tilespmem:s16+$0x10] =	vst v0  }
0x27: {  	[tilespmem:s16+$0x0] =	vst v0  }
0x28: {  	[tilespmem:s16+$0xFFFFFFF0] =	vst v0  }
0x29: {  	[tilespmem:s16+$0xFFFFFFE0] =	vst v0  }
.Ltmp3:
0x2a: {  	(pc) =	sbr.rel .LBB2_4-.Ltmp3, $3  }
0x2b: {  	_ =	sdelay $0x1  }
0x2c: {  	[tilespmem:s16+$0xFFFFFFD0] =	vst v0;
	s16 =	simm.s32 $0x0  }
0x2d: {  	[tilespmem:s10], [sflag:$0x1] =	stream.linear.gather [hbm4b:s3+s16], $0x2820, $0x38;
	[tilespmem:$0x14500] =	vst v63  }
.LBB2_18:
0x2e: {  	s16 =	sadd.s32 $0x1, s16  }
0x2f: {  	p0 =	sne.s32 s16, $0x10  }
.Ltmp4:
0x30: {  	_ = 	snop;
	(pc) =	sbr.rel @!p0 .LBB2_19-.Ltmp4, $1  }
0x31: {  	_ =	sdelay $0x3  }
.LBB2_4:
0x32: {  	s17 =	sshllo.u32 s16, $0x1  }
0x33: {  	s18 =	smul.u32 $0x504, s17;
	_ =	sdelay $0x1  }
0x34: {  	s18 =	sadd.s32 s3, s18  }
0x35: {  	[tilespmem:s11], [sflag:$0x2] =	stream.linear.gather [hbm4b:s18+s2], $0x2820, $0x38;
	[tilespmem:$0x14500] =	vst v63  }
0x36: {  	_ =	swait.ge [sflag:s12], $0x2820  }
0x37: {  	s30 =	sshll.u32 s16, $0x6;
	[sflag:s12] =	ssyncset.done $0x0  }
0x38: {  	s20 =	sand.u32 $0x3FFFFFC0, s30;
	[sflag:s12] =	ssyncadd.s32 $0xFFFFD7E0  }
0x39: {  	v1 =	vld [tilespmem:s20+$0x14110];
	_ =	sdelay $0x4  }
0x3a: {  	v2 =	vxor.u32 $0x80000000, v1  }
0x3b: {  	(xrf0) =	vmax.scan.msk.u32 $0xffff, v2;
	_ =	sdelay $0x5  }
0x3c: {  	v2, _, _ =	vpop (xrf0)  }
0x3d: {  	(v2sf) =	vpush v2, $0xF;
	_ =	sdelay $0xe  }
0x3e: {  	s31 =	spop (v2sf)  }
0x3f: {  	s18 =	sxor.u32 $0x80000000, s31  }
0x40: {  	s19 =	sshra.s32 s18, $0x1F  }
0x41: {  	s19 =	sshrl.u32 s19, $0x1D  }
0x42: {  	s19 =	sadd.s32 s19, s18  }
0x43: {  	s19 =	sand.u32 $0xFFFFFFF8, s19  }
0x44: {  	p0 =	slt.s32 s19, $0x1  }
.Ltmp5:
0x45: {  	_ = 	snop;
	(pc) =	sbr.rel @p0 .LBB2_8-.Ltmp5, $2  }
0x46: {  	_ =	sdelay $0x1  }
0x47: {  	v2 =	vld [tilespmem:s20+$0x14100];
	_ =	sdelay $0x1  }
0x48: {  	s21 =	simm.s32 $0x4  }
0x49: {  	s22 =	simm.s32 $0x1;
	v3 =	vmov s21  }
0x4a: {  	s23 =	simm.s32 $0x2;
	vm6 =	vlt.s32 v3, v1;
	v3 =	vmov s22  }
0x4b: {  	s29 =	simm.s32 $0x3;
	v5 =	vmov s23;
	v4 =	vadd.s32 s21, v2;
	vm0 =	vlt.s32 v3, v1  }
0x4c: {  	s24 =	simm.s32 $0x5;
	vm8 =	vlt.s32 v5, v1;
	v3 =	vmov s29;
	v6 =	vadd.s32 s22, v2  }
0x4d: {  	v5 =	vmov s24;
	vm3 =	vlt.s32 v3, v1;
	v3 =	vadd.s32 s23, v2  }
0x4e: {  	s30 =	simm.s32 $0x6;
	vm1 =	vlt.s32 v5, v1;
	v7 =	vadd.s32 s29, v2  }
0x4f: {  	v5 =	vmov s30;
	v8 =	vadd.s32 s24, v2  }
0x50: {  	vm4 =	vlt.s32 v5, v1;
	v13 =	vld.idx.msk [tilespmem:v4+s10+$0x0], vm6  }
0x51: {  	v4 =	vadd.s32 s30, v2;
	v6 =	vld.idx.msk [tilespmem:v6+s10+$0x0], vm0  }
0x52: {  	s31 =	simm.s32 $0x7;
	v5 =	vld.idx.msk [tilespmem:v3+s10+$0x0], vm8  }
0x53: {  	v3 =	vmov s31;
	v9 =	vld.idx.msk [tilespmem:v7+s10+$0x0], vm3  }
0x54: {  	s20 =	simm.s32 $0x0;
	vm2 =	vlt.s32 v3, v1;
	v3 =	vld.idx.msk [tilespmem:v8+s10+$0x0], vm1  }
0x55: {  	v12 =	vadd.s32 s20, v2;
	vm5 =	vmmov vm0;
	vm7 =	vmmov vm1  }
0x56: {  	v7 =	vadd.s32 s31, v2;
	v14 =	vand.u32 $0x3FFF, v13;
	v10 =	vld.idx.msk [tilespmem:v4+s10+$0x0], vm4;
	v4 =	vmov s20  }
0x57: {  	v11 =	vand.u32 $0x3FFF, v6;
	vm0 =	vlt.s32 v4, v1;
	v8 =	vand.u32 $0x3FFF, v5  }
0x58: {  	v28 =	vshrl.u32 v6, $0xE;
	v30 =	vadd.s32 $0x2800, v14;
	v16 =	vand.u32 $0x3FFF, v9  }
0x59: {  	v22 =	vand.u32 $0x3FFF, v3;
	v19 =	vshrl.u32 v3, $0xE;
	vm1 =	vmmov vm0  }
0x5a: {  	v24 =	vadd.s32 $0x2800, v28;
	v20 =	vadd.s32 $0x2800, v11;
	vm0 =	vmmov vm4  }
0x5b: {  	v21 =	vadd.s32 $0x5000, v28;
	v4 =	vadd.s32 $0x2800, v8;
	v6 =	vshrl.u32 v9, $0xE  }
0x5c: {  	v27 =	vadd.s32 $0x7800, v28;
	v15 =	vld.idx.msk [tilespmem:v7+s10+$0x0], vm2;
	vm2 =	vmmov vm2;
	v3 =	vadd.s32 $0x7800, v19  }
0x5d: {  	v7 =	vadd.s32 $0x2800, v16;
	v9 =	vadd.s32 $0x2800, v6;
	v17 =	vld.idx.msk [tilespmem:v14+s2+$0x0], vm6;
	v18 =	vand.u32 $0x3FFF, v10  }
0x5e: {  	v31 =	vadd.s32 $0x2800, v22;
	v38 =	vand.u32 $0x7F, v19;
	v24 =	vand.u32 $0x7FF80, v24;
	v23 =	vld.idx.msk [tilespmem:v11+s2+$0x0], vm5  }
0x5f: {  	v34 =	vand.u32 $0x7FF80, v3;
	v3 =	vand.u32 $0x7F, v6;
	v9 =	vand.u32 $0x7FF80, v9  }
0x60: {  	vm13 =	vmmov vm1;
	v37 =	vshrl.u32 v10, $0xE;
	v9 =	vor.u32 v3, v9  }
0x61: {  	v10 =	vadd.s32 $0x7800, v37;
	v29 =	vadd.s32 $0x2800, v18;
	v11 =	vadd.s32 $0x5000, v37  }
0x62: {  	v41 =	vand.u32 $0x3FFF, v15;
	v35 =	vshll.u32 v17, $0x10;
	v26 =	vand.u32 $0xFFFF0000, v17;
	v33 =	vld.idx.msk [tilespmem:v18+s2+$0x0], vm4  }
0x63: {  	v17 =	vadd.s32 $0x2800, v37;
	v18 =	vshrl.u32 v13, $0xE;
	v36 =	vshll.u32 v23, $0x10  }
0x64: {  	v32 =	vand.u32 $0xFFFF0000, v23;
	v23 =	vld.idx.msk [tilespmem:v12+s10+$0x0], vm1;
	v12 =	vand.u32 $0x7F, v37;
	v17 =	vand.u32 $0x7FF80, v17  }
0x65: {  	p0 =	sgt.s32 s19, $0x8;
	v11 =	vand.u32 $0x7FF80, v11;
	v25 =	vld.idx.msk [tilespmem:v22+s2+$0x0], vm7;
	v22 =	vadd.s32 $0x2800, v19;
	v42 =	vor.u32 v12, v17  }
.Ltmp6:
0x66: {  	v39 =	vand.u32 $0x7FF80, v22;
	v22 =	vor.u32 v38, v34;
	v34 =	vand.u32 $0x7F, v28;
	(pc) =	sbr.rel @!p0 .LBB2_7-.Ltmp6, $4  }
0x67: {  	v13 =	vadd.s32 $0x5000, v19;
	v40 =	vshll.u32 v33, $0x10;
	v44 =	vand.u32 $0xFFFF0000, v33;
	v33 =	vld.idx.msk [tilespmem:v41+s2+$0x0], vm2  }
0x68: {  	v14 =	vand.u32 $0x7F, v18;
	v43 =	vand.u32 $0x7FF80, v13;
	v45 =	vadd.s32 $0x2800, v18;
	[tilespmem:v18+s13+$0x0] =	vst.idx.add.f32.msk vm6, v35  }
0x69: {  	v17 =	vadd.s32 $0x5000, v18;
	v35 =	vadd.s32 $0x2800, v41;
	v13 =	vand.u32 $0x3FFF, v23;
	[tilespmem:v37+s13+$0x0] =	vst.idx.add.f32.msk vm4, v40  }
0x6a: {  	s20 =	simm.s32 $0x8;
	v40 =	vand.u32 $0x7FF80, v45;
	v37 =	vor.u32 v34, v24;
	v24 =	vor.u32 v38, v43;
	[tilespmem:v42+s13+$0x0] =	vst.idx.add.f32.msk vm0, v44  }
.LBB2_6:
0x6b: {  	_ =	sdelay $0x2  }
0x6c: {  	v41 =	vimm.s32 $0x0;
	[tilespmem:v28+s13+$0x0] =	vst.idx.add.f32.msk vm5, v36;
	v54 =	vor.u32 v14, v40  }
0x6d: {  	v38 =	vor.u32 v38, v39;
	v15 =	vshrl.u32 v15, $0xE;
	vm9 =	vmmov vm3;
	v56 =	vld.idx.msk [tilespmem:v13+s2+$0x0], vm1  }
0x6e: {  	s22 =	sadd.s32 $0x1, s20;
	vm11 =	vmmov vm6;
	vm10 =	vmmov vm8;
	s21 =	smov.u32 s20;
	v29 =	vld.idx.msk [tilespmem:v29+s2+$0x0], vm0;
	v23 =	vshrl.u32 v23, $0xE  }
0x6f: {  	v21 =	vand.u32 $0x7FF80, v21;
	v27 =	vand.u32 $0x7FF80, v27;
	v28 =	vmov s22;
	s29 =	sadd.s32 $0x7, s21;
	[tilespmem:v37+s13+$0x0] =	vst.idx.add.f32.msk vm5, v32  }
0x70: {  	v53 =	vshrl.u32 v5, $0xE;
	vm12 =	vlt.s32 v28, v1;
	v28 =	vmov s29;
	v20 =	vld.idx.msk [tilespmem:v20+s2+$0x0], vm5  }
0x71: {  	s23 =	sadd.s32 $0x2, s20;
	s25 =	sadd.s32 $0x4, s20;
	v57 =	vand.u32 $0xFFFF0000, v25;
	v25 =	vshll.u32 v25, $0x10;
	vm14 =	vlt.s32 v28, v1;
	v28 =	vld.idx.msk [tilespmem:v16+s2+$0x0], vm3  }
0x72: {  	s24 =	sadd.s32 $0x3, s20;
	s26 =	sadd.s32 $0x5, s20;
	v41 =	vsel vm13, $0xFFFFFFFF, v41;
	v55 =	vmov s23;
	v42 =	vmov s25;
	[tilespmem:v19+s13+$0x0] =	vst.idx.add.f32.msk vm7, v25  }
0x73: {  	v43 =	vmov s26;
	v44 =	vmov s24;
	vm8 =	vlt.s32 v55, v1;
	[tilespmem:v38+s13+$0x0] =	vst.idx.add.f32.msk vm7, v57  }
0x74: {  	v58 =	vadd.s32 s25, v2;
	v49 =	vadd.s32 s23, v2;
	vm13 =	vlt.s32 v43, v1;
	[tilespmem:v54+s13+$0x0] =	vst.idx.add.f32.msk vm11, v26  }
0x75: {  	v61 =	vadd.s32 s26, v2;
	vm3 =	vlt.s32 v44, v1;
	v44 =	vshll.u32 v56, $0x10;
	v48 =	vld.idx.msk [tilespmem:v31+s2+$0x0], vm7  }
0x76: {  	vm6 =	vlt.s32 v42, v1;
	v25 =	vadd.s32 s22, v2;
	v26 =	vadd.s32 $0x2800, v15;
	[tilespmem:v23+s13+$0x0] =	vst.idx.add.f32.msk vm1, v44  }
0x77: {  	s28 =	sadd.s32 $0x6, s20;
	v62 =	vand.u32 $0x7F, v15;
	v19 =	vadd.s32 $0x5000, v23;
	v31 =	vand.u32 $0x7FF80, v26;
	v26 =	vld.idx.msk [tilespmem:v30+s2+$0x0], vm11  }
0x78: {  	v16 =	vmov s28;
	v45 =	vor.u32 v62, v31;
	v31 =	vand.u32 $0x7FF80, v19;
	v19 =	vld.idx.msk [tilespmem:v8+s2+$0x0], vm10  }
0x79: {  	v18 =	vadd.s32 $0x7800, v18;
	vm15 =	vlt.s32 v16, v1;
	v16 =	vor.u32 v34, v21;
	v5 =	vld.idx.msk [tilespmem:v49+s10+$0x0], vm8  }
0x7a: {  	v17 =	vand.u32 $0x7FF80, v17;
	v11 =	vor.u32 v12, v11;
	v59 =	vadd.s32 s24, v2;
	v37 =	vld.idx.msk [tilespmem:v61+s10+$0x0], vm13  }
0x7b: {  	v10 =	vand.u32 $0x7FF80, v10;
	v13 =	vadd.s32 $0x2800, v13;
	v27 =	vor.u32 v34, v27;
	v46 =	vld.idx.msk [tilespmem:v25+s10+$0x0], vm12  }
0x7c: {  	v60 =	vadd.s32 $0x5000, v15;
	v63 =	vadd.s32 s28, v2;
	v8 =	vshll.u32 v33, $0x10;
	v25 =	vld.idx.msk [tilespmem:v58+s10+$0x0], vm6  }
0x7d: {  	v50 =	vadd.s32 $0x7800, v23;
	v52 =	vadd.s32 $0x2800, v23;
	v47 =	vshll.u32 v20, $0x10;
	[tilespmem:v15+s13+$0x0] =	vst.idx.add.f32.msk vm2, v8  }
0x7e: {  	v18 =	vand.u32 $0x7FF80, v18;
	v10 =	vor.u32 v12, v10;
	v40 =	vand.u32 $0x7FF80, v52;
	[tilespmem:v16+s13+$0x0] =	vst.idx.add.f32.msk vm5, v47  }
0x7f: {  	v55 =	vand.u32 $0x7F, v53;
	v36 =	vand.u32 $0x7FF80, v60;
	v20 =	vand.u32 $0xFFFF0000, v20;
	v32 =	vld.idx.msk [tilespmem:v59+s10+$0x0], vm3  }
0x80: {  	v18 =	vor.u32 v14, v18;
	v16 =	vadd.s32 $0x2800, v53;
	[tilespmem:v27+s13+$0x0] =	vst.idx.add.f32.msk vm5, v20;
	v8 =	vshll.u32 v48, $0x10  }
0x81: {  	v14 =	vor.u32 v14, v17;
	v51 =	vand.u32 $0xFFFF0000, v33;
	v16 =	vand.u32 $0x7FF80, v16;
	[tilespmem:v24+s13+$0x0] =	vst.idx.add.f32.msk vm7, v8  }
0x82: {  	v21 =	vadd.s32 s29, v2;
	v54 =	vand.u32 $0xFFFF0000, v48;
	v59 =	vor.u32 v55, v16;
	[tilespmem:v45+s13+$0x0] =	vst.idx.add.f32.msk vm2, v51  }
0x83: {  	v57 =	vadd.s32 s21, v2;
	v30 =	vand.u32 $0xFFFF0000, v56;
	v15 =	vadd.s32 $0x7800, v15;
	[tilespmem:v22+s13+$0x0] =	vst.idx.add.f32.msk vm7, v54  }
0x84: {  	v58 =	vmov s21;
	v15 =	vand.u32 $0x7FF80, v15;
	v16 =	vadd.s32 $0x5000, v53;
	v22 =	vld.idx.msk [tilespmem:v63+s10+$0x0], vm15  }
0x85: {  	v60 =	vshll.u32 v19, $0x10;
	v12 =	vand.u32 $0xFFFF0000, v19;
	v19 =	vand.u32 $0x7FF80, v16;
	v35 =	vld.idx.msk [tilespmem:v35+s2+$0x0], vm2  }
0x86: {  	vm4 =	vlt.s32 v58, v1;
	[tilespmem:v53+s13+$0x0] =	vst.idx.add.f32.msk vm10, v60;
	v27 =	vor.u32 v55, v19;
	v19 =	vadd.s32 $0x7800, v53  }
0x87: {  	v20 =	vadd.s32 $0x5000, v6;
	[tilespmem:v59+s13+$0x0] =	vst.idx.add.f32.msk vm10, v12;
	v12 =	vand.u32 $0x7FF80, v19;
	v19 =	vshll.u32 v28, $0x10  }
0x88: {  	vm5 =	vmmov vm12;
	v56 =	vor.u32 v62, v15;
	[tilespmem:v6+s13+$0x0] =	vst.idx.add.f32.msk vm9, v19;
	v6 =	vadd.s32 $0x7800, v6  }
0x89: {  	v20 =	vand.u32 $0x7FF80, v20;
	v15 =	vld.idx.msk [tilespmem:v21+s10+$0x0], vm14;
	v21 =	vor.u32 v62, v36;
	v6 =	vand.u32 $0x7FF80, v6  }
0x8a: {  	[tilespmem:$0x1FFF0] =	vst v41;
	v48 =	vor.u32 v3, v20;
	v41 =	vld.idx.msk [tilespmem:v4+s2+$0x0], vm10;
	v51 =	vor.u32 v3, v6;
	v3 =	vshll.u32 v29, $0x10  }
0x8b: {  	vm12 =	vmmov vm1;
	vm1 =	vmmov vm4;
	v4 =	vand.u32 $0xFFFF0000, v29;
	[tilespmem:v11+s13+$0x0] =	vst.idx.add.f32.msk vm0, v3  }
0x8c: {  	v8 =	vand.u32 $0x3FFF, v5;
	v63 =	vand.u32 $0x3FFF, v37;
	vm7 =	vmmov vm13;
	[tilespmem:v10+s13+$0x0] =	vst.idx.add.f32.msk vm0, v4  }
0x8d: {  	v61 =	vand.u32 $0x3FFF, v25;
	v16 =	vand.u32 $0x3FFF, v32;
	v17 =	vshll.u32 v35, $0x10;
	v4 =	vld [tilespmem:$0x1FFF0]  }
0x8e: {  	v62 =	vand.u32 $0x3FFF, v46;
	[tilespmem:v21+s13+$0x0] =	vst.idx.add.f32.msk vm2, v17;
	v17 =	vand.u32 $0x7F, v23;
	v21 =	vand.u32 $0x7FF80, v50  }
0x8f: {  	v19 =	vshrl.u32 v37, $0xE;
	v38 =	vor.u32 v17, v21;
	v21 =	vand.u32 $0xFFFF0000, v28  }
0x90: {  	v20 =	vadd.s32 $0x2800, v62;
	v12 =	vor.u32 v55, v12;
	v60 =	vadd.s32 $0x2800, v19;
	[tilespmem:v9+s13+$0x0] =	vst.idx.add.f32.msk vm9, v21  }
0x91: {  	v24 =	vand.u32 $0xFFFF0000, v35;
	v6 =	vshrl.u32 v32, $0xE;
	v39 =	vand.u32 $0x7FF80, v60;
	v49 =	vld.idx.msk [tilespmem:v7+s2+$0x0], vm9  }
0x92: {  	v50 =	vand.u32 $0x3FFF, v22;
	v3 =	vshll.u32 v26, $0x10;
	[tilespmem:v56+s13+$0x0] =	vst.idx.add.f32.msk vm2, v24;
	vm13 =	vnez.u8 v4  }
0x93: {  	v47 =	vor.u32 v17, v40;
	v24 =	vld.idx.msk [tilespmem:v61+s2+$0x0], vm6;
	vm2 =	vmmov vm14;
	v28 =	vshrl.u32 v46, $0xE  }
0x94: {  	vm0 =	vmmov vm15;
	v17 =	vor.u32 v17, v31;
	[tilespmem:v14+s13+$0x0] =	vst.idx.add.f32.msk vm11, v3;
	v10 =	vshll.u32 v41, $0x10  }
0x95: {  	v56 =	vand.u32 $0x3FFF, v15;
	v3 =	vand.u32 $0x7F, v6;
	v14 =	vand.u32 $0xFFFF0000, v41;
	[tilespmem:v27+s13+$0x0] =	vst.idx.add.f32.msk vm10, v10  }
0x96: {  	v29 =	vadd.s32 $0x2800, v50;
	v9 =	vadd.s32 $0x7800, v19;
	[tilespmem:v12+s13+$0x0] =	vst.idx.add.f32.msk vm10, v14;
	v31 =	vshll.u32 v49, $0x10  }
0x97: {  	v52 =	vadd.s32 $0x2800, v28;
	v21 =	vadd.s32 $0x5000, v28;
	v34 =	vand.u32 $0x7F, v28;
	[tilespmem:v48+s13+$0x0] =	vst.idx.add.f32.msk vm9, v31  }
0x98: {  	v35 =	vadd.s32 $0x2800, v56;
	v7 =	vadd.s32 $0x2800, v16;
	v53 =	vand.u32 $0x7FF80, v9;
	[tilespmem:v47+s13+$0x0] =	vst.idx.add.f32.msk vm13, v30  }
0x99: {  	v9 =	vand.u32 $0xFFFF0000, v26;
	v27 =	vadd.s32 $0x7800, v28;
	v4 =	vadd.s32 $0x2800, v8;
	v30 =	vld.idx.msk [tilespmem:v62+s2+$0x0], vm5  }
0x9a: {  	v55 =	vshll.u32 v24, $0x10;
	v26 =	vand.u32 $0xFFFF0000, v24;
	v24 =	vadd.s32 $0x2800, v6;
	v13 =	vld.idx.msk [tilespmem:v13+s2+$0x0], vm12  }
0x9b: {  	v14 =	vand.u32 $0x7FF80, v24;
	v54 =	vand.u32 $0xFFFF0000, v49;
	v23 =	vld.idx.msk [tilespmem:v57+s10+$0x0], vm4;
	v57 =	vshrl.u32 v22, $0xE  }
0x9c: {  	v31 =	vadd.s32 $0x2800, v63;
	vm13 =	vmmov vm4;
	v22 =	vld.idx.msk [tilespmem:v50+s2+$0x0], vm15;
	v10 =	vadd.s32 $0x7800, v57  }
0x9d: {  	[tilespmem:v18+s13+$0x0] =	vst.idx.add.f32.msk vm11, v9;
	v11 =	vadd.s32 $0x5000, v57;
	v18 =	vadd.s32 $0x2800, v57;
	v12 =	vand.u32 $0x7F, v57  }
0x9e: {  	v33 =	vld.idx.msk [tilespmem:v56+s2+$0x0], vm2;
	v11 =	vand.u32 $0x7FF80, v11;
	v24 =	vand.u32 $0x7FF80, v18;
	v18 =	vshrl.u32 v25, $0xE  }
0x9f: {  	s20 =	sadd.s32 $0x8, s20;
	v25 =	vld.idx.msk [tilespmem:v63+s2+$0x0], vm7;
	v63 =	vand.u32 $0x7FF80, v52;
	v58 =	vor.u32 v12, v24;
	v62 =	vadd.s32 $0x2800, v18  }
0xa0: {  	p0 =	slt.s32 s20, s19;
	[tilespmem:v51+s13+$0x0] =	vst.idx.add.f32.msk vm9, v54;
	v37 =	vor.u32 v34, v63;
	v36 =	vshll.u32 v30, $0x10;
	v9 =	vshll.u32 v13, $0x10  }
.Ltmp7:
0xa1: {  	v32 =	vand.u32 $0xFFFF0000, v30;
	v30 =	vadd.s32 $0x2800, v61;
	v59 =	vshll.u32 v22, $0x10;
	[tilespmem:v17+s13+$0x0] =	vst.idx.add.f32.msk vm12, v9;
	(pc) =	sbr.rel @p0 .LBB2_6-.Ltmp7, $4  }
0xa2: {  	v40 =	vand.u32 $0x7FF80, v62;
	v13 =	vand.u32 $0xFFFF0000, v13;
	v61 =	vand.u32 $0xFFFF0000, v22;
	[tilespmem:v57+s13+$0x0] =	vst.idx.add.f32.msk vm0, v59  }
0xa3: {  	v9 =	vor.u32 v3, v14;
	v14 =	vand.u32 $0x7F, v18;
	[tilespmem:v38+s13+$0x0] =	vst.idx.add.f32.msk vm12, v13;
	v13 =	vadd.s32 $0x5000, v19  }
0xa4: {  	v17 =	vadd.s32 $0x5000, v18;
	v38 =	vand.u32 $0x7F, v19;
	[tilespmem:v18+s13+$0x0] =	vst.idx.add.f32.msk vm6, v55;
	v24 =	vand.u32 $0x7FF80, v13  }
0xa5: {  	v13 =	vand.u32 $0x3FFF, v23;
	v22 =	vor.u32 v38, v53;
	[tilespmem:v58+s13+$0x0] =	vst.idx.add.f32.msk vm0, v61;
	v24 =	vor.u32 v38, v24  }
.LBB2_7:
0xa6: {  	_ =	sdelay $0x4  }
0xa7: {  	[tilespmem:v28+s13+$0x0] =	vst.idx.add.f32.msk vm5, v36  }
0xa8: {  	v48 =	vld.idx.msk [tilespmem:v13+s2+$0x0], vm1  }
0xa9: {  	v47 =	vor.u32 v38, v39;
	v29 =	vld.idx.msk [tilespmem:v29+s2+$0x0], vm0  }
0xaa: {  	vm6 =	vmmov vm6;
	v50 =	vshll.u32 v25, $0x10;
	v16 =	vld.idx.msk [tilespmem:v16+s2+$0x0], vm3;
	v15 =	vshrl.u32 v15, $0xE  }
0xab: {  	v49 =	vor.u32 v14, v40;
	[tilespmem:v19+s13+$0x0] =	vst.idx.add.f32.msk vm7, v50  }
0xac: {  	vm8 =	vmmov vm8;
	[tilespmem:v37+s13+$0x0] =	vst.idx.add.f32.msk vm5, v32  }
0xad: {  	v51 =	vand.u32 $0xFFFF0000, v25;
	vm14 =	vmmov vm3;
	v20 =	vld.idx.msk [tilespmem:v20+s2+$0x0], vm5  }
0xae: {  	v55 =	vshll.u32 v33, $0x10;
	[tilespmem:v47+s13+$0x0] =	vst.idx.add.f32.msk vm7, v51  }
0xaf: {  	[tilespmem:v15+s13+$0x0] =	vst.idx.add.f32.msk vm2, v55  }
0xb0: {  	v52 =	vadd.s32 $0x2800, v15;
	[tilespmem:v49+s13+$0x0] =	vst.idx.add.f32.msk vm6, v26  }
0xb1: {  	v11 =	vor.u32 v12, v11;
	v53 =	vand.u32 $0x7F, v15;
	v19 =	vand.u32 $0x7FF80, v52;
	v54 =	vld.idx.msk [tilespmem:v31+s2+$0x0], vm7  }
0xb2: {  	v21 =	vand.u32 $0x7FF80, v21;
	v19 =	vor.u32 v53, v19;
	v38 =	vshll.u32 v16, $0x10;
	v8 =	vld.idx.msk [tilespmem:v8+s2+$0x0], vm8  }
0xb3: {  	v21 =	vor.u32 v34, v21;
	[tilespmem:v6+s13+$0x0] =	vst.idx.add.f32.msk vm14, v38  }
0xb4: {  	v10 =	vand.u32 $0x7FF80, v10;
	v41 =	vand.u32 $0xFFFF0000, v16;
	v28 =	vld.idx.msk [tilespmem:v30+s2+$0x0], vm6  }
0xb5: {  	v10 =	vor.u32 v12, v10;
	v49 =	vshll.u32 v29, $0x10;
	[tilespmem:v9+s13+$0x0] =	vst.idx.add.f32.msk vm14, v41  }
0xb6: {  	v27 =	vand.u32 $0x7FF80, v27;
	v5 =	vshrl.u32 v5, $0xE;
	v56 =	vand.u32 $0xFFFF0000, v33;
	[tilespmem:v11+s13+$0x0] =	vst.idx.add.f32.msk vm0, v49  }
0xb7: {  	v42 =	vadd.s32 $0x7800, v18;
	v27 =	vor.u32 v34, v27;
	v59 =	vshll.u32 v20, $0x10;
	[tilespmem:v19+s13+$0x0] =	vst.idx.add.f32.msk vm2, v56  }
0xb8: {  	v46 =	vand.u32 $0x7FF80, v17;
	v57 =	vadd.s32 $0x5000, v15;
	v58 =	vadd.s32 $0x2800, v5;
	[tilespmem:v21+s13+$0x0] =	vst.idx.add.f32.msk vm5, v59  }
0xb9: {  	v61 =	vand.u32 $0x7F, v5;
	v44 =	vand.u32 $0x7FF80, v42;
	v51 =	vand.u32 $0xFFFF0000, v29;
	v7 =	vld.idx.msk [tilespmem:v7+s2+$0x0], vm14  }
0xba: {  	v50 =	vadd.s32 $0x5000, v6;
	v63 =	vand.u32 $0x7FF80, v57;
	v19 =	vand.u32 $0x7FF80, v58;
	[tilespmem:v10+s13+$0x0] =	vst.idx.add.f32.msk vm0, v51  }
0xbb: {  	v52 =	vand.u32 $0x7FF80, v50;
	v20 =	vand.u32 $0xFFFF0000, v20;
	v60 =	vld.idx.msk [tilespmem:v35+s2+$0x0], vm2;
	v19 =	vor.u32 v61, v19  }
0xbc: {  	v15 =	vadd.s32 $0x7800, v15;
	v30 =	vshrl.u32 v23, $0xE;
	[tilespmem:v27+s13+$0x0] =	vst.idx.add.f32.msk vm5, v20;
	v62 =	vshll.u32 v54, $0x10  }
0xbd: {  	v34 =	vshll.u32 v48, $0x10;
	v16 =	vor.u32 v14, v46;
	v26 =	vand.u32 $0xFFFF0000, v54;
	[tilespmem:v24+s13+$0x0] =	vst.idx.add.f32.msk vm7, v62  }
0xbe: {  	v36 =	vand.u32 $0xFFFF0000, v48;
	v9 =	vor.u32 v14, v44;
	[tilespmem:v22+s13+$0x0] =	vst.idx.add.f32.msk vm7, v26;
	v26 =	vshll.u32 v8, $0x10  }
0xbf: {  	v21 =	vor.u32 v53, v63;
	v37 =	vadd.s32 $0x2800, v30;
	v8 =	vand.u32 $0xFFFF0000, v8;
	[tilespmem:v5+s13+$0x0] =	vst.idx.add.f32.msk vm8, v26  }
0xc0: {  	v47 =	vadd.s32 $0x5000, v5;
	v43 =	vand.u32 $0x7F, v30;
	[tilespmem:v19+s13+$0x0] =	vst.idx.add.f32.msk vm8, v8;
	v19 =	vand.u32 $0x7FF80, v37  }
0xc1: {  	v48 =	vadd.s32 $0x2800, v13;
	[tilespmem:v30+s13+$0x0] =	vst.idx.add.f32.msk vm1, v34;
	v55 =	vshll.u32 v28, $0x10;
	v45 =	vor.u32 v43, v19  }
0xc2: {  	v15 =	vand.u32 $0x7FF80, v15;
	v17 =	vand.u32 $0x7FF80, v47;
	v59 =	vand.u32 $0xFFFF0000, v28;
	[tilespmem:v16+s13+$0x0] =	vst.idx.add.f32.msk vm6, v55  }
0xc3: {  	v11 =	vor.u32 v3, v52;
	v54 =	vadd.s32 $0x7800, v6;
	v35 =	vshll.u32 v60, $0x10;
	[tilespmem:v9+s13+$0x0] =	vst.idx.add.f32.msk vm6, v59  }
0xc4: {  	v15 =	vor.u32 v53, v15;
	v17 =	vor.u32 v61, v17;
	v6 =	vand.u32 $0x7FF80, v54;
	[tilespmem:v21+s13+$0x0] =	vst.idx.add.f32.msk vm2, v35  }
0xc5: {  	v31 =	vadd.s32 $0x5000, v30;
	v3 =	vor.u32 v3, v6;
	v5 =	vadd.s32 $0x7800, v5;
	v4 =	vld.idx.msk [tilespmem:v4+s2+$0x0], vm8  }
0xc6: {  	v53 =	vadd.s32 $0x7800, v30;
	v39 =	vand.u32 $0x7FF80, v31;
	v5 =	vand.u32 $0x7FF80, v5;
	[tilespmem:v45+s13+$0x0] =	vst.idx.add.f32.msk vm13, v36  }
0xc7: {  	v40 =	vand.u32 $0xFFFF0000, v60;
	v60 =	vshll.u32 v7, $0x10;
	v5 =	vor.u32 v61, v5;
	v13 =	vld.idx.msk [tilespmem:v48+s2+$0x0], vm1  }
0xc8: {  	v58 =	vand.u32 $0x7FF80, v53;
	v56 =	vor.u32 v43, v39;
	[tilespmem:v11+s13+$0x0] =	vst.idx.add.f32.msk vm14, v60  }
0xc9: {  	v62 =	vand.u32 $0xFFFF0000, v7;
	v8 =	vor.u32 v43, v58;
	[tilespmem:v15+s13+$0x0] =	vst.idx.add.f32.msk vm2, v40  }
0xca: {  	[tilespmem:v3+s13+$0x0] =	vst.idx.add.f32.msk vm14, v62;
	v57 =	vshll.u32 v4, $0x10  }
0xcb: {  	v4 =	vand.u32 $0xFFFF0000, v4;
	[tilespmem:v17+s13+$0x0] =	vst.idx.add.f32.msk vm8, v57  }
0xcc: {  	[tilespmem:v5+s13+$0x0] =	vst.idx.add.f32.msk vm8, v4;
	v61 =	vshll.u32 v13, $0x10  }
0xcd: {  	v63 =	vand.u32 $0xFFFF0000, v13;
	[tilespmem:v56+s13+$0x0] =	vst.idx.add.f32.msk vm1, v61  }
0xce: {  	vm15 =	vmmov vm1;
	[tilespmem:v8+s13+$0x0] =	vst.idx.add.f32.msk vm1, v63  }
.LBB2_8:
0xcf: {  	p0 =	sge.s32 s19, s18  }
.Ltmp8:
0xd0: {  	_ = 	snop;
	(pc) =	sbr.rel @p0 .LBB2_11-.Ltmp8, $1  }
0xd1: {  	_ =	sdelay $0x3  }
0xd2: {  	s19 =	ssub.s32 s18, s19  }
0xd3: {  	s19 =	ssub.s32 $0x0, s19  }
.LBB2_10:
0xd4: {  	s20 =	sadd.s32 s19, s18  }
0xd5: {  	v3 =	vmov s20  }
0xd6: {  	vm0 =	vlt.s32 v3, v1  }
0xd7: {  	v3 =	vadd.s32 s20, v2;
	_ =	sdelay $0x4  }
0xd8: {  	v3 =	vld.idx.msk [tilespmem:v3+s10+$0x0], vm0;
	_ =	sdelay $0x4  }
0xd9: {  	v4 =	vand.u32 $0x3FFF, v3;
	_ =	sdelay $0x3  }
0xda: {  	v3 =	vshrl.u32 v3, $0xE  }
0xdb: {  	v6 =	vadd.s32 $0x2800, v3;
	v5 =	vld.idx.msk [tilespmem:v4+s2+$0x0], vm0  }
0xdc: {  	v7 =	vand.u32 $0x7F, v3;
	v6 =	vand.u32 $0x7FF80, v6  }
0xdd: {  	v6 =	vor.u32 v7, v6  }
0xde: {  	v4 =	vadd.s32 $0x2800, v4;
	_ =	sdelay $0x1  }
0xdf: {  	v8 =	vshll.u32 v5, $0x10  }
0xe0: {  	v5 =	vand.u32 $0xFFFF0000, v5;
	[tilespmem:v3+s13+$0x0] =	vst.idx.add.f32.msk vm0, v8  }
0xe1: {  	v62 =	vadd.s32 $0x5000, v3;
	[tilespmem:v6+s13+$0x0] =	vst.idx.add.f32.msk vm0, v5  }
0xe2: {  	v3 =	vadd.s32 $0x7800, v3;
	v5 =	vand.u32 $0x7FF80, v62;
	v4 =	vld.idx.msk [tilespmem:v4+s2+$0x0], vm0  }
0xe3: {  	s19 =	sadd.s32 $0x1, s19;
	v3 =	vand.u32 $0x7FF80, v3;
	v5 =	vor.u32 v7, v5  }
0xe4: {  	p0 =	seq.s32 s19, $0x0;
	v3 =	vor.u32 v7, v3  }
.Ltmp9:
0xe5: {  	_ = 	snop;
	(pc) =	sbr.rel @!p0 .LBB2_10-.Ltmp9, $4  }
0xe6: {  	_ = 	snop  }
0xe7: {  	v63 =	vshll.u32 v4, $0x10  }
0xe8: {  	v4 =	vand.u32 $0xFFFF0000, v4;
	[tilespmem:v5+s13+$0x0] =	vst.idx.add.f32.msk vm0, v63  }
0xe9: {  	[tilespmem:v3+s13+$0x0] =	vst.idx.add.f32.msk vm0, v4  }
.LBB2_11:
0xea: {  	p0 =	seq.s32 s16, $0xF  }
0xeb: {  	s18 =	smul.u32 @!p0 $0x5040, s16;
	_ =	sdelay $0x1  }
0xec: {  	s18 =	sshrl.u32 @!p0 s18, $0x3  }
0xed: {  	s18 =	sadd.s32 @!p0 s3, s18  }
0xee: {  	s19 =	simm.s32 @!p0 $0x0;
	s20 =	simm.s32 @!p0 $0xF000;
	s18 =	sadd.s32 @!p0 $0xA08, s18  }
0xef: {  	[tilespmem:s20], [sflag:$0x1] =	stream.linear.gather @!p0 [hbm4b:s18+s19], $0x2820, $0x38;
	[tilespmem:$0x14500] =	vst v63  }
0xf0: {  	_ =	swait.ge [sflag:s14], $0x2820  }
0xf1: {  	s17 =	sshll.u32 s17, $0x5;
	[sflag:s14] =	ssyncset.done $0x0  }
0xf2: {  	s29 =	sand.u32 $0x3FFFFFE0, s17;
	[sflag:s14] =	ssyncadd.s32 $0xFFFFD7E0  }
0xf3: {  	v1 =	vld [tilespmem:s29+$0x14110];
	_ =	sdelay $0x4  }
0xf4: {  	v2 =	vxor.u32 $0x80000000, v1  }
0xf5: {  	(xrf0) =	vmax.scan.msk.u32 $0xffff, v2;
	_ =	sdelay $0x5  }
0xf6: {  	v2, _, _ =	vpop (xrf0)  }
0xf7: {  	(v2sf) =	vpush v2, $0xF;
	_ =	sdelay $0xe  }
0xf8: {  	s30 =	spop (v2sf)  }
0xf9: {  	s17 =	sxor.u32 $0x80000000, s30  }
0xfa: {  	s31 =	sshra.s32 s17, $0x1F  }
0xfb: {  	s18 =	sshrl.u32 s31, $0x1D  }
0xfc: {  	s18 =	sadd.s32 s18, s17  }
0xfd: {  	s18 =	sand.u32 $0xFFFFFFF8, s18  }
0xfe: {  	p0 =	slt.s32 s18, $0x1  }
.Ltmp10:
0xff: {  	_ = 	snop;
	(pc) =	sbr.rel @p0 .LBB2_15-.Ltmp10, $2  }
0x100: {  	_ =	sdelay $0x1  }
0x101: {  	v2 =	vld [tilespmem:s29+$0x14100];
	_ =	sdelay $0x1  }
0x102: {  	s20 =	simm.s32 $0x4  }
0x103: {  	s21 =	simm.s32 $0x1;
	v3 =	vmov s20  }
0x104: {  	s22 =	simm.s32 $0x2;
	vm6 =	vlt.s32 v3, v1;
	v3 =	vmov s21  }
0x105: {  	s29 =	simm.s32 $0x3;
	v5 =	vmov s22;
	v4 =	vadd.s32 s20, v2;
	vm0 =	vlt.s32 v3, v1  }
0x106: {  	s23 =	simm.s32 $0x5;
	vm8 =	vlt.s32 v5, v1;
	v3 =	vmov s29;
	v6 =	vadd.s32 s21, v2  }
0x107: {  	v5 =	vmov s23;
	vm3 =	vlt.s32 v3, v1;
	v3 =	vadd.s32 s22, v2  }
0x108: {  	s30 =	simm.s32 $0x6;
	vm1 =	vlt.s32 v5, v1;
	v7 =	vadd.s32 s29, v2  }
0x109: {  	v5 =	vmov s30;
	v8 =	vadd.s32 s23, v2  }
0x10a: {  	vm4 =	vlt.s32 v5, v1;
	v13 =	vld.idx.msk [tilespmem:v4+s11+$0x0], vm6  }
0x10b: {  	v4 =	vadd.s32 s30, v2;
	v6 =	vld.idx.msk [tilespmem:v6+s11+$0x0], vm0  }
0x10c: {  	s31 =	simm.s32 $0x7;
	v5 =	vld.idx.msk [tilespmem:v3+s11+$0x0], vm8  }
0x10d: {  	v3 =	vmov s31;
	v9 =	vld.idx.msk [tilespmem:v7+s11+$0x0], vm3  }
0x10e: {  	s19 =	simm.s32 $0x0;
	vm2 =	vlt.s32 v3, v1;
	v3 =	vld.idx.msk [tilespmem:v8+s11+$0x0], vm1  }
0x10f: {  	v12 =	vadd.s32 s19, v2;
	vm5 =	vmmov vm0;
	vm7 =	vmmov vm1  }
0x110: {  	v7 =	vadd.s32 s31, v2;
	v14 =	vand.u32 $0x3FFF, v13;
	v10 =	vld.idx.msk [tilespmem:v4+s11+$0x0], vm4;
	v4 =	vmov s19  }
0x111: {  	v11 =	vand.u32 $0x3FFF, v6;
	vm0 =	vlt.s32 v4, v1;
	v8 =	vand.u32 $0x3FFF, v5  }
0x112: {  	v28 =	vshrl.u32 v6, $0xE;
	v30 =	vadd.s32 $0x2800, v14;
	v16 =	vand.u32 $0x3FFF, v9  }
0x113: {  	v22 =	vand.u32 $0x3FFF, v3;
	v19 =	vshrl.u32 v3, $0xE;
	vm1 =	vmmov vm0  }
0x114: {  	v24 =	vadd.s32 $0x2800, v28;
	v20 =	vadd.s32 $0x2800, v11;
	vm0 =	vmmov vm4  }
0x115: {  	v21 =	vadd.s32 $0x5000, v28;
	v4 =	vadd.s32 $0x2800, v8;
	v6 =	vshrl.u32 v9, $0xE  }
0x116: {  	v27 =	vadd.s32 $0x7800, v28;
	v15 =	vld.idx.msk [tilespmem:v7+s11+$0x0], vm2;
	vm2 =	vmmov vm2;
	v3 =	vadd.s32 $0x7800, v19  }
0x117: {  	v7 =	vadd.s32 $0x2800, v16;
	v9 =	vadd.s32 $0x2800, v6;
	v17 =	vld.idx.msk [tilespmem:v14+s2+$0x0], vm6;
	v18 =	vand.u32 $0x3FFF, v10  }
0x118: {  	v31 =	vadd.s32 $0x2800, v22;
	v38 =	vand.u32 $0x7F, v19;
	v24 =	vand.u32 $0x7FF80, v24;
	v23 =	vld.idx.msk [tilespmem:v11+s2+$0x0], vm5  }
0x119: {  	v34 =	vand.u32 $0x7FF80, v3;
	v3 =	vand.u32 $0x7F, v6;
	v9 =	vand.u32 $0x7FF80, v9  }
0x11a: {  	vm13 =	vmmov vm1;
	v37 =	vshrl.u32 v10, $0xE;
	v9 =	vor.u32 v3, v9  }
0x11b: {  	v10 =	vadd.s32 $0x7800, v37;
	v29 =	vadd.s32 $0x2800, v18;
	v11 =	vadd.s32 $0x5000, v37  }
0x11c: {  	v41 =	vand.u32 $0x3FFF, v15;
	v35 =	vshll.u32 v17, $0x10;
	v26 =	vand.u32 $0xFFFF0000, v17;
	v33 =	vld.idx.msk [tilespmem:v18+s2+$0x0], vm4  }
0x11d: {  	v17 =	vadd.s32 $0x2800, v37;
	v18 =	vshrl.u32 v13, $0xE;
	v36 =	vshll.u32 v23, $0x10  }
0x11e: {  	v32 =	vand.u32 $0xFFFF0000, v23;
	v23 =	vld.idx.msk [tilespmem:v12+s11+$0x0], vm1;
	v12 =	vand.u32 $0x7F, v37;
	v17 =	vand.u32 $0x7FF80, v17  }
0x11f: {  	p0 =	sgt.s32 s18, $0x8;
	v11 =	vand.u32 $0x7FF80, v11;
	v25 =	vld.idx.msk [tilespmem:v22+s2+$0x0], vm7;
	v22 =	vadd.s32 $0x2800, v19;
	v42 =	vor.u32 v12, v17  }
.Ltmp11:
0x120: {  	v39 =	vand.u32 $0x7FF80, v22;
	v22 =	vor.u32 v38, v34;
	v34 =	vand.u32 $0x7F, v28;
	(pc) =	sbr.rel @!p0 .LBB2_14-.Ltmp11, $4  }
0x121: {  	v13 =	vadd.s32 $0x5000, v19;
	v40 =	vshll.u32 v33, $0x10;
	v44 =	vand.u32 $0xFFFF0000, v33;
	v33 =	vld.idx.msk [tilespmem:v41+s2+$0x0], vm2  }
0x122: {  	v14 =	vand.u32 $0x7F, v18;
	v43 =	vand.u32 $0x7FF80, v13;
	v45 =	vadd.s32 $0x2800, v18;
	[tilespmem:v18+s13+$0x0] =	vst.idx.add.f32.msk vm6, v35  }
0x123: {  	v17 =	vadd.s32 $0x5000, v18;
	v35 =	vadd.s32 $0x2800, v41;
	v13 =	vand.u32 $0x3FFF, v23;
	[tilespmem:v37+s13+$0x0] =	vst.idx.add.f32.msk vm4, v40  }
0x124: {  	s19 =	simm.s32 $0x8;
	v40 =	vand.u32 $0x7FF80, v45;
	v37 =	vor.u32 v34, v24;
	v24 =	vor.u32 v38, v43;
	[tilespmem:v42+s13+$0x0] =	vst.idx.add.f32.msk vm0, v44  }
.LBB2_13:
0x125: {  	_ =	sdelay $0x2  }
0x126: {  	v41 =	vimm.s32 $0x0;
	[tilespmem:v28+s13+$0x0] =	vst.idx.add.f32.msk vm5, v36;
	v54 =	vor.u32 v14, v40  }
0x127: {  	v38 =	vor.u32 v38, v39;
	v15 =	vshrl.u32 v15, $0xE;
	vm9 =	vmmov vm3;
	v56 =	vld.idx.msk [tilespmem:v13+s2+$0x0], vm1  }
0x128: {  	s21 =	sadd.s32 $0x1, s19;
	vm11 =	vmmov vm6;
	vm10 =	vmmov vm8;
	s20 =	smov.u32 s19;
	v29 =	vld.idx.msk [tilespmem:v29+s2+$0x0], vm0;
	v23 =	vshrl.u32 v23, $0xE  }
0x129: {  	v21 =	vand.u32 $0x7FF80, v21;
	v27 =	vand.u32 $0x7FF80, v27;
	v28 =	vmov s21;
	s28 =	sadd.s32 $0x7, s20;
	[tilespmem:v37+s13+$0x0] =	vst.idx.add.f32.msk vm5, v32  }
0x12a: {  	v53 =	vshrl.u32 v5, $0xE;
	vm12 =	vlt.s32 v28, v1;
	v28 =	vmov s28;
	v20 =	vld.idx.msk [tilespmem:v20+s2+$0x0], vm5  }
0x12b: {  	s22 =	sadd.s32 $0x2, s19;
	s24 =	sadd.s32 $0x4, s19;
	v57 =	vand.u32 $0xFFFF0000, v25;
	v25 =	vshll.u32 v25, $0x10;
	vm14 =	vlt.s32 v28, v1;
	v28 =	vld.idx.msk [tilespmem:v16+s2+$0x0], vm3  }
0x12c: {  	s23 =	sadd.s32 $0x3, s19;
	s25 =	sadd.s32 $0x5, s19;
	v41 =	vsel vm13, $0xFFFFFFFF, v41;
	v55 =	vmov s22;
	v42 =	vmov s24;
	[tilespmem:v19+s13+$0x0] =	vst.idx.add.f32.msk vm7, v25  }
0x12d: {  	v43 =	vmov s25;
	v44 =	vmov s23;
	vm8 =	vlt.s32 v55, v1;
	[tilespmem:v38+s13+$0x0] =	vst.idx.add.f32.msk vm7, v57  }
0x12e: {  	v58 =	vadd.s32 s24, v2;
	v49 =	vadd.s32 s22, v2;
	vm13 =	vlt.s32 v43, v1;
	[tilespmem:v54+s13+$0x0] =	vst.idx.add.f32.msk vm11, v26  }
0x12f: {  	v61 =	vadd.s32 s25, v2;
	vm3 =	vlt.s32 v44, v1;
	v44 =	vshll.u32 v56, $0x10;
	v48 =	vld.idx.msk [tilespmem:v31+s2+$0x0], vm7  }
0x130: {  	vm6 =	vlt.s32 v42, v1;
	v25 =	vadd.s32 s21, v2;
	v26 =	vadd.s32 $0x2800, v15;
	[tilespmem:v23+s13+$0x0] =	vst.idx.add.f32.msk vm1, v44  }
0x131: {  	s26 =	sadd.s32 $0x6, s19;
	v62 =	vand.u32 $0x7F, v15;
	v19 =	vadd.s32 $0x5000, v23;
	v31 =	vand.u32 $0x7FF80, v26;
	v26 =	vld.idx.msk [tilespmem:v30+s2+$0x0], vm11  }
0x132: {  	v16 =	vmov s26;
	v45 =	vor.u32 v62, v31;
	v31 =	vand.u32 $0x7FF80, v19;
	v19 =	vld.idx.msk [tilespmem:v8+s2+$0x0], vm10  }
0x133: {  	v18 =	vadd.s32 $0x7800, v18;
	vm15 =	vlt.s32 v16, v1;
	v16 =	vor.u32 v34, v21;
	v5 =	vld.idx.msk [tilespmem:v49+s11+$0x0], vm8  }
0x134: {  	v17 =	vand.u32 $0x7FF80, v17;
	v11 =	vor.u32 v12, v11;
	v59 =	vadd.s32 s23, v2;
	v37 =	vld.idx.msk [tilespmem:v61+s11+$0x0], vm13  }
0x135: {  	v10 =	vand.u32 $0x7FF80, v10;
	v13 =	vadd.s32 $0x2800, v13;
	v27 =	vor.u32 v34, v27;
	v46 =	vld.idx.msk [tilespmem:v25+s11+$0x0], vm12  }
0x136: {  	v60 =	vadd.s32 $0x5000, v15;
	v63 =	vadd.s32 s26, v2;
	v8 =	vshll.u32 v33, $0x10;
	v25 =	vld.idx.msk [tilespmem:v58+s11+$0x0], vm6  }
0x137: {  	v50 =	vadd.s32 $0x7800, v23;
	v52 =	vadd.s32 $0x2800, v23;
	v47 =	vshll.u32 v20, $0x10;
	[tilespmem:v15+s13+$0x0] =	vst.idx.add.f32.msk vm2, v8  }
0x138: {  	v18 =	vand.u32 $0x7FF80, v18;
	v10 =	vor.u32 v12, v10;
	v40 =	vand.u32 $0x7FF80, v52;
	[tilespmem:v16+s13+$0x0] =	vst.idx.add.f32.msk vm5, v47  }
0x139: {  	v55 =	vand.u32 $0x7F, v53;
	v36 =	vand.u32 $0x7FF80, v60;
	v20 =	vand.u32 $0xFFFF0000, v20;
	v32 =	vld.idx.msk [tilespmem:v59+s11+$0x0], vm3  }
0x13a: {  	v18 =	vor.u32 v14, v18;
	v16 =	vadd.s32 $0x2800, v53;
	[tilespmem:v27+s13+$0x0] =	vst.idx.add.f32.msk vm5, v20;
	v8 =	vshll.u32 v48, $0x10  }
0x13b: {  	v14 =	vor.u32 v14, v17;
	v51 =	vand.u32 $0xFFFF0000, v33;
	v16 =	vand.u32 $0x7FF80, v16;
	[tilespmem:v24+s13+$0x0] =	vst.idx.add.f32.msk vm7, v8  }
0x13c: {  	v21 =	vadd.s32 s28, v2;
	v54 =	vand.u32 $0xFFFF0000, v48;
	v59 =	vor.u32 v55, v16;
	[tilespmem:v45+s13+$0x0] =	vst.idx.add.f32.msk vm2, v51  }
0x13d: {  	v57 =	vadd.s32 s20, v2;
	v30 =	vand.u32 $0xFFFF0000, v56;
	v15 =	vadd.s32 $0x7800, v15;
	[tilespmem:v22+s13+$0x0] =	vst.idx.add.f32.msk vm7, v54  }
0x13e: {  	v58 =	vmov s20;
	v15 =	vand.u32 $0x7FF80, v15;
	v16 =	vadd.s32 $0x5000, v53;
	v22 =	vld.idx.msk [tilespmem:v63+s11+$0x0], vm15  }
0x13f: {  	v60 =	vshll.u32 v19, $0x10;
	v12 =	vand.u32 $0xFFFF0000, v19;
	v19 =	vand.u32 $0x7FF80, v16;
	v35 =	vld.idx.msk [tilespmem:v35+s2+$0x0], vm2  }
0x140: {  	vm4 =	vlt.s32 v58, v1;
	[tilespmem:v53+s13+$0x0] =	vst.idx.add.f32.msk vm10, v60;
	v27 =	vor.u32 v55, v19;
	v19 =	vadd.s32 $0x7800, v53  }
0x141: {  	v20 =	vadd.s32 $0x5000, v6;
	[tilespmem:v59+s13+$0x0] =	vst.idx.add.f32.msk vm10, v12;
	v12 =	vand.u32 $0x7FF80, v19;
	v19 =	vshll.u32 v28, $0x10  }
0x142: {  	vm5 =	vmmov vm12;
	v56 =	vor.u32 v62, v15;
	[tilespmem:v6+s13+$0x0] =	vst.idx.add.f32.msk vm9, v19;
	v6 =	vadd.s32 $0x7800, v6  }
0x143: {  	v20 =	vand.u32 $0x7FF80, v20;
	v15 =	vld.idx.msk [tilespmem:v21+s11+$0x0], vm14;
	v21 =	vor.u32 v62, v36;
	v6 =	vand.u32 $0x7FF80, v6  }
0x144: {  	[tilespmem:$0x1FFE0] =	vst v41;
	v48 =	vor.u32 v3, v20;
	v41 =	vld.idx.msk [tilespmem:v4+s2+$0x0], vm10;
	v51 =	vor.u32 v3, v6;
	v3 =	vshll.u32 v29, $0x10  }
0x145: {  	vm12 =	vmmov vm1;
	vm1 =	vmmov vm4;
	v4 =	vand.u32 $0xFFFF0000, v29;
	[tilespmem:v11+s13+$0x0] =	vst.idx.add.f32.msk vm0, v3  }
0x146: {  	v8 =	vand.u32 $0x3FFF, v5;
	v63 =	vand.u32 $0x3FFF, v37;
	vm7 =	vmmov vm13;
	[tilespmem:v10+s13+$0x0] =	vst.idx.add.f32.msk vm0, v4  }
0x147: {  	v61 =	vand.u32 $0x3FFF, v25;
	v16 =	vand.u32 $0x3FFF, v32;
	v17 =	vshll.u32 v35, $0x10;
	v4 =	vld [tilespmem:$0x1FFE0]  }
0x148: {  	v62 =	vand.u32 $0x3FFF, v46;
	[tilespmem:v21+s13+$0x0] =	vst.idx.add.f32.msk vm2, v17;
	v17 =	vand.u32 $0x7F, v23;
	v21 =	vand.u32 $0x7FF80, v50  }
0x149: {  	v19 =	vshrl.u32 v37, $0xE;
	v38 =	vor.u32 v17, v21;
	v21 =	vand.u32 $0xFFFF0000, v28  }
0x14a: {  	v20 =	vadd.s32 $0x2800, v62;
	v12 =	vor.u32 v55, v12;
	v60 =	vadd.s32 $0x2800, v19;
	[tilespmem:v9+s13+$0x0] =	vst.idx.add.f32.msk vm9, v21  }
0x14b: {  	v24 =	vand.u32 $0xFFFF0000, v35;
	v6 =	vshrl.u32 v32, $0xE;
	v39 =	vand.u32 $0x7FF80, v60;
	v49 =	vld.idx.msk [tilespmem:v7+s2+$0x0], vm9  }
0x14c: {  	v50 =	vand.u32 $0x3FFF, v22;
	v3 =	vshll.u32 v26, $0x10;
	[tilespmem:v56+s13+$0x0] =	vst.idx.add.f32.msk vm2, v24;
	vm13 =	vnez.u8 v4  }
0x14d: {  	v47 =	vor.u32 v17, v40;
	v24 =	vld.idx.msk [tilespmem:v61+s2+$0x0], vm6;
	vm2 =	vmmov vm14;
	v28 =	vshrl.u32 v46, $0xE  }
0x14e: {  	vm0 =	vmmov vm15;
	v17 =	vor.u32 v17, v31;
	[tilespmem:v14+s13+$0x0] =	vst.idx.add.f32.msk vm11, v3;
	v10 =	vshll.u32 v41, $0x10  }
0x14f: {  	v56 =	vand.u32 $0x3FFF, v15;
	v3 =	vand.u32 $0x7F, v6;
	v14 =	vand.u32 $0xFFFF0000, v41;
	[tilespmem:v27+s13+$0x0] =	vst.idx.add.f32.msk vm10, v10  }
0x150: {  	v29 =	vadd.s32 $0x2800, v50;
	v9 =	vadd.s32 $0x7800, v19;
	[tilespmem:v12+s13+$0x0] =	vst.idx.add.f32.msk vm10, v14;
	v31 =	vshll.u32 v49, $0x10  }
0x151: {  	v52 =	vadd.s32 $0x2800, v28;
	v21 =	vadd.s32 $0x5000, v28;
	v34 =	vand.u32 $0x7F, v28;
	[tilespmem:v48+s13+$0x0] =	vst.idx.add.f32.msk vm9, v31  }
0x152: {  	v35 =	vadd.s32 $0x2800, v56;
	v7 =	vadd.s32 $0x2800, v16;
	v53 =	vand.u32 $0x7FF80, v9;
	[tilespmem:v47+s13+$0x0] =	vst.idx.add.f32.msk vm13, v30  }
0x153: {  	v9 =	vand.u32 $0xFFFF0000, v26;
	v27 =	vadd.s32 $0x7800, v28;
	v4 =	vadd.s32 $0x2800, v8;
	v30 =	vld.idx.msk [tilespmem:v62+s2+$0x0], vm5  }
0x154: {  	v55 =	vshll.u32 v24, $0x10;
	v26 =	vand.u32 $0xFFFF0000, v24;
	v24 =	vadd.s32 $0x2800, v6;
	v13 =	vld.idx.msk [tilespmem:v13+s2+$0x0], vm12  }
0x155: {  	v14 =	vand.u32 $0x7FF80, v24;
	v54 =	vand.u32 $0xFFFF0000, v49;
	v23 =	vld.idx.msk [tilespmem:v57+s11+$0x0], vm4;
	v57 =	vshrl.u32 v22, $0xE  }
0x156: {  	v31 =	vadd.s32 $0x2800, v63;
	vm13 =	vmmov vm4;
	v22 =	vld.idx.msk [tilespmem:v50+s2+$0x0], vm15;
	v10 =	vadd.s32 $0x7800, v57  }
0x157: {  	[tilespmem:v18+s13+$0x0] =	vst.idx.add.f32.msk vm11, v9;
	v11 =	vadd.s32 $0x5000, v57;
	v18 =	vadd.s32 $0x2800, v57;
	v12 =	vand.u32 $0x7F, v57  }
0x158: {  	v33 =	vld.idx.msk [tilespmem:v56+s2+$0x0], vm2;
	v11 =	vand.u32 $0x7FF80, v11;
	v24 =	vand.u32 $0x7FF80, v18;
	v18 =	vshrl.u32 v25, $0xE  }
0x159: {  	s19 =	sadd.s32 $0x8, s19;
	v25 =	vld.idx.msk [tilespmem:v63+s2+$0x0], vm7;
	v63 =	vand.u32 $0x7FF80, v52;
	v58 =	vor.u32 v12, v24;
	v62 =	vadd.s32 $0x2800, v18  }
0x15a: {  	p0 =	slt.s32 s19, s18;
	[tilespmem:v51+s13+$0x0] =	vst.idx.add.f32.msk vm9, v54;
	v37 =	vor.u32 v34, v63;
	v36 =	vshll.u32 v30, $0x10;
	v9 =	vshll.u32 v13, $0x10  }
.Ltmp12:
0x15b: {  	v32 =	vand.u32 $0xFFFF0000, v30;
	v30 =	vadd.s32 $0x2800, v61;
	v59 =	vshll.u32 v22, $0x10;
	[tilespmem:v17+s13+$0x0] =	vst.idx.add.f32.msk vm12, v9;
	(pc) =	sbr.rel @p0 .LBB2_13-.Ltmp12, $4  }
0x15c: {  	v40 =	vand.u32 $0x7FF80, v62;
	v13 =	vand.u32 $0xFFFF0000, v13;
	v61 =	vand.u32 $0xFFFF0000, v22;
	[tilespmem:v57+s13+$0x0] =	vst.idx.add.f32.msk vm0, v59  }
0x15d: {  	v9 =	vor.u32 v3, v14;
	v14 =	vand.u32 $0x7F, v18;
	[tilespmem:v38+s13+$0x0] =	vst.idx.add.f32.msk vm12, v13;
	v13 =	vadd.s32 $0x5000, v19  }
0x15e: {  	v17 =	vadd.s32 $0x5000, v18;
	v38 =	vand.u32 $0x7F, v19;
	[tilespmem:v18+s13+$0x0] =	vst.idx.add.f32.msk vm6, v55;
	v24 =	vand.u32 $0x7FF80, v13  }
0x15f: {  	v13 =	vand.u32 $0x3FFF, v23;
	v22 =	vor.u32 v38, v53;
	[tilespmem:v58+s13+$0x0] =	vst.idx.add.f32.msk vm0, v61;
	v24 =	vor.u32 v38, v24  }
.LBB2_14:
0x160: {  	_ =	sdelay $0x4  }
0x161: {  	[tilespmem:v28+s13+$0x0] =	vst.idx.add.f32.msk vm5, v36  }
0x162: {  	v48 =	vld.idx.msk [tilespmem:v13+s2+$0x0], vm1  }
0x163: {  	v47 =	vor.u32 v38, v39;
	v29 =	vld.idx.msk [tilespmem:v29+s2+$0x0], vm0  }
0x164: {  	vm6 =	vmmov vm6;
	v50 =	vshll.u32 v25, $0x10;
	v16 =	vld.idx.msk [tilespmem:v16+s2+$0x0], vm3;
	v15 =	vshrl.u32 v15, $0xE  }
0x165: {  	v49 =	vor.u32 v14, v40;
	[tilespmem:v19+s13+$0x0] =	vst.idx.add.f32.msk vm7, v50  }
0x166: {  	vm8 =	vmmov vm8;
	[tilespmem:v37+s13+$0x0] =	vst.idx.add.f32.msk vm5, v32  }
0x167: {  	v51 =	vand.u32 $0xFFFF0000, v25;
	vm14 =	vmmov vm3;
	v20 =	vld.idx.msk [tilespmem:v20+s2+$0x0], vm5  }
0x168: {  	v55 =	vshll.u32 v33, $0x10;
	[tilespmem:v47+s13+$0x0] =	vst.idx.add.f32.msk vm7, v51  }
0x169: {  	[tilespmem:v15+s13+$0x0] =	vst.idx.add.f32.msk vm2, v55  }
0x16a: {  	v52 =	vadd.s32 $0x2800, v15;
	[tilespmem:v49+s13+$0x0] =	vst.idx.add.f32.msk vm6, v26  }
0x16b: {  	v11 =	vor.u32 v12, v11;
	v53 =	vand.u32 $0x7F, v15;
	v19 =	vand.u32 $0x7FF80, v52;
	v54 =	vld.idx.msk [tilespmem:v31+s2+$0x0], vm7  }
0x16c: {  	v21 =	vand.u32 $0x7FF80, v21;
	v19 =	vor.u32 v53, v19;
	v38 =	vshll.u32 v16, $0x10;
	v8 =	vld.idx.msk [tilespmem:v8+s2+$0x0], vm8  }
0x16d: {  	v21 =	vor.u32 v34, v21;
	[tilespmem:v6+s13+$0x0] =	vst.idx.add.f32.msk vm14, v38  }
0x16e: {  	v10 =	vand.u32 $0x7FF80, v10;
	v41 =	vand.u32 $0xFFFF0000, v16;
	v28 =	vld.idx.msk [tilespmem:v30+s2+$0x0], vm6  }
0x16f: {  	v10 =	vor.u32 v12, v10;
	v49 =	vshll.u32 v29, $0x10;
	[tilespmem:v9+s13+$0x0] =	vst.idx.add.f32.msk vm14, v41  }
0x170: {  	v27 =	vand.u32 $0x7FF80, v27;
	v5 =	vshrl.u32 v5, $0xE;
	v56 =	vand.u32 $0xFFFF0000, v33;
	[tilespmem:v11+s13+$0x0] =	vst.idx.add.f32.msk vm0, v49  }
0x171: {  	v42 =	vadd.s32 $0x7800, v18;
	v27 =	vor.u32 v34, v27;
	v59 =	vshll.u32 v20, $0x10;
	[tilespmem:v19+s13+$0x0] =	vst.idx.add.f32.msk vm2, v56  }
0x172: {  	v46 =	vand.u32 $0x7FF80, v17;
	v57 =	vadd.s32 $0x5000, v15;
	v58 =	vadd.s32 $0x2800, v5;
	[tilespmem:v21+s13+$0x0] =	vst.idx.add.f32.msk vm5, v59  }
0x173: {  	v61 =	vand.u32 $0x7F, v5;
	v44 =	vand.u32 $0x7FF80, v42;
	v51 =	vand.u32 $0xFFFF0000, v29;
	v7 =	vld.idx.msk [tilespmem:v7+s2+$0x0], vm14  }
0x174: {  	v50 =	vadd.s32 $0x5000, v6;
	v63 =	vand.u32 $0x7FF80, v57;
	v19 =	vand.u32 $0x7FF80, v58;
	[tilespmem:v10+s13+$0x0] =	vst.idx.add.f32.msk vm0, v51  }
0x175: {  	v52 =	vand.u32 $0x7FF80, v50;
	v20 =	vand.u32 $0xFFFF0000, v20;
	v60 =	vld.idx.msk [tilespmem:v35+s2+$0x0], vm2;
	v19 =	vor.u32 v61, v19  }
0x176: {  	v15 =	vadd.s32 $0x7800, v15;
	v30 =	vshrl.u32 v23, $0xE;
	[tilespmem:v27+s13+$0x0] =	vst.idx.add.f32.msk vm5, v20;
	v62 =	vshll.u32 v54, $0x10  }
0x177: {  	v34 =	vshll.u32 v48, $0x10;
	v16 =	vor.u32 v14, v46;
	v26 =	vand.u32 $0xFFFF0000, v54;
	[tilespmem:v24+s13+$0x0] =	vst.idx.add.f32.msk vm7, v62  }
0x178: {  	v36 =	vand.u32 $0xFFFF0000, v48;
	v9 =	vor.u32 v14, v44;
	[tilespmem:v22+s13+$0x0] =	vst.idx.add.f32.msk vm7, v26;
	v26 =	vshll.u32 v8, $0x10  }
0x179: {  	v21 =	vor.u32 v53, v63;
	v37 =	vadd.s32 $0x2800, v30;
	v8 =	vand.u32 $0xFFFF0000, v8;
	[tilespmem:v5+s13+$0x0] =	vst.idx.add.f32.msk vm8, v26  }
0x17a: {  	v47 =	vadd.s32 $0x5000, v5;
	v43 =	vand.u32 $0x7F, v30;
	[tilespmem:v19+s13+$0x0] =	vst.idx.add.f32.msk vm8, v8;
	v19 =	vand.u32 $0x7FF80, v37  }
0x17b: {  	v48 =	vadd.s32 $0x2800, v13;
	[tilespmem:v30+s13+$0x0] =	vst.idx.add.f32.msk vm1, v34;
	v55 =	vshll.u32 v28, $0x10;
	v45 =	vor.u32 v43, v19  }
0x17c: {  	v15 =	vand.u32 $0x7FF80, v15;
	v17 =	vand.u32 $0x7FF80, v47;
	v59 =	vand.u32 $0xFFFF0000, v28;
	[tilespmem:v16+s13+$0x0] =	vst.idx.add.f32.msk vm6, v55  }
0x17d: {  	v11 =	vor.u32 v3, v52;
	v54 =	vadd.s32 $0x7800, v6;
	v35 =	vshll.u32 v60, $0x10;
	[tilespmem:v9+s13+$0x0] =	vst.idx.add.f32.msk vm6, v59  }
0x17e: {  	v15 =	vor.u32 v53, v15;
	v17 =	vor.u32 v61, v17;
	v6 =	vand.u32 $0x7FF80, v54;
	[tilespmem:v21+s13+$0x0] =	vst.idx.add.f32.msk vm2, v35  }
0x17f: {  	v31 =	vadd.s32 $0x5000, v30;
	v3 =	vor.u32 v3, v6;
	v5 =	vadd.s32 $0x7800, v5;
	v4 =	vld.idx.msk [tilespmem:v4+s2+$0x0], vm8  }
0x180: {  	v53 =	vadd.s32 $0x7800, v30;
	v39 =	vand.u32 $0x7FF80, v31;
	v5 =	vand.u32 $0x7FF80, v5;
	[tilespmem:v45+s13+$0x0] =	vst.idx.add.f32.msk vm13, v36  }
0x181: {  	v40 =	vand.u32 $0xFFFF0000, v60;
	v60 =	vshll.u32 v7, $0x10;
	v5 =	vor.u32 v61, v5;
	v13 =	vld.idx.msk [tilespmem:v48+s2+$0x0], vm1  }
0x182: {  	v58 =	vand.u32 $0x7FF80, v53;
	v56 =	vor.u32 v43, v39;
	[tilespmem:v11+s13+$0x0] =	vst.idx.add.f32.msk vm14, v60  }
0x183: {  	v62 =	vand.u32 $0xFFFF0000, v7;
	v8 =	vor.u32 v43, v58;
	[tilespmem:v15+s13+$0x0] =	vst.idx.add.f32.msk vm2, v40  }
0x184: {  	[tilespmem:v3+s13+$0x0] =	vst.idx.add.f32.msk vm14, v62;
	v57 =	vshll.u32 v4, $0x10  }
0x185: {  	v4 =	vand.u32 $0xFFFF0000, v4;
	[tilespmem:v17+s13+$0x0] =	vst.idx.add.f32.msk vm8, v57  }
0x186: {  	[tilespmem:v5+s13+$0x0] =	vst.idx.add.f32.msk vm8, v4;
	v61 =	vshll.u32 v13, $0x10  }
0x187: {  	v63 =	vand.u32 $0xFFFF0000, v13;
	[tilespmem:v56+s13+$0x0] =	vst.idx.add.f32.msk vm1, v61  }
0x188: {  	vm15 =	vmmov vm1;
	[tilespmem:v8+s13+$0x0] =	vst.idx.add.f32.msk vm1, v63  }
.LBB2_15:
0x189: {  	p0 =	sge.s32 s18, s17  }
.Ltmp13:
0x18a: {  	_ = 	snop;
	(pc) =	sbr.rel @p0 .LBB2_18-.Ltmp13, $1  }
0x18b: {  	_ =	sdelay $0x3  }
0x18c: {  	s18 =	ssub.s32 s17, s18  }
0x18d: {  	s18 =	ssub.s32 $0x0, s18  }
.LBB2_17:
0x18e: {  	s19 =	sadd.s32 s18, s17  }
0x18f: {  	v3 =	vmov s19  }
0x190: {  	vm0 =	vlt.s32 v3, v1  }
0x191: {  	v3 =	vadd.s32 s19, v2;
	_ =	sdelay $0x4  }
0x192: {  	v3 =	vld.idx.msk [tilespmem:v3+s11+$0x0], vm0;
	_ =	sdelay $0x4  }
0x193: {  	v4 =	vand.u32 $0x3FFF, v3;
	_ =	sdelay $0x3  }
0x194: {  	v3 =	vshrl.u32 v3, $0xE  }
0x195: {  	v6 =	vadd.s32 $0x2800, v3;
	v5 =	vld.idx.msk [tilespmem:v4+s2+$0x0], vm0  }
0x196: {  	v7 =	vand.u32 $0x7F, v3;
	v6 =	vand.u32 $0x7FF80, v6  }
0x197: {  	v6 =	vor.u32 v7, v6  }
0x198: {  	v4 =	vadd.s32 $0x2800, v4;
	_ =	sdelay $0x1  }
0x199: {  	v8 =	vshll.u32 v5, $0x10  }
0x19a: {  	v5 =	vand.u32 $0xFFFF0000, v5;
	[tilespmem:v3+s13+$0x0] =	vst.idx.add.f32.msk vm0, v8  }
0x19b: {  	v62 =	vadd.s32 $0x5000, v3;
	[tilespmem:v6+s13+$0x0] =	vst.idx.add.f32.msk vm0, v5  }
0x19c: {  	v3 =	vadd.s32 $0x7800, v3;
	v5 =	vand.u32 $0x7FF80, v62;
	v4 =	vld.idx.msk [tilespmem:v4+s2+$0x0], vm0  }
0x19d: {  	s18 =	sadd.s32 $0x1, s18;
	v3 =	vand.u32 $0x7FF80, v3;
	v5 =	vor.u32 v7, v5  }
0x19e: {  	p0 =	seq.s32 s18, $0x0;
	v3 =	vor.u32 v7, v3  }
.Ltmp14:
0x19f: {  	_ = 	snop;
	(pc) =	sbr.rel @!p0 .LBB2_17-.Ltmp14, $4  }
0x1a0: {  	_ = 	snop  }
0x1a1: {  	v63 =	vshll.u32 v4, $0x10  }
0x1a2: {  	v4 =	vand.u32 $0xFFFF0000, v4;
	[tilespmem:v5+s13+$0x0] =	vst.idx.add.f32.msk vm0, v63  }
0x1a3: {  	[tilespmem:v3+s13+$0x0] =	vst.idx.add.f32.msk vm0, v4  }
.Ltmp15:
0x1a4: {  	_ = 	snop;
	(pc) =	sbr.rel .LBB2_18-.Ltmp15, $1  }
0x1a5: {  	_ =	sdelay $0x3  }
.LBB2_20:
0x1a6: {  	_ =	sfence.sel $0x180000  }
0x1a7: {  	[bflag:$0x0] =	sbarrier.arrive $0xFFFF  }
0x1a8: {  	p0 =	sne.s32 s0, $0x0;
	_ =	strace $0x90000050  }
0x1a9: {  	s0 =	sadd.s32 @!p0 $0x100000, s1;
	[bflag:$0x2] =	sbarrier.arrive $0xFFFF  }
0x1aa: {  	[sflag:s0] =	ssyncadd.tile.s32 @!p0 $0x1;
	_ =	shalt  }
.Lfunc_end2:
_tile_overlayer_lowered:
.L_overlay_start_2:
0x1ab: {  	(tag) =	ssettag $0x2  }
0x1ac: {  	s0 =	rddreg [dreg:$0x0];
	s2 =	stileid.u32  }
0x1ad: {  	s1 =	rddreg [dreg:$0x1];
	p0 =	sne.s32 s2, $0x0  }
0x1ae: {  	s3 =	rddreg [dreg:$0x2];
	[bflag:$0x3] =	sbarrier.arrive $0xFFFF;
	s2 =	simm.s32 @!p0 $0x1C03  }
0x1af: {  	[timem:s3], [sflag:s2] =	dma.local @!p0 [hbm:s0], s1  }
0x1b0: {  	s0 =	simm.s32 @!p0 $0x3  }
0x1b1: {  	_ =	swait.ge @!p0 [sflag:s0], s1  }
0x1b2: {  	s1 =	ssub.s32 @!p0 $0x0, s1;
	[sflag:s0] =	ssyncset.done @!p0 $0x0  }
0x1b3: {  	[sflag:s0] =	ssyncadd.s32 @!p0 s1  }
0x1b4: {  	[bflag:$0x3] =	sbarrier.arrive $0xFFFF  }
0x1b5: {  	_ =	shalt  }

</sc_bundles>
